<compile_context>
chip_gen: v7x
topology: tpu7x:2x2x1
jax: 0.10.2.dev20260603
libtpu: 0.0.44.dev20260713+nightly
codegen_flags: <defaults>
</compile_context>

<pallas_src>
import jax
import jax.numpy as jnp
from jax import lax
from jax.experimental import pallas as pl
from jax.experimental.pallas import tpu as pltpu
from jax.experimental.pallas import tpu_sc as plsc

_B = 1024 * 200
_D = 232
_DP = 256
_NW = 32
_BPW = _B // _NW
_C = 80
_NCHUNK = _BPW // _C

_OFFS = [16 * k for k in range(14)] + [_D - 16]

_mesh = plsc.VectorSubcoreMesh(core_axis_name="c", subcore_axis_name="s")


def _gather_body(x_hbm, w_hbm, out_hbm, idx_v, bufs, stages, gsems, wsems):
    wid = lax.axis_index("s") * 2 + lax.axis_index("c")
    base = wid * _BPW
    pltpu.sync_copy(x_hbm.at[wid], idx_v)

    def wait_gather(b):
        pltpu.make_async_copy(w_hbm.at[pl.ds(0, _C)], bufs[b],
                              gsems[b]).wait()

    def wait_wb(b):
        pltpu.make_async_copy(stages[b], out_hbm.at[pl.ds(base, _C)],
                              wsems[b]).wait()

    def compact(b):
        @pl.loop(0, _C, unroll=8)
        def _(r):
            for o in _OFFS:
                stages[b][r, pl.ds(o, 16)] = bufs[b][r, pl.ds(o, 16)]

    pltpu.async_copy(w_hbm.at[idx_v.at[0]], bufs[0], gsems[0])

    @pl.loop(0, _NCHUNK, step=2)
    def _(g):
        for b in range(2):
            j = g + b
            cur, nxt = b, 1 - b
            wait_gather(cur)
            if b == 0:
                pltpu.async_copy(w_hbm.at[idx_v.at[j + 1]], bufs[nxt],
                                 gsems[nxt])
            else:
                @pl.when(j + 1 < _NCHUNK)
                def _():
                    pltpu.async_copy(w_hbm.at[idx_v.at[j + 1]], bufs[nxt],
                                     gsems[nxt])
            pl.when(j >= 2)(lambda bb=cur: wait_wb(bb))
            compact(cur)
            pltpu.async_copy(stages[cur],
                             out_hbm.at[pl.ds(base + j * _C, _C)],
                             wsems[cur])

    wait_wb(0)
    wait_wb(1)


_gather_kernel = pl.kernel(
    _gather_body,
    out_type=jax.ShapeDtypeStruct((_B, _D), jnp.float32),
    mesh=_mesh,
    scratch_types=[
        pltpu.VMEM((_NCHUNK, _C), jnp.int32),
        [pltpu.VMEM((_C, _DP), jnp.float32) for _ in range(2)],
        [pltpu.VMEM((_C, _D), jnp.float32) for _ in range(2)],
        [pltpu.SemaphoreType.DMA for _ in range(2)],
        [pltpu.SemaphoreType.DMA for _ in range(2)],
    ],
    compiler_params=pltpu.CompilerParams(use_tc_tiling_on_sc=True),
)


def kernel(x, W):
    xf = x.reshape(_NW, _NCHUNK, _C).astype(jnp.int32)
    wp = jnp.pad(W, ((0, 0), (0, _DP - _D)))
    out = _gather_kernel(xf, wp)
    return out.reshape(x.shape[0], x.shape[1], _D)

# --- scband reference (transcript-rebuilt; emitter-appended) ---
"""Pipeline reference for scband-symbol-net-81707457839447 (READ-ONLY COPY).

The authoritative reference and input builder live on the scoring server;
editing this copy changes nothing except your own understanding.
"""

import jax, jax.numpy as jnp
import numpy as np

VOCAB = 10000
EMBED_DIM = 232

def setup_inputs(seed: int = 0) -> dict:
    key = jax.random.key(seed)
    k1, k2 = jax.random.split(key)
    x = jax.random.randint(k1, (1024, 200), 0, VOCAB, dtype=jnp.int64 if jax.config.jax_enable_x64 else jnp.int32)
    W = jax.random.normal(k2, (VOCAB, EMBED_DIM), dtype=jnp.float32)
    return {"x": x, "W": W}

def reference(x, W):
    # Faithful core computation of SymbolNet.forward: the embedding gather
    # wvectors = self.wordvecs(x). (The subsequent dict-building loop is a
    # no-op since symbol_id_collection is empty at module scope, so the
    # meaningful compute is the lookup itself.)
    wvectors = jnp.take(W, x, axis=0)
    return wvectors

if __name__ == "__main__":
    import jax
    _d = setup_inputs()
    print(jax.jit(kernel)(*tuple(_d.values())))

</pallas_src>

<mosaic_0001>
#map = affine_map<(d0, d1) -> (0, 0, 0)>
#map1 = affine_map<(d0, d1) -> (0, 0)>
module attributes {stable_mosaic.version = 14 : i64} {
  func.func @_gather_body(%arg0: i32, %arg1: i32, %arg2: memref<32x80x80xi32, #tpu.memory_space<hbm>>, %arg3: memref<10000x256xf32, #tpu.memory_space<hbm>>, %arg4: memref<204800x232xf32, #tpu.memory_space<hbm>>, %arg5: memref<80x80xi32, #tpu.memory_space<vmem>>, %arg6: memref<80x256xf32, #tpu.memory_space<vmem>>, %arg7: memref<80x256xf32, #tpu.memory_space<vmem>>, %arg8: memref<80x232xf32, #tpu.memory_space<vmem>>, %arg9: memref<80x232xf32, #tpu.memory_space<vmem>>, %arg10: memref<!tpu.dma_semaphore, #tpu.memory_space<semaphore_mem>>, %arg11: memref<!tpu.dma_semaphore, #tpu.memory_space<semaphore_mem>>, %arg12: memref<!tpu.dma_semaphore, #tpu.memory_space<semaphore_mem>>, %arg13: memref<!tpu.dma_semaphore, #tpu.memory_space<semaphore_mem>>) attributes {dimension_semantics = [#tpu.dimension_semantics<core_parallel>, #tpu.dimension_semantics<subcore_parallel>], iteration_bounds = array<i64: 2, 16>, scalar_prefetch = 0 : i64, scratch_operands = 9 : i64, tpu.core_type = #tpu.core_type<sc_vector_subcore>, window_params = [{transform_indices = #map}, {transform_indices = #map1}, {transform_indices = #map1}]} {
    %mul3A = arith.constant 2 : i32
    %mul3A_0 = arith.muli %arg1, %mul3A : i32
    %add3A = arith.addi %mul3A_0, %arg0 : i32
    %mul3A_1 = arith.constant 6400 : i32
    %mul3A_2 = arith.muli %add3A, %mul3A_1 : i32
    "tpu.region"() ({
      %run_scoped3A = tpu.sem_alloc : memref<!tpu.dma_semaphore, #tpu.memory_space<semaphore_mem>>
      %dma_start3A_20 = arith.constant 0 : i32
      %dma_start3A_21 = arith.constant 0 : i32
      %dma_start3A_22 = tpu.memref_slice %arg2[%add3A, %dma_start3A_20, %dma_start3A_21] : memref<32x80x80xi32, #tpu.memory_space<hbm>> -> memref<1x80x80xi32, #tpu.memory_space<hbm>>
      %dma_start3A_23 = tpu.memref_squeeze %dma_start3A_22 : memref<1x80x80xi32, #tpu.memory_space<hbm>> -> memref<80x80xi32, #tpu.memory_space<hbm>>
      %dma_start3A_24 = arith.constant 0 : i32
      %dma_start3A_25 = arith.constant 0 : i32
      %dma_start3A_26 = tpu.memref_slice %arg2[%add3A, %dma_start3A_24, %dma_start3A_25] : memref<32x80x80xi32, #tpu.memory_space<hbm>> -> memref<1x80x80xi32, #tpu.memory_space<hbm>>
      %dma_start3A_27 = tpu.memref_squeeze %dma_start3A_26 : memref<1x80x80xi32, #tpu.memory_space<hbm>> -> memref<80x80xi32, #tpu.memory_space<hbm>>
      tpu.enqueue_dma source(%dma_start3A_27 : memref<80x80xi32, #tpu.memory_space<hbm>>) target(%arg5 : memref<80x80xi32, #tpu.memory_space<vmem>>) target_semaphore(%run_scoped3A : memref<!tpu.dma_semaphore, #tpu.memory_space<semaphore_mem>>)
      %dma_wait3A_28 = arith.constant 0 : i32
      %dma_wait3A_29 = arith.constant 0 : i32
      %dma_wait3A_30 = tpu.memref_slice %arg2[%add3A, %dma_wait3A_28, %dma_wait3A_29] : memref<32x80x80xi32, #tpu.memory_space<hbm>> -> memref<1x80x80xi32, #tpu.memory_space<hbm>>
      %dma_wait3A_31 = tpu.memref_squeeze %dma_wait3A_30 : memref<1x80x80xi32, #tpu.memory_space<hbm>> -> memref<80x80xi32, #tpu.memory_space<hbm>>
      %dma_wait3A_32 = arith.constant 0 : i32
      %dma_wait3A_33 = arith.constant 0 : i32
      %dma_wait3A_34 = tpu.memref_slice %arg2[%add3A, %dma_wait3A_32, %dma_wait3A_33] : memref<32x80x80xi32, #tpu.memory_space<hbm>> -> memref<1x80x80xi32, #tpu.memory_space<hbm>>
      %dma_wait3A_35 = tpu.memref_squeeze %dma_wait3A_34 : memref<1x80x80xi32, #tpu.memory_space<hbm>> -> memref<80x80xi32, #tpu.memory_space<hbm>>
      tpu.wait_dma2 semaphore(%run_scoped3A : memref<!tpu.dma_semaphore, #tpu.memory_space<semaphore_mem>>) src(%dma_wait3A_35 : memref<80x80xi32, #tpu.memory_space<hbm>>) dst(%arg5 : memref<80x80xi32, #tpu.memory_space<vmem>>)
      tpu.yield
    }) : () -> ()
    %dma_start3A = arith.constant 0 : i32
    %dma_start3A_3 = arith.constant 0 : i32
    %dma_start3A_4 = tpu.memref_slice %arg5[%dma_start3A, %dma_start3A_3] : memref<80x80xi32, #tpu.memory_space<vmem>> -> memref<1x80xi32, #tpu.memory_space<vmem>>
    %dma_start3A_5 = tpu.memref_squeeze %dma_start3A_4 : memref<1x80xi32, #tpu.memory_space<vmem>> -> memref<80xi32, #tpu.memory_space<vmem>>
    %dma_start3A_6 = arith.constant 0 : i32
    %dma_start3A_7 = arith.constant 0 : i32
    %dma_start3A_8 = tpu.memref_slice %arg3[%dma_start3A_6, %dma_start3A_7] : memref<10000x256xf32, #tpu.memory_space<hbm>> -> memref<10000x256xf32, #tpu.memory_space<hbm>>
    tpu.enqueue_indirect_dma source(%dma_start3A_8 : memref<10000x256xf32, #tpu.memory_space<hbm>>) target(%arg6 : memref<80x256xf32, #tpu.memory_space<vmem>>) offsets(%dma_start3A_5 : memref<80xi32, #tpu.memory_space<vmem>>) semaphore(%arg10 : memref<!tpu.dma_semaphore, #tpu.memory_space<semaphore_mem>>)
    %scan3A = arith.constant 0 : i32
    %scan3A_9 = arith.constant 40 : i32
    %scan3A_10 = arith.addi %scan3A, %scan3A_9 : i32
    %scan3A_11 = arith.constant 1 : i32
    scf.for %scan3A_20 = %scan3A to %scan3A_10 step %scan3A_11  : i32 {
      %mul3A_21 = arith.constant 2 : i32
      %mul3A_22 = arith.muli %scan3A_20, %mul3A_21 : i32
      %add3A_23 = arith.constant 0 : i32
      %add3A_24 = arith.addi %add3A_23, %mul3A_22 : i32
      %add3A_25 = arith.constant 0 : i32
      %add3A_26 = arith.addi %add3A_24, %add3A_25 : i32
      %dma_wait3A_27 = arith.constant 0 : i32
      %dma_wait3A_28 = arith.constant 0 : i32
      %dma_wait3A_29 = tpu.memref_slice %arg3[%dma_wait3A_27, %dma_wait3A_28] : memref<10000x256xf32, #tpu.memory_space<hbm>> -> memref<80x256xf32, #tpu.memory_space<hbm>>
      %dma_wait3A_30 = arith.constant 0 : i32
      %dma_wait3A_31 = arith.constant 0 : i32
      %dma_wait3A_32 = tpu.memref_slice %arg3[%dma_wait3A_30, %dma_wait3A_31] : memref<10000x256xf32, #tpu.memory_space<hbm>> -> memref<80x256xf32, #tpu.memory_space<hbm>>
      tpu.wait_dma2 semaphore(%arg10 : memref<!tpu.dma_semaphore, #tpu.memory_space<semaphore_mem>>) src(%dma_wait3A_32 : memref<80x256xf32, #tpu.memory_space<hbm>>) dst(%arg6 : memref<80x256xf32, #tpu.memory_space<vmem>>)
      %add3A_33 = arith.constant 1 : i32
      %add3A_34 = arith.addi %add3A_26, %add3A_33 : i32
      %dma_start3A_35 = arith.constant 0 : i32
      %dma_start3A_36 = tpu.memref_slice %arg5[%add3A_34, %dma_start3A_35] : memref<80x80xi32, #tpu.memory_space<vmem>> -> memref<1x80xi32, #tpu.memory_space<vmem>>
      %dma_start3A_37 = tpu.memref_squeeze %dma_start3A_36 : memref<1x80xi32, #tpu.memory_space<vmem>> -> memref<80xi32, #tpu.memory_space<vmem>>
      %dma_start3A_38 = arith.constant 0 : i32
      %dma_start3A_39 = arith.constant 0 : i32
      %dma_start3A_40 = tpu.memref_slice %arg3[%dma_start3A_38, %dma_start3A_39] : memref<10000x256xf32, #tpu.memory_space<hbm>> -> memref<10000x256xf32, #tpu.memory_space<hbm>>
      tpu.enqueue_indirect_dma source(%dma_start3A_40 : memref<10000x256xf32, #tpu.memory_space<hbm>>) target(%arg7 : memref<80x256xf32, #tpu.memory_space<vmem>>) offsets(%dma_start3A_37 : memref<80xi32, #tpu.memory_space<vmem>>) semaphore(%arg11 : memref<!tpu.dma_semaphore, #tpu.memory_space<semaphore_mem>>)
      %ge3A = arith.constant 2 : i32
      %ge3A_41 = arith.cmpi sge, %add3A_26, %ge3A : i32
      %convert_element_type3A = arith.extui %ge3A_41 : i1 to i32
      %cond3A = arith.constant 0 : i32
      %cond3A_42 = arith.cmpi ne, %convert_element_type3A, %cond3A : i32
      scf.if %cond3A_42 {
        %dma_wait3A_86 = arith.constant 0 : i32
        %dma_wait3A_87 = tpu.memref_slice %arg4[%mul3A_2, %dma_wait3A_86] : memref<204800x232xf32, #tpu.memory_space<hbm>> -> memref<80x232xf32, #tpu.memory_space<hbm>>
        %dma_wait3A_88 = arith.constant 0 : i32
        %dma_wait3A_89 = tpu.memref_slice %arg4[%mul3A_2, %dma_wait3A_88] : memref<204800x232xf32, #tpu.memory_space<hbm>> -> memref<80x232xf32, #tpu.memory_space<hbm>>
        tpu.wait_dma2 semaphore(%arg12 : memref<!tpu.dma_semaphore, #tpu.memory_space<semaphore_mem>>) src(%arg8 : memref<80x232xf32, #tpu.memory_space<vmem>>) dst(%dma_wait3A_89 : memref<80x232xf32, #tpu.memory_space<hbm>>)
      } else {
      }
      %scan3A_43 = arith.constant 0 : i32
      %scan3A_44 = arith.constant 80 : i32
      %scan3A_45 = arith.addi %scan3A_43, %scan3A_44 : i32
      %scan3A_46 = arith.constant 8 : i32
      scf.for %scan3A_86 = %scan3A_43 to %scan3A_45 step %scan3A_46  : i32 {
        %mul3A_87 = arith.constant 1 : i32
        %mul3A_88 = arith.muli %scan3A_86, %mul3A_87 : i32
        %add3A_89 = arith.constant 0 : i32
        %add3A_90 = arith.addi %add3A_89, %mul3A_88 : i32
        %get3A = arith.index_cast %add3A_90 : i32 to index
        %get3A_91 = arith.constant 0 : index
        %get3A_92 = tpu.vector_load %arg6[%get3A, %get3A_91] {strides = array<i32>} : memref<80x256xf32, #tpu.memory_space<vmem>>, vector<1x16xf32>,
        %get3A_93 = vector.shape_cast %get3A_92 : vector<1x16xf32> to vector<16xf32>
        %swap3A = arith.index_cast %add3A_90 : i32 to index
        %swap3A_94 = arith.constant 0 : index
        %swap3A_95 = tpu.vector_load %arg8[%swap3A, %swap3A_94] {strides = array<i32>} : memref<80x232xf32, #tpu.memory_space<vmem>>, vector<1x16xf32>,
        %swap3A_96 = vector.shape_cast %swap3A_95 : vector<1x16xf32> to vector<16xf32>
        %swap3A_97 = vector.shape_cast %get3A_93 : vector<16xf32> to vector<1x16xf32>
        tpu.vector_store %arg8[%swap3A, %swap3A_94], %swap3A_97 {strides = array<i32>} : memref<80x232xf32, #tpu.memory_space<vmem>>, vector<1x16xf32>,
        %get3A_98 = arith.index_cast %add3A_90 : i32 to index
        %get3A_99 = arith.constant 16 : index
        %get3A_100 = tpu.vector_load %arg6[%get3A_98, %get3A_99] {strides = array<i32>} : memref<80x256xf32, #tpu.memory_space<vmem>>, vector<1x16xf32>,
        %get3A_101 = vector.shape_cast %get3A_100 : vector<1x16xf32> to vector<16xf32>
        %swap3A_102 = arith.index_cast %add3A_90 : i32 to index
        %swap3A_103 = arith.constant 16 : index
        %swap3A_104 = tpu.vector_load %arg8[%swap3A_102, %swap3A_103] {strides = array<i32>} : memref<80x232xf32, #tpu.memory_space<vmem>>, vector<1x16xf32>,
        %swap3A_105 = vector.shape_cast %swap3A_104 : vector<1x16xf32> to vector<16xf32>
        %swap3A_106 = vector.shape_cast %get3A_101 : vector<16xf32> to vector<1x16xf32>
        tpu.vector_store %arg8[%swap3A_102, %swap3A_103], %swap3A_106 {strides = array<i32>} : memref<80x232xf32, #tpu.memory_space<vmem>>, vector<1x16xf32>,
        %get3A_107 = arith.index_cast %add3A_90 : i32 to index
        %get3A_108 = arith.constant 32 : index
        %get3A_109 = tpu.vector_load %arg6[%get3A_107, %get3A_108] {strides = array<i32>} : memref<80x256xf32, #tpu.memory_space<vmem>>, vector<1x16xf32>,
        %get3A_110 = vector.shape_cast %get3A_109 : vector<1x16xf32> to vector<16xf32>
        %swap3A_111 = arith.index_cast %add3A_90 : i32 to index
        %swap3A_112 = arith.constant 32 : index
        %swap3A_113 = tpu.vector_load %arg8[%swap3A_111, %swap3A_112] {strides = array<i32>} : memref<80x232xf32, #tpu.memory_space<vmem>>, vector<1x16xf32>,
        %swap3A_114 = vector.shape_cast %swap3A_113 : vector<1x16xf32> to vector<16xf32>
        %swap3A_115 = vector.shape_cast %get3A_110 : vector<16xf32> to vector<1x16xf32>
        tpu.vector_store %arg8[%swap3A_111, %swap3A_112], %swap3A_115 {strides = array<i32>} : memref<80x232xf32, #tpu.memory_space<vmem>>, vector<1x16xf32>,
        %get3A_116 = arith.index_cast %add3A_90 : i32 to index
        %get3A_117 = arith.constant 48 : index
        %get3A_118 = tpu.vector_load %arg6[%get3A_116, %get3A_117] {strides = array<i32>} : memref<80x256xf32, #tpu.memory_space<vmem>>, vector<1x16xf32>,
        %get3A_119 = vector.shape_cast %get3A_118 : vector<1x16xf32> to vector<16xf32>
        %swap3A_120 = arith.index_cast %add3A_90 : i32 to index
        %swap3A_121 = arith.constant 48 : index
        %swap3A_122 = tpu.vector_load %arg8[%swap3A_120, %swap3A_121] {strides = array<i32>} : memref<80x232xf32, #tpu.memory_space<vmem>>, vector<1x16xf32>,
        %swap3A_123 = vector.shape_cast %swap3A_122 : vector<1x16xf32> to vector<16xf32>
        %swap3A_124 = vector.shape_cast %get3A_119 : vector<16xf32> to vector<1x16xf32>
        tpu.vector_store %arg8[%swap3A_120, %swap3A_121], %swap3A_124 {strides = array<i32>} : memref<80x232xf32, #tpu.memory_space<vmem>>, vector<1x16xf32>,
        %get3A_125 = arith.index_cast %add3A_90 : i32 to index
        %get3A_126 = arith.constant 64 : index
        %get3A_127 = tpu.vector_load %arg6[%get3A_125, %get3A_126] {strides = array<i32>} : memref<80x256xf32, #tpu.memory_space<vmem>>, vector<1x16xf32>,
        %get3A_128 = vector.shape_cast %get3A_127 : vector<1x16xf32> to vector<16xf32>
        %swap3A_129 = arith.index_cast %add3A_90 : i32 to index
        %swap3A_130 = arith.constant 64 : index
        %swap3A_131 = tpu.vector_load %arg8[%swap3A_129, %swap3A_130] {strides = array<i32>} : memref<80x232xf32, #tpu.memory_space<vmem>>, vector<1x16xf32>,
        %swap3A_132 = vector.shape_cast %swap3A_131 : vector<1x16xf32> to vector<16xf32>
        %swap3A_133 = vector.shape_cast %get3A_128 : vector<16xf32> to vector<1x16xf32>
        tpu.vector_store %arg8[%swap3A_129, %swap3A_130], %swap3A_133 {strides = array<i32>} : memref<80x232xf32, #tpu.memory_space<vmem>>, vector<1x16xf32>,
        %get3A_134 = arith.index_cast %add3A_90 : i32 to index
        %get3A_135 = arith.constant 80 : index
        %get3A_136 = tpu.vector_load %arg6[%get3A_134, %get3A_135] {strides = array<i32>} : memref<80x256xf32, #tpu.memory_space<vmem>>, vector<1x16xf32>,
        %get3A_137 = vector.shape_cast %get3A_136 : vector<1x16xf32> to vector<16xf32>
        %swap3A_138 = arith.index_cast %add3A_90 : i32 to index
        %swap3A_139 = arith.constant 80 : index
        %swap3A_140 = tpu.vector_load %arg8[%swap3A_138, %swap3A_139] {strides = array<i32>} : memref<80x232xf32, #tpu.memory_space<vmem>>, vector<1x16xf32>,
        %swap3A_141 = vector.shape_cast %swap3A_140 : vector<1x16xf32> to vector<16xf32>
        %swap3A_142 = vector.shape_cast %get3A_137 : vector<16xf32> to vector<1x16xf32>
        tpu.vector_store %arg8[%swap3A_138, %swap3A_139], %swap3A_142 {strides = array<i32>} : memref<80x232xf32, #tpu.memory_space<vmem>>, vector<1x16xf32>,
        %get3A_143 = arith.index_cast %add3A_90 : i32 to index
        %get3A_144 = arith.constant 96 : index
        %get3A_145 = tpu.vector_load %arg6[%get3A_143, %get3A_144] {strides = array<i32>} : memref<80x256xf32, #tpu.memory_space<vmem>>, vector<1x16xf32>,
        %get3A_146 = vector.shape_cast %get3A_145 : vector<1x16xf32> to vector<16xf32>
        %swap3A_147 = arith.index_cast %add3A_90 : i32 to index
        %swap3A_148 = arith.constant 96 : index
        %swap3A_149 = tpu.vector_load %arg8[%swap3A_147, %swap3A_148] {strides = array<i32>} : memref<80x232xf32, #tpu.memory_space<vmem>>, vector<1x16xf32>,
        %swap3A_150 = vector.shape_cast %swap3A_149 : vector<1x16xf32> to vector<16xf32>
        %swap3A_151 = vector.shape_cast %get3A_146 : vector<16xf32> to vector<1x16xf32>
        tpu.vector_store %arg8[%swap3A_147, %swap3A_148], %swap3A_151 {strides = array<i32>} : memref<80x232xf32, #tpu.memory_space<vmem>>, vector<1x16xf32>,
        %get3A_152 = arith.index_cast %add3A_90 : i32 to index
        %get3A_153 = arith.constant 112 : index
        %get3A_154 = tpu.vector_load %arg6[%get3A_152, %get3A_153] {strides = array<i32>} : memref<80x256xf32, #tpu.memory_space<vmem>>, vector<1x16xf32>,
        %get3A_155 = vector.shape_cast %get3A_154 : vector<1x16xf32> to vector<16xf32>
        %swap3A_156 = arith.index_cast %add3A_90 : i32 to index
        %swap3A_157 = arith.constant 112 : index
        %swap3A_158 = tpu.vector_load %arg8[%swap3A_156, %swap3A_157] {strides = array<i32>} : memref<80x232xf32, #tpu.memory_space<vmem>>, vector<1x16xf32>,
        %swap3A_159 = vector.shape_cast %swap3A_158 : vector<1x16xf32> to vector<16xf32>
        %swap3A_160 = vector.shape_cast %get3A_155 : vector<16xf32> to vector<1x16xf32>
        tpu.vector_store %arg8[%swap3A_156, %swap3A_157], %swap3A_160 {strides = array<i32>} : memref<80x232xf32, #tpu.memory_space<vmem>>, vector<1x16xf32>,
        %get3A_161 = arith.index_cast %add3A_90 : i32 to index
        %get3A_162 = arith.constant 128 : index
        %get3A_163 = tpu.vector_load %arg6[%get3A_161, %get3A_162] {strides = array<i32>} : memref<80x256xf32, #tpu.memory_space<vmem>>, vector<1x16xf32>,
        %get3A_164 = vector.shape_cast %get3A_163 : vector<1x16xf32> to vector<16xf32>
        %swap3A_165 = arith.index_cast %add3A_90 : i32 to index
        %swap3A_166 = arith.constant 128 : index
        %swap3A_167 = tpu.vector_load %arg8[%swap3A_165, %swap3A_166] {strides = array<i32>} : memref<80x232xf32, #tpu.memory_space<vmem>>, vector<1x16xf32>,
        %swap3A_168 = vector.shape_cast %swap3A_167 : vector<1x16xf32> to vector<16xf32>
        %swap3A_169 = vector.shape_cast %get3A_164 : vector<16xf32> to vector<1x16xf32>
        tpu.vector_store %arg8[%swap3A_165, %swap3A_166], %swap3A_169 {strides = array<i32>} : memref<80x232xf32, #tpu.memory_space<vmem>>, vector<1x16xf32>,
        %get3A_170 = arith.index_cast %add3A_90 : i32 to index
        %get3A_171 = arith.constant 144 : index
        %get3A_172 = tpu.vector_load %arg6[%get3A_170, %get3A_171] {strides = array<i32>} : memref<80x256xf32, #tpu.memory_space<vmem>>, vector<1x16xf32>,
        %get3A_173 = vector.shape_cast %get3A_172 : vector<1x16xf32> to vector<16xf32>
        %swap3A_174 = arith.index_cast %add3A_90 : i32 to index
        %swap3A_175 = arith.constant 144 : index
        %swap3A_176 = tpu.vector_load %arg8[%swap3A_174, %swap3A_175] {strides = array<i32>} : memref<80x232xf32, #tpu.memory_space<vmem>>, vector<1x16xf32>,
        %swap3A_177 = vector.shape_cast %swap3A_176 : vector<1x16xf32> to vector<16xf32>
        %swap3A_178 = vector.shape_cast %get3A_173 : vector<16xf32> to vector<1x16xf32>
        tpu.vector_store %arg8[%swap3A_174, %swap3A_175], %swap3A_178 {strides = array<i32>} : memref<80x232xf32, #tpu.memory_space<vmem>>, vector<1x16xf32>,
        %get3A_179 = arith.index_cast %add3A_90 : i32 to index
        %get3A_180 = arith.constant 160 : index
        %get3A_181 = tpu.vector_load %arg6[%get3A_179, %get3A_180] {strides = array<i32>} : memref<80x256xf32, #tpu.memory_space<vmem>>, vector<1x16xf32>,
        %get3A_182 = vector.shape_cast %get3A_181 : vector<1x16xf32> to vector<16xf32>
        %swap3A_183 = arith.index_cast %add3A_90 : i32 to index
        %swap3A_184 = arith.constant 160 : index
        %swap3A_185 = tpu.vector_load %arg8[%swap3A_183, %swap3A_184] {strides = array<i32>} : memref<80x232xf32, #tpu.memory_space<vmem>>, vector<1x16xf32>,
        %swap3A_186 = vector.shape_cast %swap3A_185 : vector<1x16xf32> to vector<16xf32>
        %swap3A_187 = vector.shape_cast %get3A_182 : vector<16xf32> to vector<1x16xf32>
        tpu.vector_store %arg8[%swap3A_183, %swap3A_184], %swap3A_187 {strides = array<i32>} : memref<80x232xf32, #tpu.memory_space<vmem>>, vector<1x16xf32>,
        %get3A_188 = arith.index_cast %add3A_90 : i32 to index
        %get3A_189 = arith.constant 176 : index
        %get3A_190 = tpu.vector_load %arg6[%get3A_188, %get3A_189] {strides = array<i32>} : memref<80x256xf32, #tpu.memory_space<vmem>>, vector<1x16xf32>,
        %get3A_191 = vector.shape_cast %get3A_190 : vector<1x16xf32> to vector<16xf32>
        %swap3A_192 = arith.index_cast %add3A_90 : i32 to index
        %swap3A_193 = arith.constant 176 : index
        %swap3A_194 = tpu.vector_load %arg8[%swap3A_192, %swap3A_193] {strides = array<i32>} : memref<80x232xf32, #tpu.memory_space<vmem>>, vector<1x16xf32>,
        %swap3A_195 = vector.shape_cast %swap3A_194 : vector<1x16xf32> to vector<16xf32>
        %swap3A_196 = vector.shape_cast %get3A_191 : vector<16xf32> to vector<1x16xf32>
        tpu.vector_store %arg8[%swap3A_192, %swap3A_193], %swap3A_196 {strides = array<i32>} : memref<80x232xf32, #tpu.memory_space<vmem>>, vector<1x16xf32>,
        %get3A_197 = arith.index_cast %add3A_90 : i32 to index
        %get3A_198 = arith.constant 192 : index
        %get3A_199 = tpu.vector_load %arg6[%get3A_197, %get3A_198] {strides = array<i32>} : memref<80x256xf32, #tpu.memory_space<vmem>>, vector<1x16xf32>,
        %get3A_200 = vector.shape_cast %get3A_199 : vector<1x16xf32> to vector<16xf32>
        %swap3A_201 = arith.index_cast %add3A_90 : i32 to index
        %swap3A_202 = arith.constant 192 : index
        %swap3A_203 = tpu.vector_load %arg8[%swap3A_201, %swap3A_202] {strides = array<i32>} : memref<80x232xf32, #tpu.memory_space<vmem>>, vector<1x16xf32>,
        %swap3A_204 = vector.shape_cast %swap3A_203 : vector<1x16xf32> to vector<16xf32>
        %swap3A_205 = vector.shape_cast %get3A_200 : vector<16xf32> to vector<1x16xf32>
        tpu.vector_store %arg8[%swap3A_201, %swap3A_202], %swap3A_205 {strides = array<i32>} : memref<80x232xf32, #tpu.memory_space<vmem>>, vector<1x16xf32>,
        %get3A_206 = arith.index_cast %add3A_90 : i32 to index
        %get3A_207 = arith.constant 208 : index
        %get3A_208 = tpu.vector_load %arg6[%get3A_206, %get3A_207] {strides = array<i32>} : memref<80x256xf32, #tpu.memory_space<vmem>>, vector<1x16xf32>,
        %get3A_209 = vector.shape_cast %get3A_208 : vector<1x16xf32> to vector<16xf32>
        %swap3A_210 = arith.index_cast %add3A_90 : i32 to index
        %swap3A_211 = arith.constant 208 : index
        %swap3A_212 = tpu.vector_load %arg8[%swap3A_210, %swap3A_211] {strides = array<i32>} : memref<80x232xf32, #tpu.memory_space<vmem>>, vector<1x16xf32>,
        %swap3A_213 = vector.shape_cast %swap3A_212 : vector<1x16xf32> to vector<16xf32>
        %swap3A_214 = vector.shape_cast %get3A_209 : vector<16xf32> to vector<1x16xf32>
        tpu.vector_store %arg8[%swap3A_210, %swap3A_211], %swap3A_214 {strides = array<i32>} : memref<80x232xf32, #tpu.memory_space<vmem>>, vector<1x16xf32>,
        %get3A_215 = arith.index_cast %add3A_90 : i32 to index
        %get3A_216 = arith.constant 216 : index
        %get3A_217 = tpu.vector_load %arg6[%get3A_215, %get3A_216] {strides = array<i32>} : memref<80x256xf32, #tpu.memory_space<vmem>>, vector<1x16xf32>,
        %get3A_218 = vector.shape_cast %get3A_217 : vector<1x16xf32> to vector<16xf32>
        %swap3A_219 = arith.index_cast %add3A_90 : i32 to index
        %swap3A_220 = arith.constant 216 : index
        %swap3A_221 = tpu.vector_load %arg8[%swap3A_219, %swap3A_220] {strides = array<i32>} : memref<80x232xf32, #tpu.memory_space<vmem>>, vector<1x16xf32>,
        %swap3A_222 = vector.shape_cast %swap3A_221 : vector<1x16xf32> to vector<16xf32>
        %swap3A_223 = vector.shape_cast %get3A_218 : vector<16xf32> to vector<1x16xf32>
        tpu.vector_store %arg8[%swap3A_219, %swap3A_220], %swap3A_223 {strides = array<i32>} : memref<80x232xf32, #tpu.memory_space<vmem>>, vector<1x16xf32>,
        %scan3A_224 = arith.constant 1 : i32
        %scan3A_225 = arith.addi %scan3A_86, %scan3A_224 : i32
        %mul3A_226 = arith.constant 1 : i32
        %mul3A_227 = arith.muli %scan3A_225, %mul3A_226 : i32
        %add3A_228 = arith.constant 0 : i32
        %add3A_229 = arith.addi %add3A_228, %mul3A_227 : i32
        %get3A_230 = arith.index_cast %add3A_229 : i32 to index
        %get3A_231 = arith.constant 0 : index
        %get3A_232 = tpu.vector_load %arg6[%get3A_230, %get3A_231] {strides = array<i32>} : memref<80x256xf32, #tpu.memory_space<vmem>>, vector<1x16xf32>,
        %get3A_233 = vector.shape_cast %get3A_232 : vector<1x16xf32> to vector<16xf32>
        %swap3A_234 = arith.index_cast %add3A_229 : i32 to index
        %swap3A_235 = arith.constant 0 : index
        %swap3A_236 = tpu.vector_load %arg8[%swap3A_234, %swap3A_235] {strides = array<i32>} : memref<80x232xf32, #tpu.memory_space<vmem>>, vector<1x16xf32>,
        %swap3A_237 = vector.shape_cast %swap3A_236 : vector<1x16xf32> to vector<16xf32>
        %swap3A_238 = vector.shape_cast %get3A_233 : vector<16xf32> to vector<1x16xf32>
        tpu.vector_store %arg8[%swap3A_234, %swap3A_235], %swap3A_238 {strides = array<i32>} : memref<80x232xf32, #tpu.memory_space<vmem>>, vector<1x16xf32>,
        %get3A_239 = arith.index_cast %add3A_229 : i32 to index
        %get3A_240 = arith.constant 16 : index
        %get3A_241 = tpu.vector_load %arg6[%get3A_239, %get3A_240] {strides = array<i32>} : memref<80x256xf32, #tpu.memory_space<vmem>>, vector<1x16xf32>,
        %get3A_242 = vector.shape_cast %get3A_241 : vector<1x16xf32> to vector<16xf32>
        %swap3A_243 = arith.index_cast %add3A_229 : i32 to index
        %swap3A_244 = arith.constant 16 : index
        %swap3A_245 = tpu.vector_load %arg8[%swap3A_243, %swap3A_244] {strides = array<i32>} : memref<80x232xf32, #tpu.memory_space<vmem>>, vector<1x16xf32>,
        %swap3A_246 = vector.shape_cast %swap3A_245 : vector<1x16xf32> to vector<16xf32>
        %swap3A_247 = vector.shape_cast %get3A_242 : vector<16xf32> to vector<1x16xf32>
        tpu.vector_store %arg8[%swap3A_243, %swap3A_244], %swap3A_247 {strides = array<i32>} : memref<80x232xf32, #tpu.memory_space<vmem>>, vector<1x16xf32>,
        %get3A_248 = arith.index_cast %add3A_229 : i32 to index
        %get3A_249 = arith.constant 32 : index
        %get3A_250 = tpu.vector_load %arg6[%get3A_248, %get3A_249] {strides = array<i32>} : memref<80x256xf32, #tpu.memory_space<vmem>>, vector<1x16xf32>,
        %get3A_251 = vector.shape_cast %get3A_250 : vector<1x16xf32> to vector<16xf32>
        %swap3A_252 = arith.index_cast %add3A_229 : i32 to index
        %swap3A_253 = arith.constant 32 : index
        %swap3A_254 = tpu.vector_load %arg8[%swap3A_252, %swap3A_253] {strides = array<i32>} : memref<80x232xf32, #tpu.memory_space<vmem>>, vector<1x16xf32>,
        %swap3A_255 = vector.shape_cast %swap3A_254 : vector<1x16xf32> to vector<16xf32>
        %swap3A_256 = vector.shape_cast %get3A_251 : vector<16xf32> to vector<1x16xf32>
        tpu.vector_store %arg8[%swap3A_252, %swap3A_253], %swap3A_256 {strides = array<i32>} : memref<80x232xf32, #tpu.memory_space<vmem>>, vector<1x16xf32>,
        %get3A_257 = arith.index_cast %add3A_229 : i32 to index
        %get3A_258 = arith.constant 48 : index
        %get3A_259 = tpu.vector_load %arg6[%get3A_257, %get3A_258] {strides = array<i32>} : memref<80x256xf32, #tpu.memory_space<vmem>>, vector<1x16xf32>,
        %get3A_260 = vector.shape_cast %get3A_259 : vector<1x16xf32> to vector<16xf32>
        %swap3A_261 = arith.index_cast %add3A_229 : i32 to index
        %swap3A_262 = arith.constant 48 : index
        %swap3A_263 = tpu.vector_load %arg8[%swap3A_261, %swap3A_262] {strides = array<i32>} : memref<80x232xf32, #tpu.memory_space<vmem>>, vector<1x16xf32>,
        %swap3A_264 = vector.shape_cast %swap3A_263 : vector<1x16xf32> to vector<16xf32>
        %swap3A_265 = vector.shape_cast %get3A_260 : vector<16xf32> to vector<1x16xf32>
        tpu.vector_store %arg8[%swap3A_261, %swap3A_262], %swap3A_265 {strides = array<i32>} : memref<80x232xf32, #tpu.memory_space<vmem>>, vector<1x16xf32>,
        %get3A_266 = arith.index_cast %add3A_229 : i32 to index
        %get3A_267 = arith.constant 64 : index
        %get3A_268 = tpu.vector_load %arg6[%get3A_266, %get3A_267] {strides = array<i32>} : memref<80x256xf32, #tpu.memory_space<vmem>>, vector<1x16xf32>,
        %get3A_269 = vector.shape_cast %get3A_268 : vector<1x16xf32> to vector<16xf32>
        %swap3A_270 = arith.index_cast %add3A_229 : i32 to index
        %swap3A_271 = arith.constant 64 : index
        %swap3A_272 = tpu.vector_load %arg8[%swap3A_270, %swap3A_271] {strides = array<i32>} : memref<80x232xf32, #tpu.memory_space<vmem>>, vector<1x16xf32>,
        %swap3A_273 = vector.shape_cast %swap3A_272 : vector<1x16xf32> to vector<16xf32>
        %swap3A_274 = vector.shape_cast %get3A_269 : vector<16xf32> to vector<1x16xf32>
        tpu.vector_store %arg8[%swap3A_270, %swap3A_271], %swap3A_274 {strides = array<i32>} : memref<80x232xf32, #tpu.memory_space<vmem>>, vector<1x16xf32>,
        %get3A_275 = arith.index_cast %add3A_229 : i32 to index
        %get3A_276 = arith.constant 80 : index
        %get3A_277 = tpu.vector_load %arg6[%get3A_275, %get3A_276] {strides = array<i32>} : memref<80x256xf32, #tpu.memory_space<vmem>>, vector<1x16xf32>,
        %get3A_278 = vector.shape_cast %get3A_277 : vector<1x16xf32> to vector<16xf32>
        %swap3A_279 = arith.index_cast %add3A_229 : i32 to index
        %swap3A_280 = arith.constant 80 : index
        %swap3A_281 = tpu.vector_load %arg8[%swap3A_279, %swap3A_280] {strides = array<i32>} : memref<80x232xf32, #tpu.memory_space<vmem>>, vector<1x16xf32>,
        %swap3A_282 = vector.shape_cast %swap3A_281 : vector<1x16xf32> to vector<16xf32>
        %swap3A_283 = vector.shape_cast %get3A_278 : vector<16xf32> to vector<1x16xf32>
        tpu.vector_store %arg8[%swap3A_279, %swap3A_280], %swap3A_283 {strides = array<i32>} : memref<80x232xf32, #tpu.memory_space<vmem>>, vector<1x16xf32>,
        %get3A_284 = arith.index_cast %add3A_229 : i32 to index
        %get3A_285 = arith.constant 96 : index
        %get3A_286 = tpu.vector_load %arg6[%get3A_284, %get3A_285] {strides = array<i32>} : memref<80x256xf32, #tpu.memory_space<vmem>>, vector<1x16xf32>,
        %get3A_287 = vector.shape_cast %get3A_286 : vector<1x16xf32> to vector<16xf32>
        %swap3A_288 = arith.index_cast %add3A_229 : i32 to index
        %swap3A_289 = arith.constant 96 : index
        %swap3A_290 = tpu.vector_load %arg8[%swap3A_288, %swap3A_289] {strides = array<i32>} : memref<80x232xf32, #tpu.memory_space<vmem>>, vector<1x16xf32>,
        %swap3A_291 = vector.shape_cast %swap3A_290 : vector<1x16xf32> to vector<16xf32>
        %swap3A_292 = vector.shape_cast %get3A_287 : vector<16xf32> to vector<1x16xf32>
        tpu.vector_store %arg8[%swap3A_288, %swap3A_289], %swap3A_292 {strides = array<i32>} : memref<80x232xf32, #tpu.memory_space<vmem>>, vector<1x16xf32>,
        %get3A_293 = arith.index_cast %add3A_229 : i32 to index
        %get3A_294 = arith.constant 112 : index
        %get3A_295 = tpu.vector_load %arg6[%get3A_293, %get3A_294] {strides = array<i32>} : memref<80x256xf32, #tpu.memory_space<vmem>>, vector<1x16xf32>,
        %get3A_296 = vector.shape_cast %get3A_295 : vector<1x16xf32> to vector<16xf32>
        %swap3A_297 = arith.index_cast %add3A_229 : i32 to index
        %swap3A_298 = arith.constant 112 : index
        %swap3A_299 = tpu.vector_load %arg8[%swap3A_297, %swap3A_298] {strides = array<i32>} : memref<80x232xf32, #tpu.memory_space<vmem>>, vector<1x16xf32>,
        %swap3A_300 = vector.shape_cast %swap3A_299 : vector<1x16xf32> to vector<16xf32>
        %swap3A_301 = vector.shape_cast %get3A_296 : vector<16xf32> to vector<1x16xf32>
        tpu.vector_store %arg8[%swap3A_297, %swap3A_298], %swap3A_301 {strides = array<i32>} : memref<80x232xf32, #tpu.memory_space<vmem>>, vector<1x16xf32>,
        %get3A_302 = arith.index_cast %add3A_229 : i32 to index
        %get3A_303 = arith.constant 128 : index
        %get3A_304 = tpu.vector_load %arg6[%get3A_302, %get3A_303] {strides = array<i32>} : memref<80x256xf32, #tpu.memory_space<vmem>>, vector<1x16xf32>,
        %get3A_305 = vector.shape_cast %get3A_304 : vector<1x16xf32> to vector<16xf32>
        %swap3A_306 = arith.index_cast %add3A_229 : i32 to index
        %swap3A_307 = arith.constant 128 : index
        %swap3A_308 = tpu.vector_load %arg8[%swap3A_306, %swap3A_307] {strides = array<i32>} : memref<80x232xf32, #tpu.memory_space<vmem>>, vector<1x16xf32>,
        %swap3A_309 = vector.shape_cast %swap3A_308 : vector<1x16xf32> to vector<16xf32>
        %swap3A_310 = vector.shape_cast %get3A_305 : vector<16xf32> to vector<1x16xf32>
        tpu.vector_store %arg8[%swap3A_306, %swap3A_307], %swap3A_310 {strides = array<i32>} : memref<80x232xf32, #tpu.memory_space<vmem>>, vector<1x16xf32>,
        %get3A_311 = arith.index_cast %add3A_229 : i32 to index
        %get3A_312 = arith.constant 144 : index
        %get3A_313 = tpu.vector_load %arg6[%get3A_311, %get3A_312] {strides = array<i32>} : memref<80x256xf32, #tpu.memory_space<vmem>>, vector<1x16xf32>,
        %get3A_314 = vector.shape_cast %get3A_313 : vector<1x16xf32> to vector<16xf32>
        %swap3A_315 = arith.index_cast %add3A_229 : i32 to index
        %swap3A_316 = arith.constant 144 : index
        %swap3A_317 = tpu.vector_load %arg8[%swap3A_315, %swap3A_316] {strides = array<i32>} : memref<80x232xf32, #tpu.memory_space<vmem>>, vector<1x16xf32>,
        %swap3A_318 = vector.shape_cast %swap3A_317 : vector<1x16xf32> to vector<16xf32>
        %swap3A_319 = vector.shape_cast %get3A_314 : vector<16xf32> to vector<1x16xf32>
        tpu.vector_store %arg8[%swap3A_315, %swap3A_316], %swap3A_319 {strides = array<i32>} : memref<80x232xf32, #tpu.memory_space<vmem>>, vector<1x16xf32>,
        %get3A_320 = arith.index_cast %add3A_229 : i32 to index
        %get3A_321 = arith.constant 160 : index
        %get3A_322 = tpu.vector_load %arg6[%get3A_320, %get3A_321] {strides = array<i32>} : memref<80x256xf32, #tpu.memory_space<vmem>>, vector<1x16xf32>,
        %get3A_323 = vector.shape_cast %get3A_322 : vector<1x16xf32> to vector<16xf32>
        %swap3A_324 = arith.index_cast %add3A_229 : i32 to index
        %swap3A_325 = arith.constant 160 : index
        %swap3A_326 = tpu.vector_load %arg8[%swap3A_324, %swap3A_325] {strides = array<i32>} : memref<80x232xf32, #tpu.memory_space<vmem>>, vector<1x16xf32>,
        %swap3A_327 = vector.shape_cast %swap3A_326 : vector<1x16xf32> to vector<16xf32>
        %swap3A_328 = vector.shape_cast %get3A_323 : vector<16xf32> to vector<1x16xf32>
        tpu.vector_store %arg8[%swap3A_324, %swap3A_325], %swap3A_328 {strides = array<i32>} : memref<80x232xf32, #tpu.memory_space<vmem>>, vector<1x16xf32>,
        %get3A_329 = arith.index_cast %add3A_229 : i32 to index
        %get3A_330 = arith.constant 176 : index
        %get3A_331 = tpu.vector_load %arg6[%get3A_329, %get3A_330] {strides = array<i32>} : memref<80x256xf32, #tpu.memory_space<vmem>>, vector<1x16xf32>,
        %get3A_332 = vector.shape_cast %get3A_331 : vector<1x16xf32> to vector<16xf32>
        %swap3A_333 = arith.index_cast %add3A_229 : i32 to index
        %swap3A_334 = arith.constant 176 : index
        %swap3A_335 = tpu.vector_load %arg8[%swap3A_333, %swap3A_334] {strides = array<i32>} : memref<80x232xf32, #tpu.memory_space<vmem>>, vector<1x16xf32>,
        %swap3A_336 = vector.shape_cast %swap3A_335 : vector<1x16xf32> to vector<16xf32>
        %swap3A_337 = vector.shape_cast %get3A_332 : vector<16xf32> to vector<1x16xf32>
        tpu.vector_store %arg8[%swap3A_333, %swap3A_334], %swap3A_337 {strides = array<i32>} : memref<80x232xf32, #tpu.memory_space<vmem>>, vector<1x16xf32>,
        %get3A_338 = arith.index_cast %add3A_229 : i32 to index
        %get3A_339 = arith.constant 192 : index
        %get3A_340 = tpu.vector_load %arg6[%get3A_338, %get3A_339] {strides = array<i32>} : memref<80x256xf32, #tpu.memory_space<vmem>>, vector<1x16xf32>,
        %get3A_341 = vector.shape_cast %get3A_340 : vector<1x16xf32> to vector<16xf32>
        %swap3A_342 = arith.index_cast %add3A_229 : i32 to index
        %swap3A_343 = arith.constant 192 : index
        %swap3A_344 = tpu.vector_load %arg8[%swap3A_342, %swap3A_343] {strides = array<i32>} : memref<80x232xf32, #tpu.memory_space<vmem>>, vector<1x16xf32>,
        %swap3A_345 = vector.shape_cast %swap3A_344 : vector<1x16xf32> to vector<16xf32>
        %swap3A_346 = vector.shape_cast %get3A_341 : vector<16xf32> to vector<1x16xf32>
        tpu.vector_store %arg8[%swap3A_342, %swap3A_343], %swap3A_346 {strides = array<i32>} : memref<80x232xf32, #tpu.memory_space<vmem>>, vector<1x16xf32>,
        %get3A_347 = arith.index_cast %add3A_229 : i32 to index
        %get3A_348 = arith.constant 208 : index
        %get3A_349 = tpu.vector_load %arg6[%get3A_347, %get3A_348] {strides = array<i32>} : memref<80x256xf32, #tpu.memory_space<vmem>>, vector<1x16xf32>,
        %get3A_350 = vector.shape_cast %get3A_349 : vector<1x16xf32> to vector<16xf32>
        %swap3A_351 = arith.index_cast %add3A_229 : i32 to index
        %swap3A_352 = arith.constant 208 : index
        %swap3A_353 = tpu.vector_load %arg8[%swap3A_351, %swap3A_352] {strides = array<i32>} : memref<80x232xf32, #tpu.memory_space<vmem>>, vector<1x16xf32>,
        %swap3A_354 = vector.shape_cast %swap3A_353 : vector<1x16xf32> to vector<16xf32>
        %swap3A_355 = vector.shape_cast %get3A_350 : vector<16xf32> to vector<1x16xf32>
        tpu.vector_store %arg8[%swap3A_351, %swap3A_352], %swap3A_355 {strides = array<i32>} : memref<80x232xf32, #tpu.memory_space<vmem>>, vector<1x16xf32>,
        %get3A_356 = arith.index_cast %add3A_229 : i32 to index
        %get3A_357 = arith.constant 216 : index
        %get3A_358 = tpu.vector_load %arg6[%get3A_356, %get3A_357] {strides = array<i32>} : memref<80x256xf32, #tpu.memory_space<vmem>>, vector<1x16xf32>,
        %get3A_359 = vector.shape_cast %get3A_358 : vector<1x16xf32> to vector<16xf32>
        %swap3A_360 = arith.index_cast %add3A_229 : i32 to index
        %swap3A_361 = arith.constant 216 : index
        %swap3A_362 = tpu.vector_load %arg8[%swap3A_360, %swap3A_361] {strides = array<i32>} : memref<80x232xf32, #tpu.memory_space<vmem>>, vector<1x16xf32>,
        %swap3A_363 = vector.shape_cast %swap3A_362 : vector<1x16xf32> to vector<16xf32>
        %swap3A_364 = vector.shape_cast %get3A_359 : vector<16xf32> to vector<1x16xf32>
        tpu.vector_store %arg8[%swap3A_360, %swap3A_361], %swap3A_364 {strides = array<i32>} : memref<80x232xf32, #tpu.memory_space<vmem>>, vector<1x16xf32>,
        %scan3A_365 = arith.constant 2 : i32
        %scan3A_366 = arith.addi %scan3A_86, %scan3A_365 : i32
        %mul3A_367 = arith.constant 1 : i32
        %mul3A_368 = arith.muli %scan3A_366, %mul3A_367 : i32
        %add3A_369 = arith.constant 0 : i32
        %add3A_370 = arith.addi %add3A_369, %mul3A_368 : i32
        %get3A_371 = arith.index_cast %add3A_370 : i32 to index
        %get3A_372 = arith.constant 0 : index
        %get3A_373 = tpu.vector_load %arg6[%get3A_371, %get3A_372] {strides = array<i32>} : memref<80x256xf32, #tpu.memory_space<vmem>>, vector<1x16xf32>,
        %get3A_374 = vector.shape_cast %get3A_373 : vector<1x16xf32> to vector<16xf32>
        %swap3A_375 = arith.index_cast %add3A_370 : i32 to index
        %swap3A_376 = arith.constant 0 : index
        %swap3A_377 = tpu.vector_load %arg8[%swap3A_375, %swap3A_376] {strides = array<i32>} : memref<80x232xf32, #tpu.memory_space<vmem>>, vector<1x16xf32>,
        %swap3A_378 = vector.shape_cast %swap3A_377 : vector<1x16xf32> to vector<16xf32>
        %swap3A_379 = vector.shape_cast %get3A_374 : vector<16xf32> to vector<1x16xf32>
        tpu.vector_store %arg8[%swap3A_375, %swap3A_376], %swap3A_379 {strides = array<i32>} : memref<80x232xf32, #tpu.memory_space<vmem>>, vector<1x16xf32>,
        %get3A_380 = arith.index_cast %add3A_370 : i32 to index
        %get3A_381 = arith.constant 16 : index
        %get3A_382 = tpu.vector_load %arg6[%get3A_380, %get3A_381] {strides = array<i32>} : memref<80x256xf32, #tpu.memory_space<vmem>>, vector<1x16xf32>,
        %get3A_383 = vector.shape_cast %get3A_382 : vector<1x16xf32> to vector<16xf32>
        %swap3A_384 = arith.index_cast %add3A_370 : i32 to index
        %swap3A_385 = arith.constant 16 : index
        %swap3A_386 = tpu.vector_load %arg8[%swap3A_384, %swap3A_385] {strides = array<i32>} : memref<80x232xf32, #tpu.memory_space<vmem>>, vector<1x16xf32>,
        %swap3A_387 = vector.shape_cast %swap3A_386 : vector<1x16xf32> to vector<16xf32>
        %swap3A_388 = vector.shape_cast %get3A_383 : vector<16xf32> to vector<1x16xf32>
        tpu.vector_store %arg8[%swap3A_384, %swap3A_385], %swap3A_388 {strides = array<i32>} : memref<80x232xf32, #tpu.memory_space<vmem>>, vector<1x16xf32>,
        %get3A_389 = arith.index_cast %add3A_370 : i32 to index
        %get3A_390 = arith.constant 32 : index
        %get3A_391 = tpu.vector_load %arg6[%get3A_389, %get3A_390] {strides = array<i32>} : memref<80x256xf32, #tpu.memory_space<vmem>>, vector<1x16xf32>,
        %get3A_392 = vector.shape_cast %get3A_391 : vector<1x16xf32> to vector<16xf32>
        %swap3A_393 = arith.index_cast %add3A_370 : i32 to index
        %swap3A_394 = arith.constant 32 : index
        %swap3A_395 = tpu.vector_load %arg8[%swap3A_393, %swap3A_394] {strides = array<i32>} : memref<80x232xf32, #tpu.memory_space<vmem>>, vector<1x16xf32>,
        %swap3A_396 = vector.shape_cast %swap3A_395 : vector<1x16xf32> to vector<16xf32>
        %swap3A_397 = vector.shape_cast %get3A_392 : vector<16xf32> to vector<1x16xf32>
        tpu.vector_store %arg8[%swap3A_393, %swap3A_394], %swap3A_397 {strides = array<i32>} : memref<80x232xf32, #tpu.memory_space<vmem>>, vector<1x16xf32>,
        %get3A_398 = arith.index_cast %add3A_370 : i32 to index
        %get3A_399 = arith.constant 48 : index
        %get3A_400 = tpu.vector_load %arg6[%get3A_398, %get3A_399] {strides = array<i32>} : memref<80x256xf32, #tpu.memory_space<vmem>>, vector<1x16xf32>,
        %get3A_401 = vector.shape_cast %get3A_400 : vector<1x16xf32> to vector<16xf32>
        %swap3A_402 = arith.index_cast %add3A_370 : i32 to index
        %swap3A_403 = arith.constant 48 : index
        %swap3A_404 = tpu.vector_load %arg8[%swap3A_402, %swap3A_403] {strides = array<i32>} : memref<80x232xf32, #tpu.memory_space<vmem>>, vector<1x16xf32>,
        %swap3A_405 = vector.shape_cast %swap3A_404 : vector<1x16xf32> to vector<16xf32>
        %swap3A_406 = vector.shape_cast %get3A_401 : vector<16xf32> to vector<1x16xf32>
        tpu.vector_store %arg8[%swap3A_402, %swap3A_403], %swap3A_406 {strides = array<i32>} : memref<80x232xf32, #tpu.memory_space<vmem>>, vector<1x16xf32>,
        %get3A_407 = arith.index_cast %add3A_370 : i32 to index
        %get3A_408 = arith.constant 64 : index
        %get3A_409 = tpu.vector_load %arg6[%get3A_407, %get3A_408] {strides = array<i32>} : memref<80x256xf32, #tpu.memory_space<vmem>>, vector<1x16xf32>,
        %get3A_410 = vector.shape_cast %get3A_409 : vector<1x16xf32> to vector<16xf32>
        %swap3A_411 = arith.index_cast %add3A_370 : i32 to index
        %swap3A_412 = arith.constant 64 : index
        %swap3A_413 = tpu.vector_load %arg8[%swap3A_411, %swap3A_412] {strides = array<i32>} : memref<80x232xf32, #tpu.memory_space<vmem>>, vector<1x16xf32>,
        %swap3A_414 = vector.shape_cast %swap3A_413 : vector<1x16xf32> to vector<16xf32>
        %swap3A_415 = vector.shape_cast %get3A_410 : vector<16xf32> to vector<1x16xf32>
        tpu.vector_store %arg8[%swap3A_411, %swap3A_412], %swap3A_415 {strides = array<i32>} : memref<80x232xf32, #tpu.memory_space<vmem>>, vector<1x16xf32>,
        %get3A_416 = arith.index_cast %add3A_370 : i32 to index
        %get3A_417 = arith.constant 80 : index
        %get3A_418 = tpu.vector_load %arg6[%get3A_416, %get3A_417] {strides = array<i32>} : memref<80x256xf32, #tpu.memory_space<vmem>>, vector<1x16xf32>,
        %get3A_419 = vector.shape_cast %get3A_418 : vector<1x16xf32> to vector<16xf32>
        %swap3A_420 = arith.index_cast %add3A_370 : i32 to index
        %swap3A_421 = arith.constant 80 : index
        %swap3A_422 = tpu.vector_load %arg8[%swap3A_420, %swap3A_421] {strides = array<i32>} : memref<80x232xf32, #tpu.memory_space<vmem>>, vector<1x16xf32>,
        %swap3A_423 = vector.shape_cast %swap3A_422 : vector<1x16xf32> to vector<16xf32>
        %swap3A_424 = vector.shape_cast %get3A_419 : vector<16xf32> to vector<1x16xf32>
        tpu.vector_store %arg8[%swap3A_420, %swap3A_421], %swap3A_424 {strides = array<i32>} : memref<80x232xf32, #tpu.memory_space<vmem>>, vector<1x16xf32>,
        %get3A_425 = arith.index_cast %add3A_370 : i32 to index
        %get3A_426 = arith.constant 96 : index
        %get3A_427 = tpu.vector_load %arg6[%get3A_425, %get3A_426] {strides = array<i32>} : memref<80x256xf32, #tpu.memory_space<vmem>>, vector<1x16xf32>,
        %get3A_428 = vector.shape_cast %get3A_427 : vector<1x16xf32> to vector<16xf32>
        %swap3A_429 = arith.index_cast %add3A_370 : i32 to index
        %swap3A_430 = arith.constant 96 : index
        %swap3A_431 = tpu.vector_load %arg8[%swap3A_429, %swap3A_430] {strides = array<i32>} : memref<80x232xf32, #tpu.memory_space<vmem>>, vector<1x16xf32>,
        %swap3A_432 = vector.shape_cast %swap3A_431 : vector<1x16xf32> to vector<16xf32>
        %swap3A_433 = vector.shape_cast %get3A_428 : vector<16xf32> to vector<1x16xf32>
        tpu.vector_store %arg8[%swap3A_429, %swap3A_430], %swap3A_433 {strides = array<i32>} : memref<80x232xf32, #tpu.memory_space<vmem>>, vector<1x16xf32>,
        %get3A_434 = arith.index_cast %add3A_370 : i32 to index
        %get3A_435 = arith.constant 112 : index
        %get3A_436 = tpu.vector_load %arg6[%get3A_434, %get3A_435] {strides = array<i32>} : memref<80x256xf32, #tpu.memory_space<vmem>>, vector<1x16xf32>,
        %get3A_437 = vector.shape_cast %get3A_436 : vector<1x16xf32> to vector<16xf32>
        %swap3A_438 = arith.index_cast %add3A_370 : i32 to index
        %swap3A_439 = arith.constant 112 : index
        %swap3A_440 = tpu.vector_load %arg8[%swap3A_438, %swap3A_439] {strides = array<i32>} : memref<80x232xf32, #tpu.memory_space<vmem>>, vector<1x16xf32>,
        %swap3A_441 = vector.shape_cast %swap3A_440 : vector<1x16xf32> to vector<16xf32>
        %swap3A_442 = vector.shape_cast %get3A_437 : vector<16xf32> to vector<1x16xf32>
        tpu.vector_store %arg8[%swap3A_438, %swap3A_439], %swap3A_442 {strides = array<i32>} : memref<80x232xf32, #tpu.memory_space<vmem>>, vector<1x16xf32>,
        %get3A_443 = arith.index_cast %add3A_370 : i32 to index
        %get3A_444 = arith.constant 128 : index
        %get3A_445 = tpu.vector_load %arg6[%get3A_443, %get3A_444] {strides = array<i32>} : memref<80x256xf32, #tpu.memory_space<vmem>>, vector<1x16xf32>,
        %get3A_446 = vector.shape_cast %get3A_445 : vector<1x16xf32> to vector<16xf32>
        %swap3A_447 = arith.index_cast %add3A_370 : i32 to index
        %swap3A_448 = arith.constant 128 : index
        %swap3A_449 = tpu.vector_load %arg8[%swap3A_447, %swap3A_448] {strides = array<i32>} : memref<80x232xf32, #tpu.memory_space<vmem>>, vector<1x16xf32>,
        %swap3A_450 = vector.shape_cast %swap3A_449 : vector<1x16xf32> to vector<16xf32>
        %swap3A_451 = vector.shape_cast %get3A_446 : vector<16xf32> to vector<1x16xf32>
        tpu.vector_store %arg8[%swap3A_447, %swap3A_448], %swap3A_451 {strides = array<i32>} : memref<80x232xf32, #tpu.memory_space<vmem>>, vector<1x16xf32>,
        %get3A_452 = arith.index_cast %add3A_370 : i32 to index
        %get3A_453 = arith.constant 144 : index
        %get3A_454 = tpu.vector_load %arg6[%get3A_452, %get3A_453] {strides = array<i32>} : memref<80x256xf32, #tpu.memory_space<vmem>>, vector<1x16xf32>,
        %get3A_455 = vector.shape_cast %get3A_454 : vector<1x16xf32> to vector<16xf32>
        %swap3A_456 = arith.index_cast %add3A_370 : i32 to index
        %swap3A_457 = arith.constant 144 : index
        %swap3A_458 = tpu.vector_load %arg8[%swap3A_456, %swap3A_457] {strides = array<i32>} : memref<80x232xf32, #tpu.memory_space<vmem>>, vector<1x16xf32>,
        %swap3A_459 = vector.shape_cast %swap3A_458 : vector<1x16xf32> to vector<16xf32>
        %swap3A_460 = vector.shape_cast %get3A_455 : vector<16xf32> to vector<1x16xf32>
        tpu.vector_store %arg8[%swap3A_456, %swap3A_457], %swap3A_460 {strides = array<i32>} : memref<80x232xf32, #tpu.memory_space<vmem>>, vector<1x16xf32>,
        %get3A_461 = arith.index_cast %add3A_370 : i32 to index
        %get3A_462 = arith.constant 160 : index
        %get3A_463 = tpu.vector_load %arg6[%get3A_461, %get3A_462] {strides = array<i32>} : memref<80x256xf32, #tpu.memory_space<vmem>>, vector<1x16xf32>,
        %get3A_464 = vector.shape_cast %get3A_463 : vector<1x16xf32> to vector<16xf32>
        %swap3A_465 = arith.index_cast %add3A_370 : i32 to index
        %swap3A_466 = arith.constant 160 : index
        %swap3A_467 = tpu.vector_load %arg8[%swap3A_465, %swap3A_466] {strides = array<i32>} : memref<80x232xf32, #tpu.memory_space<vmem>>, vector<1x16xf32>,
        %swap3A_468 = vector.shape_cast %swap3A_467 : vector<1x16xf32> to vector<16xf32>
        %swap3A_469 = vector.shape_cast %get3A_464 : vector<16xf32> to vector<1x16xf32>
        tpu.vector_store %arg8[%swap3A_465, %swap3A_466], %swap3A_469 {strides = array<i32>} : memref<80x232xf32, #tpu.memory_space<vmem>>, vector<1x16xf32>,
        %get3A_470 = arith.index_cast %add3A_370 : i32 to index
        %get3A_471 = arith.constant 176 : index
        %get3A_472 = tpu.vector_load %arg6[%get3A_470, %get3A_471] {strides = array<i32>} : memref<80x256xf32, #tpu.memory_space<vmem>>, vector<1x16xf32>,
        %get3A_473 = vector.shape_cast %get3A_472 : vector<1x16xf32> to vector<16xf32>
        %swap3A_474 = arith.index_cast %add3A_370 : i32 to index
        %swap3A_475 = arith.constant 176 : index
        %swap3A_476 = tpu.vector_load %arg8[%swap3A_474, %swap3A_475] {strides = array<i32>} : memref<80x232xf32, #tpu.memory_space<vmem>>, vector<1x16xf32>,
        %swap3A_477 = vector.shape_cast %swap3A_476 : vector<1x16xf32> to vector<16xf32>
        %swap3A_478 = vector.shape_cast %get3A_473 : vector<16xf32> to vector<1x16xf32>
        tpu.vector_store %arg8[%swap3A_474, %swap3A_475], %swap3A_478 {strides = array<i32>} : memref<80x232xf32, #tpu.memory_space<vmem>>, vector<1x16xf32>,
        %get3A_479 = arith.index_cast %add3A_370 : i32 to index
        %get3A_480 = arith.constant 192 : index
        %get3A_481 = tpu.vector_load %arg6[%get3A_479, %get3A_480] {strides = array<i32>} : memref<80x256xf32, #tpu.memory_space<vmem>>, vector<1x16xf32>,
        %get3A_482 = vector.shape_cast %get3A_481 : vector<1x16xf32> to vector<16xf32>
        %swap3A_483 = arith.index_cast %add3A_370 : i32 to index
        %swap3A_484 = arith.constant 192 : index
        %swap3A_485 = tpu.vector_load %arg8[%swap3A_483, %swap3A_484] {strides = array<i32>} : memref<80x232xf32, #tpu.memory_space<vmem>>, vector<1x16xf32>,
        %swap3A_486 = vector.shape_cast %swap3A_485 : vector<1x16xf32> to vector<16xf32>
        %swap3A_487 = vector.shape_cast %get3A_482 : vector<16xf32> to vector<1x16xf32>
        tpu.vector_store %arg8[%swap3A_483, %swap3A_484], %swap3A_487 {strides = array<i32>} : memref<80x232xf32, #tpu.memory_space<vmem>>, vector<1x16xf32>,
        %get3A_488 = arith.index_cast %add3A_370 : i32 to index
        %get3A_489 = arith.constant 208 : index
        %get3A_490 = tpu.vector_load %arg6[%get3A_488, %get3A_489] {strides = array<i32>} : memref<80x256xf32, #tpu.memory_space<vmem>>, vector<1x16xf32>,
        %get3A_491 = vector.shape_cast %get3A_490 : vector<1x16xf32> to vector<16xf32>
        %swap3A_492 = arith.index_cast %add3A_370 : i32 to index
        %swap3A_493 = arith.constant 208 : index
        %swap3A_494 = tpu.vector_load %arg8[%swap3A_492, %swap3A_493] {strides = array<i32>} : memref<80x232xf32, #tpu.memory_space<vmem>>, vector<1x16xf32>,
        %swap3A_495 = vector.shape_cast %swap3A_494 : vector<1x16xf32> to vector<16xf32>
        %swap3A_496 = vector.shape_cast %get3A_491 : vector<16xf32> to vector<1x16xf32>
        tpu.vector_store %arg8[%swap3A_492, %swap3A_493], %swap3A_496 {strides = array<i32>} : memref<80x232xf32, #tpu.memory_space<vmem>>, vector<1x16xf32>,
        %get3A_497 = arith.index_cast %add3A_370 : i32 to index
        %get3A_498 = arith.constant 216 : index
        %get3A_499 = tpu.vector_load %arg6[%get3A_497, %get3A_498] {strides = array<i32>} : memref<80x256xf32, #tpu.memory_space<vmem>>, vector<1x16xf32>,
        %get3A_500 = vector.shape_cast %get3A_499 : vector<1x16xf32> to vector<16xf32>
        %swap3A_501 = arith.index_cast %add3A_370 : i32 to index
        %swap3A_502 = arith.constant 216 : index
        %swap3A_503 = tpu.vector_load %arg8[%swap3A_501, %swap3A_502] {strides = array<i32>} : memref<80x232xf32, #tpu.memory_space<vmem>>, vector<1x16xf32>,
        %swap3A_504 = vector.shape_cast %swap3A_503 : vector<1x16xf32> to vector<16xf32>
        %swap3A_505 = vector.shape_cast %get3A_500 : vector<16xf32> to vector<1x16xf32>
        tpu.vector_store %arg8[%swap3A_501, %swap3A_502], %swap3A_505 {strides = array<i32>} : memref<80x232xf32, #tpu.memory_space<vmem>>, vector<1x16xf32>,
        %scan3A_506 = arith.constant 3 : i32
        %scan3A_507 = arith.addi %scan3A_86, %scan3A_506 : i32
        %mul3A_508 = arith.constant 1 : i32
        %mul3A_509 = arith.muli %scan3A_507, %mul3A_508 : i32
        %add3A_510 = arith.constant 0 : i32
        %add3A_511 = arith.addi %add3A_510, %mul3A_509 : i32
        %get3A_512 = arith.index_cast %add3A_511 : i32 to index
        %get3A_513 = arith.constant 0 : index
        %get3A_514 = tpu.vector_load %arg6[%get3A_512, %get3A_513] {strides = array<i32>} : memref<80x256xf32, #tpu.memory_space<vmem>>, vector<1x16xf32>,
        %get3A_515 = vector.shape_cast %get3A_514 : vector<1x16xf32> to vector<16xf32>
        %swap3A_516 = arith.index_cast %add3A_511 : i32 to index
        %swap3A_517 = arith.constant 0 : index
        %swap3A_518 = tpu.vector_load %arg8[%swap3A_516, %swap3A_517] {strides = array<i32>} : memref<80x232xf32, #tpu.memory_space<vmem>>, vector<1x16xf32>,
        %swap3A_519 = vector.shape_cast %swap3A_518 : vector<1x16xf32> to vector<16xf32>
        %swap3A_520 = vector.shape_cast %get3A_515 : vector<16xf32> to vector<1x16xf32>
        tpu.vector_store %arg8[%swap3A_516, %swap3A_517], %swap3A_520 {strides = array<i32>} : memref<80x232xf32, #tpu.memory_space<vmem>>, vector<1x16xf32>,
        %get3A_521 = arith.index_cast %add3A_511 : i32 to index
        %get3A_522 = arith.constant 16 : index
        %get3A_523 = tpu.vector_load %arg6[%get3A_521, %get3A_522] {strides = array<i32>} : memref<80x256xf32, #tpu.memory_space<vmem>>, vector<1x16xf32>,
        %get3A_524 = vector.shape_cast %get3A_523 : vector<1x16xf32> to vector<16xf32>
        %swap3A_525 = arith.index_cast %add3A_511 : i32 to index
        %swap3A_526 = arith.constant 16 : index
        %swap3A_527 = tpu.vector_load %arg8[%swap3A_525, %swap3A_526] {strides = array<i32>} : memref<80x232xf32, #tpu.memory_space<vmem>>, vector<1x16xf32>,
        %swap3A_528 = vector.shape_cast %swap3A_527 : vector<1x16xf32> to vector<16xf32>
        %swap3A_529 = vector.shape_cast %get3A_524 : vector<16xf32> to vector<1x16xf32>
        tpu.vector_store %arg8[%swap3A_525, %swap3A_526], %swap3A_529 {strides = array<i32>} : memref<80x232xf32, #tpu.memory_space<vmem>>, vector<1x16xf32>,
        %get3A_530 = arith.index_cast %add3A_511 : i32 to index
        %get3A_531 = arith.constant 32 : index
        %get3A_532 = tpu.vector_load %arg6[%get3A_530, %get3A_531] {strides = array<i32>} : memref<80x256xf32, #tpu.memory_space<vmem>>, vector<1x16xf32>,
        %get3A_533 = vector.shape_cast %get3A_532 : vector<1x16xf32> to vector<16xf32>
        %swap3A_534 = arith.index_cast %add3A_511 : i32 to index
        %swap3A_535 = arith.constant 32 : index
        %swap3A_536 = tpu.vector_load %arg8[%swap3A_534, %swap3A_535] {strides = array<i32>} : memref<80x232xf32, #tpu.memory_space<vmem>>, vector<1x16xf32>,
        %swap3A_537 = vector.shape_cast %swap3A_536 : vector<1x16xf32> to vector<16xf32>
        %swap3A_538 = vector.shape_cast %get3A_533 : vector<16xf32> to vector<1x16xf32>
        tpu.vector_store %arg8[%swap3A_534, %swap3A_535], %swap3A_538 {strides = array<i32>} : memref<80x232xf32, #tpu.memory_space<vmem>>, vector<1x16xf32>,
        %get3A_539 = arith.index_cast %add3A_511 : i32 to index
        %get3A_540 = arith.constant 48 : index
        %get3A_541 = tpu.vector_load %arg6[%get3A_539, %get3A_540] {strides = array<i32>} : memref<80x256xf32, #tpu.memory_space<vmem>>, vector<1x16xf32>,
        %get3A_542 = vector.shape_cast %get3A_541 : vector<1x16xf32> to vector<16xf32>
        %swap3A_543 = arith.index_cast %add3A_511 : i32 to index
        %swap3A_544 = arith.constant 48 : index
        %swap3A_545 = tpu.vector_load %arg8[%swap3A_543, %swap3A_544] {strides = array<i32>} : memref<80x232xf32, #tpu.memory_space<vmem>>, vector<1x16xf32>,
        %swap3A_546 = vector.shape_cast %swap3A_545 : vector<1x16xf32> to vector<16xf32>
        %swap3A_547 = vector.shape_cast %get3A_542 : vector<16xf32> to vector<1x16xf32>
        tpu.vector_store %arg8[%swap3A_543, %swap3A_544], %swap3A_547 {strides = array<i32>} : memref<80x232xf32, #tpu.memory_space<vmem>>, vector<1x16xf32>,
        %get3A_548 = arith.index_cast %add3A_511 : i32 to index
        %get3A_549 = arith.constant 64 : index
        %get3A_550 = tpu.vector_load %arg6[%get3A_548, %get3A_549] {strides = array<i32>} : memref<80x256xf32, #tpu.memory_space<vmem>>, vector<1x16xf32>,
        %get3A_551 = vector.shape_cast %get3A_550 : vector<1x16xf32> to vector<16xf32>
        %swap3A_552 = arith.index_cast %add3A_511 : i32 to index
        %swap3A_553 = arith.constant 64 : index
        %swap3A_554 = tpu.vector_load %arg8[%swap3A_552, %swap3A_553] {strides = array<i32>} : memref<80x232xf32, #tpu.memory_space<vmem>>, vector<1x16xf32>,
        %swap3A_555 = vector.shape_cast %swap3A_554 : vector<1x16xf32> to vector<16xf32>
        %swap3A_556 = vector.shape_cast %get3A_551 : vector<16xf32> to vector<1x16xf32>
        tpu.vector_store %arg8[%swap3A_552, %swap3A_553], %swap3A_556 {strides = array<i32>} : memref<80x232xf32, #tpu.memory_space<vmem>>, vector<1x16xf32>,
        %get3A_557 = arith.index_cast %add3A_511 : i32 to index
        %get3A_558 = arith.constant 80 : index
        %get3A_559 = tpu.vector_load %arg6[%get3A_557, %get3A_558] {strides = array<i32>} : memref<80x256xf32, #tpu.memory_space<vmem>>, vector<1x16xf32>,
        %get3A_560 = vector.shape_cast %get3A_559 : vector<1x16xf32> to vector<16xf32>
        %swap3A_561 = arith.index_cast %add3A_511 : i32 to index
        %swap3A_562 = arith.constant 80 : index
        %swap3A_563 = tpu.vector_load %arg8[%swap3A_561, %swap3A_562] {strides = array<i32>} : memref<80x232xf32, #tpu.memory_space<vmem>>, vector<1x16xf32>,
        %swap3A_564 = vector.shape_cast %swap3A_563 : vector<1x16xf32> to vector<16xf32>
        %swap3A_565 = vector.shape_cast %get3A_560 : vector<16xf32> to vector<1x16xf32>
        tpu.vector_store %arg8[%swap3A_561, %swap3A_562], %swap3A_565 {strides = array<i32>} : memref<80x232xf32, #tpu.memory_space<vmem>>, vector<1x16xf32>,
        %get3A_566 = arith.index_cast %add3A_511 : i32 to index
        %get3A_567 = arith.constant 96 : index
        %get3A_568 = tpu.vector_load %arg6[%get3A_566, %get3A_567] {strides = array<i32>} : memref<80x256xf32, #tpu.memory_space<vmem>>, vector<1x16xf32>,
        %get3A_569 = vector.shape_cast %get3A_568 : vector<1x16xf32> to vector<16xf32>
        %swap3A_570 = arith.index_cast %add3A_511 : i32 to index
        %swap3A_571 = arith.constant 96 : index
        %swap3A_572 = tpu.vector_load %arg8[%swap3A_570, %swap3A_571] {strides = array<i32>} : memref<80x232xf32, #tpu.memory_space<vmem>>, vector<1x16xf32>,
        %swap3A_573 = vector.shape_cast %swap3A_572 : vector<1x16xf32> to vector<16xf32>
        %swap3A_574 = vector.shape_cast %get3A_569 : vector<16xf32> to vector<1x16xf32>
        tpu.vector_store %arg8[%swap3A_570, %swap3A_571], %swap3A_574 {strides = array<i32>} : memref<80x232xf32, #tpu.memory_space<vmem>>, vector<1x16xf32>,
        %get3A_575 = arith.index_cast %add3A_511 : i32 to index
        %get3A_576 = arith.constant 112 : index
        %get3A_577 = tpu.vector_load %arg6[%get3A_575, %get3A_576] {strides = array<i32>} : memref<80x256xf32, #tpu.memory_space<vmem>>, vector<1x16xf32>,
        %get3A_578 = vector.shape_cast %get3A_577 : vector<1x16xf32> to vector<16xf32>
        %swap3A_579 = arith.index_cast %add3A_511 : i32 to index
        %swap3A_580 = arith.constant 112 : index
        %swap3A_581 = tpu.vector_load %arg8[%swap3A_579, %swap3A_580] {strides = array<i32>} : memref<80x232xf32, #tpu.memory_space<vmem>>, vector<1x16xf32>,
        %swap3A_582 = vector.shape_cast %swap3A_581 : vector<1x16xf32> to vector<16xf32>
        %swap3A_583 = vector.shape_cast %get3A_578 : vector<16xf32> to vector<1x16xf32>
        tpu.vector_store %arg8[%swap3A_579, %swap3A_580], %swap3A_583 {strides = array<i32>} : memref<80x232xf32, #tpu.memory_space<vmem>>, vector<1x16xf32>,
        %get3A_584 = arith.index_cast %add3A_511 : i32 to index
        %get3A_585 = arith.constant 128 : index
        %get3A_586 = tpu.vector_load %arg6[%get3A_584, %get3A_585] {strides = array<i32>} : memref<80x256xf32, #tpu.memory_space<vmem>>, vector<1x16xf32>,
        %get3A_587 = vector.shape_cast %get3A_586 : vector<1x16xf32> to vector<16xf32>
        %swap3A_588 = arith.index_cast %add3A_511 : i32 to index
        %swap3A_589 = arith.constant 128 : index
        %swap3A_590 = tpu.vector_load %arg8[%swap3A_588, %swap3A_589] {strides = array<i32>} : memref<80x232xf32, #tpu.memory_space<vmem>>, vector<1x16xf32>,
        %swap3A_591 = vector.shape_cast %swap3A_590 : vector<1x16xf32> to vector<16xf32>
        %swap3A_592 = vector.shape_cast %get3A_587 : vector<16xf32> to vector<1x16xf32>
        tpu.vector_store %arg8[%swap3A_588, %swap3A_589], %swap3A_592 {strides = array<i32>} : memref<80x232xf32, #tpu.memory_space<vmem>>, vector<1x16xf32>,
        %get3A_593 = arith.index_cast %add3A_511 : i32 to index
        %get3A_594 = arith.constant 144 : index
        %get3A_595 = tpu.vector_load %arg6[%get3A_593, %get3A_594] {strides = array<i32>} : memref<80x256xf32, #tpu.memory_space<vmem>>, vector<1x16xf32>,
        %get3A_596 = vector.shape_cast %get3A_595 : vector<1x16xf32> to vector<16xf32>
        %swap3A_597 = arith.index_cast %add3A_511 : i32 to index
        %swap3A_598 = arith.constant 144 : index
        %swap3A_599 = tpu.vector_load %arg8[%swap3A_597, %swap3A_598] {strides = array<i32>} : memref<80x232xf32, #tpu.memory_space<vmem>>, vector<1x16xf32>,
        %swap3A_600 = vector.shape_cast %swap3A_599 : vector<1x16xf32> to vector<16xf32>
        %swap3A_601 = vector.shape_cast %get3A_596 : vector<16xf32> to vector<1x16xf32>
        tpu.vector_store %arg8[%swap3A_597, %swap3A_598], %swap3A_601 {strides = array<i32>} : memref<80x232xf32, #tpu.memory_space<vmem>>, vector<1x16xf32>,
        %get3A_602 = arith.index_cast %add3A_511 : i32 to index
        %get3A_603 = arith.constant 160 : index
        %get3A_604 = tpu.vector_load %arg6[%get3A_602, %get3A_603] {strides = array<i32>} : memref<80x256xf32, #tpu.memory_space<vmem>>, vector<1x16xf32>,
        %get3A_605 = vector.shape_cast %get3A_604 : vector<1x16xf32> to vector<16xf32>
        %swap3A_606 = arith.index_cast %add3A_511 : i32 to index
        %swap3A_607 = arith.constant 160 : index
        %swap3A_608 = tpu.vector_load %arg8[%swap3A_606, %swap3A_607] {strides = array<i32>} : memref<80x232xf32, #tpu.memory_space<vmem>>, vector<1x16xf32>,
        %swap3A_609 = vector.shape_cast %swap3A_608 : vector<1x16xf32> to vector<16xf32>
        %swap3A_610 = vector.shape_cast %get3A_605 : vector<16xf32> to vector<1x16xf32>
        tpu.vector_store %arg8[%swap3A_606, %swap3A_607], %swap3A_610 {strides = array<i32>} : memref<80x232xf32, #tpu.memory_space<vmem>>, vector<1x16xf32>,
        %get3A_611 = arith.index_cast %add3A_511 : i32 to index
        %get3A_612 = arith.constant 176 : index
        %get3A_613 = tpu.vector_load %arg6[%get3A_611, %get3A_612] {strides = array<i32>} : memref<80x256xf32, #tpu.memory_space<vmem>>, vector<1x16xf32>,
        %get3A_614 = vector.shape_cast %get3A_613 : vector<1x16xf32> to vector<16xf32>
        %swap3A_615 = arith.index_cast %add3A_511 : i32 to index
        %swap3A_616 = arith.constant 176 : index
        %swap3A_617 = tpu.vector_load %arg8[%swap3A_615, %swap3A_616] {strides = array<i32>} : memref<80x232xf32, #tpu.memory_space<vmem>>, vector<1x16xf32>,
        %swap3A_618 = vector.shape_cast %swap3A_617 : vector<1x16xf32> to vector<16xf32>
        %swap3A_619 = vector.shape_cast %get3A_614 : vector<16xf32> to vector<1x16xf32>
        tpu.vector_store %arg8[%swap3A_615, %swap3A_616], %swap3A_619 {strides = array<i32>} : memref<80x232xf32, #tpu.memory_space<vmem>>, vector<1x16xf32>,
        %get3A_620 = arith.index_cast %add3A_511 : i32 to index
        %get3A_621 = arith.constant 192 : index
        %get3A_622 = tpu.vector_load %arg6[%get3A_620, %get3A_621] {strides = array<i32>} : memref<80x256xf32, #tpu.memory_space<vmem>>, vector<1x16xf32>,
        %get3A_623 = vector.shape_cast %get3A_622 : vector<1x16xf32> to vector<16xf32>
        %swap3A_624 = arith.index_cast %add3A_511 : i32 to index
        %swap3A_625 = arith.constant 192 : index
        %swap3A_626 = tpu.vector_load %arg8[%swap3A_624, %swap3A_625] {strides = array<i32>} : memref<80x232xf32, #tpu.memory_space<vmem>>, vector<1x16xf32>,
        %swap3A_627 = vector.shape_cast %swap3A_626 : vector<1x16xf32> to vector<16xf32>
        %swap3A_628 = vector.shape_cast %get3A_623 : vector<16xf32> to vector<1x16xf32>
        tpu.vector_store %arg8[%swap3A_624, %swap3A_625], %swap3A_628 {strides = array<i32>} : memref<80x232xf32, #tpu.memory_space<vmem>>, vector<1x16xf32>,
        %get3A_629 = arith.index_cast %add3A_511 : i32 to index
        %get3A_630 = arith.constant 208 : index
        %get3A_631 = tpu.vector_load %arg6[%get3A_629, %get3A_630] {strides = array<i32>} : memref<80x256xf32, #tpu.memory_space<vmem>>, vector<1x16xf32>,
        %get3A_632 = vector.shape_cast %get3A_631 : vector<1x16xf32> to vector<16xf32>
        %swap3A_633 = arith.index_cast %add3A_511 : i32 to index
        %swap3A_634 = arith.constant 208 : index
        %swap3A_635 = tpu.vector_load %arg8[%swap3A_633, %swap3A_634] {strides = array<i32>} : memref<80x232xf32, #tpu.memory_space<vmem>>, vector<1x16xf32>,
        %swap3A_636 = vector.shape_cast %swap3A_635 : vector<1x16xf32> to vector<16xf32>
        %swap3A_637 = vector.shape_cast %get3A_632 : vector<16xf32> to vector<1x16xf32>
        tpu.vector_store %arg8[%swap3A_633, %swap3A_634], %swap3A_637 {strides = array<i32>} : memref<80x232xf32, #tpu.memory_space<vmem>>, vector<1x16xf32>,
        %get3A_638 = arith.index_cast %add3A_511 : i32 to index
        %get3A_639 = arith.constant 216 : index
        %get3A_640 = tpu.vector_load %arg6[%get3A_638, %get3A_639] {strides = array<i32>} : memref<80x256xf32, #tpu.memory_space<vmem>>, vector<1x16xf32>,
        %get3A_641 = vector.shape_cast %get3A_640 : vector<1x16xf32> to vector<16xf32>
        %swap3A_642 = arith.index_cast %add3A_511 : i32 to index
        %swap3A_643 = arith.constant 216 : index
        %swap3A_644 = tpu.vector_load %arg8[%swap3A_642, %swap3A_643] {strides = array<i32>} : memref<80x232xf32, #tpu.memory_space<vmem>>, vector<1x16xf32>,
        %swap3A_645 = vector.shape_cast %swap3A_644 : vector<1x16xf32> to vector<16xf32>
        %swap3A_646 = vector.shape_cast %get3A_641 : vector<16xf32> to vector<1x16xf32>
        tpu.vector_store %arg8[%swap3A_642, %swap3A_643], %swap3A_646 {strides = array<i32>} : memref<80x232xf32, #tpu.memory_space<vmem>>, vector<1x16xf32>,
        %scan3A_647 = arith.constant 4 : i32
        %scan3A_648 = arith.addi %scan3A_86, %scan3A_647 : i32
        %mul3A_649 = arith.constant 1 : i32
        %mul3A_650 = arith.muli %scan3A_648, %mul3A_649 : i32
        %add3A_651 = arith.constant 0 : i32
        %add3A_652 = arith.addi %add3A_651, %mul3A_650 : i32
        %get3A_653 = arith.index_cast %add3A_652 : i32 to index
        %get3A_654 = arith.constant 0 : index
        %get3A_655 = tpu.vector_load %arg6[%get3A_653, %get3A_654] {strides = array<i32>} : memref<80x256xf32, #tpu.memory_space<vmem>>, vector<1x16xf32>,
        %get3A_656 = vector.shape_cast %get3A_655 : vector<1x16xf32> to vector<16xf32>
        %swap3A_657 = arith.index_cast %add3A_652 : i32 to index
        %swap3A_658 = arith.constant 0 : index
        %swap3A_659 = tpu.vector_load %arg8[%swap3A_657, %swap3A_658] {strides = array<i32>} : memref<80x232xf32, #tpu.memory_space<vmem>>, vector<1x16xf32>,
        %swap3A_660 = vector.shape_cast %swap3A_659 : vector<1x16xf32> to vector<16xf32>
        %swap3A_661 = vector.shape_cast %get3A_656 : vector<16xf32> to vector<1x16xf32>
        tpu.vector_store %arg8[%swap3A_657, %swap3A_658], %swap3A_661 {strides = array<i32>} : memref<80x232xf32, #tpu.memory_space<vmem>>, vector<1x16xf32>,
        %get3A_662 = arith.index_cast %add3A_652 : i32 to index
        %get3A_663 = arith.constant 16 : index
        %get3A_664 = tpu.vector_load %arg6[%get3A_662, %get3A_663] {strides = array<i32>} : memref<80x256xf32, #tpu.memory_space<vmem>>, vector<1x16xf32>,
        %get3A_665 = vector.shape_cast %get3A_664 : vector<1x16xf32> to vector<16xf32>
        %swap3A_666 = arith.index_cast %add3A_652 : i32 to index
        %swap3A_667 = arith.constant 16 : index
        %swap3A_668 = tpu.vector_load %arg8[%swap3A_666, %swap3A_667] {strides = array<i32>} : memref<80x232xf32, #tpu.memory_space<vmem>>, vector<1x16xf32>,
        %swap3A_669 = vector.shape_cast %swap3A_668 : vector<1x16xf32> to vector<16xf32>
        %swap3A_670 = vector.shape_cast %get3A_665 : vector<16xf32> to vector<1x16xf32>
        tpu.vector_store %arg8[%swap3A_666, %swap3A_667], %swap3A_670 {strides = array<i32>} : memref<80x232xf32, #tpu.memory_space<vmem>>, vector<1x16xf32>,
        %get3A_671 = arith.index_cast %add3A_652 : i32 to index
        %get3A_672 = arith.constant 32 : index
        %get3A_673 = tpu.vector_load %arg6[%get3A_671, %get3A_672] {strides = array<i32>} : memref<80x256xf32, #tpu.memory_space<vmem>>, vector<1x16xf32>,
        %get3A_674 = vector.shape_cast %get3A_673 : vector<1x16xf32> to vector<16xf32>
        %swap3A_675 = arith.index_cast %add3A_652 : i32 to index
        %swap3A_676 = arith.constant 32 : index
        %swap3A_677 = tpu.vector_load %arg8[%swap3A_675, %swap3A_676] {strides = array<i32>} : memref<80x232xf32, #tpu.memory_space<vmem>>, vector<1x16xf32>,
        %swap3A_678 = vector.shape_cast %swap3A_677 : vector<1x16xf32> to vector<16xf32>
        %swap3A_679 = vector.shape_cast %get3A_674 : vector<16xf32> to vector<1x16xf32>
        tpu.vector_store %arg8[%swap3A_675, %swap3A_676], %swap3A_679 {strides = array<i32>} : memref<80x232xf32, #tpu.memory_space<vmem>>, vector<1x16xf32>,
        %get3A_680 = arith.index_cast %add3A_652 : i32 to index
        %get3A_681 = arith.constant 48 : index
        %get3A_682 = tpu.vector_load %arg6[%get3A_680, %get3A_681] {strides = array<i32>} : memref<80x256xf32, #tpu.memory_space<vmem>>, vector<1x16xf32>,
        %get3A_683 = vector.shape_cast %get3A_682 : vector<1x16xf32> to vector<16xf32>
        %swap3A_684 = arith.index_cast %add3A_652 : i32 to index
        %swap3A_685 = arith.constant 48 : index
        %swap3A_686 = tpu.vector_load %arg8[%swap3A_684, %swap3A_685] {strides = array<i32>} : memref<80x232xf32, #tpu.memory_space<vmem>>, vector<1x16xf32>,
        %swap3A_687 = vector.shape_cast %swap3A_686 : vector<1x16xf32> to vector<16xf32>
        %swap3A_688 = vector.shape_cast %get3A_683 : vector<16xf32> to vector<1x16xf32>
        tpu.vector_store %arg8[%swap3A_684, %swap3A_685], %swap3A_688 {strides = array<i32>} : memref<80x232xf32, #tpu.memory_space<vmem>>, vector<1x16xf32>,
        %get3A_689 = arith.index_cast %add3A_652 : i32 to index
        %get3A_690 = arith.constant 64 : index
        %get3A_691 = tpu.vector_load %arg6[%get3A_689, %get3A_690] {strides = array<i32>} : memref<80x256xf32, #tpu.memory_space<vmem>>, vector<1x16xf32>,
        %get3A_692 = vector.shape_cast %get3A_691 : vector<1x16xf32> to vector<16xf32>
        %swap3A_693 = arith.index_cast %add3A_652 : i32 to index
        %swap3A_694 = arith.constant 64 : index
        %swap3A_695 = tpu.vector_load %arg8[%swap3A_693, %swap3A_694] {strides = array<i32>} : memref<80x232xf32, #tpu.memory_space<vmem>>, vector<1x16xf32>,
        %swap3A_696 = vector.shape_cast %swap3A_695 : vector<1x16xf32> to vector<16xf32>
        %swap3A_697 = vector.shape_cast %get3A_692 : vector<16xf32> to vector<1x16xf32>
        tpu.vector_store %arg8[%swap3A_693, %swap3A_694], %swap3A_697 {strides = array<i32>} : memref<80x232xf32, #tpu.memory_space<vmem>>, vector<1x16xf32>,
        %get3A_698 = arith.index_cast %add3A_652 : i32 to index
        %get3A_699 = arith.constant 80 : index
        %get3A_700 = tpu.vector_load %arg6[%get3A_698, %get3A_699] {strides = array<i32>} : memref<80x256xf32, #tpu.memory_space<vmem>>, vector<1x16xf32>,
        %get3A_701 = vector.shape_cast %get3A_700 : vector<1x16xf32> to vector<16xf32>
        %swap3A_702 = arith.index_cast %add3A_652 : i32 to index
        %swap3A_703 = arith.constant 80 : index
        %swap3A_704 = tpu.vector_load %arg8[%swap3A_702, %swap3A_703] {strides = array<i32>} : memref<80x232xf32, #tpu.memory_space<vmem>>, vector<1x16xf32>,
        %swap3A_705 = vector.shape_cast %swap3A_704 : vector<1x16xf32> to vector<16xf32>
        %swap3A_706 = vector.shape_cast %get3A_701 : vector<16xf32> to vector<1x16xf32>
        tpu.vector_store %arg8[%swap3A_702, %swap3A_703], %swap3A_706 {strides = array<i32>} : memref<80x232xf32, #tpu.memory_space<vmem>>, vector<1x16xf32>,
        %get3A_707 = arith.index_cast %add3A_652 : i32 to index
        %get3A_708 = arith.constant 96 : index
        %get3A_709 = tpu.vector_load %arg6[%get3A_707, %get3A_708] {strides = array<i32>} : memref<80x256xf32, #tpu.memory_space<vmem>>, vector<1x16xf32>,
        %get3A_710 = vector.shape_cast %get3A_709 : vector<1x16xf32> to vector<16xf32>
        %swap3A_711 = arith.index_cast %add3A_652 : i32 to index
        %swap3A_712 = arith.constant 96 : index
        %swap3A_713 = tpu.vector_load %arg8[%swap3A_711, %swap3A_712] {strides = array<i32>} : memref<80x232xf32, #tpu.memory_space<vmem>>, vector<1x16xf32>,
        %swap3A_714 = vector.shape_cast %swap3A_713 : vector<1x16xf32> to vector<16xf32>
        %swap3A_715 = vector.shape_cast %get3A_710 : vector<16xf32> to vector<1x16xf32>
        tpu.vector_store %arg8[%swap3A_711, %swap3A_712], %swap3A_715 {strides = array<i32>} : memref<80x232xf32, #tpu.memory_space<vmem>>, vector<1x16xf32>,
        %get3A_716 = arith.index_cast %add3A_652 : i32 to index
        %get3A_717 = arith.constant 112 : index
        %get3A_718 = tpu.vector_load %arg6[%get3A_716, %get3A_717] {strides = array<i32>} : memref<80x256xf32, #tpu.memory_space<vmem>>, vector<1x16xf32>,
        %get3A_719 = vector.shape_cast %get3A_718 : vector<1x16xf32> to vector<16xf32>
        %swap3A_720 = arith.index_cast %add3A_652 : i32 to index
        %swap3A_721 = arith.constant 112 : index
        %swap3A_722 = tpu.vector_load %arg8[%swap3A_720, %swap3A_721] {strides = array<i32>} : memref<80x232xf32, #tpu.memory_space<vmem>>, vector<1x16xf32>,
        %swap3A_723 = vector.shape_cast %swap3A_722 : vector<1x16xf32> to vector<16xf32>
        %swap3A_724 = vector.shape_cast %get3A_719 : vector<16xf32> to vector<1x16xf32>
        tpu.vector_store %arg8[%swap3A_720, %swap3A_721], %swap3A_724 {strides = array<i32>} : memref<80x232xf32, #tpu.memory_space<vmem>>, vector<1x16xf32>,
        %get3A_725 = arith.index_cast %add3A_652 : i32 to index
        %get3A_726 = arith.constant 128 : index
        %get3A_727 = tpu.vector_load %arg6[%get3A_725, %get3A_726] {strides = array<i32>} : memref<80x256xf32, #tpu.memory_space<vmem>>, vector<1x16xf32>,
        %get3A_728 = vector.shape_cast %get3A_727 : vector<1x16xf32> to vector<16xf32>
        %swap3A_729 = arith.index_cast %add3A_652 : i32 to index
        %swap3A_730 = arith.constant 128 : index
        %swap3A_731 = tpu.vector_load %arg8[%swap3A_729, %swap3A_730] {strides = array<i32>} : memref<80x232xf32, #tpu.memory_space<vmem>>, vector<1x16xf32>,
        %swap3A_732 = vector.shape_cast %swap3A_731 : vector<1x16xf32> to vector<16xf32>
        %swap3A_733 = vector.shape_cast %get3A_728 : vector<16xf32> to vector<1x16xf32>
        tpu.vector_store %arg8[%swap3A_729, %swap3A_730], %swap3A_733 {strides = array<i32>} : memref<80x232xf32, #tpu.memory_space<vmem>>, vector<1x16xf32>,
        %get3A_734 = arith.index_cast %add3A_652 : i32 to index
        %get3A_735 = arith.constant 144 : index
        %get3A_736 = tpu.vector_load %arg6[%get3A_734, %get3A_735] {strides = array<i32>} : memref<80x256xf32, #tpu.memory_space<vmem>>, vector<1x16xf32>,
        %get3A_737 = vector.shape_cast %get3A_736 : vector<1x16xf32> to vector<16xf32>
        %swap3A_738 = arith.index_cast %add3A_652 : i32 to index
        %swap3A_739 = arith.constant 144 : index
        %swap3A_740 = tpu.vector_load %arg8[%swap3A_738, %swap3A_739] {strides = array<i32>} : memref<80x232xf32, #tpu.memory_space<vmem>>, vector<1x16xf32>,
        %swap3A_741 = vector.shape_cast %swap3A_740 : vector<1x16xf32> to vector<16xf32>
        %swap3A_742 = vector.shape_cast %get3A_737 : vector<16xf32> to vector<1x16xf32>
        tpu.vector_store %arg8[%swap3A_738, %swap3A_739], %swap3A_742 {strides = array<i32>} : memref<80x232xf32, #tpu.memory_space<vmem>>, vector<1x16xf32>,
        %get3A_743 = arith.index_cast %add3A_652 : i32 to index
        %get3A_744 = arith.constant 160 : index
        %get3A_745 = tpu.vector_load %arg6[%get3A_743, %get3A_744] {strides = array<i32>} : memref<80x256xf32, #tpu.memory_space<vmem>>, vector<1x16xf32>,
        %get3A_746 = vector.shape_cast %get3A_745 : vector<1x16xf32> to vector<16xf32>
        %swap3A_747 = arith.index_cast %add3A_652 : i32 to index
        %swap3A_748 = arith.constant 160 : index
        %swap3A_749 = tpu.vector_load %arg8[%swap3A_747, %swap3A_748] {strides = array<i32>} : memref<80x232xf32, #tpu.memory_space<vmem>>, vector<1x16xf32>,
        %swap3A_750 = vector.shape_cast %swap3A_749 : vector<1x16xf32> to vector<16xf32>
        %swap3A_751 = vector.shape_cast %get3A_746 : vector<16xf32> to vector<1x16xf32>
        tpu.vector_store %arg8[%swap3A_747, %swap3A_748], %swap3A_751 {strides = array<i32>} : memref<80x232xf32, #tpu.memory_space<vmem>>, vector<1x16xf32>,
        %get3A_752 = arith.index_cast %add3A_652 : i32 to index
        %get3A_753 = arith.constant 176 : index
        %get3A_754 = tpu.vector_load %arg6[%get3A_752, %get3A_753] {strides = array<i32>} : memref<80x256xf32, #tpu.memory_space<vmem>>, vector<1x16xf32>,
        %get3A_755 = vector.shape_cast %get3A_754 : vector<1x16xf32> to vector<16xf32>
        %swap3A_756 = arith.index_cast %add3A_652 : i32 to index
        %swap3A_757 = arith.constant 176 : index
        %swap3A_758 = tpu.vector_load %arg8[%swap3A_756, %swap3A_757] {strides = array<i32>} : memref<80x232xf32, #tpu.memory_space<vmem>>, vector<1x16xf32>,
        %swap3A_759 = vector.shape_cast %swap3A_758 : vector<1x16xf32> to vector<16xf32>
        %swap3A_760 = vector.shape_cast %get3A_755 : vector<16xf32> to vector<1x16xf32>
        tpu.vector_store %arg8[%swap3A_756, %swap3A_757], %swap3A_760 {strides = array<i32>} : memref<80x232xf32, #tpu.memory_space<vmem>>, vector<1x16xf32>,
        %get3A_761 = arith.index_cast %add3A_652 : i32 to index
        %get3A_762 = arith.constant 192 : index
        %get3A_763 = tpu.vector_load %arg6[%get3A_761, %get3A_762] {strides = array<i32>} : memref<80x256xf32, #tpu.memory_space<vmem>>, vector<1x16xf32>,
        %get3A_764 = vector.shape_cast %get3A_763 : vector<1x16xf32> to vector<16xf32>
        %swap3A_765 = arith.index_cast %add3A_652 : i32 to index
        %swap3A_766 = arith.constant 192 : index
        %swap3A_767 = tpu.vector_load %arg8[%swap3A_765, %swap3A_766] {strides = array<i32>} : memref<80x232xf32, #tpu.memory_space<vmem>>, vector<1x16xf32>,
        %swap3A_768 = vector.shape_cast %swap3A_767 : vector<1x16xf32> to vector<16xf32>
        %swap3A_769 = vector.shape_cast %get3A_764 : vector<16xf32> to vector<1x16xf32>
        tpu.vector_store %arg8[%swap3A_765, %swap3A_766], %swap3A_769 {strides = array<i32>} : memref<80x232xf32, #tpu.memory_space<vmem>>, vector<1x16xf32>,
        %get3A_770 = arith.index_cast %add3A_652 : i32 to index
        %get3A_771 = arith.constant 208 : index
        %get3A_772 = tpu.vector_load %arg6[%get3A_770, %get3A_771] {strides = array<i32>} : memref<80x256xf32, #tpu.memory_space<vmem>>, vector<1x16xf32>,
        %get3A_773 = vector.shape_cast %get3A_772 : vector<1x16xf32> to vector<16xf32>
        %swap3A_774 = arith.index_cast %add3A_652 : i32 to index
        %swap3A_775 = arith.constant 208 : index
        %swap3A_776 = tpu.vector_load %arg8[%swap3A_774, %swap3A_775] {strides = array<i32>} : memref<80x232xf32, #tpu.memory_space<vmem>>, vector<1x16xf32>,
        %swap3A_777 = vector.shape_cast %swap3A_776 : vector<1x16xf32> to vector<16xf32>
        %swap3A_778 = vector.shape_cast %get3A_773 : vector<16xf32> to vector<1x16xf32>
        tpu.vector_store %arg8[%swap3A_774, %swap3A_775], %swap3A_778 {strides = array<i32>} : memref<80x232xf32, #tpu.memory_space<vmem>>, vector<1x16xf32>,
        %get3A_779 = arith.index_cast %add3A_652 : i32 to index
        %get3A_780 = arith.constant 216 : index
        %get3A_781 = tpu.vector_load %arg6[%get3A_779, %get3A_780] {strides = array<i32>} : memref<80x256xf32, #tpu.memory_space<vmem>>, vector<1x16xf32>,
        %get3A_782 = vector.shape_cast %get3A_781 : vector<1x16xf32> to vector<16xf32>
        %swap3A_783 = arith.index_cast %add3A_652 : i32 to index
        %swap3A_784 = arith.constant 216 : index
        %swap3A_785 = tpu.vector_load %arg8[%swap3A_783, %swap3A_784] {strides = array<i32>} : memref<80x232xf32, #tpu.memory_space<vmem>>, vector<1x16xf32>,
        %swap3A_786 = vector.shape_cast %swap3A_785 : vector<1x16xf32> to vector<16xf32>
        %swap3A_787 = vector.shape_cast %get3A_782 : vector<16xf32> to vector<1x16xf32>
        tpu.vector_store %arg8[%swap3A_783, %swap3A_784], %swap3A_787 {strides = array<i32>} : memref<80x232xf32, #tpu.memory_space<vmem>>, vector<1x16xf32>,
        %scan3A_788 = arith.constant 5 : i32
        %scan3A_789 = arith.addi %scan3A_86, %scan3A_788 : i32
        %mul3A_790 = arith.constant 1 : i32
        %mul3A_791 = arith.muli %scan3A_789, %mul3A_790 : i32
        %add3A_792 = arith.constant 0 : i32
        %add3A_793 = arith.addi %add3A_792, %mul3A_791 : i32
        %get3A_794 = arith.index_cast %add3A_793 : i32 to index
        %get3A_795 = arith.constant 0 : index
        %get3A_796 = tpu.vector_load %arg6[%get3A_794, %get3A_795] {strides = array<i32>} : memref<80x256xf32, #tpu.memory_space<vmem>>, vector<1x16xf32>,
        %get3A_797 = vector.shape_cast %get3A_796 : vector<1x16xf32> to vector<16xf32>
        %swap3A_798 = arith.index_cast %add3A_793 : i32 to index
        %swap3A_799 = arith.constant 0 : index
        %swap3A_800 = tpu.vector_load %arg8[%swap3A_798, %swap3A_799] {strides = array<i32>} : memref<80x232xf32, #tpu.memory_space<vmem>>, vector<1x16xf32>,
        %swap3A_801 = vector.shape_cast %swap3A_800 : vector<1x16xf32> to vector<16xf32>
        %swap3A_802 = vector.shape_cast %get3A_797 : vector<16xf32> to vector<1x16xf32>
        tpu.vector_store %arg8[%swap3A_798, %swap3A_799], %swap3A_802 {strides = array<i32>} : memref<80x232xf32, #tpu.memory_space<vmem>>, vector<1x16xf32>,
        %get3A_803 = arith.index_cast %add3A_793 : i32 to index
        %get3A_804 = arith.constant 16 : index
        %get3A_805 = tpu.vector_load %arg6[%get3A_803, %get3A_804] {strides = array<i32>} : memref<80x256xf32, #tpu.memory_space<vmem>>, vector<1x16xf32>,
        %get3A_806 = vector.shape_cast %get3A_805 : vector<1x16xf32> to vector<16xf32>
        %swap3A_807 = arith.index_cast %add3A_793 : i32 to index
        %swap3A_808 = arith.constant 16 : index
        %swap3A_809 = tpu.vector_load %arg8[%swap3A_807, %swap3A_808] {strides = array<i32>} : memref<80x232xf32, #tpu.memory_space<vmem>>, vector<1x16xf32>,
        %swap3A_810 = vector.shape_cast %swap3A_809 : vector<1x16xf32> to vector<16xf32>
        %swap3A_811 = vector.shape_cast %get3A_806 : vector<16xf32> to vector<1x16xf32>
        tpu.vector_store %arg8[%swap3A_807, %swap3A_808], %swap3A_811 {strides = array<i32>} : memref<80x232xf32, #tpu.memory_space<vmem>>, vector<1x16xf32>,
        %get3A_812 = arith.index_cast %add3A_793 : i32 to index
        %get3A_813 = arith.constant 32 : index
        %get3A_814 = tpu.vector_load %arg6[%get3A_812, %get3A_813] {strides = array<i32>} : memref<80x256xf32, #tpu.memory_space<vmem>>, vector<1x16xf32>,
        %get3A_815 = vector.shape_cast %get3A_814 : vector<1x16xf32> to vector<16xf32>
        %swap3A_816 = arith.index_cast %add3A_793 : i32 to index
        %swap3A_817 = arith.constant 32 : index
        %swap3A_818 = tpu.vector_load %arg8[%swap3A_816, %swap3A_817] {strides = array<i32>} : memref<80x232xf32, #tpu.memory_space<vmem>>, vector<1x16xf32>,
        %swap3A_819 = vector.shape_cast %swap3A_818 : vector<1x16xf32> to vector<16xf32>
        %swap3A_820 = vector.shape_cast %get3A_815 : vector<16xf32> to vector<1x16xf32>
        tpu.vector_store %arg8[%swap3A_816, %swap3A_817], %swap3A_820 {strides = array<i32>} : memref<80x232xf32, #tpu.memory_space<vmem>>, vector<1x16xf32>,
        %get3A_821 = arith.index_cast %add3A_793 : i32 to index
        %get3A_822 = arith.constant 48 : index
        %get3A_823 = tpu.vector_load %arg6[%get3A_821, %get3A_822] {strides = array<i32>} : memref<80x256xf32, #tpu.memory_space<vmem>>, vector<1x16xf32>,
        %get3A_824 = vector.shape_cast %get3A_823 : vector<1x16xf32> to vector<16xf32>
        %swap3A_825 = arith.index_cast %add3A_793 : i32 to index
        %swap3A_826 = arith.constant 48 : index
        %swap3A_827 = tpu.vector_load %arg8[%swap3A_825, %swap3A_826] {strides = array<i32>} : memref<80x232xf32, #tpu.memory_space<vmem>>, vector<1x16xf32>,
        %swap3A_828 = vector.shape_cast %swap3A_827 : vector<1x16xf32> to vector<16xf32>
        %swap3A_829 = vector.shape_cast %get3A_824 : vector<16xf32> to vector<1x16xf32>
        tpu.vector_store %arg8[%swap3A_825, %swap3A_826], %swap3A_829 {strides = array<i32>} : memref<80x232xf32, #tpu.memory_space<vmem>>, vector<1x16xf32>,
        %get3A_830 = arith.index_cast %add3A_793 : i32 to index
        %get3A_831 = arith.constant 64 : index
        %get3A_832 = tpu.vector_load %arg6[%get3A_830, %get3A_831] {strides = array<i32>} : memref<80x256xf32, #tpu.memory_space<vmem>>, vector<1x16xf32>,
        %get3A_833 = vector.shape_cast %get3A_832 : vector<1x16xf32> to vector<16xf32>
        %swap3A_834 = arith.index_cast %add3A_793 : i32 to index
        %swap3A_835 = arith.constant 64 : index
        %swap3A_836 = tpu.vector_load %arg8[%swap3A_834, %swap3A_835] {strides = array<i32>} : memref<80x232xf32, #tpu.memory_space<vmem>>, vector<1x16xf32>,
        %swap3A_837 = vector.shape_cast %swap3A_836 : vector<1x16xf32> to vector<16xf32>
        %swap3A_838 = vector.shape_cast %get3A_833 : vector<16xf32> to vector<1x16xf32>
        tpu.vector_store %arg8[%swap3A_834, %swap3A_835], %swap3A_838 {strides = array<i32>} : memref<80x232xf32, #tpu.memory_space<vmem>>, vector<1x16xf32>,
        %get3A_839 = arith.index_cast %add3A_793 : i32 to index
        %get3A_840 = arith.constant 80 : index
        %get3A_841 = tpu.vector_load %arg6[%get3A_839, %get3A_840] {strides = array<i32>} : memref<80x256xf32, #tpu.memory_space<vmem>>, vector<1x16xf32>,
        %get3A_842 = vector.shape_cast %get3A_841 : vector<1x16xf32> to vector<16xf32>
        %swap3A_843 = arith.index_cast %add3A_793 : i32 to index
        %swap3A_844 = arith.constant 80 : index
        %swap3A_845 = tpu.vector_load %arg8[%swap3A_843, %swap3A_844] {strides = array<i32>} : memref<80x232xf32, #tpu.memory_space<vmem>>, vector<1x16xf32>,
        %swap3A_846 = vector.shape_cast %swap3A_845 : vector<1x16xf32> to vector<16xf32>
        %swap3A_847 = vector.shape_cast %get3A_842 : vector<16xf32> to vector<1x16xf32>
        tpu.vector_store %arg8[%swap3A_843, %swap3A_844], %swap3A_847 {strides = array<i32>} : memref<80x232xf32, #tpu.memory_space<vmem>>, vector<1x16xf32>,
        %get3A_848 = arith.index_cast %add3A_793 : i32 to index
        %get3A_849 = arith.constant 96 : index
        %get3A_850 = tpu.vector_load %arg6[%get3A_848, %get3A_849] {strides = array<i32>} : memref<80x256xf32, #tpu.memory_space<vmem>>, vector<1x16xf32>,
        %get3A_851 = vector.shape_cast %get3A_850 : vector<1x16xf32> to vector<16xf32>
        %swap3A_852 = arith.index_cast %add3A_793 : i32 to index
        %swap3A_853 = arith.constant 96 : index
        %swap3A_854 = tpu.vector_load %arg8[%swap3A_852, %swap3A_853] {strides = array<i32>} : memref<80x232xf32, #tpu.memory_space<vmem>>, vector<1x16xf32>,
        %swap3A_855 = vector.shape_cast %swap3A_854 : vector<1x16xf32> to vector<16xf32>
        %swap3A_856 = vector.shape_cast %get3A_851 : vector<16xf32> to vector<1x16xf32>
        tpu.vector_store %arg8[%swap3A_852, %swap3A_853], %swap3A_856 {strides = array<i32>} : memref<80x232xf32, #tpu.memory_space<vmem>>, vector<1x16xf32>,
        %get3A_857 = arith.index_cast %add3A_793 : i32 to index
        %get3A_858 = arith.constant 112 : index
        %get3A_859 = tpu.vector_load %arg6[%get3A_857, %get3A_858] {strides = array<i32>} : memref<80x256xf32, #tpu.memory_space<vmem>>, vector<1x16xf32>,
        %get3A_860 = vector.shape_cast %get3A_859 : vector<1x16xf32> to vector<16xf32>
        %swap3A_861 = arith.index_cast %add3A_793 : i32 to index
        %swap3A_862 = arith.constant 112 : index
        %swap3A_863 = tpu.vector_load %arg8[%swap3A_861, %swap3A_862] {strides = array<i32>} : memref<80x232xf32, #tpu.memory_space<vmem>>, vector<1x16xf32>,
        %swap3A_864 = vector.shape_cast %swap3A_863 : vector<1x16xf32> to vector<16xf32>
        %swap3A_865 = vector.shape_cast %get3A_860 : vector<16xf32> to vector<1x16xf32>
        tpu.vector_store %arg8[%swap3A_861, %swap3A_862], %swap3A_865 {strides = array<i32>} : memref<80x232xf32, #tpu.memory_space<vmem>>, vector<1x16xf32>,
        %get3A_866 = arith.index_cast %add3A_793 : i32 to index
        %get3A_867 = arith.constant 128 : index
        %get3A_868 = tpu.vector_load %arg6[%get3A_866, %get3A_867] {strides = array<i32>} : memref<80x256xf32, #tpu.memory_space<vmem>>, vector<1x16xf32>,
        %get3A_869 = vector.shape_cast %get3A_868 : vector<1x16xf32> to vector<16xf32>
        %swap3A_870 = arith.index_cast %add3A_793 : i32 to index
        %swap3A_871 = arith.constant 128 : index
        %swap3A_872 = tpu.vector_load %arg8[%swap3A_870, %swap3A_871] {strides = array<i32>} : memref<80x232xf32, #tpu.memory_space<vmem>>, vector<1x16xf32>,
        %swap3A_873 = vector.shape_cast %swap3A_872 : vector<1x16xf32> to vector<16xf32>
        %swap3A_874 = vector.shape_cast %get3A_869 : vector<16xf32> to vector<1x16xf32>
        tpu.vector_store %arg8[%swap3A_870, %swap3A_871], %swap3A_874 {strides = array<i32>} : memref<80x232xf32, #tpu.memory_space<vmem>>, vector<1x16xf32>,
        %get3A_875 = arith.index_cast %add3A_793 : i32 to index
        %get3A_876 = arith.constant 144 : index
        %get3A_877 = tpu.vector_load %arg6[%get3A_875, %get3A_876] {strides = array<i32>} : memref<80x256xf32, #tpu.memory_space<vmem>>, vector<1x16xf32>,
        %get3A_878 = vector.shape_cast %get3A_877 : vector<1x16xf32> to vector<16xf32>
        %swap3A_879 = arith.index_cast %add3A_793 : i32 to index
        %swap3A_880 = arith.constant 144 : index
        %swap3A_881 = tpu.vector_load %arg8[%swap3A_879, %swap3A_880] {strides = array<i32>} : memref<80x232xf32, #tpu.memory_space<vmem>>, vector<1x16xf32>,
        %swap3A_882 = vector.shape_cast %swap3A_881 : vector<1x16xf32> to vector<16xf32>
        %swap3A_883 = vector.shape_cast %get3A_878 : vector<16xf32> to vector<1x16xf32>
        tpu.vector_store %arg8[%swap3A_879, %swap3A_880], %swap3A_883 {strides = array<i32>} : memref<80x232xf32, #tpu.memory_space<vmem>>, vector<1x16xf32>,
        %get3A_884 = arith.index_cast %add3A_793 : i32 to index
        %get3A_885 = arith.constant 160 : index
        %get3A_886 = tpu.vector_load %arg6[%get3A_884, %get3A_885] {strides = array<i32>} : memref<80x256xf32, #tpu.memory_space<vmem>>, vector<1x16xf32>,
        %get3A_887 = vector.shape_cast %get3A_886 : vector<1x16xf32> to vector<16xf32>
        %swap3A_888 = arith.index_cast %add3A_793 : i32 to index
        %swap3A_889 = arith.constant 160 : index
        %swap3A_890 = tpu.vector_load %arg8[%swap3A_888, %swap3A_889] {strides = array<i32>} : memref<80x232xf32, #tpu.memory_space<vmem>>, vector<1x16xf32>,
        %swap3A_891 = vector.shape_cast %swap3A_890 : vector<1x16xf32> to vector<16xf32>
        %swap3A_892 = vector.shape_cast %get3A_887 : vector<16xf32> to vector<1x16xf32>
        tpu.vector_store %arg8[%swap3A_888, %swap3A_889], %swap3A_892 {strides = array<i32>} : memref<80x232xf32, #tpu.memory_space<vmem>>, vector<1x16xf32>,
        %get3A_893 = arith.index_cast %add3A_793 : i32 to index
        %get3A_894 = arith.constant 176 : index
        %get3A_895 = tpu.vector_load %arg6[%get3A_893, %get3A_894] {strides = array<i32>} : memref<80x256xf32, #tpu.memory_space<vmem>>, vector<1x16xf32>,
        %get3A_896 = vector.shape_cast %get3A_895 : vector<1x16xf32> to vector<16xf32>
        %swap3A_897 = arith.index_cast %add3A_793 : i32 to index
        %swap3A_898 = arith.constant 176 : index
        %swap3A_899 = tpu.vector_load %arg8[%swap3A_897, %swap3A_898] {strides = array<i32>} : memref<80x232xf32, #tpu.memory_space<vmem>>, vector<1x16xf32>,
        %swap3A_900 = vector.shape_cast %swap3A_899 : vector<1x16xf32> to vector<16xf32>
        %swap3A_901 = vector.shape_cast %get3A_896 : vector<16xf32> to vector<1x16xf32>
        tpu.vector_store %arg8[%swap3A_897, %swap3A_898], %swap3A_901 {strides = array<i32>} : memref<80x232xf32, #tpu.memory_space<vmem>>, vector<1x16xf32>,
        %get3A_902 = arith.index_cast %add3A_793 : i32 to index
        %get3A_903 = arith.constant 192 : index
        %get3A_904 = tpu.vector_load %arg6[%get3A_902, %get3A_903] {strides = array<i32>} : memref<80x256xf32, #tpu.memory_space<vmem>>, vector<1x16xf32>,
        %get3A_905 = vector.shape_cast %get3A_904 : vector<1x16xf32> to vector<16xf32>
        %swap3A_906 = arith.index_cast %add3A_793 : i32 to index
        %swap3A_907 = arith.constant 192 : index
        %swap3A_908 = tpu.vector_load %arg8[%swap3A_906, %swap3A_907] {strides = array<i32>} : memref<80x232xf32, #tpu.memory_space<vmem>>, vector<1x16xf32>,
        %swap3A_909 = vector.shape_cast %swap3A_908 : vector<1x16xf32> to vector<16xf32>
        %swap3A_910 = vector.shape_cast %get3A_905 : vector<16xf32> to vector<1x16xf32>
        tpu.vector_store %arg8[%swap3A_906, %swap3A_907], %swap3A_910 {strides = array<i32>} : memref<80x232xf32, #tpu.memory_space<vmem>>, vector<1x16xf32>,
        %get3A_911 = arith.index_cast %add3A_793 : i32 to index
        %get3A_912 = arith.constant 208 : index
        %get3A_913 = tpu.vector_load %arg6[%get3A_911, %get3A_912] {strides = array<i32>} : memref<80x256xf32, #tpu.memory_space<vmem>>, vector<1x16xf32>,
        %get3A_914 = vector.shape_cast %get3A_913 : vector<1x16xf32> to vector<16xf32>
        %swap3A_915 = arith.index_cast %add3A_793 : i32 to index
        %swap3A_916 = arith.constant 208 : index
        %swap3A_917 = tpu.vector_load %arg8[%swap3A_915, %swap3A_916] {strides = array<i32>} : memref<80x232xf32, #tpu.memory_space<vmem>>, vector<1x16xf32>,
        %swap3A_918 = vector.shape_cast %swap3A_917 : vector<1x16xf32> to vector<16xf32>
        %swap3A_919 = vector.shape_cast %get3A_914 : vector<16xf32> to vector<1x16xf32>
        tpu.vector_store %arg8[%swap3A_915, %swap3A_916], %swap3A_919 {strides = array<i32>} : memref<80x232xf32, #tpu.memory_space<vmem>>, vector<1x16xf32>,
        %get3A_920 = arith.index_cast %add3A_793 : i32 to index
        %get3A_921 = arith.constant 216 : index
        %get3A_922 = tpu.vector_load %arg6[%get3A_920, %get3A_921] {strides = array<i32>} : memref<80x256xf32, #tpu.memory_space<vmem>>, vector<1x16xf32>,
        %get3A_923 = vector.shape_cast %get3A_922 : vector<1x16xf32> to vector<16xf32>
        %swap3A_924 = arith.index_cast %add3A_793 : i32 to index
        %swap3A_925 = arith.constant 216 : index
        %swap3A_926 = tpu.vector_load %arg8[%swap3A_924, %swap3A_925] {strides = array<i32>} : memref<80x232xf32, #tpu.memory_space<vmem>>, vector<1x16xf32>,
        %swap3A_927 = vector.shape_cast %swap3A_926 : vector<1x16xf32> to vector<16xf32>
        %swap3A_928 = vector.shape_cast %get3A_923 : vector<16xf32> to vector<1x16xf32>
        tpu.vector_store %arg8[%swap3A_924, %swap3A_925], %swap3A_928 {strides = array<i32>} : memref<80x232xf32, #tpu.memory_space<vmem>>, vector<1x16xf32>,
        %scan3A_929 = arith.constant 6 : i32
        %scan3A_930 = arith.addi %scan3A_86, %scan3A_929 : i32
        %mul3A_931 = arith.constant 1 : i32
        %mul3A_932 = arith.muli %scan3A_930, %mul3A_931 : i32
        %add3A_933 = arith.constant 0 : i32
        %add3A_934 = arith.addi %add3A_933, %mul3A_932 : i32
        %get3A_935 = arith.index_cast %add3A_934 : i32 to index
        %get3A_936 = arith.constant 0 : index
        %get3A_937 = tpu.vector_load %arg6[%get3A_935, %get3A_936] {strides = array<i32>} : memref<80x256xf32, #tpu.memory_space<vmem>>, vector<1x16xf32>,
        %get3A_938 = vector.shape_cast %get3A_937 : vector<1x16xf32> to vector<16xf32>
        %swap3A_939 = arith.index_cast %add3A_934 : i32 to index
        %swap3A_940 = arith.constant 0 : index
        %swap3A_941 = tpu.vector_load %arg8[%swap3A_939, %swap3A_940] {strides = array<i32>} : memref<80x232xf32, #tpu.memory_space<vmem>>, vector<1x16xf32>,
        %swap3A_942 = vector.shape_cast %swap3A_941 : vector<1x16xf32> to vector<16xf32>
        %swap3A_943 = vector.shape_cast %get3A_938 : vector<16xf32> to vector<1x16xf32>
        tpu.vector_store %arg8[%swap3A_939, %swap3A_940], %swap3A_943 {strides = array<i32>} : memref<80x232xf32, #tpu.memory_space<vmem>>, vector<1x16xf32>,
        %get3A_944 = arith.index_cast %add3A_934 : i32 to index
        %get3A_945 = arith.constant 16 : index
        %get3A_946 = tpu.vector_load %arg6[%get3A_944, %get3A_945] {strides = array<i32>} : memref<80x256xf32, #tpu.memory_space<vmem>>, vector<1x16xf32>,
        %get3A_947 = vector.shape_cast %get3A_946 : vector<1x16xf32> to vector<16xf32>
        %swap3A_948 = arith.index_cast %add3A_934 : i32 to index
        %swap3A_949 = arith.constant 16 : index
        %swap3A_950 = tpu.vector_load %arg8[%swap3A_948, %swap3A_949] {strides = array<i32>} : memref<80x232xf32, #tpu.memory_space<vmem>>, vector<1x16xf32>,
        %swap3A_951 = vector.shape_cast %swap3A_950 : vector<1x16xf32> to vector<16xf32>
        %swap3A_952 = vector.shape_cast %get3A_947 : vector<16xf32> to vector<1x16xf32>
        tpu.vector_store %arg8[%swap3A_948, %swap3A_949], %swap3A_952 {strides = array<i32>} : memref<80x232xf32, #tpu.memory_space<vmem>>, vector<1x16xf32>,
        %get3A_953 = arith.index_cast %add3A_934 : i32 to index
        %get3A_954 = arith.constant 32 : index
        %get3A_955 = tpu.vector_load %arg6[%get3A_953, %get3A_954] {strides = array<i32>} : memref<80x256xf32, #tpu.memory_space<vmem>>, vector<1x16xf32>,
        %get3A_956 = vector.shape_cast %get3A_955 : vector<1x16xf32> to vector<16xf32>
        %swap3A_957 = arith.index_cast %add3A_934 : i32 to index
        %swap3A_958 = arith.constant 32 : index
        %swap3A_959 = tpu.vector_load %arg8[%swap3A_957, %swap3A_958] {strides = array<i32>} : memref<80x232xf32, #tpu.memory_space<vmem>>, vector<1x16xf32>,
        %swap3A_960 = vector.shape_cast %swap3A_959 : vector<1x16xf32> to vector<16xf32>
        %swap3A_961 = vector.shape_cast %get3A_956 : vector<16xf32> to vector<1x16xf32>
        tpu.vector_store %arg8[%swap3A_957, %swap3A_958], %swap3A_961 {strides = array<i32>} : memref<80x232xf32, #tpu.memory_space<vmem>>, vector<1x16xf32>,
        %get3A_962 = arith.index_cast %add3A_934 : i32 to index
        %get3A_963 = arith.constant 48 : index
        %get3A_964 = tpu.vector_load %arg6[%get3A_962, %get3A_963] {strides = array<i32>} : memref<80x256xf32, #tpu.memory_space<vmem>>, vector<1x16xf32>,
        %get3A_965 = vector.shape_cast %get3A_964 : vector<1x16xf32> to vector<16xf32>
        %swap3A_966 = arith.index_cast %add3A_934 : i32 to index
        %swap3A_967 = arith.constant 48 : index
        %swap3A_968 = tpu.vector_load %arg8[%swap3A_966, %swap3A_967] {strides = array<i32>} : memref<80x232xf32, #tpu.memory_space<vmem>>, vector<1x16xf32>,
        %swap3A_969 = vector.shape_cast %swap3A_968 : vector<1x16xf32> to vector<16xf32>
        %swap3A_970 = vector.shape_cast %get3A_965 : vector<16xf32> to vector<1x16xf32>
        tpu.vector_store %arg8[%swap3A_966, %swap3A_967], %swap3A_970 {strides = array<i32>} : memref<80x232xf32, #tpu.memory_space<vmem>>, vector<1x16xf32>,
        %get3A_971 = arith.index_cast %add3A_934 : i32 to index
        %get3A_972 = arith.constant 64 : index
        %get3A_973 = tpu.vector_load %arg6[%get3A_971, %get3A_972] {strides = array<i32>} : memref<80x256xf32, #tpu.memory_space<vmem>>, vector<1x16xf32>,
        %get3A_974 = vector.shape_cast %get3A_973 : vector<1x16xf32> to vector<16xf32>
        %swap3A_975 = arith.index_cast %add3A_934 : i32 to index
        %swap3A_976 = arith.constant 64 : index
        %swap3A_977 = tpu.vector_load %arg8[%swap3A_975, %swap3A_976] {strides = array<i32>} : memref<80x232xf32, #tpu.memory_space<vmem>>, vector<1x16xf32>,
        %swap3A_978 = vector.shape_cast %swap3A_977 : vector<1x16xf32> to vector<16xf32>
        %swap3A_979 = vector.shape_cast %get3A_974 : vector<16xf32> to vector<1x16xf32>
        tpu.vector_store %arg8[%swap3A_975, %swap3A_976], %swap3A_979 {strides = array<i32>} : memref<80x232xf32, #tpu.memory_space<vmem>>, vector<1x16xf32>,
        %get3A_980 = arith.index_cast %add3A_934 : i32 to index
        %get3A_981 = arith.constant 80 : index
        %get3A_982 = tpu.vector_load %arg6[%get3A_980, %get3A_981] {strides = array<i32>} : memref<80x256xf32, #tpu.memory_space<vmem>>, vector<1x16xf32>,
        %get3A_983 = vector.shape_cast %get3A_982 : vector<1x16xf32> to vector<16xf32>
        %swap3A_984 = arith.index_cast %add3A_934 : i32 to index
        %swap3A_985 = arith.constant 80 : index
        %swap3A_986 = tpu.vector_load %arg8[%swap3A_984, %swap3A_985] {strides = array<i32>} : memref<80x232xf32, #tpu.memory_space<vmem>>, vector<1x16xf32>,
        %swap3A_987 = vector.shape_cast %swap3A_986 : vector<1x16xf32> to vector<16xf32>
        %swap3A_988 = vector.shape_cast %get3A_983 : vector<16xf32> to vector<1x16xf32>
        tpu.vector_store %arg8[%swap3A_984, %swap3A_985], %swap3A_988 {strides = array<i32>} : memref<80x232xf32, #tpu.memory_space<vmem>>, vector<1x16xf32>,
        %get3A_989 = arith.index_cast %add3A_934 : i32 to index
        %get3A_990 = arith.constant 96 : index
        %get3A_991 = tpu.vector_load %arg6[%get3A_989, %get3A_990] {strides = array<i32>} : memref<80x256xf32, #tpu.memory_space<vmem>>, vector<1x16xf32>,
        %get3A_992 = vector.shape_cast %get3A_991 : vector<1x16xf32> to vector<16xf32>
        %swap3A_993 = arith.index_cast %add3A_934 : i32 to index
        %swap3A_994 = arith.constant 96 : index
        %swap3A_995 = tpu.vector_load %arg8[%swap3A_993, %swap3A_994] {strides = array<i32>} : memref<80x232xf32, #tpu.memory_space<vmem>>, vector<1x16xf32>,
        %swap3A_996 = vector.shape_cast %swap3A_995 : vector<1x16xf32> to vector<16xf32>
        %swap3A_997 = vector.shape_cast %get3A_992 : vector<16xf32> to vector<1x16xf32>
        tpu.vector_store %arg8[%swap3A_993, %swap3A_994], %swap3A_997 {strides = array<i32>} : memref<80x232xf32, #tpu.memory_space<vmem>>, vector<1x16xf32>,
        %get3A_998 = arith.index_cast %add3A_934 : i32 to index
        %get3A_999 = arith.constant 112 : index
        %get3A_1000 = tpu.vector_load %arg6[%get3A_998, %get3A_999] {strides = array<i32>} : memref<80x256xf32, #tpu.memory_space<vmem>>, vector<1x16xf32>,
        %get3A_1001 = vector.shape_cast %get3A_1000 : vector<1x16xf32> to vector<16xf32>
        %swap3A_1002 = arith.index_cast %add3A_934 : i32 to index
        %swap3A_1003 = arith.constant 112 : index
        %swap3A_1004 = tpu.vector_load %arg8[%swap3A_1002, %swap3A_1003] {strides = array<i32>} : memref<80x232xf32, #tpu.memory_space<vmem>>, vector<1x16xf32>,
        %swap3A_1005 = vector.shape_cast %swap3A_1004 : vector<1x16xf32> to vector<16xf32>
        %swap3A_1006 = vector.shape_cast %get3A_1001 : vector<16xf32> to vector<1x16xf32>
        tpu.vector_store %arg8[%swap3A_1002, %swap3A_1003], %swap3A_1006 {strides = array<i32>} : memref<80x232xf32, #tpu.memory_space<vmem>>, vector<1x16xf32>,
        %get3A_1007 = arith.index_cast %add3A_934 : i32 to index
        %get3A_1008 = arith.constant 128 : index
        %get3A_1009 = tpu.vector_load %arg6[%get3A_1007, %get3A_1008] {strides = array<i32>} : memref<80x256xf32, #tpu.memory_space<vmem>>, vector<1x16xf32>,
        %get3A_1010 = vector.shape_cast %get3A_1009 : vector<1x16xf32> to vector<16xf32>
        %swap3A_1011 = arith.index_cast %add3A_934 : i32 to index
        %swap3A_1012 = arith.constant 128 : index
        %swap3A_1013 = tpu.vector_load %arg8[%swap3A_1011, %swap3A_1012] {strides = array<i32>} : memref<80x232xf32, #tpu.memory_space<vmem>>, vector<1x16xf32>,
        %swap3A_1014 = vector.shape_cast %swap3A_1013 : vector<1x16xf32> to vector<16xf32>
        %swap3A_1015 = vector.shape_cast %get3A_1010 : vector<16xf32> to vector<1x16xf32>
        tpu.vector_store %arg8[%swap3A_1011, %swap3A_1012], %swap3A_1015 {strides = array<i32>} : memref<80x232xf32, #tpu.memory_space<vmem>>, vector<1x16xf32>,
        %get3A_1016 = arith.index_cast %add3A_934 : i32 to index
        %get3A_1017 = arith.constant 144 : index
        %get3A_1018 = tpu.vector_load %arg6[%get3A_1016, %get3A_1017] {strides = array<i32>} : memref<80x256xf32, #tpu.memory_space<vmem>>, vector<1x16xf32>,
        %get3A_1019 = vector.shape_cast %get3A_1018 : vector<1x16xf32> to vector<16xf32>
        %swap3A_1020 = arith.index_cast %add3A_934 : i32 to index
        %swap3A_1021 = arith.constant 144 : index
        %swap3A_1022 = tpu.vector_load %arg8[%swap3A_1020, %swap3A_1021] {strides = array<i32>} : memref<80x232xf32, #tpu.memory_space<vmem>>, vector<1x16xf32>,
        %swap3A_1023 = vector.shape_cast %swap3A_1022 : vector<1x16xf32> to vector<16xf32>
        %swap3A_1024 = vector.shape_cast %get3A_1019 : vector<16xf32> to vector<1x16xf32>
        tpu.vector_store %arg8[%swap3A_1020, %swap3A_1021], %swap3A_1024 {strides = array<i32>} : memref<80x232xf32, #tpu.memory_space<vmem>>, vector<1x16xf32>,
        %get3A_1025 = arith.index_cast %add3A_934 : i32 to index
        %get3A_1026 = arith.constant 160 : index
        %get3A_1027 = tpu.vector_load %arg6[%get3A_1025, %get3A_1026] {strides = array<i32>} : memref<80x256xf32, #tpu.memory_space<vmem>>, vector<1x16xf32>,
        %get3A_1028 = vector.shape_cast %get3A_1027 : vector<1x16xf32> to vector<16xf32>
        %swap3A_1029 = arith.index_cast %add3A_934 : i32 to index
        %swap3A_1030 = arith.constant 160 : index
        %swap3A_1031 = tpu.vector_load %arg8[%swap3A_1029, %swap3A_1030] {strides = array<i32>} : memref<80x232xf32, #tpu.memory_space<vmem>>, vector<1x16xf32>,
        %swap3A_1032 = vector.shape_cast %swap3A_1031 : vector<1x16xf32> to vector<16xf32>
        %swap3A_1033 = vector.shape_cast %get3A_1028 : vector<16xf32> to vector<1x16xf32>
        tpu.vector_store %arg8[%swap3A_1029, %swap3A_1030], %swap3A_1033 {strides = array<i32>} : memref<80x232xf32, #tpu.memory_space<vmem>>, vector<1x16xf32>,
        %get3A_1034 = arith.index_cast %add3A_934 : i32 to index
        %get3A_1035 = arith.constant 176 : index
        %get3A_1036 = tpu.vector_load %arg6[%get3A_1034, %get3A_1035] {strides = array<i32>} : memref<80x256xf32, #tpu.memory_space<vmem>>, vector<1x16xf32>,
        %get3A_1037 = vector.shape_cast %get3A_1036 : vector<1x16xf32> to vector<16xf32>
        %swap3A_1038 = arith.index_cast %add3A_934 : i32 to index
        %swap3A_1039 = arith.constant 176 : index
        %swap3A_1040 = tpu.vector_load %arg8[%swap3A_1038, %swap3A_1039] {strides = array<i32>} : memref<80x232xf32, #tpu.memory_space<vmem>>, vector<1x16xf32>,
        %swap3A_1041 = vector.shape_cast %swap3A_1040 : vector<1x16xf32> to vector<16xf32>
        %swap3A_1042 = vector.shape_cast %get3A_1037 : vector<16xf32> to vector<1x16xf32>
        tpu.vector_store %arg8[%swap3A_1038, %swap3A_1039], %swap3A_1042 {strides = array<i32>} : memref<80x232xf32, #tpu.memory_space<vmem>>, vector<1x16xf32>,
        %get3A_1043 = arith.index_cast %add3A_934 : i32 to index
        %get3A_1044 = arith.constant 192 : index
        %get3A_1045 = tpu.vector_load %arg6[%get3A_1043, %get3A_1044] {strides = array<i32>} : memref<80x256xf32, #tpu.memory_space<vmem>>, vector<1x16xf32>,
        %get3A_1046 = vector.shape_cast %get3A_1045 : vector<1x16xf32> to vector<16xf32>
        %swap3A_1047 = arith.index_cast %add3A_934 : i32 to index
        %swap3A_1048 = arith.constant 192 : index
        %swap3A_1049 = tpu.vector_load %arg8[%swap3A_1047, %swap3A_1048] {strides = array<i32>} : memref<80x232xf32, #tpu.memory_space<vmem>>, vector<1x16xf32>,
        %swap3A_1050 = vector.shape_cast %swap3A_1049 : vector<1x16xf32> to vector<16xf32>
        %swap3A_1051 = vector.shape_cast %get3A_1046 : vector<16xf32> to vector<1x16xf32>
        tpu.vector_store %arg8[%swap3A_1047, %swap3A_1048], %swap3A_1051 {strides = array<i32>} : memref<80x232xf32, #tpu.memory_space<vmem>>, vector<1x16xf32>,
        %get3A_1052 = arith.index_cast %add3A_934 : i32 to index
        %get3A_1053 = arith.constant 208 : index
        %get3A_1054 = tpu.vector_load %arg6[%get3A_1052, %get3A_1053] {strides = array<i32>} : memref<80x256xf32, #tpu.memory_space<vmem>>, vector<1x16xf32>,
        %get3A_1055 = vector.shape_cast %get3A_1054 : vector<1x16xf32> to vector<16xf32>
        %swap3A_1056 = arith.index_cast %add3A_934 : i32 to index
        %swap3A_1057 = arith.constant 208 : index
        %swap3A_1058 = tpu.vector_load %arg8[%swap3A_1056, %swap3A_1057] {strides = array<i32>} : memref<80x232xf32, #tpu.memory_space<vmem>>, vector<1x16xf32>,
        %swap3A_1059 = vector.shape_cast %swap3A_1058 : vector<1x16xf32> to vector<16xf32>
        %swap3A_1060 = vector.shape_cast %get3A_1055 : vector<16xf32> to vector<1x16xf32>
        tpu.vector_store %arg8[%swap3A_1056, %swap3A_1057], %swap3A_1060 {strides = array<i32>} : memref<80x232xf32, #tpu.memory_space<vmem>>, vector<1x16xf32>,
        %get3A_1061 = arith.index_cast %add3A_934 : i32 to index
        %get3A_1062 = arith.constant 216 : index
        %get3A_1063 = tpu.vector_load %arg6[%get3A_1061, %get3A_1062] {strides = array<i32>} : memref<80x256xf32, #tpu.memory_space<vmem>>, vector<1x16xf32>,
        %get3A_1064 = vector.shape_cast %get3A_1063 : vector<1x16xf32> to vector<16xf32>
        %swap3A_1065 = arith.index_cast %add3A_934 : i32 to index
        %swap3A_1066 = arith.constant 216 : index
        %swap3A_1067 = tpu.vector_load %arg8[%swap3A_1065, %swap3A_1066] {strides = array<i32>} : memref<80x232xf32, #tpu.memory_space<vmem>>, vector<1x16xf32>,
        %swap3A_1068 = vector.shape_cast %swap3A_1067 : vector<1x16xf32> to vector<16xf32>
        %swap3A_1069 = vector.shape_cast %get3A_1064 : vector<16xf32> to vector<1x16xf32>
        tpu.vector_store %arg8[%swap3A_1065, %swap3A_1066], %swap3A_1069 {strides = array<i32>} : memref<80x232xf32, #tpu.memory_space<vmem>>, vector<1x16xf32>,
        %scan3A_1070 = arith.constant 7 : i32
        %scan3A_1071 = arith.addi %scan3A_86, %scan3A_1070 : i32
        %mul3A_1072 = arith.constant 1 : i32
        %mul3A_1073 = arith.muli %scan3A_1071, %mul3A_1072 : i32
        %add3A_1074 = arith.constant 0 : i32
        %add3A_1075 = arith.addi %add3A_1074, %mul3A_1073 : i32
        %get3A_1076 = arith.index_cast %add3A_1075 : i32 to index
        %get3A_1077 = arith.constant 0 : index
        %get3A_1078 = tpu.vector_load %arg6[%get3A_1076, %get3A_1077] {strides = array<i32>} : memref<80x256xf32, #tpu.memory_space<vmem>>, vector<1x16xf32>,
        %get3A_1079 = vector.shape_cast %get3A_1078 : vector<1x16xf32> to vector<16xf32>
        %swap3A_1080 = arith.index_cast %add3A_1075 : i32 to index
        %swap3A_1081 = arith.constant 0 : index
        %swap3A_1082 = tpu.vector_load %arg8[%swap3A_1080, %swap3A_1081] {strides = array<i32>} : memref<80x232xf32, #tpu.memory_space<vmem>>, vector<1x16xf32>,
        %swap3A_1083 = vector.shape_cast %swap3A_1082 : vector<1x16xf32> to vector<16xf32>
        %swap3A_1084 = vector.shape_cast %get3A_1079 : vector<16xf32> to vector<1x16xf32>
        tpu.vector_store %arg8[%swap3A_1080, %swap3A_1081], %swap3A_1084 {strides = array<i32>} : memref<80x232xf32, #tpu.memory_space<vmem>>, vector<1x16xf32>,
        %get3A_1085 = arith.index_cast %add3A_1075 : i32 to index
        %get3A_1086 = arith.constant 16 : index
        %get3A_1087 = tpu.vector_load %arg6[%get3A_1085, %get3A_1086] {strides = array<i32>} : memref<80x256xf32, #tpu.memory_space<vmem>>, vector<1x16xf32>,
        %get3A_1088 = vector.shape_cast %get3A_1087 : vector<1x16xf32> to vector<16xf32>
        %swap3A_1089 = arith.index_cast %add3A_1075 : i32 to index
        %swap3A_1090 = arith.constant 16 : index
        %swap3A_1091 = tpu.vector_load %arg8[%swap3A_1089, %swap3A_1090] {strides = array<i32>} : memref<80x232xf32, #tpu.memory_space<vmem>>, vector<1x16xf32>,
        %swap3A_1092 = vector.shape_cast %swap3A_1091 : vector<1x16xf32> to vector<16xf32>
        %swap3A_1093 = vector.shape_cast %get3A_1088 : vector<16xf32> to vector<1x16xf32>
        tpu.vector_store %arg8[%swap3A_1089, %swap3A_1090], %swap3A_1093 {strides = array<i32>} : memref<80x232xf32, #tpu.memory_space<vmem>>, vector<1x16xf32>,
        %get3A_1094 = arith.index_cast %add3A_1075 : i32 to index
        %get3A_1095 = arith.constant 32 : index
        %get3A_1096 = tpu.vector_load %arg6[%get3A_1094, %get3A_1095] {strides = array<i32>} : memref<80x256xf32, #tpu.memory_space<vmem>>, vector<1x16xf32>,
        %get3A_1097 = vector.shape_cast %get3A_1096 : vector<1x16xf32> to vector<16xf32>
        %swap3A_1098 = arith.index_cast %add3A_1075 : i32 to index
        %swap3A_1099 = arith.constant 32 : index
        %swap3A_1100 = tpu.vector_load %arg8[%swap3A_1098, %swap3A_1099] {strides = array<i32>} : memref<80x232xf32, #tpu.memory_space<vmem>>, vector<1x16xf32>,
        %swap3A_1101 = vector.shape_cast %swap3A_1100 : vector<1x16xf32> to vector<16xf32>
        %swap3A_1102 = vector.shape_cast %get3A_1097 : vector<16xf32> to vector<1x16xf32>
        tpu.vector_store %arg8[%swap3A_1098, %swap3A_1099], %swap3A_1102 {strides = array<i32>} : memref<80x232xf32, #tpu.memory_space<vmem>>, vector<1x16xf32>,
        %get3A_1103 = arith.index_cast %add3A_1075 : i32 to index
        %get3A_1104 = arith.constant 48 : index
        %get3A_1105 = tpu.vector_load %arg6[%get3A_1103, %get3A_1104] {strides = array<i32>} : memref<80x256xf32, #tpu.memory_space<vmem>>, vector<1x16xf32>,
        %get3A_1106 = vector.shape_cast %get3A_1105 : vector<1x16xf32> to vector<16xf32>
        %swap3A_1107 = arith.index_cast %add3A_1075 : i32 to index
        %swap3A_1108 = arith.constant 48 : index
        %swap3A_1109 = tpu.vector_load %arg8[%swap3A_1107, %swap3A_1108] {strides = array<i32>} : memref<80x232xf32, #tpu.memory_space<vmem>>, vector<1x16xf32>,
        %swap3A_1110 = vector.shape_cast %swap3A_1109 : vector<1x16xf32> to vector<16xf32>
        %swap3A_1111 = vector.shape_cast %get3A_1106 : vector<16xf32> to vector<1x16xf32>
        tpu.vector_store %arg8[%swap3A_1107, %swap3A_1108], %swap3A_1111 {strides = array<i32>} : memref<80x232xf32, #tpu.memory_space<vmem>>, vector<1x16xf32>,
        %get3A_1112 = arith.index_cast %add3A_1075 : i32 to index
        %get3A_1113 = arith.constant 64 : index
        %get3A_1114 = tpu.vector_load %arg6[%get3A_1112, %get3A_1113] {strides = array<i32>} : memref<80x256xf32, #tpu.memory_space<vmem>>, vector<1x16xf32>,
        %get3A_1115 = vector.shape_cast %get3A_1114 : vector<1x16xf32> to vector<16xf32>
        %swap3A_1116 = arith.index_cast %add3A_1075 : i32 to index
        %swap3A_1117 = arith.constant 64 : index
        %swap3A_1118 = tpu.vector_load %arg8[%swap3A_1116, %swap3A_1117] {strides = array<i32>} : memref<80x232xf32, #tpu.memory_space<vmem>>, vector<1x16xf32>,
        %swap3A_1119 = vector.shape_cast %swap3A_1118 : vector<1x16xf32> to vector<16xf32>
        %swap3A_1120 = vector.shape_cast %get3A_1115 : vector<16xf32> to vector<1x16xf32>
        tpu.vector_store %arg8[%swap3A_1116, %swap3A_1117], %swap3A_1120 {strides = array<i32>} : memref<80x232xf32, #tpu.memory_space<vmem>>, vector<1x16xf32>,
        %get3A_1121 = arith.index_cast %add3A_1075 : i32 to index
        %get3A_1122 = arith.constant 80 : index
        %get3A_1123 = tpu.vector_load %arg6[%get3A_1121, %get3A_1122] {strides = array<i32>} : memref<80x256xf32, #tpu.memory_space<vmem>>, vector<1x16xf32>,
        %get3A_1124 = vector.shape_cast %get3A_1123 : vector<1x16xf32> to vector<16xf32>
        %swap3A_1125 = arith.index_cast %add3A_1075 : i32 to index
        %swap3A_1126 = arith.constant 80 : index
        %swap3A_1127 = tpu.vector_load %arg8[%swap3A_1125, %swap3A_1126] {strides = array<i32>} : memref<80x232xf32, #tpu.memory_space<vmem>>, vector<1x16xf32>,
        %swap3A_1128 = vector.shape_cast %swap3A_1127 : vector<1x16xf32> to vector<16xf32>
        %swap3A_1129 = vector.shape_cast %get3A_1124 : vector<16xf32> to vector<1x16xf32>
        tpu.vector_store %arg8[%swap3A_1125, %swap3A_1126], %swap3A_1129 {strides = array<i32>} : memref<80x232xf32, #tpu.memory_space<vmem>>, vector<1x16xf32>,
        %get3A_1130 = arith.index_cast %add3A_1075 : i32 to index
        %get3A_1131 = arith.constant 96 : index
        %get3A_1132 = tpu.vector_load %arg6[%get3A_1130, %get3A_1131] {strides = array<i32>} : memref<80x256xf32, #tpu.memory_space<vmem>>, vector<1x16xf32>,
        %get3A_1133 = vector.shape_cast %get3A_1132 : vector<1x16xf32> to vector<16xf32>
        %swap3A_1134 = arith.index_cast %add3A_1075 : i32 to index
        %swap3A_1135 = arith.constant 96 : index
        %swap3A_1136 = tpu.vector_load %arg8[%swap3A_1134, %swap3A_1135] {strides = array<i32>} : memref<80x232xf32, #tpu.memory_space<vmem>>, vector<1x16xf32>,
        %swap3A_1137 = vector.shape_cast %swap3A_1136 : vector<1x16xf32> to vector<16xf32>
        %swap3A_1138 = vector.shape_cast %get3A_1133 : vector<16xf32> to vector<1x16xf32>
        tpu.vector_store %arg8[%swap3A_1134, %swap3A_1135], %swap3A_1138 {strides = array<i32>} : memref<80x232xf32, #tpu.memory_space<vmem>>, vector<1x16xf32>,
        %get3A_1139 = arith.index_cast %add3A_1075 : i32 to index
        %get3A_1140 = arith.constant 112 : index
        %get3A_1141 = tpu.vector_load %arg6[%get3A_1139, %get3A_1140] {strides = array<i32>} : memref<80x256xf32, #tpu.memory_space<vmem>>, vector<1x16xf32>,
        %get3A_1142 = vector.shape_cast %get3A_1141 : vector<1x16xf32> to vector<16xf32>
        %swap3A_1143 = arith.index_cast %add3A_1075 : i32 to index
        %swap3A_1144 = arith.constant 112 : index
        %swap3A_1145 = tpu.vector_load %arg8[%swap3A_1143, %swap3A_1144] {strides = array<i32>} : memref<80x232xf32, #tpu.memory_space<vmem>>, vector<1x16xf32>,
        %swap3A_1146 = vector.shape_cast %swap3A_1145 : vector<1x16xf32> to vector<16xf32>
        %swap3A_1147 = vector.shape_cast %get3A_1142 : vector<16xf32> to vector<1x16xf32>
        tpu.vector_store %arg8[%swap3A_1143, %swap3A_1144], %swap3A_1147 {strides = array<i32>} : memref<80x232xf32, #tpu.memory_space<vmem>>, vector<1x16xf32>,
        %get3A_1148 = arith.index_cast %add3A_1075 : i32 to index
        %get3A_1149 = arith.constant 128 : index
        %get3A_1150 = tpu.vector_load %arg6[%get3A_1148, %get3A_1149] {strides = array<i32>} : memref<80x256xf32, #tpu.memory_space<vmem>>, vector<1x16xf32>,
        %get3A_1151 = vector.shape_cast %get3A_1150 : vector<1x16xf32> to vector<16xf32>
        %swap3A_1152 = arith.index_cast %add3A_1075 : i32 to index
        %swap3A_1153 = arith.constant 128 : index
        %swap3A_1154 = tpu.vector_load %arg8[%swap3A_1152, %swap3A_1153] {strides = array<i32>} : memref<80x232xf32, #tpu.memory_space<vmem>>, vector<1x16xf32>,
        %swap3A_1155 = vector.shape_cast %swap3A_1154 : vector<1x16xf32> to vector<16xf32>
        %swap3A_1156 = vector.shape_cast %get3A_1151 : vector<16xf32> to vector<1x16xf32>
        tpu.vector_store %arg8[%swap3A_1152, %swap3A_1153], %swap3A_1156 {strides = array<i32>} : memref<80x232xf32, #tpu.memory_space<vmem>>, vector<1x16xf32>,
        %get3A_1157 = arith.index_cast %add3A_1075 : i32 to index
        %get3A_1158 = arith.constant 144 : index
        %get3A_1159 = tpu.vector_load %arg6[%get3A_1157, %get3A_1158] {strides = array<i32>} : memref<80x256xf32, #tpu.memory_space<vmem>>, vector<1x16xf32>,
        %get3A_1160 = vector.shape_cast %get3A_1159 : vector<1x16xf32> to vector<16xf32>
        %swap3A_1161 = arith.index_cast %add3A_1075 : i32 to index
        %swap3A_1162 = arith.constant 144 : index
        %swap3A_1163 = tpu.vector_load %arg8[%swap3A_1161, %swap3A_1162] {strides = array<i32>} : memref<80x232xf32, #tpu.memory_space<vmem>>, vector<1x16xf32>,
        %swap3A_1164 = vector.shape_cast %swap3A_1163 : vector<1x16xf32> to vector<16xf32>
        %swap3A_1165 = vector.shape_cast %get3A_1160 : vector<16xf32> to vector<1x16xf32>
        tpu.vector_store %arg8[%swap3A_1161, %swap3A_1162], %swap3A_1165 {strides = array<i32>} : memref<80x232xf32, #tpu.memory_space<vmem>>, vector<1x16xf32>,
        %get3A_1166 = arith.index_cast %add3A_1075 : i32 to index
        %get3A_1167 = arith.constant 160 : index
        %get3A_1168 = tpu.vector_load %arg6[%get3A_1166, %get3A_1167] {strides = array<i32>} : memref<80x256xf32, #tpu.memory_space<vmem>>, vector<1x16xf32>,
        %get3A_1169 = vector.shape_cast %get3A_1168 : vector<1x16xf32> to vector<16xf32>
        %swap3A_1170 = arith.index_cast %add3A_1075 : i32 to index
        %swap3A_1171 = arith.constant 160 : index
        %swap3A_1172 = tpu.vector_load %arg8[%swap3A_1170, %swap3A_1171] {strides = array<i32>} : memref<80x232xf32, #tpu.memory_space<vmem>>, vector<1x16xf32>,
        %swap3A_1173 = vector.shape_cast %swap3A_1172 : vector<1x16xf32> to vector<16xf32>
        %swap3A_1174 = vector.shape_cast %get3A_1169 : vector<16xf32> to vector<1x16xf32>
        tpu.vector_store %arg8[%swap3A_1170, %swap3A_1171], %swap3A_1174 {strides = array<i32>} : memref<80x232xf32, #tpu.memory_space<vmem>>, vector<1x16xf32>,
        %get3A_1175 = arith.index_cast %add3A_1075 : i32 to index
        %get3A_1176 = arith.constant 176 : index
        %get3A_1177 = tpu.vector_load %arg6[%get3A_1175, %get3A_1176] {strides = array<i32>} : memref<80x256xf32, #tpu.memory_space<vmem>>, vector<1x16xf32>,
        %get3A_1178 = vector.shape_cast %get3A_1177 : vector<1x16xf32> to vector<16xf32>
        %swap3A_1179 = arith.index_cast %add3A_1075 : i32 to index
        %swap3A_1180 = arith.constant 176 : index
        %swap3A_1181 = tpu.vector_load %arg8[%swap3A_1179, %swap3A_1180] {strides = array<i32>} : memref<80x232xf32, #tpu.memory_space<vmem>>, vector<1x16xf32>,
        %swap3A_1182 = vector.shape_cast %swap3A_1181 : vector<1x16xf32> to vector<16xf32>
        %swap3A_1183 = vector.shape_cast %get3A_1178 : vector<16xf32> to vector<1x16xf32>
        tpu.vector_store %arg8[%swap3A_1179, %swap3A_1180], %swap3A_1183 {strides = array<i32>} : memref<80x232xf32, #tpu.memory_space<vmem>>, vector<1x16xf32>,
        %get3A_1184 = arith.index_cast %add3A_1075 : i32 to index
        %get3A_1185 = arith.constant 192 : index
        %get3A_1186 = tpu.vector_load %arg6[%get3A_1184, %get3A_1185] {strides = array<i32>} : memref<80x256xf32, #tpu.memory_space<vmem>>, vector<1x16xf32>,
        %get3A_1187 = vector.shape_cast %get3A_1186 : vector<1x16xf32> to vector<16xf32>
        %swap3A_1188 = arith.index_cast %add3A_1075 : i32 to index
        %swap3A_1189 = arith.constant 192 : index
        %swap3A_1190 = tpu.vector_load %arg8[%swap3A_1188, %swap3A_1189] {strides = array<i32>} : memref<80x232xf32, #tpu.memory_space<vmem>>, vector<1x16xf32>,
        %swap3A_1191 = vector.shape_cast %swap3A_1190 : vector<1x16xf32> to vector<16xf32>
        %swap3A_1192 = vector.shape_cast %get3A_1187 : vector<16xf32> to vector<1x16xf32>
        tpu.vector_store %arg8[%swap3A_1188, %swap3A_1189], %swap3A_1192 {strides = array<i32>} : memref<80x232xf32, #tpu.memory_space<vmem>>, vector<1x16xf32>,
        %get3A_1193 = arith.index_cast %add3A_1075 : i32 to index
        %get3A_1194 = arith.constant 208 : index
        %get3A_1195 = tpu.vector_load %arg6[%get3A_1193, %get3A_1194] {strides = array<i32>} : memref<80x256xf32, #tpu.memory_space<vmem>>, vector<1x16xf32>,
        %get3A_1196 = vector.shape_cast %get3A_1195 : vector<1x16xf32> to vector<16xf32>
        %swap3A_1197 = arith.index_cast %add3A_1075 : i32 to index
        %swap3A_1198 = arith.constant 208 : index
        %swap3A_1199 = tpu.vector_load %arg8[%swap3A_1197, %swap3A_1198] {strides = array<i32>} : memref<80x232xf32, #tpu.memory_space<vmem>>, vector<1x16xf32>,
        %swap3A_1200 = vector.shape_cast %swap3A_1199 : vector<1x16xf32> to vector<16xf32>
        %swap3A_1201 = vector.shape_cast %get3A_1196 : vector<16xf32> to vector<1x16xf32>
        tpu.vector_store %arg8[%swap3A_1197, %swap3A_1198], %swap3A_1201 {strides = array<i32>} : memref<80x232xf32, #tpu.memory_space<vmem>>, vector<1x16xf32>,
        %get3A_1202 = arith.index_cast %add3A_1075 : i32 to index
        %get3A_1203 = arith.constant 216 : index
        %get3A_1204 = tpu.vector_load %arg6[%get3A_1202, %get3A_1203] {strides = array<i32>} : memref<80x256xf32, #tpu.memory_space<vmem>>, vector<1x16xf32>,
        %get3A_1205 = vector.shape_cast %get3A_1204 : vector<1x16xf32> to vector<16xf32>
        %swap3A_1206 = arith.index_cast %add3A_1075 : i32 to index
        %swap3A_1207 = arith.constant 216 : index
        %swap3A_1208 = tpu.vector_load %arg8[%swap3A_1206, %swap3A_1207] {strides = array<i32>} : memref<80x232xf32, #tpu.memory_space<vmem>>, vector<1x16xf32>,
        %swap3A_1209 = vector.shape_cast %swap3A_1208 : vector<1x16xf32> to vector<16xf32>
        %swap3A_1210 = vector.shape_cast %get3A_1205 : vector<16xf32> to vector<1x16xf32>
        tpu.vector_store %arg8[%swap3A_1206, %swap3A_1207], %swap3A_1210 {strides = array<i32>} : memref<80x232xf32, #tpu.memory_space<vmem>>, vector<1x16xf32>,
      }
      %scan3A_47 = arith.constant 80 : i32
      %mul3A_48 = arith.constant 80 : i32
      %mul3A_49 = arith.muli %add3A_26, %mul3A_48 : i32
      %add3A_50 = arith.addi %mul3A_2, %mul3A_49 : i32
      %dma_start3A_51 = arith.constant 0 : i32
      %dma_start3A_52 = tpu.memref_slice %arg4[%add3A_50, %dma_start3A_51] : memref<204800x232xf32, #tpu.memory_space<hbm>> -> memref<80x232xf32, #tpu.memory_space<hbm>>
      %dma_start3A_53 = arith.constant 0 : i32
      %dma_start3A_54 = tpu.memref_slice %arg4[%add3A_50, %dma_start3A_53] : memref<204800x232xf32, #tpu.memory_space<hbm>> -> memref<80x232xf32, #tpu.memory_space<hbm>>
      tpu.enqueue_dma source(%arg8 : memref<80x232xf32, #tpu.memory_space<vmem>>) target(%dma_start3A_54 : memref<80x232xf32, #tpu.memory_space<hbm>>) target_semaphore(%arg12 : memref<!tpu.dma_semaphore, #tpu.memory_space<semaphore_mem>>)
      %add3A_55 = arith.constant 1 : i32
      %add3A_56 = arith.addi %add3A_24, %add3A_55 : i32
      %dma_wait3A_57 = arith.constant 0 : i32
      %dma_wait3A_58 = arith.constant 0 : i32
      %dma_wait3A_59 = tpu.memref_slice %arg3[%dma_wait3A_57, %dma_wait3A_58] : memref<10000x256xf32, #tpu.memory_space<hbm>> -> memref<80x256xf32, #tpu.memory_space<hbm>>
      %dma_wait3A_60 = arith.constant 0 : i32
      %dma_wait3A_61 = arith.constant 0 : i32
      %dma_wait3A_62 = tpu.memref_slice %arg3[%dma_wait3A_60, %dma_wait3A_61] : memref<10000x256xf32, #tpu.memory_space<hbm>> -> memref<80x256xf32, #tpu.memory_space<hbm>>
      tpu.wait_dma2 semaphore(%arg11 : memref<!tpu.dma_semaphore, #tpu.memory_space<semaphore_mem>>) src(%dma_wait3A_62 : memref<80x256xf32, #tpu.memory_space<hbm>>) dst(%arg7 : memref<80x256xf32, #tpu.memory_space<vmem>>)
      %add3A_63 = arith.constant 1 : i32
      %add3A_64 = arith.addi %add3A_56, %add3A_63 : i32
      %lt3A = arith.constant 80 : i32
      %lt3A_65 = arith.cmpi slt, %add3A_64, %lt3A : i32
      %convert_element_type3A_66 = arith.extui %lt3A_65 : i1 to i32
      %cond3A_67 = arith.constant 0 : i32
      %cond3A_68 = arith.cmpi ne, %convert_element_type3A_66, %cond3A_67 : i32
      scf.if %cond3A_68 {
        %add3A_86 = arith.constant 1 : i32
        %add3A_87 = arith.addi %add3A_56, %add3A_86 : i32
        %dma_start3A_88 = arith.constant 0 : i32
        %dma_start3A_89 = tpu.memref_slice %arg5[%add3A_87, %dma_start3A_88] : memref<80x80xi32, #tpu.memory_space<vmem>> -> memref<1x80xi32, #tpu.memory_space<vmem>>
        %dma_start3A_90 = tpu.memref_squeeze %dma_start3A_89 : memref<1x80xi32, #tpu.memory_space<vmem>> -> memref<80xi32, #tpu.memory_space<vmem>>
        %dma_start3A_91 = arith.constant 0 : i32
        %dma_start3A_92 = arith.constant 0 : i32
        %dma_start3A_93 = tpu.memref_slice %arg3[%dma_start3A_91, %dma_start3A_92] : memref<10000x256xf32, #tpu.memory_space<hbm>> -> memref<10000x256xf32, #tpu.memory_space<hbm>>
        tpu.enqueue_indirect_dma source(%dma_start3A_93 : memref<10000x256xf32, #tpu.memory_space<hbm>>) target(%arg6 : memref<80x256xf32, #tpu.memory_space<vmem>>) offsets(%dma_start3A_90 : memref<80xi32, #tpu.memory_space<vmem>>) semaphore(%arg10 : memref<!tpu.dma_semaphore, #tpu.memory_space<semaphore_mem>>)
      } else {
      }
      %ge3A_69 = arith.constant 2 : i32
      %ge3A_70 = arith.cmpi sge, %add3A_56, %ge3A_69 : i32
      %convert_element_type3A_71 = arith.extui %ge3A_70 : i1 to i32
      %cond3A_72 = arith.constant 0 : i32
      %cond3A_73 = arith.cmpi ne, %convert_element_type3A_71, %cond3A_72 : i32
      scf.if %cond3A_73 {
        %dma_wait3A_86 = arith.constant 0 : i32
        %dma_wait3A_87 = tpu.memref_slice %arg4[%mul3A_2, %dma_wait3A_86] : memref<204800x232xf32, #tpu.memory_space<hbm>> -> memref<80x232xf32, #tpu.memory_space<hbm>>
        %dma_wait3A_88 = arith.constant 0 : i32
        %dma_wait3A_89 = tpu.memref_slice %arg4[%mul3A_2, %dma_wait3A_88] : memref<204800x232xf32, #tpu.memory_space<hbm>> -> memref<80x232xf32, #tpu.memory_space<hbm>>
        tpu.wait_dma2 semaphore(%arg13 : memref<!tpu.dma_semaphore, #tpu.memory_space<semaphore_mem>>) src(%arg9 : memref<80x232xf32, #tpu.memory_space<vmem>>) dst(%dma_wait3A_89 : memref<80x232xf32, #tpu.memory_space<hbm>>)
      } else {
      }
      %scan3A_74 = arith.constant 0 : i32
      %scan3A_75 = arith.constant 80 : i32
      %scan3A_76 = arith.addi %scan3A_74, %scan3A_75 : i32
      %scan3A_77 = arith.constant 8 : i32
      scf.for %scan3A_86 = %scan3A_74 to %scan3A_76 step %scan3A_77  : i32 {
        %mul3A_87 = arith.constant 1 : i32
        %mul3A_88 = arith.muli %scan3A_86, %mul3A_87 : i32
        %add3A_89 = arith.constant 0 : i32
        %add3A_90 = arith.addi %add3A_89, %mul3A_88 : i32
        %get3A = arith.index_cast %add3A_90 : i32 to index
        %get3A_91 = arith.constant 0 : index
        %get3A_92 = tpu.vector_load %arg7[%get3A, %get3A_91] {strides = array<i32>} : memref<80x256xf32, #tpu.memory_space<vmem>>, vector<1x16xf32>,
        %get3A_93 = vector.shape_cast %get3A_92 : vector<1x16xf32> to vector<16xf32>
        %swap3A = arith.index_cast %add3A_90 : i32 to index
        %swap3A_94 = arith.constant 0 : index
        %swap3A_95 = tpu.vector_load %arg9[%swap3A, %swap3A_94] {strides = array<i32>} : memref<80x232xf32, #tpu.memory_space<vmem>>, vector<1x16xf32>,
        %swap3A_96 = vector.shape_cast %swap3A_95 : vector<1x16xf32> to vector<16xf32>
        %swap3A_97 = vector.shape_cast %get3A_93 : vector<16xf32> to vector<1x16xf32>
        tpu.vector_store %arg9[%swap3A, %swap3A_94], %swap3A_97 {strides = array<i32>} : memref<80x232xf32, #tpu.memory_space<vmem>>, vector<1x16xf32>,
        %get3A_98 = arith.index_cast %add3A_90 : i32 to index
        %get3A_99 = arith.constant 16 : index
        %get3A_100 = tpu.vector_load %arg7[%get3A_98, %get3A_99] {strides = array<i32>} : memref<80x256xf32, #tpu.memory_space<vmem>>, vector<1x16xf32>,
        %get3A_101 = vector.shape_cast %get3A_100 : vector<1x16xf32> to vector<16xf32>
        %swap3A_102 = arith.index_cast %add3A_90 : i32 to index
        %swap3A_103 = arith.constant 16 : index
        %swap3A_104 = tpu.vector_load %arg9[%swap3A_102, %swap3A_103] {strides = array<i32>} : memref<80x232xf32, #tpu.memory_space<vmem>>, vector<1x16xf32>,
        %swap3A_105 = vector.shape_cast %swap3A_104 : vector<1x16xf32> to vector<16xf32>
        %swap3A_106 = vector.shape_cast %get3A_101 : vector<16xf32> to vector<1x16xf32>
        tpu.vector_store %arg9[%swap3A_102, %swap3A_103], %swap3A_106 {strides = array<i32>} : memref<80x232xf32, #tpu.memory_space<vmem>>, vector<1x16xf32>,
        %get3A_107 = arith.index_cast %add3A_90 : i32 to index
        %get3A_108 = arith.constant 32 : index
        %get3A_109 = tpu.vector_load %arg7[%get3A_107, %get3A_108] {strides = array<i32>} : memref<80x256xf32, #tpu.memory_space<vmem>>, vector<1x16xf32>,
        %get3A_110 = vector.shape_cast %get3A_109 : vector<1x16xf32> to vector<16xf32>
        %swap3A_111 = arith.index_cast %add3A_90 : i32 to index
        %swap3A_112 = arith.constant 32 : index
        %swap3A_113 = tpu.vector_load %arg9[%swap3A_111, %swap3A_112] {strides = array<i32>} : memref<80x232xf32, #tpu.memory_space<vmem>>, vector<1x16xf32>,
        %swap3A_114 = vector.shape_cast %swap3A_113 : vector<1x16xf32> to vector<16xf32>
        %swap3A_115 = vector.shape_cast %get3A_110 : vector<16xf32> to vector<1x16xf32>
        tpu.vector_store %arg9[%swap3A_111, %swap3A_112], %swap3A_115 {strides = array<i32>} : memref<80x232xf32, #tpu.memory_space<vmem>>, vector<1x16xf32>,
        %get3A_116 = arith.index_cast %add3A_90 : i32 to index
        %get3A_117 = arith.constant 48 : index
        %get3A_118 = tpu.vector_load %arg7[%get3A_116, %get3A_117] {strides = array<i32>} : memref<80x256xf32, #tpu.memory_space<vmem>>, vector<1x16xf32>,
        %get3A_119 = vector.shape_cast %get3A_118 : vector<1x16xf32> to vector<16xf32>
        %swap3A_120 = arith.index_cast %add3A_90 : i32 to index
        %swap3A_121 = arith.constant 48 : index
        %swap3A_122 = tpu.vector_load %arg9[%swap3A_120, %swap3A_121] {strides = array<i32>} : memref<80x232xf32, #tpu.memory_space<vmem>>, vector<1x16xf32>,
        %swap3A_123 = vector.shape_cast %swap3A_122 : vector<1x16xf32> to vector<16xf32>
        %swap3A_124 = vector.shape_cast %get3A_119 : vector<16xf32> to vector<1x16xf32>
        tpu.vector_store %arg9[%swap3A_120, %swap3A_121], %swap3A_124 {strides = array<i32>} : memref<80x232xf32, #tpu.memory_space<vmem>>, vector<1x16xf32>,
        %get3A_125 = arith.index_cast %add3A_90 : i32 to index
        %get3A_126 = arith.constant 64 : index
        %get3A_127 = tpu.vector_load %arg7[%get3A_125, %get3A_126] {strides = array<i32>} : memref<80x256xf32, #tpu.memory_space<vmem>>, vector<1x16xf32>,
        %get3A_128 = vector.shape_cast %get3A_127 : vector<1x16xf32> to vector<16xf32>
        %swap3A_129 = arith.index_cast %add3A_90 : i32 to index
        %swap3A_130 = arith.constant 64 : index
        %swap3A_131 = tpu.vector_load %arg9[%swap3A_129, %swap3A_130] {strides = array<i32>} : memref<80x232xf32, #tpu.memory_space<vmem>>, vector<1x16xf32>,
        %swap3A_132 = vector.shape_cast %swap3A_131 : vector<1x16xf32> to vector<16xf32>
        %swap3A_133 = vector.shape_cast %get3A_128 : vector<16xf32> to vector<1x16xf32>
        tpu.vector_store %arg9[%swap3A_129, %swap3A_130], %swap3A_133 {strides = array<i32>} : memref<80x232xf32, #tpu.memory_space<vmem>>, vector<1x16xf32>,
        %get3A_134 = arith.index_cast %add3A_90 : i32 to index
        %get3A_135 = arith.constant 80 : index
        %get3A_136 = tpu.vector_load %arg7[%get3A_134, %get3A_135] {strides = array<i32>} : memref<80x256xf32, #tpu.memory_space<vmem>>, vector<1x16xf32>,
        %get3A_137 = vector.shape_cast %get3A_136 : vector<1x16xf32> to vector<16xf32>
        %swap3A_138 = arith.index_cast %add3A_90 : i32 to index
        %swap3A_139 = arith.constant 80 : index
        %swap3A_140 = tpu.vector_load %arg9[%swap3A_138, %swap3A_139] {strides = array<i32>} : memref<80x232xf32, #tpu.memory_space<vmem>>, vector<1x16xf32>,
        %swap3A_141 = vector.shape_cast %swap3A_140 : vector<1x16xf32> to vector<16xf32>
        %swap3A_142 = vector.shape_cast %get3A_137 : vector<16xf32> to vector<1x16xf32>
        tpu.vector_store %arg9[%swap3A_138, %swap3A_139], %swap3A_142 {strides = array<i32>} : memref<80x232xf32, #tpu.memory_space<vmem>>, vector<1x16xf32>,
        %get3A_143 = arith.index_cast %add3A_90 : i32 to index
        %get3A_144 = arith.constant 96 : index
        %get3A_145 = tpu.vector_load %arg7[%get3A_143, %get3A_144] {strides = array<i32>} : memref<80x256xf32, #tpu.memory_space<vmem>>, vector<1x16xf32>,
        %get3A_146 = vector.shape_cast %get3A_145 : vector<1x16xf32> to vector<16xf32>
        %swap3A_147 = arith.index_cast %add3A_90 : i32 to index
        %swap3A_148 = arith.constant 96 : index
        %swap3A_149 = tpu.vector_load %arg9[%swap3A_147, %swap3A_148] {strides = array<i32>} : memref<80x232xf32, #tpu.memory_space<vmem>>, vector<1x16xf32>,
        %swap3A_150 = vector.shape_cast %swap3A_149 : vector<1x16xf32> to vector<16xf32>
        %swap3A_151 = vector.shape_cast %get3A_146 : vector<16xf32> to vector<1x16xf32>
        tpu.vector_store %arg9[%swap3A_147, %swap3A_148], %swap3A_151 {strides = array<i32>} : memref<80x232xf32, #tpu.memory_space<vmem>>, vector<1x16xf32>,
        %get3A_152 = arith.index_cast %add3A_90 : i32 to index
        %get3A_153 = arith.constant 112 : index
        %get3A_154 = tpu.vector_load %arg7[%get3A_152, %get3A_153] {strides = array<i32>} : memref<80x256xf32, #tpu.memory_space<vmem>>, vector<1x16xf32>,
        %get3A_155 = vector.shape_cast %get3A_154 : vector<1x16xf32> to vector<16xf32>
        %swap3A_156 = arith.index_cast %add3A_90 : i32 to index
        %swap3A_157 = arith.constant 112 : index
        %swap3A_158 = tpu.vector_load %arg9[%swap3A_156, %swap3A_157] {strides = array<i32>} : memref<80x232xf32, #tpu.memory_space<vmem>>, vector<1x16xf32>,
        %swap3A_159 = vector.shape_cast %swap3A_158 : vector<1x16xf32> to vector<16xf32>
        %swap3A_160 = vector.shape_cast %get3A_155 : vector<16xf32> to vector<1x16xf32>
        tpu.vector_store %arg9[%swap3A_156, %swap3A_157], %swap3A_160 {strides = array<i32>} : memref<80x232xf32, #tpu.memory_space<vmem>>, vector<1x16xf32>,
        %get3A_161 = arith.index_cast %add3A_90 : i32 to index
        %get3A_162 = arith.constant 128 : index
        %get3A_163 = tpu.vector_load %arg7[%get3A_161, %get3A_162] {strides = array<i32>} : memref<80x256xf32, #tpu.memory_space<vmem>>, vector<1x16xf32>,
        %get3A_164 = vector.shape_cast %get3A_163 : vector<1x16xf32> to vector<16xf32>
        %swap3A_165 = arith.index_cast %add3A_90 : i32 to index
        %swap3A_166 = arith.constant 128 : index
        %swap3A_167 = tpu.vector_load %arg9[%swap3A_165, %swap3A_166] {strides = array<i32>} : memref<80x232xf32, #tpu.memory_space<vmem>>, vector<1x16xf32>,
        %swap3A_168 = vector.shape_cast %swap3A_167 : vector<1x16xf32> to vector<16xf32>
        %swap3A_169 = vector.shape_cast %get3A_164 : vector<16xf32> to vector<1x16xf32>
        tpu.vector_store %arg9[%swap3A_165, %swap3A_166], %swap3A_169 {strides = array<i32>} : memref<80x232xf32, #tpu.memory_space<vmem>>, vector<1x16xf32>,
        %get3A_170 = arith.index_cast %add3A_90 : i32 to index
        %get3A_171 = arith.constant 144 : index
        %get3A_172 = tpu.vector_load %arg7[%get3A_170, %get3A_171] {strides = array<i32>} : memref<80x256xf32, #tpu.memory_space<vmem>>, vector<1x16xf32>,
        %get3A_173 = vector.shape_cast %get3A_172 : vector<1x16xf32> to vector<16xf32>
        %swap3A_174 = arith.index_cast %add3A_90 : i32 to index
        %swap3A_175 = arith.constant 144 : index
        %swap3A_176 = tpu.vector_load %arg9[%swap3A_174, %swap3A_175] {strides = array<i32>} : memref<80x232xf32, #tpu.memory_space<vmem>>, vector<1x16xf32>,
        %swap3A_177 = vector.shape_cast %swap3A_176 : vector<1x16xf32> to vector<16xf32>
        %swap3A_178 = vector.shape_cast %get3A_173 : vector<16xf32> to vector<1x16xf32>
        tpu.vector_store %arg9[%swap3A_174, %swap3A_175], %swap3A_178 {strides = array<i32>} : memref<80x232xf32, #tpu.memory_space<vmem>>, vector<1x16xf32>,
        %get3A_179 = arith.index_cast %add3A_90 : i32 to index
        %get3A_180 = arith.constant 160 : index
        %get3A_181 = tpu.vector_load %arg7[%get3A_179, %get3A_180] {strides = array<i32>} : memref<80x256xf32, #tpu.memory_space<vmem>>, vector<1x16xf32>,
        %get3A_182 = vector.shape_cast %get3A_181 : vector<1x16xf32> to vector<16xf32>
        %swap3A_183 = arith.index_cast %add3A_90 : i32 to index
        %swap3A_184 = arith.constant 160 : index
        %swap3A_185 = tpu.vector_load %arg9[%swap3A_183, %swap3A_184] {strides = array<i32>} : memref<80x232xf32, #tpu.memory_space<vmem>>, vector<1x16xf32>,
        %swap3A_186 = vector.shape_cast %swap3A_185 : vector<1x16xf32> to vector<16xf32>
        %swap3A_187 = vector.shape_cast %get3A_182 : vector<16xf32> to vector<1x16xf32>
        tpu.vector_store %arg9[%swap3A_183, %swap3A_184], %swap3A_187 {strides = array<i32>} : memref<80x232xf32, #tpu.memory_space<vmem>>, vector<1x16xf32>,
        %get3A_188 = arith.index_cast %add3A_90 : i32 to index
        %get3A_189 = arith.constant 176 : index
        %get3A_190 = tpu.vector_load %arg7[%get3A_188, %get3A_189] {strides = array<i32>} : memref<80x256xf32, #tpu.memory_space<vmem>>, vector<1x16xf32>,
        %get3A_191 = vector.shape_cast %get3A_190 : vector<1x16xf32> to vector<16xf32>
        %swap3A_192 = arith.index_cast %add3A_90 : i32 to index
        %swap3A_193 = arith.constant 176 : index
        %swap3A_194 = tpu.vector_load %arg9[%swap3A_192, %swap3A_193] {strides = array<i32>} : memref<80x232xf32, #tpu.memory_space<vmem>>, vector<1x16xf32>,
        %swap3A_195 = vector.shape_cast %swap3A_194 : vector<1x16xf32> to vector<16xf32>
        %swap3A_196 = vector.shape_cast %get3A_191 : vector<16xf32> to vector<1x16xf32>
        tpu.vector_store %arg9[%swap3A_192, %swap3A_193], %swap3A_196 {strides = array<i32>} : memref<80x232xf32, #tpu.memory_space<vmem>>, vector<1x16xf32>,
        %get3A_197 = arith.index_cast %add3A_90 : i32 to index
        %get3A_198 = arith.constant 192 : index
        %get3A_199 = tpu.vector_load %arg7[%get3A_197, %get3A_198] {strides = array<i32>} : memref<80x256xf32, #tpu.memory_space<vmem>>, vector<1x16xf32>,
        %get3A_200 = vector.shape_cast %get3A_199 : vector<1x16xf32> to vector<16xf32>
        %swap3A_201 = arith.index_cast %add3A_90 : i32 to index
        %swap3A_202 = arith.constant 192 : index
        %swap3A_203 = tpu.vector_load %arg9[%swap3A_201, %swap3A_202] {strides = array<i32>} : memref<80x232xf32, #tpu.memory_space<vmem>>, vector<1x16xf32>,
        %swap3A_204 = vector.shape_cast %swap3A_203 : vector<1x16xf32> to vector<16xf32>
        %swap3A_205 = vector.shape_cast %get3A_200 : vector<16xf32> to vector<1x16xf32>
        tpu.vector_store %arg9[%swap3A_201, %swap3A_202], %swap3A_205 {strides = array<i32>} : memref<80x232xf32, #tpu.memory_space<vmem>>, vector<1x16xf32>,
        %get3A_206 = arith.index_cast %add3A_90 : i32 to index
        %get3A_207 = arith.constant 208 : index
        %get3A_208 = tpu.vector_load %arg7[%get3A_206, %get3A_207] {strides = array<i32>} : memref<80x256xf32, #tpu.memory_space<vmem>>, vector<1x16xf32>,
        %get3A_209 = vector.shape_cast %get3A_208 : vector<1x16xf32> to vector<16xf32>
        %swap3A_210 = arith.index_cast %add3A_90 : i32 to index
        %swap3A_211 = arith.constant 208 : index
        %swap3A_212 = tpu.vector_load %arg9[%swap3A_210, %swap3A_211] {strides = array<i32>} : memref<80x232xf32, #tpu.memory_space<vmem>>, vector<1x16xf32>,
        %swap3A_213 = vector.shape_cast %swap3A_212 : vector<1x16xf32> to vector<16xf32>
        %swap3A_214 = vector.shape_cast %get3A_209 : vector<16xf32> to vector<1x16xf32>
        tpu.vector_store %arg9[%swap3A_210, %swap3A_211], %swap3A_214 {strides = array<i32>} : memref<80x232xf32, #tpu.memory_space<vmem>>, vector<1x16xf32>,
        %get3A_215 = arith.index_cast %add3A_90 : i32 to index
        %get3A_216 = arith.constant 216 : index
        %get3A_217 = tpu.vector_load %arg7[%get3A_215, %get3A_216] {strides = array<i32>} : memref<80x256xf32, #tpu.memory_space<vmem>>, vector<1x16xf32>,
        %get3A_218 = vector.shape_cast %get3A_217 : vector<1x16xf32> to vector<16xf32>
        %swap3A_219 = arith.index_cast %add3A_90 : i32 to index
        %swap3A_220 = arith.constant 216 : index
        %swap3A_221 = tpu.vector_load %arg9[%swap3A_219, %swap3A_220] {strides = array<i32>} : memref<80x232xf32, #tpu.memory_space<vmem>>, vector<1x16xf32>,
        %swap3A_222 = vector.shape_cast %swap3A_221 : vector<1x16xf32> to vector<16xf32>
        %swap3A_223 = vector.shape_cast %get3A_218 : vector<16xf32> to vector<1x16xf32>
        tpu.vector_store %arg9[%swap3A_219, %swap3A_220], %swap3A_223 {strides = array<i32>} : memref<80x232xf32, #tpu.memory_space<vmem>>, vector<1x16xf32>,
        %scan3A_224 = arith.constant 1 : i32
        %scan3A_225 = arith.addi %scan3A_86, %scan3A_224 : i32
        %mul3A_226 = arith.constant 1 : i32
        %mul3A_227 = arith.muli %scan3A_225, %mul3A_226 : i32
        %add3A_228 = arith.constant 0 : i32
        %add3A_229 = arith.addi %add3A_228, %mul3A_227 : i32
        %get3A_230 = arith.index_cast %add3A_229 : i32 to index
        %get3A_231 = arith.constant 0 : index
        %get3A_232 = tpu.vector_load %arg7[%get3A_230, %get3A_231] {strides = array<i32>} : memref<80x256xf32, #tpu.memory_space<vmem>>, vector<1x16xf32>,
        %get3A_233 = vector.shape_cast %get3A_232 : vector<1x16xf32> to vector<16xf32>
        %swap3A_234 = arith.index_cast %add3A_229 : i32 to index
        %swap3A_235 = arith.constant 0 : index
        %swap3A_236 = tpu.vector_load %arg9[%swap3A_234, %swap3A_235] {strides = array<i32>} : memref<80x232xf32, #tpu.memory_space<vmem>>, vector<1x16xf32>,
        %swap3A_237 = vector.shape_cast %swap3A_236 : vector<1x16xf32> to vector<16xf32>
        %swap3A_238 = vector.shape_cast %get3A_233 : vector<16xf32> to vector<1x16xf32>
        tpu.vector_store %arg9[%swap3A_234, %swap3A_235], %swap3A_238 {strides = array<i32>} : memref<80x232xf32, #tpu.memory_space<vmem>>, vector<1x16xf32>,
        %get3A_239 = arith.index_cast %add3A_229 : i32 to index
        %get3A_240 = arith.constant 16 : index
        %get3A_241 = tpu.vector_load %arg7[%get3A_239, %get3A_240] {strides = array<i32>} : memref<80x256xf32, #tpu.memory_space<vmem>>, vector<1x16xf32>,
        %get3A_242 = vector.shape_cast %get3A_241 : vector<1x16xf32> to vector<16xf32>
        %swap3A_243 = arith.index_cast %add3A_229 : i32 to index
        %swap3A_244 = arith.constant 16 : index
        %swap3A_245 = tpu.vector_load %arg9[%swap3A_243, %swap3A_244] {strides = array<i32>} : memref<80x232xf32, #tpu.memory_space<vmem>>, vector<1x16xf32>,
        %swap3A_246 = vector.shape_cast %swap3A_245 : vector<1x16xf32> to vector<16xf32>
        %swap3A_247 = vector.shape_cast %get3A_242 : vector<16xf32> to vector<1x16xf32>
        tpu.vector_store %arg9[%swap3A_243, %swap3A_244], %swap3A_247 {strides = array<i32>} : memref<80x232xf32, #tpu.memory_space<vmem>>, vector<1x16xf32>,
        %get3A_248 = arith.index_cast %add3A_229 : i32 to index
        %get3A_249 = arith.constant 32 : index
        %get3A_250 = tpu.vector_load %arg7[%get3A_248, %get3A_249] {strides = array<i32>} : memref<80x256xf32, #tpu.memory_space<vmem>>, vector<1x16xf32>,
        %get3A_251 = vector.shape_cast %get3A_250 : vector<1x16xf32> to vector<16xf32>
        %swap3A_252 = arith.index_cast %add3A_229 : i32 to index
        %swap3A_253 = arith.constant 32 : index
        %swap3A_254 = tpu.vector_load %arg9[%swap3A_252, %swap3A_253] {strides = array<i32>} : memref<80x232xf32, #tpu.memory_space<vmem>>, vector<1x16xf32>,
        %swap3A_255 = vector.shape_cast %swap3A_254 : vector<1x16xf32> to vector<16xf32>
        %swap3A_256 = vector.shape_cast %get3A_251 : vector<16xf32> to vector<1x16xf32>
        tpu.vector_store %arg9[%swap3A_252, %swap3A_253], %swap3A_256 {strides = array<i32>} : memref<80x232xf32, #tpu.memory_space<vmem>>, vector<1x16xf32>,
        %get3A_257 = arith.index_cast %add3A_229 : i32 to index
        %get3A_258 = arith.constant 48 : index
        %get3A_259 = tpu.vector_load %arg7[%get3A_257, %get3A_258] {strides = array<i32>} : memref<80x256xf32, #tpu.memory_space<vmem>>, vector<1x16xf32>,
        %get3A_260 = vector.shape_cast %get3A_259 : vector<1x16xf32> to vector<16xf32>
        %swap3A_261 = arith.index_cast %add3A_229 : i32 to index
        %swap3A_262 = arith.constant 48 : index
        %swap3A_263 = tpu.vector_load %arg9[%swap3A_261, %swap3A_262] {strides = array<i32>} : memref<80x232xf32, #tpu.memory_space<vmem>>, vector<1x16xf32>,
        %swap3A_264 = vector.shape_cast %swap3A_263 : vector<1x16xf32> to vector<16xf32>
        %swap3A_265 = vector.shape_cast %get3A_260 : vector<16xf32> to vector<1x16xf32>
        tpu.vector_store %arg9[%swap3A_261, %swap3A_262], %swap3A_265 {strides = array<i32>} : memref<80x232xf32, #tpu.memory_space<vmem>>, vector<1x16xf32>,
        %get3A_266 = arith.index_cast %add3A_229 : i32 to index
        %get3A_267 = arith.constant 64 : index
        %get3A_268 = tpu.vector_load %arg7[%get3A_266, %get3A_267] {strides = array<i32>} : memref<80x256xf32, #tpu.memory_space<vmem>>, vector<1x16xf32>,
        %get3A_269 = vector.shape_cast %get3A_268 : vector<1x16xf32> to vector<16xf32>
        %swap3A_270 = arith.index_cast %add3A_229 : i32 to index
        %swap3A_271 = arith.constant 64 : index
        %swap3A_272 = tpu.vector_load %arg9[%swap3A_270, %swap3A_271] {strides = array<i32>} : memref<80x232xf32, #tpu.memory_space<vmem>>, vector<1x16xf32>,
        %swap3A_273 = vector.shape_cast %swap3A_272 : vector<1x16xf32> to vector<16xf32>
        %swap3A_274 = vector.shape_cast %get3A_269 : vector<16xf32> to vector<1x16xf32>
        tpu.vector_store %arg9[%swap3A_270, %swap3A_271], %swap3A_274 {strides = array<i32>} : memref<80x232xf32, #tpu.memory_space<vmem>>, vector<1x16xf32>,
        %get3A_275 = arith.index_cast %add3A_229 : i32 to index
        %get3A_276 = arith.constant 80 : index
        %get3A_277 = tpu.vector_load %arg7[%get3A_275, %get3A_276] {strides = array<i32>} : memref<80x256xf32, #tpu.memory_space<vmem>>, vector<1x16xf32>,
        %get3A_278 = vector.shape_cast %get3A_277 : vector<1x16xf32> to vector<16xf32>
        %swap3A_279 = arith.index_cast %add3A_229 : i32 to index
        %swap3A_280 = arith.constant 80 : index
        %swap3A_281 = tpu.vector_load %arg9[%swap3A_279, %swap3A_280] {strides = array<i32>} : memref<80x232xf32, #tpu.memory_space<vmem>>, vector<1x16xf32>,
        %swap3A_282 = vector.shape_cast %swap3A_281 : vector<1x16xf32> to vector<16xf32>
        %swap3A_283 = vector.shape_cast %get3A_278 : vector<16xf32> to vector<1x16xf32>
        tpu.vector_store %arg9[%swap3A_279, %swap3A_280], %swap3A_283 {strides = array<i32>} : memref<80x232xf32, #tpu.memory_space<vmem>>, vector<1x16xf32>,
        %get3A_284 = arith.index_cast %add3A_229 : i32 to index
        %get3A_285 = arith.constant 96 : index
        %get3A_286 = tpu.vector_load %arg7[%get3A_284, %get3A_285] {strides = array<i32>} : memref<80x256xf32, #tpu.memory_space<vmem>>, vector<1x16xf32>,
        %get3A_287 = vector.shape_cast %get3A_286 : vector<1x16xf32> to vector<16xf32>
        %swap3A_288 = arith.index_cast %add3A_229 : i32 to index
        %swap3A_289 = arith.constant 96 : index
        %swap3A_290 = tpu.vector_load %arg9[%swap3A_288, %swap3A_289] {strides = array<i32>} : memref<80x232xf32, #tpu.memory_space<vmem>>, vector<1x16xf32>,
        %swap3A_291 = vector.shape_cast %swap3A_290 : vector<1x16xf32> to vector<16xf32>
        %swap3A_292 = vector.shape_cast %get3A_287 : vector<16xf32> to vector<1x16xf32>
        tpu.vector_store %arg9[%swap3A_288, %swap3A_289], %swap3A_292 {strides = array<i32>} : memref<80x232xf32, #tpu.memory_space<vmem>>, vector<1x16xf32>,
        %get3A_293 = arith.index_cast %add3A_229 : i32 to index
        %get3A_294 = arith.constant 112 : index
        %get3A_295 = tpu.vector_load %arg7[%get3A_293, %get3A_294] {strides = array<i32>} : memref<80x256xf32, #tpu.memory_space<vmem>>, vector<1x16xf32>,
        %get3A_296 = vector.shape_cast %get3A_295 : vector<1x16xf32> to vector<16xf32>
        %swap3A_297 = arith.index_cast %add3A_229 : i32 to index
        %swap3A_298 = arith.constant 112 : index
        %swap3A_299 = tpu.vector_load %arg9[%swap3A_297, %swap3A_298] {strides = array<i32>} : memref<80x232xf32, #tpu.memory_space<vmem>>, vector<1x16xf32>,
        %swap3A_300 = vector.shape_cast %swap3A_299 : vector<1x16xf32> to vector<16xf32>
        %swap3A_301 = vector.shape_cast %get3A_296 : vector<16xf32> to vector<1x16xf32>
        tpu.vector_store %arg9[%swap3A_297, %swap3A_298], %swap3A_301 {strides = array<i32>} : memref<80x232xf32, #tpu.memory_space<vmem>>, vector<1x16xf32>,
        %get3A_302 = arith.index_cast %add3A_229 : i32 to index
        %get3A_303 = arith.constant 128 : index
        %get3A_304 = tpu.vector_load %arg7[%get3A_302, %get3A_303] {strides = array<i32>} : memref<80x256xf32, #tpu.memory_space<vmem>>, vector<1x16xf32>,
        %get3A_305 = vector.shape_cast %get3A_304 : vector<1x16xf32> to vector<16xf32>
        %swap3A_306 = arith.index_cast %add3A_229 : i32 to index
        %swap3A_307 = arith.constant 128 : index
        %swap3A_308 = tpu.vector_load %arg9[%swap3A_306, %swap3A_307] {strides = array<i32>} : memref<80x232xf32, #tpu.memory_space<vmem>>, vector<1x16xf32>,
        %swap3A_309 = vector.shape_cast %swap3A_308 : vector<1x16xf32> to vector<16xf32>
        %swap3A_310 = vector.shape_cast %get3A_305 : vector<16xf32> to vector<1x16xf32>
        tpu.vector_store %arg9[%swap3A_306, %swap3A_307], %swap3A_310 {strides = array<i32>} : memref<80x232xf32, #tpu.memory_space<vmem>>, vector<1x16xf32>,
        %get3A_311 = arith.index_cast %add3A_229 : i32 to index
        %get3A_312 = arith.constant 144 : index
        %get3A_313 = tpu.vector_load %arg7[%get3A_311, %get3A_312] {strides = array<i32>} : memref<80x256xf32, #tpu.memory_space<vmem>>, vector<1x16xf32>,
        %get3A_314 = vector.shape_cast %get3A_313 : vector<1x16xf32> to vector<16xf32>
        %swap3A_315 = arith.index_cast %add3A_229 : i32 to index
        %swap3A_316 = arith.constant 144 : index
        %swap3A_317 = tpu.vector_load %arg9[%swap3A_315, %swap3A_316] {strides = array<i32>} : memref<80x232xf32, #tpu.memory_space<vmem>>, vector<1x16xf32>,
        %swap3A_318 = vector.shape_cast %swap3A_317 : vector<1x16xf32> to vector<16xf32>
        %swap3A_319 = vector.shape_cast %get3A_314 : vector<16xf32> to vector<1x16xf32>
        tpu.vector_store %arg9[%swap3A_315, %swap3A_316], %swap3A_319 {strides = array<i32>} : memref<80x232xf32, #tpu.memory_space<vmem>>, vector<1x16xf32>,
        %get3A_320 = arith.index_cast %add3A_229 : i32 to index
        %get3A_321 = arith.constant 160 : index
        %get3A_322 = tpu.vector_load %arg7[%get3A_320, %get3A_321] {strides = array<i32>} : memref<80x256xf32, #tpu.memory_space<vmem>>, vector<1x16xf32>,
        %get3A_323 = vector.shape_cast %get3A_322 : vector<1x16xf32> to vector<16xf32>
        %swap3A_324 = arith.index_cast %add3A_229 : i32 to index
        %swap3A_325 = arith.constant 160 : index
        %swap3A_326 = tpu.vector_load %arg9[%swap3A_324, %swap3A_325] {strides = array<i32>} : memref<80x232xf32, #tpu.memory_space<vmem>>, vector<1x16xf32>,
        %swap3A_327 = vector.shape_cast %swap3A_326 : vector<1x16xf32> to vector<16xf32>
        %swap3A_328 = vector.shape_cast %get3A_323 : vector<16xf32> to vector<1x16xf32>
        tpu.vector_store %arg9[%swap3A_324, %swap3A_325], %swap3A_328 {strides = array<i32>} : memref<80x232xf32, #tpu.memory_space<vmem>>, vector<1x16xf32>,
        %get3A_329 = arith.index_cast %add3A_229 : i32 to index
        %get3A_330 = arith.constant 176 : index
        %get3A_331 = tpu.vector_load %arg7[%get3A_329, %get3A_330] {strides = array<i32>} : memref<80x256xf32, #tpu.memory_space<vmem>>, vector<1x16xf32>,
        %get3A_332 = vector.shape_cast %get3A_331 : vector<1x16xf32> to vector<16xf32>
        %swap3A_333 = arith.index_cast %add3A_229 : i32 to index
        %swap3A_334 = arith.constant 176 : index
        %swap3A_335 = tpu.vector_load %arg9[%swap3A_333, %swap3A_334] {strides = array<i32>} : memref<80x232xf32, #tpu.memory_space<vmem>>, vector<1x16xf32>,
        %swap3A_336 = vector.shape_cast %swap3A_335 : vector<1x16xf32> to vector<16xf32>
        %swap3A_337 = vector.shape_cast %get3A_332 : vector<16xf32> to vector<1x16xf32>
        tpu.vector_store %arg9[%swap3A_333, %swap3A_334], %swap3A_337 {strides = array<i32>} : memref<80x232xf32, #tpu.memory_space<vmem>>, vector<1x16xf32>,
        %get3A_338 = arith.index_cast %add3A_229 : i32 to index
        %get3A_339 = arith.constant 192 : index
        %get3A_340 = tpu.vector_load %arg7[%get3A_338, %get3A_339] {strides = array<i32>} : memref<80x256xf32, #tpu.memory_space<vmem>>, vector<1x16xf32>,
        %get3A_341 = vector.shape_cast %get3A_340 : vector<1x16xf32> to vector<16xf32>
        %swap3A_342 = arith.index_cast %add3A_229 : i32 to index
        %swap3A_343 = arith.constant 192 : index
        %swap3A_344 = tpu.vector_load %arg9[%swap3A_342, %swap3A_343] {strides = array<i32>} : memref<80x232xf32, #tpu.memory_space<vmem>>, vector<1x16xf32>,
        %swap3A_345 = vector.shape_cast %swap3A_344 : vector<1x16xf32> to vector<16xf32>
        %swap3A_346 = vector.shape_cast %get3A_341 : vector<16xf32> to vector<1x16xf32>
        tpu.vector_store %arg9[%swap3A_342, %swap3A_343], %swap3A_346 {strides = array<i32>} : memref<80x232xf32, #tpu.memory_space<vmem>>, vector<1x16xf32>,
        %get3A_347 = arith.index_cast %add3A_229 : i32 to index
        %get3A_348 = arith.constant 208 : index
        %get3A_349 = tpu.vector_load %arg7[%get3A_347, %get3A_348] {strides = array<i32>} : memref<80x256xf32, #tpu.memory_space<vmem>>, vector<1x16xf32>,
        %get3A_350 = vector.shape_cast %get3A_349 : vector<1x16xf32> to vector<16xf32>
        %swap3A_351 = arith.index_cast %add3A_229 : i32 to index
        %swap3A_352 = arith.constant 208 : index
        %swap3A_353 = tpu.vector_load %arg9[%swap3A_351, %swap3A_352] {strides = array<i32>} : memref<80x232xf32, #tpu.memory_space<vmem>>, vector<1x16xf32>,
        %swap3A_354 = vector.shape_cast %swap3A_353 : vector<1x16xf32> to vector<16xf32>
        %swap3A_355 = vector.shape_cast %get3A_350 : vector<16xf32> to vector<1x16xf32>
        tpu.vector_store %arg9[%swap3A_351, %swap3A_352], %swap3A_355 {strides = array<i32>} : memref<80x232xf32, #tpu.memory_space<vmem>>, vector<1x16xf32>,
        %get3A_356 = arith.index_cast %add3A_229 : i32 to index
        %get3A_357 = arith.constant 216 : index
        %get3A_358 = tpu.vector_load %arg7[%get3A_356, %get3A_357] {strides = array<i32>} : memref<80x256xf32, #tpu.memory_space<vmem>>, vector<1x16xf32>,
        %get3A_359 = vector.shape_cast %get3A_358 : vector<1x16xf32> to vector<16xf32>
        %swap3A_360 = arith.index_cast %add3A_229 : i32 to index
        %swap3A_361 = arith.constant 216 : index
        %swap3A_362 = tpu.vector_load %arg9[%swap3A_360, %swap3A_361] {strides = array<i32>} : memref<80x232xf32, #tpu.memory_space<vmem>>, vector<1x16xf32>,
        %swap3A_363 = vector.shape_cast %swap3A_362 : vector<1x16xf32> to vector<16xf32>
        %swap3A_364 = vector.shape_cast %get3A_359 : vector<16xf32> to vector<1x16xf32>
        tpu.vector_store %arg9[%swap3A_360, %swap3A_361], %swap3A_364 {strides = array<i32>} : memref<80x232xf32, #tpu.memory_space<vmem>>, vector<1x16xf32>,
        %scan3A_365 = arith.constant 2 : i32
        %scan3A_366 = arith.addi %scan3A_86, %scan3A_365 : i32
        %mul3A_367 = arith.constant 1 : i32
        %mul3A_368 = arith.muli %scan3A_366, %mul3A_367 : i32
        %add3A_369 = arith.constant 0 : i32
        %add3A_370 = arith.addi %add3A_369, %mul3A_368 : i32
        %get3A_371 = arith.index_cast %add3A_370 : i32 to index
        %get3A_372 = arith.constant 0 : index
        %get3A_373 = tpu.vector_load %arg7[%get3A_371, %get3A_372] {strides = array<i32>} : memref<80x256xf32, #tpu.memory_space<vmem>>, vector<1x16xf32>,
        %get3A_374 = vector.shape_cast %get3A_373 : vector<1x16xf32> to vector<16xf32>
        %swap3A_375 = arith.index_cast %add3A_370 : i32 to index
        %swap3A_376 = arith.constant 0 : index
        %swap3A_377 = tpu.vector_load %arg9[%swap3A_375, %swap3A_376] {strides = array<i32>} : memref<80x232xf32, #tpu.memory_space<vmem>>, vector<1x16xf32>,
        %swap3A_378 = vector.shape_cast %swap3A_377 : vector<1x16xf32> to vector<16xf32>
        %swap3A_379 = vector.shape_cast %get3A_374 : vector<16xf32> to vector<1x16xf32>
        tpu.vector_store %arg9[%swap3A_375, %swap3A_376], %swap3A_379 {strides = array<i32>} : memref<80x232xf32, #tpu.memory_space<vmem>>, vector<1x16xf32>,
        %get3A_380 = arith.index_cast %add3A_370 : i32 to index
        %get3A_381 = arith.constant 16 : index
        %get3A_382 = tpu.vector_load %arg7[%get3A_380, %get3A_381] {strides = array<i32>} : memref<80x256xf32, #tpu.memory_space<vmem>>, vector<1x16xf32>,
        %get3A_383 = vector.shape_cast %get3A_382 : vector<1x16xf32> to vector<16xf32>
        %swap3A_384 = arith.index_cast %add3A_370 : i32 to index
        %swap3A_385 = arith.constant 16 : index
        %swap3A_386 = tpu.vector_load %arg9[%swap3A_384, %swap3A_385] {strides = array<i32>} : memref<80x232xf32, #tpu.memory_space<vmem>>, vector<1x16xf32>,
        %swap3A_387 = vector.shape_cast %swap3A_386 : vector<1x16xf32> to vector<16xf32>
        %swap3A_388 = vector.shape_cast %get3A_383 : vector<16xf32> to vector<1x16xf32>
        tpu.vector_store %arg9[%swap3A_384, %swap3A_385], %swap3A_388 {strides = array<i32>} : memref<80x232xf32, #tpu.memory_space<vmem>>, vector<1x16xf32>,
        %get3A_389 = arith.index_cast %add3A_370 : i32 to index
        %get3A_390 = arith.constant 32 : index
        %get3A_391 = tpu.vector_load %arg7[%get3A_389, %get3A_390] {strides = array<i32>} : memref<80x256xf32, #tpu.memory_space<vmem>>, vector<1x16xf32>,
        %get3A_392 = vector.shape_cast %get3A_391 : vector<1x16xf32> to vector<16xf32>
        %swap3A_393 = arith.index_cast %add3A_370 : i32 to index
        %swap3A_394 = arith.constant 32 : index
        %swap3A_395 = tpu.vector_load %arg9[%swap3A_393, %swap3A_394] {strides = array<i32>} : memref<80x232xf32, #tpu.memory_space<vmem>>, vector<1x16xf32>,
        %swap3A_396 = vector.shape_cast %swap3A_395 : vector<1x16xf32> to vector<16xf32>
        %swap3A_397 = vector.shape_cast %get3A_392 : vector<16xf32> to vector<1x16xf32>
        tpu.vector_store %arg9[%swap3A_393, %swap3A_394], %swap3A_397 {strides = array<i32>} : memref<80x232xf32, #tpu.memory_space<vmem>>, vector<1x16xf32>,
        %get3A_398 = arith.index_cast %add3A_370 : i32 to index
        %get3A_399 = arith.constant 48 : index
        %get3A_400 = tpu.vector_load %arg7[%get3A_398, %get3A_399] {strides = array<i32>} : memref<80x256xf32, #tpu.memory_space<vmem>>, vector<1x16xf32>,
        %get3A_401 = vector.shape_cast %get3A_400 : vector<1x16xf32> to vector<16xf32>
        %swap3A_402 = arith.index_cast %add3A_370 : i32 to index
        %swap3A_403 = arith.constant 48 : index
        %swap3A_404 = tpu.vector_load %arg9[%swap3A_402, %swap3A_403] {strides = array<i32>} : memref<80x232xf32, #tpu.memory_space<vmem>>, vector<1x16xf32>,
        %swap3A_405 = vector.shape_cast %swap3A_404 : vector<1x16xf32> to vector<16xf32>
        %swap3A_406 = vector.shape_cast %get3A_401 : vector<16xf32> to vector<1x16xf32>
        tpu.vector_store %arg9[%swap3A_402, %swap3A_403], %swap3A_406 {strides = array<i32>} : memref<80x232xf32, #tpu.memory_space<vmem>>, vector<1x16xf32>,
        %get3A_407 = arith.index_cast %add3A_370 : i32 to index
        %get3A_408 = arith.constant 64 : index
        %get3A_409 = tpu.vector_load %arg7[%get3A_407, %get3A_408] {strides = array<i32>} : memref<80x256xf32, #tpu.memory_space<vmem>>, vector<1x16xf32>,
        %get3A_410 = vector.shape_cast %get3A_409 : vector<1x16xf32> to vector<16xf32>
        %swap3A_411 = arith.index_cast %add3A_370 : i32 to index
        %swap3A_412 = arith.constant 64 : index
        %swap3A_413 = tpu.vector_load %arg9[%swap3A_411, %swap3A_412] {strides = array<i32>} : memref<80x232xf32, #tpu.memory_space<vmem>>, vector<1x16xf32>,
        %swap3A_414 = vector.shape_cast %swap3A_413 : vector<1x16xf32> to vector<16xf32>
        %swap3A_415 = vector.shape_cast %get3A_410 : vector<16xf32> to vector<1x16xf32>
        tpu.vector_store %arg9[%swap3A_411, %swap3A_412], %swap3A_415 {strides = array<i32>} : memref<80x232xf32, #tpu.memory_space<vmem>>, vector<1x16xf32>,
        %get3A_416 = arith.index_cast %add3A_370 : i32 to index
        %get3A_417 = arith.constant 80 : index
        %get3A_418 = tpu.vector_load %arg7[%get3A_416, %get3A_417] {strides = array<i32>} : memref<80x256xf32, #tpu.memory_space<vmem>>, vector<1x16xf32>,
        %get3A_419 = vector.shape_cast %get3A_418 : vector<1x16xf32> to vector<16xf32>
        %swap3A_420 = arith.index_cast %add3A_370 : i32 to index
        %swap3A_421 = arith.constant 80 : index
        %swap3A_422 = tpu.vector_load %arg9[%swap3A_420, %swap3A_421] {strides = array<i32>} : memref<80x232xf32, #tpu.memory_space<vmem>>, vector<1x16xf32>,
        %swap3A_423 = vector.shape_cast %swap3A_422 : vector<1x16xf32> to vector<16xf32>
        %swap3A_424 = vector.shape_cast %get3A_419 : vector<16xf32> to vector<1x16xf32>
        tpu.vector_store %arg9[%swap3A_420, %swap3A_421], %swap3A_424 {strides = array<i32>} : memref<80x232xf32, #tpu.memory_space<vmem>>, vector<1x16xf32>,
        %get3A_425 = arith.index_cast %add3A_370 : i32 to index
        %get3A_426 = arith.constant 96 : index
        %get3A_427 = tpu.vector_load %arg7[%get3A_425, %get3A_426] {strides = array<i32>} : memref<80x256xf32, #tpu.memory_space<vmem>>, vector<1x16xf32>,
        %get3A_428 = vector.shape_cast %get3A_427 : vector<1x16xf32> to vector<16xf32>
        %swap3A_429 = arith.index_cast %add3A_370 : i32 to index
        %swap3A_430 = arith.constant 96 : index
        %swap3A_431 = tpu.vector_load %arg9[%swap3A_429, %swap3A_430] {strides = array<i32>} : memref<80x232xf32, #tpu.memory_space<vmem>>, vector<1x16xf32>,
        %swap3A_432 = vector.shape_cast %swap3A_431 : vector<1x16xf32> to vector<16xf32>
        %swap3A_433 = vector.shape_cast %get3A_428 : vector<16xf32> to vector<1x16xf32>
        tpu.vector_store %arg9[%swap3A_429, %swap3A_430], %swap3A_433 {strides = array<i32>} : memref<80x232xf32, #tpu.memory_space<vmem>>, vector<1x16xf32>,
        %get3A_434 = arith.index_cast %add3A_370 : i32 to index
        %get3A_435 = arith.constant 112 : index
        %get3A_436 = tpu.vector_load %arg7[%get3A_434, %get3A_435] {strides = array<i32>} : memref<80x256xf32, #tpu.memory_space<vmem>>, vector<1x16xf32>,
        %get3A_437 = vector.shape_cast %get3A_436 : vector<1x16xf32> to vector<16xf32>
        %swap3A_438 = arith.index_cast %add3A_370 : i32 to index
        %swap3A_439 = arith.constant 112 : index
        %swap3A_440 = tpu.vector_load %arg9[%swap3A_438, %swap3A_439] {strides = array<i32>} : memref<80x232xf32, #tpu.memory_space<vmem>>, vector<1x16xf32>,
        %swap3A_441 = vector.shape_cast %swap3A_440 : vector<1x16xf32> to vector<16xf32>
        %swap3A_442 = vector.shape_cast %get3A_437 : vector<16xf32> to vector<1x16xf32>
        tpu.vector_store %arg9[%swap3A_438, %swap3A_439], %swap3A_442 {strides = array<i32>} : memref<80x232xf32, #tpu.memory_space<vmem>>, vector<1x16xf32>,
        %get3A_443 = arith.index_cast %add3A_370 : i32 to index
        %get3A_444 = arith.constant 128 : index
        %get3A_445 = tpu.vector_load %arg7[%get3A_443, %get3A_444] {strides = array<i32>} : memref<80x256xf32, #tpu.memory_space<vmem>>, vector<1x16xf32>,
        %get3A_446 = vector.shape_cast %get3A_445 : vector<1x16xf32> to vector<16xf32>
        %swap3A_447 = arith.index_cast %add3A_370 : i32 to index
        %swap3A_448 = arith.constant 128 : index
        %swap3A_449 = tpu.vector_load %arg9[%swap3A_447, %swap3A_448] {strides = array<i32>} : memref<80x232xf32, #tpu.memory_space<vmem>>, vector<1x16xf32>,
        %swap3A_450 = vector.shape_cast %swap3A_449 : vector<1x16xf32> to vector<16xf32>
        %swap3A_451 = vector.shape_cast %get3A_446 : vector<16xf32> to vector<1x16xf32>
        tpu.vector_store %arg9[%swap3A_447, %swap3A_448], %swap3A_451 {strides = array<i32>} : memref<80x232xf32, #tpu.memory_space<vmem>>, vector<1x16xf32>,
        %get3A_452 = arith.index_cast %add3A_370 : i32 to index
        %get3A_453 = arith.constant 144 : index
        %get3A_454 = tpu.vector_load %arg7[%get3A_452, %get3A_453] {strides = array<i32>} : memref<80x256xf32, #tpu.memory_space<vmem>>, vector<1x16xf32>,
        %get3A_455 = vector.shape_cast %get3A_454 : vector<1x16xf32> to vector<16xf32>
        %swap3A_456 = arith.index_cast %add3A_370 : i32 to index
        %swap3A_457 = arith.constant 144 : index
        %swap3A_458 = tpu.vector_load %arg9[%swap3A_456, %swap3A_457] {strides = array<i32>} : memref<80x232xf32, #tpu.memory_space<vmem>>, vector<1x16xf32>,
        %swap3A_459 = vector.shape_cast %swap3A_458 : vector<1x16xf32> to vector<16xf32>
        %swap3A_460 = vector.shape_cast %get3A_455 : vector<16xf32> to vector<1x16xf32>
        tpu.vector_store %arg9[%swap3A_456, %swap3A_457], %swap3A_460 {strides = array<i32>} : memref<80x232xf32, #tpu.memory_space<vmem>>, vector<1x16xf32>,
        %get3A_461 = arith.index_cast %add3A_370 : i32 to index
        %get3A_462 = arith.constant 160 : index
        %get3A_463 = tpu.vector_load %arg7[%get3A_461, %get3A_462] {strides = array<i32>} : memref<80x256xf32, #tpu.memory_space<vmem>>, vector<1x16xf32>,
        %get3A_464 = vector.shape_cast %get3A_463 : vector<1x16xf32> to vector<16xf32>
        %swap3A_465 = arith.index_cast %add3A_370 : i32 to index
        %swap3A_466 = arith.constant 160 : index
        %swap3A_467 = tpu.vector_load %arg9[%swap3A_465, %swap3A_466] {strides = array<i32>} : memref<80x232xf32, #tpu.memory_space<vmem>>, vector<1x16xf32>,
        %swap3A_468 = vector.shape_cast %swap3A_467 : vector<1x16xf32> to vector<16xf32>
        %swap3A_469 = vector.shape_cast %get3A_464 : vector<16xf32> to vector<1x16xf32>
        tpu.vector_store %arg9[%swap3A_465, %swap3A_466], %swap3A_469 {strides = array<i32>} : memref<80x232xf32, #tpu.memory_space<vmem>>, vector<1x16xf32>,
        %get3A_470 = arith.index_cast %add3A_370 : i32 to index
        %get3A_471 = arith.constant 176 : index
        %get3A_472 = tpu.vector_load %arg7[%get3A_470, %get3A_471] {strides = array<i32>} : memref<80x256xf32, #tpu.memory_space<vmem>>, vector<1x16xf32>,
        %get3A_473 = vector.shape_cast %get3A_472 : vector<1x16xf32> to vector<16xf32>
        %swap3A_474 = arith.index_cast %add3A_370 : i32 to index
        %swap3A_475 = arith.constant 176 : index
        %swap3A_476 = tpu.vector_load %arg9[%swap3A_474, %swap3A_475] {strides = array<i32>} : memref<80x232xf32, #tpu.memory_space<vmem>>, vector<1x16xf32>,
        %swap3A_477 = vector.shape_cast %swap3A_476 : vector<1x16xf32> to vector<16xf32>
        %swap3A_478 = vector.shape_cast %get3A_473 : vector<16xf32> to vector<1x16xf32>
        tpu.vector_store %arg9[%swap3A_474, %swap3A_475], %swap3A_478 {strides = array<i32>} : memref<80x232xf32, #tpu.memory_space<vmem>>, vector<1x16xf32>,
        %get3A_479 = arith.index_cast %add3A_370 : i32 to index
        %get3A_480 = arith.constant 192 : index
        %get3A_481 = tpu.vector_load %arg7[%get3A_479, %get3A_480] {strides = array<i32>} : memref<80x256xf32, #tpu.memory_space<vmem>>, vector<1x16xf32>,
        %get3A_482 = vector.shape_cast %get3A_481 : vector<1x16xf32> to vector<16xf32>
        %swap3A_483 = arith.index_cast %add3A_370 : i32 to index
        %swap3A_484 = arith.constant 192 : index
        %swap3A_485 = tpu.vector_load %arg9[%swap3A_483, %swap3A_484] {strides = array<i32>} : memref<80x232xf32, #tpu.memory_space<vmem>>, vector<1x16xf32>,
        %swap3A_486 = vector.shape_cast %swap3A_485 : vector<1x16xf32> to vector<16xf32>
        %swap3A_487 = vector.shape_cast %get3A_482 : vector<16xf32> to vector<1x16xf32>
        tpu.vector_store %arg9[%swap3A_483, %swap3A_484], %swap3A_487 {strides = array<i32>} : memref<80x232xf32, #tpu.memory_space<vmem>>, vector<1x16xf32>,
        %get3A_488 = arith.index_cast %add3A_370 : i32 to index
        %get3A_489 = arith.constant 208 : index
        %get3A_490 = tpu.vector_load %arg7[%get3A_488, %get3A_489] {strides = array<i32>} : memref<80x256xf32, #tpu.memory_space<vmem>>, vector<1x16xf32>,
        %get3A_491 = vector.shape_cast %get3A_490 : vector<1x16xf32> to vector<16xf32>
        %swap3A_492 = arith.index_cast %add3A_370 : i32 to index
        %swap3A_493 = arith.constant 208 : index
        %swap3A_494 = tpu.vector_load %arg9[%swap3A_492, %swap3A_493] {strides = array<i32>} : memref<80x232xf32, #tpu.memory_space<vmem>>, vector<1x16xf32>,
        %swap3A_495 = vector.shape_cast %swap3A_494 : vector<1x16xf32> to vector<16xf32>
        %swap3A_496 = vector.shape_cast %get3A_491 : vector<16xf32> to vector<1x16xf32>
        tpu.vector_store %arg9[%swap3A_492, %swap3A_493], %swap3A_496 {strides = array<i32>} : memref<80x232xf32, #tpu.memory_space<vmem>>, vector<1x16xf32>,
        %get3A_497 = arith.index_cast %add3A_370 : i32 to index
        %get3A_498 = arith.constant 216 : index
        %get3A_499 = tpu.vector_load %arg7[%get3A_497, %get3A_498] {strides = array<i32>} : memref<80x256xf32, #tpu.memory_space<vmem>>, vector<1x16xf32>,
        %get3A_500 = vector.shape_cast %get3A_499 : vector<1x16xf32> to vector<16xf32>
        %swap3A_501 = arith.index_cast %add3A_370 : i32 to index
        %swap3A_502 = arith.constant 216 : index
        %swap3A_503 = tpu.vector_load %arg9[%swap3A_501, %swap3A_502] {strides = array<i32>} : memref<80x232xf32, #tpu.memory_space<vmem>>, vector<1x16xf32>,
        %swap3A_504 = vector.shape_cast %swap3A_503 : vector<1x16xf32> to vector<16xf32>
        %swap3A_505 = vector.shape_cast %get3A_500 : vector<16xf32> to vector<1x16xf32>
        tpu.vector_store %arg9[%swap3A_501, %swap3A_502], %swap3A_505 {strides = array<i32>} : memref<80x232xf32, #tpu.memory_space<vmem>>, vector<1x16xf32>,
        %scan3A_506 = arith.constant 3 : i32
        %scan3A_507 = arith.addi %scan3A_86, %scan3A_506 : i32
        %mul3A_508 = arith.constant 1 : i32
        %mul3A_509 = arith.muli %scan3A_507, %mul3A_508 : i32
        %add3A_510 = arith.constant 0 : i32
        %add3A_511 = arith.addi %add3A_510, %mul3A_509 : i32
        %get3A_512 = arith.index_cast %add3A_511 : i32 to index
        %get3A_513 = arith.constant 0 : index
        %get3A_514 = tpu.vector_load %arg7[%get3A_512, %get3A_513] {strides = array<i32>} : memref<80x256xf32, #tpu.memory_space<vmem>>, vector<1x16xf32>,
        %get3A_515 = vector.shape_cast %get3A_514 : vector<1x16xf32> to vector<16xf32>
        %swap3A_516 = arith.index_cast %add3A_511 : i32 to index
        %swap3A_517 = arith.constant 0 : index
        %swap3A_518 = tpu.vector_load %arg9[%swap3A_516, %swap3A_517] {strides = array<i32>} : memref<80x232xf32, #tpu.memory_space<vmem>>, vector<1x16xf32>,
        %swap3A_519 = vector.shape_cast %swap3A_518 : vector<1x16xf32> to vector<16xf32>
        %swap3A_520 = vector.shape_cast %get3A_515 : vector<16xf32> to vector<1x16xf32>
        tpu.vector_store %arg9[%swap3A_516, %swap3A_517], %swap3A_520 {strides = array<i32>} : memref<80x232xf32, #tpu.memory_space<vmem>>, vector<1x16xf32>,
        %get3A_521 = arith.index_cast %add3A_511 : i32 to index
        %get3A_522 = arith.constant 16 : index
        %get3A_523 = tpu.vector_load %arg7[%get3A_521, %get3A_522] {strides = array<i32>} : memref<80x256xf32, #tpu.memory_space<vmem>>, vector<1x16xf32>,
        %get3A_524 = vector.shape_cast %get3A_523 : vector<1x16xf32> to vector<16xf32>
        %swap3A_525 = arith.index_cast %add3A_511 : i32 to index
        %swap3A_526 = arith.constant 16 : index
        %swap3A_527 = tpu.vector_load %arg9[%swap3A_525, %swap3A_526] {strides = array<i32>} : memref<80x232xf32, #tpu.memory_space<vmem>>, vector<1x16xf32>,
        %swap3A_528 = vector.shape_cast %swap3A_527 : vector<1x16xf32> to vector<16xf32>
        %swap3A_529 = vector.shape_cast %get3A_524 : vector<16xf32> to vector<1x16xf32>
        tpu.vector_store %arg9[%swap3A_525, %swap3A_526], %swap3A_529 {strides = array<i32>} : memref<80x232xf32, #tpu.memory_space<vmem>>, vector<1x16xf32>,
        %get3A_530 = arith.index_cast %add3A_511 : i32 to index
        %get3A_531 = arith.constant 32 : index
        %get3A_532 = tpu.vector_load %arg7[%get3A_530, %get3A_531] {strides = array<i32>} : memref<80x256xf32, #tpu.memory_space<vmem>>, vector<1x16xf32>,
        %get3A_533 = vector.shape_cast %get3A_532 : vector<1x16xf32> to vector<16xf32>
        %swap3A_534 = arith.index_cast %add3A_511 : i32 to index
        %swap3A_535 = arith.constant 32 : index
        %swap3A_536 = tpu.vector_load %arg9[%swap3A_534, %swap3A_535] {strides = array<i32>} : memref<80x232xf32, #tpu.memory_space<vmem>>, vector<1x16xf32>,
        %swap3A_537 = vector.shape_cast %swap3A_536 : vector<1x16xf32> to vector<16xf32>
        %swap3A_538 = vector.shape_cast %get3A_533 : vector<16xf32> to vector<1x16xf32>
        tpu.vector_store %arg9[%swap3A_534, %swap3A_535], %swap3A_538 {strides = array<i32>} : memref<80x232xf32, #tpu.memory_space<vmem>>, vector<1x16xf32>,
        %get3A_539 = arith.index_cast %add3A_511 : i32 to index
        %get3A_540 = arith.constant 48 : index
        %get3A_541 = tpu.vector_load %arg7[%get3A_539, %get3A_540] {strides = array<i32>} : memref<80x256xf32, #tpu.memory_space<vmem>>, vector<1x16xf32>,
        %get3A_542 = vector.shape_cast %get3A_541 : vector<1x16xf32> to vector<16xf32>
        %swap3A_543 = arith.index_cast %add3A_511 : i32 to index
        %swap3A_544 = arith.constant 48 : index
        %swap3A_545 = tpu.vector_load %arg9[%swap3A_543, %swap3A_544] {strides = array<i32>} : memref<80x232xf32, #tpu.memory_space<vmem>>, vector<1x16xf32>,
        %swap3A_546 = vector.shape_cast %swap3A_545 : vector<1x16xf32> to vector<16xf32>
        %swap3A_547 = vector.shape_cast %get3A_542 : vector<16xf32> to vector<1x16xf32>
        tpu.vector_store %arg9[%swap3A_543, %swap3A_544], %swap3A_547 {strides = array<i32>} : memref<80x232xf32, #tpu.memory_space<vmem>>, vector<1x16xf32>,
        %get3A_548 = arith.index_cast %add3A_511 : i32 to index
        %get3A_549 = arith.constant 64 : index
        %get3A_550 = tpu.vector_load %arg7[%get3A_548, %get3A_549] {strides = array<i32>} : memref<80x256xf32, #tpu.memory_space<vmem>>, vector<1x16xf32>,
        %get3A_551 = vector.shape_cast %get3A_550 : vector<1x16xf32> to vector<16xf32>
        %swap3A_552 = arith.index_cast %add3A_511 : i32 to index
        %swap3A_553 = arith.constant 64 : index
        %swap3A_554 = tpu.vector_load %arg9[%swap3A_552, %swap3A_553] {strides = array<i32>} : memref<80x232xf32, #tpu.memory_space<vmem>>, vector<1x16xf32>,
        %swap3A_555 = vector.shape_cast %swap3A_554 : vector<1x16xf32> to vector<16xf32>
        %swap3A_556 = vector.shape_cast %get3A_551 : vector<16xf32> to vector<1x16xf32>
        tpu.vector_store %arg9[%swap3A_552, %swap3A_553], %swap3A_556 {strides = array<i32>} : memref<80x232xf32, #tpu.memory_space<vmem>>, vector<1x16xf32>,
        %get3A_557 = arith.index_cast %add3A_511 : i32 to index
        %get3A_558 = arith.constant 80 : index
        %get3A_559 = tpu.vector_load %arg7[%get3A_557, %get3A_558] {strides = array<i32>} : memref<80x256xf32, #tpu.memory_space<vmem>>, vector<1x16xf32>,
        %get3A_560 = vector.shape_cast %get3A_559 : vector<1x16xf32> to vector<16xf32>
        %swap3A_561 = arith.index_cast %add3A_511 : i32 to index
        %swap3A_562 = arith.constant 80 : index
        %swap3A_563 = tpu.vector_load %arg9[%swap3A_561, %swap3A_562] {strides = array<i32>} : memref<80x232xf32, #tpu.memory_space<vmem>>, vector<1x16xf32>,
        %swap3A_564 = vector.shape_cast %swap3A_563 : vector<1x16xf32> to vector<16xf32>
        %swap3A_565 = vector.shape_cast %get3A_560 : vector<16xf32> to vector<1x16xf32>
        tpu.vector_store %arg9[%swap3A_561, %swap3A_562], %swap3A_565 {strides = array<i32>} : memref<80x232xf32, #tpu.memory_space<vmem>>, vector<1x16xf32>,
        %get3A_566 = arith.index_cast %add3A_511 : i32 to index
        %get3A_567 = arith.constant 96 : index
        %get3A_568 = tpu.vector_load %arg7[%get3A_566, %get3A_567] {strides = array<i32>} : memref<80x256xf32, #tpu.memory_space<vmem>>, vector<1x16xf32>,
        %get3A_569 = vector.shape_cast %get3A_568 : vector<1x16xf32> to vector<16xf32>
        %swap3A_570 = arith.index_cast %add3A_511 : i32 to index
        %swap3A_571 = arith.constant 96 : index
        %swap3A_572 = tpu.vector_load %arg9[%swap3A_570, %swap3A_571] {strides = array<i32>} : memref<80x232xf32, #tpu.memory_space<vmem>>, vector<1x16xf32>,
        %swap3A_573 = vector.shape_cast %swap3A_572 : vector<1x16xf32> to vector<16xf32>
        %swap3A_574 = vector.shape_cast %get3A_569 : vector<16xf32> to vector<1x16xf32>
        tpu.vector_store %arg9[%swap3A_570, %swap3A_571], %swap3A_574 {strides = array<i32>} : memref<80x232xf32, #tpu.memory_space<vmem>>, vector<1x16xf32>,
        %get3A_575 = arith.index_cast %add3A_511 : i32 to index
        %get3A_576 = arith.constant 112 : index
        %get3A_577 = tpu.vector_load %arg7[%get3A_575, %get3A_576] {strides = array<i32>} : memref<80x256xf32, #tpu.memory_space<vmem>>, vector<1x16xf32>,
        %get3A_578 = vector.shape_cast %get3A_577 : vector<1x16xf32> to vector<16xf32>
        %swap3A_579 = arith.index_cast %add3A_511 : i32 to index
        %swap3A_580 = arith.constant 112 : index
        %swap3A_581 = tpu.vector_load %arg9[%swap3A_579, %swap3A_580] {strides = array<i32>} : memref<80x232xf32, #tpu.memory_space<vmem>>, vector<1x16xf32>,
        %swap3A_582 = vector.shape_cast %swap3A_581 : vector<1x16xf32> to vector<16xf32>
        %swap3A_583 = vector.shape_cast %get3A_578 : vector<16xf32> to vector<1x16xf32>
        tpu.vector_store %arg9[%swap3A_579, %swap3A_580], %swap3A_583 {strides = array<i32>} : memref<80x232xf32, #tpu.memory_space<vmem>>, vector<1x16xf32>,
        %get3A_584 = arith.index_cast %add3A_511 : i32 to index
        %get3A_585 = arith.constant 128 : index
        %get3A_586 = tpu.vector_load %arg7[%get3A_584, %get3A_585] {strides = array<i32>} : memref<80x256xf32, #tpu.memory_space<vmem>>, vector<1x16xf32>,
        %get3A_587 = vector.shape_cast %get3A_586 : vector<1x16xf32> to vector<16xf32>
        %swap3A_588 = arith.index_cast %add3A_511 : i32 to index
        %swap3A_589 = arith.constant 128 : index
        %swap3A_590 = tpu.vector_load %arg9[%swap3A_588, %swap3A_589] {strides = array<i32>} : memref<80x232xf32, #tpu.memory_space<vmem>>, vector<1x16xf32>,
        %swap3A_591 = vector.shape_cast %swap3A_590 : vector<1x16xf32> to vector<16xf32>
        %swap3A_592 = vector.shape_cast %get3A_587 : vector<16xf32> to vector<1x16xf32>
        tpu.vector_store %arg9[%swap3A_588, %swap3A_589], %swap3A_592 {strides = array<i32>} : memref<80x232xf32, #tpu.memory_space<vmem>>, vector<1x16xf32>,
        %get3A_593 = arith.index_cast %add3A_511 : i32 to index
        %get3A_594 = arith.constant 144 : index
        %get3A_595 = tpu.vector_load %arg7[%get3A_593, %get3A_594] {strides = array<i32>} : memref<80x256xf32, #tpu.memory_space<vmem>>, vector<1x16xf32>,
        %get3A_596 = vector.shape_cast %get3A_595 : vector<1x16xf32> to vector<16xf32>
        %swap3A_597 = arith.index_cast %add3A_511 : i32 to index
        %swap3A_598 = arith.constant 144 : index
        %swap3A_599 = tpu.vector_load %arg9[%swap3A_597, %swap3A_598] {strides = array<i32>} : memref<80x232xf32, #tpu.memory_space<vmem>>, vector<1x16xf32>,
        %swap3A_600 = vector.shape_cast %swap3A_599 : vector<1x16xf32> to vector<16xf32>
        %swap3A_601 = vector.shape_cast %get3A_596 : vector<16xf32> to vector<1x16xf32>
        tpu.vector_store %arg9[%swap3A_597, %swap3A_598], %swap3A_601 {strides = array<i32>} : memref<80x232xf32, #tpu.memory_space<vmem>>, vector<1x16xf32>,
        %get3A_602 = arith.index_cast %add3A_511 : i32 to index
        %get3A_603 = arith.constant 160 : index
        %get3A_604 = tpu.vector_load %arg7[%get3A_602, %get3A_603] {strides = array<i32>} : memref<80x256xf32, #tpu.memory_space<vmem>>, vector<1x16xf32>,
        %get3A_605 = vector.shape_cast %get3A_604 : vector<1x16xf32> to vector<16xf32>
        %swap3A_606 = arith.index_cast %add3A_511 : i32 to index
        %swap3A_607 = arith.constant 160 : index
        %swap3A_608 = tpu.vector_load %arg9[%swap3A_606, %swap3A_607] {strides = array<i32>} : memref<80x232xf32, #tpu.memory_space<vmem>>, vector<1x16xf32>,
        %swap3A_609 = vector.shape_cast %swap3A_608 : vector<1x16xf32> to vector<16xf32>
        %swap3A_610 = vector.shape_cast %get3A_605 : vector<16xf32> to vector<1x16xf32>
        tpu.vector_store %arg9[%swap3A_606, %swap3A_607], %swap3A_610 {strides = array<i32>} : memref<80x232xf32, #tpu.memory_space<vmem>>, vector<1x16xf32>,
        %get3A_611 = arith.index_cast %add3A_511 : i32 to index
        %get3A_612 = arith.constant 176 : index
        %get3A_613 = tpu.vector_load %arg7[%get3A_611, %get3A_612] {strides = array<i32>} : memref<80x256xf32, #tpu.memory_space<vmem>>, vector<1x16xf32>,
        %get3A_614 = vector.shape_cast %get3A_613 : vector<1x16xf32> to vector<16xf32>
        %swap3A_615 = arith.index_cast %add3A_511 : i32 to index
        %swap3A_616 = arith.constant 176 : index
        %swap3A_617 = tpu.vector_load %arg9[%swap3A_615, %swap3A_616] {strides = array<i32>} : memref<80x232xf32, #tpu.memory_space<vmem>>, vector<1x16xf32>,
        %swap3A_618 = vector.shape_cast %swap3A_617 : vector<1x16xf32> to vector<16xf32>
        %swap3A_619 = vector.shape_cast %get3A_614 : vector<16xf32> to vector<1x16xf32>
        tpu.vector_store %arg9[%swap3A_615, %swap3A_616], %swap3A_619 {strides = array<i32>} : memref<80x232xf32, #tpu.memory_space<vmem>>, vector<1x16xf32>,
        %get3A_620 = arith.index_cast %add3A_511 : i32 to index
        %get3A_621 = arith.constant 192 : index
        %get3A_622 = tpu.vector_load %arg7[%get3A_620, %get3A_621] {strides = array<i32>} : memref<80x256xf32, #tpu.memory_space<vmem>>, vector<1x16xf32>,
        %get3A_623 = vector.shape_cast %get3A_622 : vector<1x16xf32> to vector<16xf32>
        %swap3A_624 = arith.index_cast %add3A_511 : i32 to index
        %swap3A_625 = arith.constant 192 : index
        %swap3A_626 = tpu.vector_load %arg9[%swap3A_624, %swap3A_625] {strides = array<i32>} : memref<80x232xf32, #tpu.memory_space<vmem>>, vector<1x16xf32>,
        %swap3A_627 = vector.shape_cast %swap3A_626 : vector<1x16xf32> to vector<16xf32>
        %swap3A_628 = vector.shape_cast %get3A_623 : vector<16xf32> to vector<1x16xf32>
        tpu.vector_store %arg9[%swap3A_624, %swap3A_625], %swap3A_628 {strides = array<i32>} : memref<80x232xf32, #tpu.memory_space<vmem>>, vector<1x16xf32>,
        %get3A_629 = arith.index_cast %add3A_511 : i32 to index
        %get3A_630 = arith.constant 208 : index
        %get3A_631 = tpu.vector_load %arg7[%get3A_629, %get3A_630] {strides = array<i32>} : memref<80x256xf32, #tpu.memory_space<vmem>>, vector<1x16xf32>,
        %get3A_632 = vector.shape_cast %get3A_631 : vector<1x16xf32> to vector<16xf32>
        %swap3A_633 = arith.index_cast %add3A_511 : i32 to index
        %swap3A_634 = arith.constant 208 : index
        %swap3A_635 = tpu.vector_load %arg9[%swap3A_633, %swap3A_634] {strides = array<i32>} : memref<80x232xf32, #tpu.memory_space<vmem>>, vector<1x16xf32>,
        %swap3A_636 = vector.shape_cast %swap3A_635 : vector<1x16xf32> to vector<16xf32>
        %swap3A_637 = vector.shape_cast %get3A_632 : vector<16xf32> to vector<1x16xf32>
        tpu.vector_store %arg9[%swap3A_633, %swap3A_634], %swap3A_637 {strides = array<i32>} : memref<80x232xf32, #tpu.memory_space<vmem>>, vector<1x16xf32>,
        %get3A_638 = arith.index_cast %add3A_511 : i32 to index
        %get3A_639 = arith.constant 216 : index
        %get3A_640 = tpu.vector_load %arg7[%get3A_638, %get3A_639] {strides = array<i32>} : memref<80x256xf32, #tpu.memory_space<vmem>>, vector<1x16xf32>,
        %get3A_641 = vector.shape_cast %get3A_640 : vector<1x16xf32> to vector<16xf32>
        %swap3A_642 = arith.index_cast %add3A_511 : i32 to index
        %swap3A_643 = arith.constant 216 : index
        %swap3A_644 = tpu.vector_load %arg9[%swap3A_642, %swap3A_643] {strides = array<i32>} : memref<80x232xf32, #tpu.memory_space<vmem>>, vector<1x16xf32>,
        %swap3A_645 = vector.shape_cast %swap3A_644 : vector<1x16xf32> to vector<16xf32>
        %swap3A_646 = vector.shape_cast %get3A_641 : vector<16xf32> to vector<1x16xf32>
        tpu.vector_store %arg9[%swap3A_642, %swap3A_643], %swap3A_646 {strides = array<i32>} : memref<80x232xf32, #tpu.memory_space<vmem>>, vector<1x16xf32>,
        %scan3A_647 = arith.constant 4 : i32
        %scan3A_648 = arith.addi %scan3A_86, %scan3A_647 : i32
        %mul3A_649 = arith.constant 1 : i32
        %mul3A_650 = arith.muli %scan3A_648, %mul3A_649 : i32
        %add3A_651 = arith.constant 0 : i32
        %add3A_652 = arith.addi %add3A_651, %mul3A_650 : i32
        %get3A_653 = arith.index_cast %add3A_652 : i32 to index
        %get3A_654 = arith.constant 0 : index
        %get3A_655 = tpu.vector_load %arg7[%get3A_653, %get3A_654] {strides = array<i32>} : memref<80x256xf32, #tpu.memory_space<vmem>>, vector<1x16xf32>,
        %get3A_656 = vector.shape_cast %get3A_655 : vector<1x16xf32> to vector<16xf32>
        %swap3A_657 = arith.index_cast %add3A_652 : i32 to index
        %swap3A_658 = arith.constant 0 : index
        %swap3A_659 = tpu.vector_load %arg9[%swap3A_657, %swap3A_658] {strides = array<i32>} : memref<80x232xf32, #tpu.memory_space<vmem>>, vector<1x16xf32>,
        %swap3A_660 = vector.shape_cast %swap3A_659 : vector<1x16xf32> to vector<16xf32>
        %swap3A_661 = vector.shape_cast %get3A_656 : vector<16xf32> to vector<1x16xf32>
        tpu.vector_store %arg9[%swap3A_657, %swap3A_658], %swap3A_661 {strides = array<i32>} : memref<80x232xf32, #tpu.memory_space<vmem>>, vector<1x16xf32>,
        %get3A_662 = arith.index_cast %add3A_652 : i32 to index
        %get3A_663 = arith.constant 16 : index
        %get3A_664 = tpu.vector_load %arg7[%get3A_662, %get3A_663] {strides = array<i32>} : memref<80x256xf32, #tpu.memory_space<vmem>>, vector<1x16xf32>,
        %get3A_665 = vector.shape_cast %get3A_664 : vector<1x16xf32> to vector<16xf32>
        %swap3A_666 = arith.index_cast %add3A_652 : i32 to index
        %swap3A_667 = arith.constant 16 : index
        %swap3A_668 = tpu.vector_load %arg9[%swap3A_666, %swap3A_667] {strides = array<i32>} : memref<80x232xf32, #tpu.memory_space<vmem>>, vector<1x16xf32>,
        %swap3A_669 = vector.shape_cast %swap3A_668 : vector<1x16xf32> to vector<16xf32>
        %swap3A_670 = vector.shape_cast %get3A_665 : vector<16xf32> to vector<1x16xf32>
        tpu.vector_store %arg9[%swap3A_666, %swap3A_667], %swap3A_670 {strides = array<i32>} : memref<80x232xf32, #tpu.memory_space<vmem>>, vector<1x16xf32>,
        %get3A_671 = arith.index_cast %add3A_652 : i32 to index
        %get3A_672 = arith.constant 32 : index
        %get3A_673 = tpu.vector_load %arg7[%get3A_671, %get3A_672] {strides = array<i32>} : memref<80x256xf32, #tpu.memory_space<vmem>>, vector<1x16xf32>,
        %get3A_674 = vector.shape_cast %get3A_673 : vector<1x16xf32> to vector<16xf32>
        %swap3A_675 = arith.index_cast %add3A_652 : i32 to index
        %swap3A_676 = arith.constant 32 : index
        %swap3A_677 = tpu.vector_load %arg9[%swap3A_675, %swap3A_676] {strides = array<i32>} : memref<80x232xf32, #tpu.memory_space<vmem>>, vector<1x16xf32>,
        %swap3A_678 = vector.shape_cast %swap3A_677 : vector<1x16xf32> to vector<16xf32>
        %swap3A_679 = vector.shape_cast %get3A_674 : vector<16xf32> to vector<1x16xf32>
        tpu.vector_store %arg9[%swap3A_675, %swap3A_676], %swap3A_679 {strides = array<i32>} : memref<80x232xf32, #tpu.memory_space<vmem>>, vector<1x16xf32>,
        %get3A_680 = arith.index_cast %add3A_652 : i32 to index
        %get3A_681 = arith.constant 48 : index
        %get3A_682 = tpu.vector_load %arg7[%get3A_680, %get3A_681] {strides = array<i32>} : memref<80x256xf32, #tpu.memory_space<vmem>>, vector<1x16xf32>,
        %get3A_683 = vector.shape_cast %get3A_682 : vector<1x16xf32> to vector<16xf32>
        %swap3A_684 = arith.index_cast %add3A_652 : i32 to index
        %swap3A_685 = arith.constant 48 : index
        %swap3A_686 = tpu.vector_load %arg9[%swap3A_684, %swap3A_685] {strides = array<i32>} : memref<80x232xf32, #tpu.memory_space<vmem>>, vector<1x16xf32>,
        %swap3A_687 = vector.shape_cast %swap3A_686 : vector<1x16xf32> to vector<16xf32>
        %swap3A_688 = vector.shape_cast %get3A_683 : vector<16xf32> to vector<1x16xf32>
        tpu.vector_store %arg9[%swap3A_684, %swap3A_685], %swap3A_688 {strides = array<i32>} : memref<80x232xf32, #tpu.memory_space<vmem>>, vector<1x16xf32>,
        %get3A_689 = arith.index_cast %add3A_652 : i32 to index
        %get3A_690 = arith.constant 64 : index
        %get3A_691 = tpu.vector_load %arg7[%get3A_689, %get3A_690] {strides = array<i32>} : memref<80x256xf32, #tpu.memory_space<vmem>>, vector<1x16xf32>,
        %get3A_692 = vector.shape_cast %get3A_691 : vector<1x16xf32> to vector<16xf32>
        %swap3A_693 = arith.index_cast %add3A_652 : i32 to index
        %swap3A_694 = arith.constant 64 : index
        %swap3A_695 = tpu.vector_load %arg9[%swap3A_693, %swap3A_694] {strides = array<i32>} : memref<80x232xf32, #tpu.memory_space<vmem>>, vector<1x16xf32>,
        %swap3A_696 = vector.shape_cast %swap3A_695 : vector<1x16xf32> to vector<16xf32>
        %swap3A_697 = vector.shape_cast %get3A_692 : vector<16xf32> to vector<1x16xf32>
        tpu.vector_store %arg9[%swap3A_693, %swap3A_694], %swap3A_697 {strides = array<i32>} : memref<80x232xf32, #tpu.memory_space<vmem>>, vector<1x16xf32>,
        %get3A_698 = arith.index_cast %add3A_652 : i32 to index
        %get3A_699 = arith.constant 80 : index
        %get3A_700 = tpu.vector_load %arg7[%get3A_698, %get3A_699] {strides = array<i32>} : memref<80x256xf32, #tpu.memory_space<vmem>>, vector<1x16xf32>,
        %get3A_701 = vector.shape_cast %get3A_700 : vector<1x16xf32> to vector<16xf32>
        %swap3A_702 = arith.index_cast %add3A_652 : i32 to index
        %swap3A_703 = arith.constant 80 : index
        %swap3A_704 = tpu.vector_load %arg9[%swap3A_702, %swap3A_703] {strides = array<i32>} : memref<80x232xf32, #tpu.memory_space<vmem>>, vector<1x16xf32>,
        %swap3A_705 = vector.shape_cast %swap3A_704 : vector<1x16xf32> to vector<16xf32>
        %swap3A_706 = vector.shape_cast %get3A_701 : vector<16xf32> to vector<1x16xf32>
        tpu.vector_store %arg9[%swap3A_702, %swap3A_703], %swap3A_706 {strides = array<i32>} : memref<80x232xf32, #tpu.memory_space<vmem>>, vector<1x16xf32>,
        %get3A_707 = arith.index_cast %add3A_652 : i32 to index
        %get3A_708 = arith.constant 96 : index
        %get3A_709 = tpu.vector_load %arg7[%get3A_707, %get3A_708] {strides = array<i32>} : memref<80x256xf32, #tpu.memory_space<vmem>>, vector<1x16xf32>,
        %get3A_710 = vector.shape_cast %get3A_709 : vector<1x16xf32> to vector<16xf32>
        %swap3A_711 = arith.index_cast %add3A_652 : i32 to index
        %swap3A_712 = arith.constant 96 : index
        %swap3A_713 = tpu.vector_load %arg9[%swap3A_711, %swap3A_712] {strides = array<i32>} : memref<80x232xf32, #tpu.memory_space<vmem>>, vector<1x16xf32>,
        %swap3A_714 = vector.shape_cast %swap3A_713 : vector<1x16xf32> to vector<16xf32>
        %swap3A_715 = vector.shape_cast %get3A_710 : vector<16xf32> to vector<1x16xf32>
        tpu.vector_store %arg9[%swap3A_711, %swap3A_712], %swap3A_715 {strides = array<i32>} : memref<80x232xf32, #tpu.memory_space<vmem>>, vector<1x16xf32>,
        %get3A_716 = arith.index_cast %add3A_652 : i32 to index
        %get3A_717 = arith.constant 112 : index
        %get3A_718 = tpu.vector_load %arg7[%get3A_716, %get3A_717] {strides = array<i32>} : memref<80x256xf32, #tpu.memory_space<vmem>>, vector<1x16xf32>,
        %get3A_719 = vector.shape_cast %get3A_718 : vector<1x16xf32> to vector<16xf32>
        %swap3A_720 = arith.index_cast %add3A_652 : i32 to index
        %swap3A_721 = arith.constant 112 : index
        %swap3A_722 = tpu.vector_load %arg9[%swap3A_720, %swap3A_721] {strides = array<i32>} : memref<80x232xf32, #tpu.memory_space<vmem>>, vector<1x16xf32>,
        %swap3A_723 = vector.shape_cast %swap3A_722 : vector<1x16xf32> to vector<16xf32>
        %swap3A_724 = vector.shape_cast %get3A_719 : vector<16xf32> to vector<1x16xf32>
        tpu.vector_store %arg9[%swap3A_720, %swap3A_721], %swap3A_724 {strides = array<i32>} : memref<80x232xf32, #tpu.memory_space<vmem>>, vector<1x16xf32>,
        %get3A_725 = arith.index_cast %add3A_652 : i32 to index
        %get3A_726 = arith.constant 128 : index
        %get3A_727 = tpu.vector_load %arg7[%get3A_725, %get3A_726] {strides = array<i32>} : memref<80x256xf32, #tpu.memory_space<vmem>>, vector<1x16xf32>,
        %get3A_728 = vector.shape_cast %get3A_727 : vector<1x16xf32> to vector<16xf32>
        %swap3A_729 = arith.index_cast %add3A_652 : i32 to index
        %swap3A_730 = arith.constant 128 : index
        %swap3A_731 = tpu.vector_load %arg9[%swap3A_729, %swap3A_730] {strides = array<i32>} : memref<80x232xf32, #tpu.memory_space<vmem>>, vector<1x16xf32>,
        %swap3A_732 = vector.shape_cast %swap3A_731 : vector<1x16xf32> to vector<16xf32>
        %swap3A_733 = vector.shape_cast %get3A_728 : vector<16xf32> to vector<1x16xf32>
        tpu.vector_store %arg9[%swap3A_729, %swap3A_730], %swap3A_733 {strides = array<i32>} : memref<80x232xf32, #tpu.memory_space<vmem>>, vector<1x16xf32>,
        %get3A_734 = arith.index_cast %add3A_652 : i32 to index
        %get3A_735 = arith.constant 144 : index
        %get3A_736 = tpu.vector_load %arg7[%get3A_734, %get3A_735] {strides = array<i32>} : memref<80x256xf32, #tpu.memory_space<vmem>>, vector<1x16xf32>,
        %get3A_737 = vector.shape_cast %get3A_736 : vector<1x16xf32> to vector<16xf32>
        %swap3A_738 = arith.index_cast %add3A_652 : i32 to index
        %swap3A_739 = arith.constant 144 : index
        %swap3A_740 = tpu.vector_load %arg9[%swap3A_738, %swap3A_739] {strides = array<i32>} : memref<80x232xf32, #tpu.memory_space<vmem>>, vector<1x16xf32>,
        %swap3A_741 = vector.shape_cast %swap3A_740 : vector<1x16xf32> to vector<16xf32>
        %swap3A_742 = vector.shape_cast %get3A_737 : vector<16xf32> to vector<1x16xf32>
        tpu.vector_store %arg9[%swap3A_738, %swap3A_739], %swap3A_742 {strides = array<i32>} : memref<80x232xf32, #tpu.memory_space<vmem>>, vector<1x16xf32>,
        %get3A_743 = arith.index_cast %add3A_652 : i32 to index
        %get3A_744 = arith.constant 160 : index
        %get3A_745 = tpu.vector_load %arg7[%get3A_743, %get3A_744] {strides = array<i32>} : memref<80x256xf32, #tpu.memory_space<vmem>>, vector<1x16xf32>,
        %get3A_746 = vector.shape_cast %get3A_745 : vector<1x16xf32> to vector<16xf32>
        %swap3A_747 = arith.index_cast %add3A_652 : i32 to index
        %swap3A_748 = arith.constant 160 : index
        %swap3A_749 = tpu.vector_load %arg9[%swap3A_747, %swap3A_748] {strides = array<i32>} : memref<80x232xf32, #tpu.memory_space<vmem>>, vector<1x16xf32>,
        %swap3A_750 = vector.shape_cast %swap3A_749 : vector<1x16xf32> to vector<16xf32>
        %swap3A_751 = vector.shape_cast %get3A_746 : vector<16xf32> to vector<1x16xf32>
        tpu.vector_store %arg9[%swap3A_747, %swap3A_748], %swap3A_751 {strides = array<i32>} : memref<80x232xf32, #tpu.memory_space<vmem>>, vector<1x16xf32>,
        %get3A_752 = arith.index_cast %add3A_652 : i32 to index
        %get3A_753 = arith.constant 176 : index
        %get3A_754 = tpu.vector_load %arg7[%get3A_752, %get3A_753] {strides = array<i32>} : memref<80x256xf32, #tpu.memory_space<vmem>>, vector<1x16xf32>,
        %get3A_755 = vector.shape_cast %get3A_754 : vector<1x16xf32> to vector<16xf32>
        %swap3A_756 = arith.index_cast %add3A_652 : i32 to index
        %swap3A_757 = arith.constant 176 : index
        %swap3A_758 = tpu.vector_load %arg9[%swap3A_756, %swap3A_757] {strides = array<i32>} : memref<80x232xf32, #tpu.memory_space<vmem>>, vector<1x16xf32>,
        %swap3A_759 = vector.shape_cast %swap3A_758 : vector<1x16xf32> to vector<16xf32>
        %swap3A_760 = vector.shape_cast %get3A_755 : vector<16xf32> to vector<1x16xf32>
        tpu.vector_store %arg9[%swap3A_756, %swap3A_757], %swap3A_760 {strides = array<i32>} : memref<80x232xf32, #tpu.memory_space<vmem>>, vector<1x16xf32>,
        %get3A_761 = arith.index_cast %add3A_652 : i32 to index
        %get3A_762 = arith.constant 192 : index
        %get3A_763 = tpu.vector_load %arg7[%get3A_761, %get3A_762] {strides = array<i32>} : memref<80x256xf32, #tpu.memory_space<vmem>>, vector<1x16xf32>,
        %get3A_764 = vector.shape_cast %get3A_763 : vector<1x16xf32> to vector<16xf32>
        %swap3A_765 = arith.index_cast %add3A_652 : i32 to index
        %swap3A_766 = arith.constant 192 : index
        %swap3A_767 = tpu.vector_load %arg9[%swap3A_765, %swap3A_766] {strides = array<i32>} : memref<80x232xf32, #tpu.memory_space<vmem>>, vector<1x16xf32>,
        %swap3A_768 = vector.shape_cast %swap3A_767 : vector<1x16xf32> to vector<16xf32>
        %swap3A_769 = vector.shape_cast %get3A_764 : vector<16xf32> to vector<1x16xf32>
        tpu.vector_store %arg9[%swap3A_765, %swap3A_766], %swap3A_769 {strides = array<i32>} : memref<80x232xf32, #tpu.memory_space<vmem>>, vector<1x16xf32>,
        %get3A_770 = arith.index_cast %add3A_652 : i32 to index
        %get3A_771 = arith.constant 208 : index
        %get3A_772 = tpu.vector_load %arg7[%get3A_770, %get3A_771] {strides = array<i32>} : memref<80x256xf32, #tpu.memory_space<vmem>>, vector<1x16xf32>,
        %get3A_773 = vector.shape_cast %get3A_772 : vector<1x16xf32> to vector<16xf32>
        %swap3A_774 = arith.index_cast %add3A_652 : i32 to index
        %swap3A_775 = arith.constant 208 : index
        %swap3A_776 = tpu.vector_load %arg9[%swap3A_774, %swap3A_775] {strides = array<i32>} : memref<80x232xf32, #tpu.memory_space<vmem>>, vector<1x16xf32>,
        %swap3A_777 = vector.shape_cast %swap3A_776 : vector<1x16xf32> to vector<16xf32>
        %swap3A_778 = vector.shape_cast %get3A_773 : vector<16xf32> to vector<1x16xf32>
        tpu.vector_store %arg9[%swap3A_774, %swap3A_775], %swap3A_778 {strides = array<i32>} : memref<80x232xf32, #tpu.memory_space<vmem>>, vector<1x16xf32>,
        %get3A_779 = arith.index_cast %add3A_652 : i32 to index
        %get3A_780 = arith.constant 216 : index
        %get3A_781 = tpu.vector_load %arg7[%get3A_779, %get3A_780] {strides = array<i32>} : memref<80x256xf32, #tpu.memory_space<vmem>>, vector<1x16xf32>,
        %get3A_782 = vector.shape_cast %get3A_781 : vector<1x16xf32> to vector<16xf32>
        %swap3A_783 = arith.index_cast %add3A_652 : i32 to index
        %swap3A_784 = arith.constant 216 : index
        %swap3A_785 = tpu.vector_load %arg9[%swap3A_783, %swap3A_784] {strides = array<i32>} : memref<80x232xf32, #tpu.memory_space<vmem>>, vector<1x16xf32>,
        %swap3A_786 = vector.shape_cast %swap3A_785 : vector<1x16xf32> to vector<16xf32>
        %swap3A_787 = vector.shape_cast %get3A_782 : vector<16xf32> to vector<1x16xf32>
        tpu.vector_store %arg9[%swap3A_783, %swap3A_784], %swap3A_787 {strides = array<i32>} : memref<80x232xf32, #tpu.memory_space<vmem>>, vector<1x16xf32>,
        %scan3A_788 = arith.constant 5 : i32
        %scan3A_789 = arith.addi %scan3A_86, %scan3A_788 : i32
        %mul3A_790 = arith.constant 1 : i32
        %mul3A_791 = arith.muli %scan3A_789, %mul3A_790 : i32
        %add3A_792 = arith.constant 0 : i32
        %add3A_793 = arith.addi %add3A_792, %mul3A_791 : i32
        %get3A_794 = arith.index_cast %add3A_793 : i32 to index
        %get3A_795 = arith.constant 0 : index
        %get3A_796 = tpu.vector_load %arg7[%get3A_794, %get3A_795] {strides = array<i32>} : memref<80x256xf32, #tpu.memory_space<vmem>>, vector<1x16xf32>,
        %get3A_797 = vector.shape_cast %get3A_796 : vector<1x16xf32> to vector<16xf32>
        %swap3A_798 = arith.index_cast %add3A_793 : i32 to index
        %swap3A_799 = arith.constant 0 : index
        %swap3A_800 = tpu.vector_load %arg9[%swap3A_798, %swap3A_799] {strides = array<i32>} : memref<80x232xf32, #tpu.memory_space<vmem>>, vector<1x16xf32>,
        %swap3A_801 = vector.shape_cast %swap3A_800 : vector<1x16xf32> to vector<16xf32>
        %swap3A_802 = vector.shape_cast %get3A_797 : vector<16xf32> to vector<1x16xf32>
        tpu.vector_store %arg9[%swap3A_798, %swap3A_799], %swap3A_802 {strides = array<i32>} : memref<80x232xf32, #tpu.memory_space<vmem>>, vector<1x16xf32>,
        %get3A_803 = arith.index_cast %add3A_793 : i32 to index
        %get3A_804 = arith.constant 16 : index
        %get3A_805 = tpu.vector_load %arg7[%get3A_803, %get3A_804] {strides = array<i32>} : memref<80x256xf32, #tpu.memory_space<vmem>>, vector<1x16xf32>,
        %get3A_806 = vector.shape_cast %get3A_805 : vector<1x16xf32> to vector<16xf32>
        %swap3A_807 = arith.index_cast %add3A_793 : i32 to index
        %swap3A_808 = arith.constant 16 : index
        %swap3A_809 = tpu.vector_load %arg9[%swap3A_807, %swap3A_808] {strides = array<i32>} : memref<80x232xf32, #tpu.memory_space<vmem>>, vector<1x16xf32>,
        %swap3A_810 = vector.shape_cast %swap3A_809 : vector<1x16xf32> to vector<16xf32>
        %swap3A_811 = vector.shape_cast %get3A_806 : vector<16xf32> to vector<1x16xf32>
        tpu.vector_store %arg9[%swap3A_807, %swap3A_808], %swap3A_811 {strides = array<i32>} : memref<80x232xf32, #tpu.memory_space<vmem>>, vector<1x16xf32>,
        %get3A_812 = arith.index_cast %add3A_793 : i32 to index
        %get3A_813 = arith.constant 32 : index
        %get3A_814 = tpu.vector_load %arg7[%get3A_812, %get3A_813] {strides = array<i32>} : memref<80x256xf32, #tpu.memory_space<vmem>>, vector<1x16xf32>,
        %get3A_815 = vector.shape_cast %get3A_814 : vector<1x16xf32> to vector<16xf32>
        %swap3A_816 = arith.index_cast %add3A_793 : i32 to index
        %swap3A_817 = arith.constant 32 : index
        %swap3A_818 = tpu.vector_load %arg9[%swap3A_816, %swap3A_817] {strides = array<i32>} : memref<80x232xf32, #tpu.memory_space<vmem>>, vector<1x16xf32>,
        %swap3A_819 = vector.shape_cast %swap3A_818 : vector<1x16xf32> to vector<16xf32>
        %swap3A_820 = vector.shape_cast %get3A_815 : vector<16xf32> to vector<1x16xf32>
        tpu.vector_store %arg9[%swap3A_816, %swap3A_817], %swap3A_820 {strides = array<i32>} : memref<80x232xf32, #tpu.memory_space<vmem>>, vector<1x16xf32>,
        %get3A_821 = arith.index_cast %add3A_793 : i32 to index
        %get3A_822 = arith.constant 48 : index
        %get3A_823 = tpu.vector_load %arg7[%get3A_821, %get3A_822] {strides = array<i32>} : memref<80x256xf32, #tpu.memory_space<vmem>>, vector<1x16xf32>,
        %get3A_824 = vector.shape_cast %get3A_823 : vector<1x16xf32> to vector<16xf32>
        %swap3A_825 = arith.index_cast %add3A_793 : i32 to index
        %swap3A_826 = arith.constant 48 : index
        %swap3A_827 = tpu.vector_load %arg9[%swap3A_825, %swap3A_826] {strides = array<i32>} : memref<80x232xf32, #tpu.memory_space<vmem>>, vector<1x16xf32>,
        %swap3A_828 = vector.shape_cast %swap3A_827 : vector<1x16xf32> to vector<16xf32>
        %swap3A_829 = vector.shape_cast %get3A_824 : vector<16xf32> to vector<1x16xf32>
        tpu.vector_store %arg9[%swap3A_825, %swap3A_826], %swap3A_829 {strides = array<i32>} : memref<80x232xf32, #tpu.memory_space<vmem>>, vector<1x16xf32>,
        %get3A_830 = arith.index_cast %add3A_793 : i32 to index
        %get3A_831 = arith.constant 64 : index
        %get3A_832 = tpu.vector_load %arg7[%get3A_830, %get3A_831] {strides = array<i32>} : memref<80x256xf32, #tpu.memory_space<vmem>>, vector<1x16xf32>,
        %get3A_833 = vector.shape_cast %get3A_832 : vector<1x16xf32> to vector<16xf32>
        %swap3A_834 = arith.index_cast %add3A_793 : i32 to index
        %swap3A_835 = arith.constant 64 : index
        %swap3A_836 = tpu.vector_load %arg9[%swap3A_834, %swap3A_835] {strides = array<i32>} : memref<80x232xf32, #tpu.memory_space<vmem>>, vector<1x16xf32>,
        %swap3A_837 = vector.shape_cast %swap3A_836 : vector<1x16xf32> to vector<16xf32>
        %swap3A_838 = vector.shape_cast %get3A_833 : vector<16xf32> to vector<1x16xf32>
        tpu.vector_store %arg9[%swap3A_834, %swap3A_835], %swap3A_838 {strides = array<i32>} : memref<80x232xf32, #tpu.memory_space<vmem>>, vector<1x16xf32>,
        %get3A_839 = arith.index_cast %add3A_793 : i32 to index
        %get3A_840 = arith.constant 80 : index
        %get3A_841 = tpu.vector_load %arg7[%get3A_839, %get3A_840] {strides = array<i32>} : memref<80x256xf32, #tpu.memory_space<vmem>>, vector<1x16xf32>,
        %get3A_842 = vector.shape_cast %get3A_841 : vector<1x16xf32> to vector<16xf32>
        %swap3A_843 = arith.index_cast %add3A_793 : i32 to index
        %swap3A_844 = arith.constant 80 : index
        %swap3A_845 = tpu.vector_load %arg9[%swap3A_843, %swap3A_844] {strides = array<i32>} : memref<80x232xf32, #tpu.memory_space<vmem>>, vector<1x16xf32>,
        %swap3A_846 = vector.shape_cast %swap3A_845 : vector<1x16xf32> to vector<16xf32>
        %swap3A_847 = vector.shape_cast %get3A_842 : vector<16xf32> to vector<1x16xf32>
        tpu.vector_store %arg9[%swap3A_843, %swap3A_844], %swap3A_847 {strides = array<i32>} : memref<80x232xf32, #tpu.memory_space<vmem>>, vector<1x16xf32>,
        %get3A_848 = arith.index_cast %add3A_793 : i32 to index
        %get3A_849 = arith.constant 96 : index
        %get3A_850 = tpu.vector_load %arg7[%get3A_848, %get3A_849] {strides = array<i32>} : memref<80x256xf32, #tpu.memory_space<vmem>>, vector<1x16xf32>,
        %get3A_851 = vector.shape_cast %get3A_850 : vector<1x16xf32> to vector<16xf32>
        %swap3A_852 = arith.index_cast %add3A_793 : i32 to index
        %swap3A_853 = arith.constant 96 : index
        %swap3A_854 = tpu.vector_load %arg9[%swap3A_852, %swap3A_853] {strides = array<i32>} : memref<80x232xf32, #tpu.memory_space<vmem>>, vector<1x16xf32>,
        %swap3A_855 = vector.shape_cast %swap3A_854 : vector<1x16xf32> to vector<16xf32>
        %swap3A_856 = vector.shape_cast %get3A_851 : vector<16xf32> to vector<1x16xf32>
        tpu.vector_store %arg9[%swap3A_852, %swap3A_853], %swap3A_856 {strides = array<i32>} : memref<80x232xf32, #tpu.memory_space<vmem>>, vector<1x16xf32>,
        %get3A_857 = arith.index_cast %add3A_793 : i32 to index
        %get3A_858 = arith.constant 112 : index
        %get3A_859 = tpu.vector_load %arg7[%get3A_857, %get3A_858] {strides = array<i32>} : memref<80x256xf32, #tpu.memory_space<vmem>>, vector<1x16xf32>,
        %get3A_860 = vector.shape_cast %get3A_859 : vector<1x16xf32> to vector<16xf32>
        %swap3A_861 = arith.index_cast %add3A_793 : i32 to index
        %swap3A_862 = arith.constant 112 : index
        %swap3A_863 = tpu.vector_load %arg9[%swap3A_861, %swap3A_862] {strides = array<i32>} : memref<80x232xf32, #tpu.memory_space<vmem>>, vector<1x16xf32>,
        %swap3A_864 = vector.shape_cast %swap3A_863 : vector<1x16xf32> to vector<16xf32>
        %swap3A_865 = vector.shape_cast %get3A_860 : vector<16xf32> to vector<1x16xf32>
        tpu.vector_store %arg9[%swap3A_861, %swap3A_862], %swap3A_865 {strides = array<i32>} : memref<80x232xf32, #tpu.memory_space<vmem>>, vector<1x16xf32>,
        %get3A_866 = arith.index_cast %add3A_793 : i32 to index
        %get3A_867 = arith.constant 128 : index
        %get3A_868 = tpu.vector_load %arg7[%get3A_866, %get3A_867] {strides = array<i32>} : memref<80x256xf32, #tpu.memory_space<vmem>>, vector<1x16xf32>,
        %get3A_869 = vector.shape_cast %get3A_868 : vector<1x16xf32> to vector<16xf32>
        %swap3A_870 = arith.index_cast %add3A_793 : i32 to index
        %swap3A_871 = arith.constant 128 : index
        %swap3A_872 = tpu.vector_load %arg9[%swap3A_870, %swap3A_871] {strides = array<i32>} : memref<80x232xf32, #tpu.memory_space<vmem>>, vector<1x16xf32>,
        %swap3A_873 = vector.shape_cast %swap3A_872 : vector<1x16xf32> to vector<16xf32>
        %swap3A_874 = vector.shape_cast %get3A_869 : vector<16xf32> to vector<1x16xf32>
        tpu.vector_store %arg9[%swap3A_870, %swap3A_871], %swap3A_874 {strides = array<i32>} : memref<80x232xf32, #tpu.memory_space<vmem>>, vector<1x16xf32>,
        %get3A_875 = arith.index_cast %add3A_793 : i32 to index
        %get3A_876 = arith.constant 144 : index
        %get3A_877 = tpu.vector_load %arg7[%get3A_875, %get3A_876] {strides = array<i32>} : memref<80x256xf32, #tpu.memory_space<vmem>>, vector<1x16xf32>,
        %get3A_878 = vector.shape_cast %get3A_877 : vector<1x16xf32> to vector<16xf32>
        %swap3A_879 = arith.index_cast %add3A_793 : i32 to index
        %swap3A_880 = arith.constant 144 : index
        %swap3A_881 = tpu.vector_load %arg9[%swap3A_879, %swap3A_880] {strides = array<i32>} : memref<80x232xf32, #tpu.memory_space<vmem>>, vector<1x16xf32>,
        %swap3A_882 = vector.shape_cast %swap3A_881 : vector<1x16xf32> to vector<16xf32>
        %swap3A_883 = vector.shape_cast %get3A_878 : vector<16xf32> to vector<1x16xf32>
        tpu.vector_store %arg9[%swap3A_879, %swap3A_880], %swap3A_883 {strides = array<i32>} : memref<80x232xf32, #tpu.memory_space<vmem>>, vector<1x16xf32>,
        %get3A_884 = arith.index_cast %add3A_793 : i32 to index
        %get3A_885 = arith.constant 160 : index
        %get3A_886 = tpu.vector_load %arg7[%get3A_884, %get3A_885] {strides = array<i32>} : memref<80x256xf32, #tpu.memory_space<vmem>>, vector<1x16xf32>,
        %get3A_887 = vector.shape_cast %get3A_886 : vector<1x16xf32> to vector<16xf32>
        %swap3A_888 = arith.index_cast %add3A_793 : i32 to index
        %swap3A_889 = arith.constant 160 : index
        %swap3A_890 = tpu.vector_load %arg9[%swap3A_888, %swap3A_889] {strides = array<i32>} : memref<80x232xf32, #tpu.memory_space<vmem>>, vector<1x16xf32>,
        %swap3A_891 = vector.shape_cast %swap3A_890 : vector<1x16xf32> to vector<16xf32>
        %swap3A_892 = vector.shape_cast %get3A_887 : vector<16xf32> to vector<1x16xf32>
        tpu.vector_store %arg9[%swap3A_888, %swap3A_889], %swap3A_892 {strides = array<i32>} : memref<80x232xf32, #tpu.memory_space<vmem>>, vector<1x16xf32>,
        %get3A_893 = arith.index_cast %add3A_793 : i32 to index
        %get3A_894 = arith.constant 176 : index
        %get3A_895 = tpu.vector_load %arg7[%get3A_893, %get3A_894] {strides = array<i32>} : memref<80x256xf32, #tpu.memory_space<vmem>>, vector<1x16xf32>,
        %get3A_896 = vector.shape_cast %get3A_895 : vector<1x16xf32> to vector<16xf32>
        %swap3A_897 = arith.index_cast %add3A_793 : i32 to index
        %swap3A_898 = arith.constant 176 : index
        %swap3A_899 = tpu.vector_load %arg9[%swap3A_897, %swap3A_898] {strides = array<i32>} : memref<80x232xf32, #tpu.memory_space<vmem>>, vector<1x16xf32>,
        %swap3A_900 = vector.shape_cast %swap3A_899 : vector<1x16xf32> to vector<16xf32>
        %swap3A_901 = vector.shape_cast %get3A_896 : vector<16xf32> to vector<1x16xf32>
        tpu.vector_store %arg9[%swap3A_897, %swap3A_898], %swap3A_901 {strides = array<i32>} : memref<80x232xf32, #tpu.memory_space<vmem>>, vector<1x16xf32>,
        %get3A_902 = arith.index_cast %add3A_793 : i32 to index
        %get3A_903 = arith.constant 192 : index
        %get3A_904 = tpu.vector_load %arg7[%get3A_902, %get3A_903] {strides = array<i32>} : memref<80x256xf32, #tpu.memory_space<vmem>>, vector<1x16xf32>,
        %get3A_905 = vector.shape_cast %get3A_904 : vector<1x16xf32> to vector<16xf32>
        %swap3A_906 = arith.index_cast %add3A_793 : i32 to index
        %swap3A_907 = arith.constant 192 : index
        %swap3A_908 = tpu.vector_load %arg9[%swap3A_906, %swap3A_907] {strides = array<i32>} : memref<80x232xf32, #tpu.memory_space<vmem>>, vector<1x16xf32>,
        %swap3A_909 = vector.shape_cast %swap3A_908 : vector<1x16xf32> to vector<16xf32>
        %swap3A_910 = vector.shape_cast %get3A_905 : vector<16xf32> to vector<1x16xf32>
        tpu.vector_store %arg9[%swap3A_906, %swap3A_907], %swap3A_910 {strides = array<i32>} : memref<80x232xf32, #tpu.memory_space<vmem>>, vector<1x16xf32>,
        %get3A_911 = arith.index_cast %add3A_793 : i32 to index
        %get3A_912 = arith.constant 208 : index
        %get3A_913 = tpu.vector_load %arg7[%get3A_911, %get3A_912] {strides = array<i32>} : memref<80x256xf32, #tpu.memory_space<vmem>>, vector<1x16xf32>,
        %get3A_914 = vector.shape_cast %get3A_913 : vector<1x16xf32> to vector<16xf32>
        %swap3A_915 = arith.index_cast %add3A_793 : i32 to index
        %swap3A_916 = arith.constant 208 : index
        %swap3A_917 = tpu.vector_load %arg9[%swap3A_915, %swap3A_916] {strides = array<i32>} : memref<80x232xf32, #tpu.memory_space<vmem>>, vector<1x16xf32>,
        %swap3A_918 = vector.shape_cast %swap3A_917 : vector<1x16xf32> to vector<16xf32>
        %swap3A_919 = vector.shape_cast %get3A_914 : vector<16xf32> to vector<1x16xf32>
        tpu.vector_store %arg9[%swap3A_915, %swap3A_916], %swap3A_919 {strides = array<i32>} : memref<80x232xf32, #tpu.memory_space<vmem>>, vector<1x16xf32>,
        %get3A_920 = arith.index_cast %add3A_793 : i32 to index
        %get3A_921 = arith.constant 216 : index
        %get3A_922 = tpu.vector_load %arg7[%get3A_920, %get3A_921] {strides = array<i32>} : memref<80x256xf32, #tpu.memory_space<vmem>>, vector<1x16xf32>,
        %get3A_923 = vector.shape_cast %get3A_922 : vector<1x16xf32> to vector<16xf32>
        %swap3A_924 = arith.index_cast %add3A_793 : i32 to index
        %swap3A_925 = arith.constant 216 : index
        %swap3A_926 = tpu.vector_load %arg9[%swap3A_924, %swap3A_925] {strides = array<i32>} : memref<80x232xf32, #tpu.memory_space<vmem>>, vector<1x16xf32>,
        %swap3A_927 = vector.shape_cast %swap3A_926 : vector<1x16xf32> to vector<16xf32>
        %swap3A_928 = vector.shape_cast %get3A_923 : vector<16xf32> to vector<1x16xf32>
        tpu.vector_store %arg9[%swap3A_924, %swap3A_925], %swap3A_928 {strides = array<i32>} : memref<80x232xf32, #tpu.memory_space<vmem>>, vector<1x16xf32>,
        %scan3A_929 = arith.constant 6 : i32
        %scan3A_930 = arith.addi %scan3A_86, %scan3A_929 : i32
        %mul3A_931 = arith.constant 1 : i32
        %mul3A_932 = arith.muli %scan3A_930, %mul3A_931 : i32
        %add3A_933 = arith.constant 0 : i32
        %add3A_934 = arith.addi %add3A_933, %mul3A_932 : i32
        %get3A_935 = arith.index_cast %add3A_934 : i32 to index
        %get3A_936 = arith.constant 0 : index
        %get3A_937 = tpu.vector_load %arg7[%get3A_935, %get3A_936] {strides = array<i32>} : memref<80x256xf32, #tpu.memory_space<vmem>>, vector<1x16xf32>,
        %get3A_938 = vector.shape_cast %get3A_937 : vector<1x16xf32> to vector<16xf32>
        %swap3A_939 = arith.index_cast %add3A_934 : i32 to index
        %swap3A_940 = arith.constant 0 : index
        %swap3A_941 = tpu.vector_load %arg9[%swap3A_939, %swap3A_940] {strides = array<i32>} : memref<80x232xf32, #tpu.memory_space<vmem>>, vector<1x16xf32>,
        %swap3A_942 = vector.shape_cast %swap3A_941 : vector<1x16xf32> to vector<16xf32>
        %swap3A_943 = vector.shape_cast %get3A_938 : vector<16xf32> to vector<1x16xf32>
        tpu.vector_store %arg9[%swap3A_939, %swap3A_940], %swap3A_943 {strides = array<i32>} : memref<80x232xf32, #tpu.memory_space<vmem>>, vector<1x16xf32>,
        %get3A_944 = arith.index_cast %add3A_934 : i32 to index
        %get3A_945 = arith.constant 16 : index
        %get3A_946 = tpu.vector_load %arg7[%get3A_944, %get3A_945] {strides = array<i32>} : memref<80x256xf32, #tpu.memory_space<vmem>>, vector<1x16xf32>,
        %get3A_947 = vector.shape_cast %get3A_946 : vector<1x16xf32> to vector<16xf32>
        %swap3A_948 = arith.index_cast %add3A_934 : i32 to index
        %swap3A_949 = arith.constant 16 : index
        %swap3A_950 = tpu.vector_load %arg9[%swap3A_948, %swap3A_949] {strides = array<i32>} : memref<80x232xf32, #tpu.memory_space<vmem>>, vector<1x16xf32>,
        %swap3A_951 = vector.shape_cast %swap3A_950 : vector<1x16xf32> to vector<16xf32>
        %swap3A_952 = vector.shape_cast %get3A_947 : vector<16xf32> to vector<1x16xf32>
        tpu.vector_store %arg9[%swap3A_948, %swap3A_949], %swap3A_952 {strides = array<i32>} : memref<80x232xf32, #tpu.memory_space<vmem>>, vector<1x16xf32>,
        %get3A_953 = arith.index_cast %add3A_934 : i32 to index
        %get3A_954 = arith.constant 32 : index
        %get3A_955 = tpu.vector_load %arg7[%get3A_953, %get3A_954] {strides = array<i32>} : memref<80x256xf32, #tpu.memory_space<vmem>>, vector<1x16xf32>,
        %get3A_956 = vector.shape_cast %get3A_955 : vector<1x16xf32> to vector<16xf32>
        %swap3A_957 = arith.index_cast %add3A_934 : i32 to index
        %swap3A_958 = arith.constant 32 : index
        %swap3A_959 = tpu.vector_load %arg9[%swap3A_957, %swap3A_958] {strides = array<i32>} : memref<80x232xf32, #tpu.memory_space<vmem>>, vector<1x16xf32>,
        %swap3A_960 = vector.shape_cast %swap3A_959 : vector<1x16xf32> to vector<16xf32>
        %swap3A_961 = vector.shape_cast %get3A_956 : vector<16xf32> to vector<1x16xf32>
        tpu.vector_store %arg9[%swap3A_957, %swap3A_958], %swap3A_961 {strides = array<i32>} : memref<80x232xf32, #tpu.memory_space<vmem>>, vector<1x16xf32>,
        %get3A_962 = arith.index_cast %add3A_934 : i32 to index
        %get3A_963 = arith.constant 48 : index
        %get3A_964 = tpu.vector_load %arg7[%get3A_962, %get3A_963] {strides = array<i32>} : memref<80x256xf32, #tpu.memory_space<vmem>>, vector<1x16xf32>,
        %get3A_965 = vector.shape_cast %get3A_964 : vector<1x16xf32> to vector<16xf32>
        %swap3A_966 = arith.index_cast %add3A_934 : i32 to index
        %swap3A_967 = arith.constant 48 : index
        %swap3A_968 = tpu.vector_load %arg9[%swap3A_966, %swap3A_967] {strides = array<i32>} : memref<80x232xf32, #tpu.memory_space<vmem>>, vector<1x16xf32>,
        %swap3A_969 = vector.shape_cast %swap3A_968 : vector<1x16xf32> to vector<16xf32>
        %swap3A_970 = vector.shape_cast %get3A_965 : vector<16xf32> to vector<1x16xf32>
        tpu.vector_store %arg9[%swap3A_966, %swap3A_967], %swap3A_970 {strides = array<i32>} : memref<80x232xf32, #tpu.memory_space<vmem>>, vector<1x16xf32>,
        %get3A_971 = arith.index_cast %add3A_934 : i32 to index
        %get3A_972 = arith.constant 64 : index
        %get3A_973 = tpu.vector_load %arg7[%get3A_971, %get3A_972] {strides = array<i32>} : memref<80x256xf32, #tpu.memory_space<vmem>>, vector<1x16xf32>,
        %get3A_974 = vector.shape_cast %get3A_973 : vector<1x16xf32> to vector<16xf32>
        %swap3A_975 = arith.index_cast %add3A_934 : i32 to index
        %swap3A_976 = arith.constant 64 : index
        %swap3A_977 = tpu.vector_load %arg9[%swap3A_975, %swap3A_976] {strides = array<i32>} : memref<80x232xf32, #tpu.memory_space<vmem>>, vector<1x16xf32>,
        %swap3A_978 = vector.shape_cast %swap3A_977 : vector<1x16xf32> to vector<16xf32>
        %swap3A_979 = vector.shape_cast %get3A_974 : vector<16xf32> to vector<1x16xf32>
        tpu.vector_store %arg9[%swap3A_975, %swap3A_976], %swap3A_979 {strides = array<i32>} : memref<80x232xf32, #tpu.memory_space<vmem>>, vector<1x16xf32>,
        %get3A_980 = arith.index_cast %add3A_934 : i32 to index
        %get3A_981 = arith.constant 80 : index
        %get3A_982 = tpu.vector_load %arg7[%get3A_980, %get3A_981] {strides = array<i32>} : memref<80x256xf32, #tpu.memory_space<vmem>>, vector<1x16xf32>,
        %get3A_983 = vector.shape_cast %get3A_982 : vector<1x16xf32> to vector<16xf32>
        %swap3A_984 = arith.index_cast %add3A_934 : i32 to index
        %swap3A_985 = arith.constant 80 : index
        %swap3A_986 = tpu.vector_load %arg9[%swap3A_984, %swap3A_985] {strides = array<i32>} : memref<80x232xf32, #tpu.memory_space<vmem>>, vector<1x16xf32>,
        %swap3A_987 = vector.shape_cast %swap3A_986 : vector<1x16xf32> to vector<16xf32>
        %swap3A_988 = vector.shape_cast %get3A_983 : vector<16xf32> to vector<1x16xf32>
        tpu.vector_store %arg9[%swap3A_984, %swap3A_985], %swap3A_988 {strides = array<i32>} : memref<80x232xf32, #tpu.memory_space<vmem>>, vector<1x16xf32>,
        %get3A_989 = arith.index_cast %add3A_934 : i32 to index
        %get3A_990 = arith.constant 96 : index
        %get3A_991 = tpu.vector_load %arg7[%get3A_989, %get3A_990] {strides = array<i32>} : memref<80x256xf32, #tpu.memory_space<vmem>>, vector<1x16xf32>,
        %get3A_992 = vector.shape_cast %get3A_991 : vector<1x16xf32> to vector<16xf32>
        %swap3A_993 = arith.index_cast %add3A_934 : i32 to index
        %swap3A_994 = arith.constant 96 : index
        %swap3A_995 = tpu.vector_load %arg9[%swap3A_993, %swap3A_994] {strides = array<i32>} : memref<80x232xf32, #tpu.memory_space<vmem>>, vector<1x16xf32>,
        %swap3A_996 = vector.shape_cast %swap3A_995 : vector<1x16xf32> to vector<16xf32>
        %swap3A_997 = vector.shape_cast %get3A_992 : vector<16xf32> to vector<1x16xf32>
        tpu.vector_store %arg9[%swap3A_993, %swap3A_994], %swap3A_997 {strides = array<i32>} : memref<80x232xf32, #tpu.memory_space<vmem>>, vector<1x16xf32>,
        %get3A_998 = arith.index_cast %add3A_934 : i32 to index
        %get3A_999 = arith.constant 112 : index
        %get3A_1000 = tpu.vector_load %arg7[%get3A_998, %get3A_999] {strides = array<i32>} : memref<80x256xf32, #tpu.memory_space<vmem>>, vector<1x16xf32>,
        %get3A_1001 = vector.shape_cast %get3A_1000 : vector<1x16xf32> to vector<16xf32>
        %swap3A_1002 = arith.index_cast %add3A_934 : i32 to index
        %swap3A_1003 = arith.constant 112 : index
        %swap3A_1004 = tpu.vector_load %arg9[%swap3A_1002, %swap3A_1003] {strides = array<i32>} : memref<80x232xf32, #tpu.memory_space<vmem>>, vector<1x16xf32>,
        %swap3A_1005 = vector.shape_cast %swap3A_1004 : vector<1x16xf32> to vector<16xf32>
        %swap3A_1006 = vector.shape_cast %get3A_1001 : vector<16xf32> to vector<1x16xf32>
        tpu.vector_store %arg9[%swap3A_1002, %swap3A_1003], %swap3A_1006 {strides = array<i32>} : memref<80x232xf32, #tpu.memory_space<vmem>>, vector<1x16xf32>,
        %get3A_1007 = arith.index_cast %add3A_934 : i32 to index
        %get3A_1008 = arith.constant 128 : index
        %get3A_1009 = tpu.vector_load %arg7[%get3A_1007, %get3A_1008] {strides = array<i32>} : memref<80x256xf32, #tpu.memory_space<vmem>>, vector<1x16xf32>,
        %get3A_1010 = vector.shape_cast %get3A_1009 : vector<1x16xf32> to vector<16xf32>
        %swap3A_1011 = arith.index_cast %add3A_934 : i32 to index
        %swap3A_1012 = arith.constant 128 : index
        %swap3A_1013 = tpu.vector_load %arg9[%swap3A_1011, %swap3A_1012] {strides = array<i32>} : memref<80x232xf32, #tpu.memory_space<vmem>>, vector<1x16xf32>,
        %swap3A_1014 = vector.shape_cast %swap3A_1013 : vector<1x16xf32> to vector<16xf32>
        %swap3A_1015 = vector.shape_cast %get3A_1010 : vector<16xf32> to vector<1x16xf32>
        tpu.vector_store %arg9[%swap3A_1011, %swap3A_1012], %swap3A_1015 {strides = array<i32>} : memref<80x232xf32, #tpu.memory_space<vmem>>, vector<1x16xf32>,
        %get3A_1016 = arith.index_cast %add3A_934 : i32 to index
        %get3A_1017 = arith.constant 144 : index
        %get3A_1018 = tpu.vector_load %arg7[%get3A_1016, %get3A_1017] {strides = array<i32>} : memref<80x256xf32, #tpu.memory_space<vmem>>, vector<1x16xf32>,
        %get3A_1019 = vector.shape_cast %get3A_1018 : vector<1x16xf32> to vector<16xf32>
        %swap3A_1020 = arith.index_cast %add3A_934 : i32 to index
        %swap3A_1021 = arith.constant 144 : index
        %swap3A_1022 = tpu.vector_load %arg9[%swap3A_1020, %swap3A_1021] {strides = array<i32>} : memref<80x232xf32, #tpu.memory_space<vmem>>, vector<1x16xf32>,
        %swap3A_1023 = vector.shape_cast %swap3A_1022 : vector<1x16xf32> to vector<16xf32>
        %swap3A_1024 = vector.shape_cast %get3A_1019 : vector<16xf32> to vector<1x16xf32>
        tpu.vector_store %arg9[%swap3A_1020, %swap3A_1021], %swap3A_1024 {strides = array<i32>} : memref<80x232xf32, #tpu.memory_space<vmem>>, vector<1x16xf32>,
        %get3A_1025 = arith.index_cast %add3A_934 : i32 to index
        %get3A_1026 = arith.constant 160 : index
        %get3A_1027 = tpu.vector_load %arg7[%get3A_1025, %get3A_1026] {strides = array<i32>} : memref<80x256xf32, #tpu.memory_space<vmem>>, vector<1x16xf32>,
        %get3A_1028 = vector.shape_cast %get3A_1027 : vector<1x16xf32> to vector<16xf32>
        %swap3A_1029 = arith.index_cast %add3A_934 : i32 to index
        %swap3A_1030 = arith.constant 160 : index
        %swap3A_1031 = tpu.vector_load %arg9[%swap3A_1029, %swap3A_1030] {strides = array<i32>} : memref<80x232xf32, #tpu.memory_space<vmem>>, vector<1x16xf32>,
        %swap3A_1032 = vector.shape_cast %swap3A_1031 : vector<1x16xf32> to vector<16xf32>
        %swap3A_1033 = vector.shape_cast %get3A_1028 : vector<16xf32> to vector<1x16xf32>
        tpu.vector_store %arg9[%swap3A_1029, %swap3A_1030], %swap3A_1033 {strides = array<i32>} : memref<80x232xf32, #tpu.memory_space<vmem>>, vector<1x16xf32>,
        %get3A_1034 = arith.index_cast %add3A_934 : i32 to index
        %get3A_1035 = arith.constant 176 : index
        %get3A_1036 = tpu.vector_load %arg7[%get3A_1034, %get3A_1035] {strides = array<i32>} : memref<80x256xf32, #tpu.memory_space<vmem>>, vector<1x16xf32>,
        %get3A_1037 = vector.shape_cast %get3A_1036 : vector<1x16xf32> to vector<16xf32>
        %swap3A_1038 = arith.index_cast %add3A_934 : i32 to index
        %swap3A_1039 = arith.constant 176 : index
        %swap3A_1040 = tpu.vector_load %arg9[%swap3A_1038, %swap3A_1039] {strides = array<i32>} : memref<80x232xf32, #tpu.memory_space<vmem>>, vector<1x16xf32>,
        %swap3A_1041 = vector.shape_cast %swap3A_1040 : vector<1x16xf32> to vector<16xf32>
        %swap3A_1042 = vector.shape_cast %get3A_1037 : vector<16xf32> to vector<1x16xf32>
        tpu.vector_store %arg9[%swap3A_1038, %swap3A_1039], %swap3A_1042 {strides = array<i32>} : memref<80x232xf32, #tpu.memory_space<vmem>>, vector<1x16xf32>,
        %get3A_1043 = arith.index_cast %add3A_934 : i32 to index
        %get3A_1044 = arith.constant 192 : index
        %get3A_1045 = tpu.vector_load %arg7[%get3A_1043, %get3A_1044] {strides = array<i32>} : memref<80x256xf32, #tpu.memory_space<vmem>>, vector<1x16xf32>,
        %get3A_1046 = vector.shape_cast %get3A_1045 : vector<1x16xf32> to vector<16xf32>
        %swap3A_1047 = arith.index_cast %add3A_934 : i32 to index
        %swap3A_1048 = arith.constant 192 : index
        %swap3A_1049 = tpu.vector_load %arg9[%swap3A_1047, %swap3A_1048] {strides = array<i32>} : memref<80x232xf32, #tpu.memory_space<vmem>>, vector<1x16xf32>,
        %swap3A_1050 = vector.shape_cast %swap3A_1049 : vector<1x16xf32> to vector<16xf32>
        %swap3A_1051 = vector.shape_cast %get3A_1046 : vector<16xf32> to vector<1x16xf32>
        tpu.vector_store %arg9[%swap3A_1047, %swap3A_1048], %swap3A_1051 {strides = array<i32>} : memref<80x232xf32, #tpu.memory_space<vmem>>, vector<1x16xf32>,
        %get3A_1052 = arith.index_cast %add3A_934 : i32 to index
        %get3A_1053 = arith.constant 208 : index
        %get3A_1054 = tpu.vector_load %arg7[%get3A_1052, %get3A_1053] {strides = array<i32>} : memref<80x256xf32, #tpu.memory_space<vmem>>, vector<1x16xf32>,
        %get3A_1055 = vector.shape_cast %get3A_1054 : vector<1x16xf32> to vector<16xf32>
        %swap3A_1056 = arith.index_cast %add3A_934 : i32 to index
        %swap3A_1057 = arith.constant 208 : index
        %swap3A_1058 = tpu.vector_load %arg9[%swap3A_1056, %swap3A_1057] {strides = array<i32>} : memref<80x232xf32, #tpu.memory_space<vmem>>, vector<1x16xf32>,
        %swap3A_1059 = vector.shape_cast %swap3A_1058 : vector<1x16xf32> to vector<16xf32>
        %swap3A_1060 = vector.shape_cast %get3A_1055 : vector<16xf32> to vector<1x16xf32>
        tpu.vector_store %arg9[%swap3A_1056, %swap3A_1057], %swap3A_1060 {strides = array<i32>} : memref<80x232xf32, #tpu.memory_space<vmem>>, vector<1x16xf32>,
        %get3A_1061 = arith.index_cast %add3A_934 : i32 to index
        %get3A_1062 = arith.constant 216 : index
        %get3A_1063 = tpu.vector_load %arg7[%get3A_1061, %get3A_1062] {strides = array<i32>} : memref<80x256xf32, #tpu.memory_space<vmem>>, vector<1x16xf32>,
        %get3A_1064 = vector.shape_cast %get3A_1063 : vector<1x16xf32> to vector<16xf32>
        %swap3A_1065 = arith.index_cast %add3A_934 : i32 to index
        %swap3A_1066 = arith.constant 216 : index
        %swap3A_1067 = tpu.vector_load %arg9[%swap3A_1065, %swap3A_1066] {strides = array<i32>} : memref<80x232xf32, #tpu.memory_space<vmem>>, vector<1x16xf32>,
        %swap3A_1068 = vector.shape_cast %swap3A_1067 : vector<1x16xf32> to vector<16xf32>
        %swap3A_1069 = vector.shape_cast %get3A_1064 : vector<16xf32> to vector<1x16xf32>
        tpu.vector_store %arg9[%swap3A_1065, %swap3A_1066], %swap3A_1069 {strides = array<i32>} : memref<80x232xf32, #tpu.memory_space<vmem>>, vector<1x16xf32>,
        %scan3A_1070 = arith.constant 7 : i32
        %scan3A_1071 = arith.addi %scan3A_86, %scan3A_1070 : i32
        %mul3A_1072 = arith.constant 1 : i32
        %mul3A_1073 = arith.muli %scan3A_1071, %mul3A_1072 : i32
        %add3A_1074 = arith.constant 0 : i32
        %add3A_1075 = arith.addi %add3A_1074, %mul3A_1073 : i32
        %get3A_1076 = arith.index_cast %add3A_1075 : i32 to index
        %get3A_1077 = arith.constant 0 : index
        %get3A_1078 = tpu.vector_load %arg7[%get3A_1076, %get3A_1077] {strides = array<i32>} : memref<80x256xf32, #tpu.memory_space<vmem>>, vector<1x16xf32>,
        %get3A_1079 = vector.shape_cast %get3A_1078 : vector<1x16xf32> to vector<16xf32>
        %swap3A_1080 = arith.index_cast %add3A_1075 : i32 to index
        %swap3A_1081 = arith.constant 0 : index
        %swap3A_1082 = tpu.vector_load %arg9[%swap3A_1080, %swap3A_1081] {strides = array<i32>} : memref<80x232xf32, #tpu.memory_space<vmem>>, vector<1x16xf32>,
        %swap3A_1083 = vector.shape_cast %swap3A_1082 : vector<1x16xf32> to vector<16xf32>
        %swap3A_1084 = vector.shape_cast %get3A_1079 : vector<16xf32> to vector<1x16xf32>
        tpu.vector_store %arg9[%swap3A_1080, %swap3A_1081], %swap3A_1084 {strides = array<i32>} : memref<80x232xf32, #tpu.memory_space<vmem>>, vector<1x16xf32>,
        %get3A_1085 = arith.index_cast %add3A_1075 : i32 to index
        %get3A_1086 = arith.constant 16 : index
        %get3A_1087 = tpu.vector_load %arg7[%get3A_1085, %get3A_1086] {strides = array<i32>} : memref<80x256xf32, #tpu.memory_space<vmem>>, vector<1x16xf32>,
        %get3A_1088 = vector.shape_cast %get3A_1087 : vector<1x16xf32> to vector<16xf32>
        %swap3A_1089 = arith.index_cast %add3A_1075 : i32 to index
        %swap3A_1090 = arith.constant 16 : index
        %swap3A_1091 = tpu.vector_load %arg9[%swap3A_1089, %swap3A_1090] {strides = array<i32>} : memref<80x232xf32, #tpu.memory_space<vmem>>, vector<1x16xf32>,
        %swap3A_1092 = vector.shape_cast %swap3A_1091 : vector<1x16xf32> to vector<16xf32>
        %swap3A_1093 = vector.shape_cast %get3A_1088 : vector<16xf32> to vector<1x16xf32>
        tpu.vector_store %arg9[%swap3A_1089, %swap3A_1090], %swap3A_1093 {strides = array<i32>} : memref<80x232xf32, #tpu.memory_space<vmem>>, vector<1x16xf32>,
        %get3A_1094 = arith.index_cast %add3A_1075 : i32 to index
        %get3A_1095 = arith.constant 32 : index
        %get3A_1096 = tpu.vector_load %arg7[%get3A_1094, %get3A_1095] {strides = array<i32>} : memref<80x256xf32, #tpu.memory_space<vmem>>, vector<1x16xf32>,
        %get3A_1097 = vector.shape_cast %get3A_1096 : vector<1x16xf32> to vector<16xf32>
        %swap3A_1098 = arith.index_cast %add3A_1075 : i32 to index
        %swap3A_1099 = arith.constant 32 : index
        %swap3A_1100 = tpu.vector_load %arg9[%swap3A_1098, %swap3A_1099] {strides = array<i32>} : memref<80x232xf32, #tpu.memory_space<vmem>>, vector<1x16xf32>,
        %swap3A_1101 = vector.shape_cast %swap3A_1100 : vector<1x16xf32> to vector<16xf32>
        %swap3A_1102 = vector.shape_cast %get3A_1097 : vector<16xf32> to vector<1x16xf32>
        tpu.vector_store %arg9[%swap3A_1098, %swap3A_1099], %swap3A_1102 {strides = array<i32>} : memref<80x232xf32, #tpu.memory_space<vmem>>, vector<1x16xf32>,
        %get3A_1103 = arith.index_cast %add3A_1075 : i32 to index
        %get3A_1104 = arith.constant 48 : index
        %get3A_1105 = tpu.vector_load %arg7[%get3A_1103, %get3A_1104] {strides = array<i32>} : memref<80x256xf32, #tpu.memory_space<vmem>>, vector<1x16xf32>,
        %get3A_1106 = vector.shape_cast %get3A_1105 : vector<1x16xf32> to vector<16xf32>
        %swap3A_1107 = arith.index_cast %add3A_1075 : i32 to index
        %swap3A_1108 = arith.constant 48 : index
        %swap3A_1109 = tpu.vector_load %arg9[%swap3A_1107, %swap3A_1108] {strides = array<i32>} : memref<80x232xf32, #tpu.memory_space<vmem>>, vector<1x16xf32>,
        %swap3A_1110 = vector.shape_cast %swap3A_1109 : vector<1x16xf32> to vector<16xf32>
        %swap3A_1111 = vector.shape_cast %get3A_1106 : vector<16xf32> to vector<1x16xf32>
        tpu.vector_store %arg9[%swap3A_1107, %swap3A_1108], %swap3A_1111 {strides = array<i32>} : memref<80x232xf32, #tpu.memory_space<vmem>>, vector<1x16xf32>,
        %get3A_1112 = arith.index_cast %add3A_1075 : i32 to index
        %get3A_1113 = arith.constant 64 : index
        %get3A_1114 = tpu.vector_load %arg7[%get3A_1112, %get3A_1113] {strides = array<i32>} : memref<80x256xf32, #tpu.memory_space<vmem>>, vector<1x16xf32>,
        %get3A_1115 = vector.shape_cast %get3A_1114 : vector<1x16xf32> to vector<16xf32>
        %swap3A_1116 = arith.index_cast %add3A_1075 : i32 to index
        %swap3A_1117 = arith.constant 64 : index
        %swap3A_1118 = tpu.vector_load %arg9[%swap3A_1116, %swap3A_1117] {strides = array<i32>} : memref<80x232xf32, #tpu.memory_space<vmem>>, vector<1x16xf32>,
        %swap3A_1119 = vector.shape_cast %swap3A_1118 : vector<1x16xf32> to vector<16xf32>
        %swap3A_1120 = vector.shape_cast %get3A_1115 : vector<16xf32> to vector<1x16xf32>
        tpu.vector_store %arg9[%swap3A_1116, %swap3A_1117], %swap3A_1120 {strides = array<i32>} : memref<80x232xf32, #tpu.memory_space<vmem>>, vector<1x16xf32>,
        %get3A_1121 = arith.index_cast %add3A_1075 : i32 to index
        %get3A_1122 = arith.constant 80 : index
        %get3A_1123 = tpu.vector_load %arg7[%get3A_1121, %get3A_1122] {strides = array<i32>} : memref<80x256xf32, #tpu.memory_space<vmem>>, vector<1x16xf32>,
        %get3A_1124 = vector.shape_cast %get3A_1123 : vector<1x16xf32> to vector<16xf32>
        %swap3A_1125 = arith.index_cast %add3A_1075 : i32 to index
        %swap3A_1126 = arith.constant 80 : index
        %swap3A_1127 = tpu.vector_load %arg9[%swap3A_1125, %swap3A_1126] {strides = array<i32>} : memref<80x232xf32, #tpu.memory_space<vmem>>, vector<1x16xf32>,
        %swap3A_1128 = vector.shape_cast %swap3A_1127 : vector<1x16xf32> to vector<16xf32>
        %swap3A_1129 = vector.shape_cast %get3A_1124 : vector<16xf32> to vector<1x16xf32>
        tpu.vector_store %arg9[%swap3A_1125, %swap3A_1126], %swap3A_1129 {strides = array<i32>} : memref<80x232xf32, #tpu.memory_space<vmem>>, vector<1x16xf32>,
        %get3A_1130 = arith.index_cast %add3A_1075 : i32 to index
        %get3A_1131 = arith.constant 96 : index
        %get3A_1132 = tpu.vector_load %arg7[%get3A_1130, %get3A_1131] {strides = array<i32>} : memref<80x256xf32, #tpu.memory_space<vmem>>, vector<1x16xf32>,
        %get3A_1133 = vector.shape_cast %get3A_1132 : vector<1x16xf32> to vector<16xf32>
        %swap3A_1134 = arith.index_cast %add3A_1075 : i32 to index
        %swap3A_1135 = arith.constant 96 : index
        %swap3A_1136 = tpu.vector_load %arg9[%swap3A_1134, %swap3A_1135] {strides = array<i32>} : memref<80x232xf32, #tpu.memory_space<vmem>>, vector<1x16xf32>,
        %swap3A_1137 = vector.shape_cast %swap3A_1136 : vector<1x16xf32> to vector<16xf32>
        %swap3A_1138 = vector.shape_cast %get3A_1133 : vector<16xf32> to vector<1x16xf32>
        tpu.vector_store %arg9[%swap3A_1134, %swap3A_1135], %swap3A_1138 {strides = array<i32>} : memref<80x232xf32, #tpu.memory_space<vmem>>, vector<1x16xf32>,
        %get3A_1139 = arith.index_cast %add3A_1075 : i32 to index
        %get3A_1140 = arith.constant 112 : index
        %get3A_1141 = tpu.vector_load %arg7[%get3A_1139, %get3A_1140] {strides = array<i32>} : memref<80x256xf32, #tpu.memory_space<vmem>>, vector<1x16xf32>,
        %get3A_1142 = vector.shape_cast %get3A_1141 : vector<1x16xf32> to vector<16xf32>
        %swap3A_1143 = arith.index_cast %add3A_1075 : i32 to index
        %swap3A_1144 = arith.constant 112 : index
        %swap3A_1145 = tpu.vector_load %arg9[%swap3A_1143, %swap3A_1144] {strides = array<i32>} : memref<80x232xf32, #tpu.memory_space<vmem>>, vector<1x16xf32>,
        %swap3A_1146 = vector.shape_cast %swap3A_1145 : vector<1x16xf32> to vector<16xf32>
        %swap3A_1147 = vector.shape_cast %get3A_1142 : vector<16xf32> to vector<1x16xf32>
        tpu.vector_store %arg9[%swap3A_1143, %swap3A_1144], %swap3A_1147 {strides = array<i32>} : memref<80x232xf32, #tpu.memory_space<vmem>>, vector<1x16xf32>,
        %get3A_1148 = arith.index_cast %add3A_1075 : i32 to index
        %get3A_1149 = arith.constant 128 : index
        %get3A_1150 = tpu.vector_load %arg7[%get3A_1148, %get3A_1149] {strides = array<i32>} : memref<80x256xf32, #tpu.memory_space<vmem>>, vector<1x16xf32>,
        %get3A_1151 = vector.shape_cast %get3A_1150 : vector<1x16xf32> to vector<16xf32>
        %swap3A_1152 = arith.index_cast %add3A_1075 : i32 to index
        %swap3A_1153 = arith.constant 128 : index
        %swap3A_1154 = tpu.vector_load %arg9[%swap3A_1152, %swap3A_1153] {strides = array<i32>} : memref<80x232xf32, #tpu.memory_space<vmem>>, vector<1x16xf32>,
        %swap3A_1155 = vector.shape_cast %swap3A_1154 : vector<1x16xf32> to vector<16xf32>
        %swap3A_1156 = vector.shape_cast %get3A_1151 : vector<16xf32> to vector<1x16xf32>
        tpu.vector_store %arg9[%swap3A_1152, %swap3A_1153], %swap3A_1156 {strides = array<i32>} : memref<80x232xf32, #tpu.memory_space<vmem>>, vector<1x16xf32>,
        %get3A_1157 = arith.index_cast %add3A_1075 : i32 to index
        %get3A_1158 = arith.constant 144 : index
        %get3A_1159 = tpu.vector_load %arg7[%get3A_1157, %get3A_1158] {strides = array<i32>} : memref<80x256xf32, #tpu.memory_space<vmem>>, vector<1x16xf32>,
        %get3A_1160 = vector.shape_cast %get3A_1159 : vector<1x16xf32> to vector<16xf32>
        %swap3A_1161 = arith.index_cast %add3A_1075 : i32 to index
        %swap3A_1162 = arith.constant 144 : index
        %swap3A_1163 = tpu.vector_load %arg9[%swap3A_1161, %swap3A_1162] {strides = array<i32>} : memref<80x232xf32, #tpu.memory_space<vmem>>, vector<1x16xf32>,
        %swap3A_1164 = vector.shape_cast %swap3A_1163 : vector<1x16xf32> to vector<16xf32>
        %swap3A_1165 = vector.shape_cast %get3A_1160 : vector<16xf32> to vector<1x16xf32>
        tpu.vector_store %arg9[%swap3A_1161, %swap3A_1162], %swap3A_1165 {strides = array<i32>} : memref<80x232xf32, #tpu.memory_space<vmem>>, vector<1x16xf32>,
        %get3A_1166 = arith.index_cast %add3A_1075 : i32 to index
        %get3A_1167 = arith.constant 160 : index
        %get3A_1168 = tpu.vector_load %arg7[%get3A_1166, %get3A_1167] {strides = array<i32>} : memref<80x256xf32, #tpu.memory_space<vmem>>, vector<1x16xf32>,
        %get3A_1169 = vector.shape_cast %get3A_1168 : vector<1x16xf32> to vector<16xf32>
        %swap3A_1170 = arith.index_cast %add3A_1075 : i32 to index
        %swap3A_1171 = arith.constant 160 : index
        %swap3A_1172 = tpu.vector_load %arg9[%swap3A_1170, %swap3A_1171] {strides = array<i32>} : memref<80x232xf32, #tpu.memory_space<vmem>>, vector<1x16xf32>,
        %swap3A_1173 = vector.shape_cast %swap3A_1172 : vector<1x16xf32> to vector<16xf32>
        %swap3A_1174 = vector.shape_cast %get3A_1169 : vector<16xf32> to vector<1x16xf32>
        tpu.vector_store %arg9[%swap3A_1170, %swap3A_1171], %swap3A_1174 {strides = array<i32>} : memref<80x232xf32, #tpu.memory_space<vmem>>, vector<1x16xf32>,
        %get3A_1175 = arith.index_cast %add3A_1075 : i32 to index
        %get3A_1176 = arith.constant 176 : index
        %get3A_1177 = tpu.vector_load %arg7[%get3A_1175, %get3A_1176] {strides = array<i32>} : memref<80x256xf32, #tpu.memory_space<vmem>>, vector<1x16xf32>,
        %get3A_1178 = vector.shape_cast %get3A_1177 : vector<1x16xf32> to vector<16xf32>
        %swap3A_1179 = arith.index_cast %add3A_1075 : i32 to index
        %swap3A_1180 = arith.constant 176 : index
        %swap3A_1181 = tpu.vector_load %arg9[%swap3A_1179, %swap3A_1180] {strides = array<i32>} : memref<80x232xf32, #tpu.memory_space<vmem>>, vector<1x16xf32>,
        %swap3A_1182 = vector.shape_cast %swap3A_1181 : vector<1x16xf32> to vector<16xf32>
        %swap3A_1183 = vector.shape_cast %get3A_1178 : vector<16xf32> to vector<1x16xf32>
        tpu.vector_store %arg9[%swap3A_1179, %swap3A_1180], %swap3A_1183 {strides = array<i32>} : memref<80x232xf32, #tpu.memory_space<vmem>>, vector<1x16xf32>,
        %get3A_1184 = arith.index_cast %add3A_1075 : i32 to index
        %get3A_1185 = arith.constant 192 : index
        %get3A_1186 = tpu.vector_load %arg7[%get3A_1184, %get3A_1185] {strides = array<i32>} : memref<80x256xf32, #tpu.memory_space<vmem>>, vector<1x16xf32>,
        %get3A_1187 = vector.shape_cast %get3A_1186 : vector<1x16xf32> to vector<16xf32>
        %swap3A_1188 = arith.index_cast %add3A_1075 : i32 to index
        %swap3A_1189 = arith.constant 192 : index
        %swap3A_1190 = tpu.vector_load %arg9[%swap3A_1188, %swap3A_1189] {strides = array<i32>} : memref<80x232xf32, #tpu.memory_space<vmem>>, vector<1x16xf32>,
        %swap3A_1191 = vector.shape_cast %swap3A_1190 : vector<1x16xf32> to vector<16xf32>
        %swap3A_1192 = vector.shape_cast %get3A_1187 : vector<16xf32> to vector<1x16xf32>
        tpu.vector_store %arg9[%swap3A_1188, %swap3A_1189], %swap3A_1192 {strides = array<i32>} : memref<80x232xf32, #tpu.memory_space<vmem>>, vector<1x16xf32>,
        %get3A_1193 = arith.index_cast %add3A_1075 : i32 to index
        %get3A_1194 = arith.constant 208 : index
        %get3A_1195 = tpu.vector_load %arg7[%get3A_1193, %get3A_1194] {strides = array<i32>} : memref<80x256xf32, #tpu.memory_space<vmem>>, vector<1x16xf32>,
        %get3A_1196 = vector.shape_cast %get3A_1195 : vector<1x16xf32> to vector<16xf32>
        %swap3A_1197 = arith.index_cast %add3A_1075 : i32 to index
        %swap3A_1198 = arith.constant 208 : index
        %swap3A_1199 = tpu.vector_load %arg9[%swap3A_1197, %swap3A_1198] {strides = array<i32>} : memref<80x232xf32, #tpu.memory_space<vmem>>, vector<1x16xf32>,
        %swap3A_1200 = vector.shape_cast %swap3A_1199 : vector<1x16xf32> to vector<16xf32>
        %swap3A_1201 = vector.shape_cast %get3A_1196 : vector<16xf32> to vector<1x16xf32>
        tpu.vector_store %arg9[%swap3A_1197, %swap3A_1198], %swap3A_1201 {strides = array<i32>} : memref<80x232xf32, #tpu.memory_space<vmem>>, vector<1x16xf32>,
        %get3A_1202 = arith.index_cast %add3A_1075 : i32 to index
        %get3A_1203 = arith.constant 216 : index
        %get3A_1204 = tpu.vector_load %arg7[%get3A_1202, %get3A_1203] {strides = array<i32>} : memref<80x256xf32, #tpu.memory_space<vmem>>, vector<1x16xf32>,
        %get3A_1205 = vector.shape_cast %get3A_1204 : vector<1x16xf32> to vector<16xf32>
        %swap3A_1206 = arith.index_cast %add3A_1075 : i32 to index
        %swap3A_1207 = arith.constant 216 : index
        %swap3A_1208 = tpu.vector_load %arg9[%swap3A_1206, %swap3A_1207] {strides = array<i32>} : memref<80x232xf32, #tpu.memory_space<vmem>>, vector<1x16xf32>,
        %swap3A_1209 = vector.shape_cast %swap3A_1208 : vector<1x16xf32> to vector<16xf32>
        %swap3A_1210 = vector.shape_cast %get3A_1205 : vector<16xf32> to vector<1x16xf32>
        tpu.vector_store %arg9[%swap3A_1206, %swap3A_1207], %swap3A_1210 {strides = array<i32>} : memref<80x232xf32, #tpu.memory_space<vmem>>, vector<1x16xf32>,
      }
      %scan3A_78 = arith.constant 80 : i32
      %mul3A_79 = arith.constant 80 : i32
      %mul3A_80 = arith.muli %add3A_56, %mul3A_79 : i32
      %add3A_81 = arith.addi %mul3A_2, %mul3A_80 : i32
      %dma_start3A_82 = arith.constant 0 : i32
      %dma_start3A_83 = tpu.memref_slice %arg4[%add3A_81, %dma_start3A_82] : memref<204800x232xf32, #tpu.memory_space<hbm>> -> memref<80x232xf32, #tpu.memory_space<hbm>>
      %dma_start3A_84 = arith.constant 0 : i32
      %dma_start3A_85 = tpu.memref_slice %arg4[%add3A_81, %dma_start3A_84] : memref<204800x232xf32, #tpu.memory_space<hbm>> -> memref<80x232xf32, #tpu.memory_space<hbm>>
      tpu.enqueue_dma source(%arg9 : memref<80x232xf32, #tpu.memory_space<vmem>>) target(%dma_start3A_85 : memref<80x232xf32, #tpu.memory_space<hbm>>) target_semaphore(%arg13 : memref<!tpu.dma_semaphore, #tpu.memory_space<semaphore_mem>>)
    }
    %scan3A_12 = arith.constant 40 : i32
    %dma_wait3A = arith.constant 0 : i32
    %dma_wait3A_13 = tpu.memref_slice %arg4[%mul3A_2, %dma_wait3A] : memref<204800x232xf32, #tpu.memory_space<hbm>> -> memref<80x232xf32, #tpu.memory_space<hbm>>
    %dma_wait3A_14 = arith.constant 0 : i32
    %dma_wait3A_15 = tpu.memref_slice %arg4[%mul3A_2, %dma_wait3A_14] : memref<204800x232xf32, #tpu.memory_space<hbm>> -> memref<80x232xf32, #tpu.memory_space<hbm>>
    tpu.wait_dma2 semaphore(%arg12 : memref<!tpu.dma_semaphore, #tpu.memory_space<semaphore_mem>>) src(%arg8 : memref<80x232xf32, #tpu.memory_space<vmem>>) dst(%dma_wait3A_15 : memref<80x232xf32, #tpu.memory_space<hbm>>)
    %dma_wait3A_16 = arith.constant 0 : i32
    %dma_wait3A_17 = tpu.memref_slice %arg4[%mul3A_2, %dma_wait3A_16] : memref<204800x232xf32, #tpu.memory_space<hbm>> -> memref<80x232xf32, #tpu.memory_space<hbm>>
    %dma_wait3A_18 = arith.constant 0 : i32
    %dma_wait3A_19 = tpu.memref_slice %arg4[%mul3A_2, %dma_wait3A_18] : memref<204800x232xf32, #tpu.memory_space<hbm>> -> memref<80x232xf32, #tpu.memory_space<hbm>>
    tpu.wait_dma2 semaphore(%arg13 : memref<!tpu.dma_semaphore, #tpu.memory_space<semaphore_mem>>) src(%arg9 : memref<80x232xf32, #tpu.memory_space<vmem>>) dst(%dma_wait3A_19 : memref<80x232xf32, #tpu.memory_space<hbm>>)
    return
  }
}

</mosaic_0001>

<sc_bundles>
// kernel: kernel.3.cloned.1.call-start
scs
__scs_entry_jumppad:
0x0: {  	(pc) =	sbr.rel $0x88, $3  }
0x1: {  	(tag) =	ssettag $0x0;
	lr =	simm.s32 $0x1  }
0x2: {  	[smem:$0x3F9F] =	sst lr;
	_ =	strace $0xD0000000  }
0x3: {  	_ = 	snop  }
0x4: {  	_ = 	snop  }
0x5: {  	_ = 	snop  }
0x6: {  	_ = 	snop  }
0x7: {  	_ = 	snop  }
__scs_overlays_trampoline_lowered:
0x8: {  	[smem:$0x3FAE] =	sst s0  }
0x9: {  	[smem:$0x3FAF] =	sst s1  }
0xa: {  	[smem:$0x3FB0] =	sst s2  }
0xb: {  	[smem:$0x3FB1] =	sst s3  }
0xc: {  	[smem:$0x3FB2] =	sst s4  }
0xd: {  	[smem:$0x3FB3] =	sst s5  }
0xe: {  	[smem:$0x3FB4] =	sst s6  }
0xf: {  	[smem:$0x3FB5] =	sst s7  }
0x10: {  	[smem:$0x3FB6] =	sst s8  }
0x11: {  	[smem:$0x3FB7] =	sst s9;
	s0 =	simm.s32 @!p0 $0x0  }
0x12: {  	s1 =	sld [smem:$0x3F9D];
	s0 =	simm.s32 @p0 $0x1  }
0x13: {  	[smem:$0x3FB8] =	sst s0;
	s0 =	simm.s32 @!p1 $0x0  }
0x14: {  	s2 =	sld [smem:$0x3F9C];
	s0 =	simm.s32 @p1 $0x1  }
0x15: {  	[smem:$0x3FB9] =	sst s0;
	s0 =	simm.s32 @!p2 $0x0  }
0x16: {  	s3 =	sld [smem:$0x3FDB];
	s0 =	simm.s32 @p2 $0x1  }
0x17: {  	s4 =	simm.s32 $0x1BF5;
	[smem:$0x3FBB] =	sst s0  }
0x18: {  	s0 =	sld [smem:$0x3F9E];
	_ =	swait.ge [sflag:s4], $0x0  }
0x19: {  	s7 =	sld [smem:$0x3F9F]  }
0x1a: {  	s8 =	sadd.s32 $0xFFFFE003, lr  }
0x1b: {  	s9 =	sadd.s32 $0xFFFFFEF7, lr;
	s5 =	simm.s32 $0xFFFFFFFF;
	p2 =	slt.u32 s8, $0xFFFFF086  }
0x1c: {  	p1 =	slt.u32 s9, $0xF7A;
	s5 =	simm.s32 @!p2 $0x0  }
0x1d: {  	s5 =	simm.s32 @p1 $0x1;
	p0 =	seq.s32 s7, s2  }
0x1e: {  	s7 =	smul.u32 @!p0 $0xF7A, s2;
	p2 =	seq.s32 @!p0 s5, $0x0  }
0x1f: {  	s9 =	smul.u32 $0xF7A, s1;
	s8 =	simm.s32 @!p0 $0x1BF5;
	p2 =	por !p2, p0  }
0x20: {  	[sflag:s8] =	ssyncset.s32 @!p0 $0xFFFFF086;
	s6 =	sadd.s32 @!p0 s3, s7;
	s7 =	simm.s32 @!p0 $0x108  }
0x21: {  	s3 =	sadd.s32 s3, s9;
	s6 =	sadd.s32 @!p0 $0x88, s6;
	s7 =	simm.s32 @p2 $0x1082  }
0x22: {  	[simem:s7], [sflag:s8] =	dma.local @!p0 [hbm:s6], $0xF7A  }
0x23: {  	s9 =	sor.u32 $0xD0000000, s2;
	s6 =	simm.s32 $0x108;
	_ =	swait.ge @!p0 [sflag:s8], $0x0  }
0x24: {  	s3 =	sadd.s32 $0x88, s3;
	s6 =	simm.s32 @!p1 $0x1082;
	[sflag:s4] =	ssyncset.s32 $0xFFFFF086  }
0x25: {  	[simem:s6], [sflag:s4] =	dma.local [hbm:s3], $0xF7A  }
0x26: {  	[smem:$0x3F9F] =	sst s1;
	(tag) =	ssettag s2;
	_ =	strace s9  }
0x27: {  	s1 =	sld [smem:$0x3FAF]  }
0x28: {  	s2 =	sld [smem:$0x3FB0]  }
0x29: {  	s4 =	sld [smem:$0x3FB2]  }
0x2a: {  	p0 =	seq.s32 s5, $0x0;
	s5 =	sld [smem:$0x3FB3]  }
0x2b: {  	s6 =	sld [smem:$0x3FB4]  }
0x2c: {  	s7 =	sld [smem:$0x3FB5]  }
0x2d: {  	s3 =	simm.s32 $0x108;
	s8 =	sld [smem:$0x3FB6]  }
0x2e: {  	s3 =	simm.s32 @!p0 $0x1082;
	s9 =	sld [smem:$0x3FB7]  }
0x2f: {  	lr =	sadd.s32 s0, s3;
	s0 =	sld [smem:$0x3FAE]  }
0x30: {  	s3 =	sld [smem:$0x3FB1]  }
0x31: {  	[smem:$0x3FBA] =	sst s10  }
0x32: {  	s10 =	sld [smem:$0x3FB8];
	_ =	sdelay $0x3  }
0x33: {  	p0 =	seq.s32 s10, $0x1;
	s10 =	sld [smem:$0x3FBA];
	_ =	sdelay $0x3  }
0x34: {  	[smem:$0x3FBA] =	sst s10  }
0x35: {  	s10 =	sld [smem:$0x3FB9];
	_ =	sdelay $0x3  }
0x36: {  	p1 =	seq.s32 s10, $0x1;
	s10 =	sld [smem:$0x3FBA];
	_ =	sdelay $0x3  }
0x37: {  	[smem:$0x3FBA] =	sst s10  }
0x38: {  	s10 =	sld [smem:$0x3FBB]  }
0x39: {  	_ = 	snop;
	(pc) =	sbr.ind lr, $3  }
0x3a: {  	_ = 	snop  }
0x3b: {  	_ = 	snop  }
0x3c: {  	p2 =	seq.s32 s10, $0x1;
	s10 =	sld [smem:$0x3FBA]  }
0x3d: {  	_ =	shalt  }
0x3e: {  	_ =	shalt  }
0x3f: {  	_ =	shalt  }
0x40: {  	_ =	shalt  }
0x41: {  	_ =	shalt  }
0x42: {  	_ =	shalt  }
0x43: {  	_ =	shalt  }
0x44: {  	_ =	shalt  }
0x45: {  	_ =	shalt  }
0x46: {  	_ =	shalt  }
0x47: {  	_ =	shalt  }
0x48: {  	_ =	shalt  }
0x49: {  	_ =	shalt  }
0x4a: {  	_ =	shalt  }
0x4b: {  	_ =	shalt  }
0x4c: {  	_ =	shalt  }
0x4d: {  	_ =	shalt  }
0x4e: {  	_ =	shalt  }
0x4f: {  	_ =	shalt  }
0x50: {  	_ =	shalt  }
0x51: {  	_ =	shalt  }
0x52: {  	_ =	shalt  }
0x53: {  	_ =	shalt  }
0x54: {  	_ =	shalt  }
0x55: {  	_ =	shalt  }
0x56: {  	_ =	shalt  }
0x57: {  	_ =	shalt  }
0x58: {  	_ =	shalt  }
0x59: {  	_ =	shalt  }
0x5a: {  	_ =	shalt  }
0x5b: {  	_ =	shalt  }
0x5c: {  	_ =	shalt  }
0x5d: {  	_ =	shalt  }
0x5e: {  	_ =	shalt  }
0x5f: {  	_ =	shalt  }
0x60: {  	_ =	shalt  }
0x61: {  	_ =	shalt  }
0x62: {  	_ =	shalt  }
0x63: {  	_ =	shalt  }
0x64: {  	_ =	shalt  }
0x65: {  	_ =	shalt  }
0x66: {  	_ =	shalt  }
0x67: {  	_ =	shalt  }
0x68: {  	_ =	shalt  }
0x69: {  	_ =	shalt  }
0x6a: {  	_ =	shalt  }
0x6b: {  	_ =	shalt  }
0x6c: {  	_ =	shalt  }
0x6d: {  	_ =	shalt  }
0x6e: {  	_ =	shalt  }
0x6f: {  	_ =	shalt  }
0x70: {  	_ =	shalt  }
0x71: {  	_ =	shalt  }
0x72: {  	_ =	shalt  }
0x73: {  	_ =	shalt  }
0x74: {  	_ =	shalt  }
0x75: {  	_ =	shalt  }
0x76: {  	_ =	shalt  }
0x77: {  	_ =	shalt  }
0x78: {  	_ =	shalt  }
0x79: {  	_ =	shalt  }
0x7a: {  	_ =	shalt  }
0x7b: {  	_ =	shalt  }
0x7c: {  	_ =	shalt  }
0x7d: {  	_ =	shalt  }
0x7e: {  	_ =	shalt  }
0x7f: {  	_ =	shalt  }
0x80: {  	_ =	shalt  }
0x81: {  	_ =	shalt  }
0x82: {  	_ =	shalt  }
0x83: {  	_ =	shalt  }
0x84: {  	_ =	shalt  }
0x85: {  	_ =	shalt  }
0x86: {  	_ =	shalt  }
0x87: {  	_ =	shalt  }
.Lfunc_end0:
.L_simem_size_0:
called_computation.1_lowered:
.L_overlay_start_0:
0x88: {  	s2 =	sld [smem:$0x3FD9]  }
0x89: {  	s3 =	sld [smem:$0x3FFE];
	_ =	sdelay $0x1  }
0x8a: {  	s1 =	srdreg.scid  }
0x8b: {  	s0 =	sand.u32 $0x1, s1  }
0x8c: {  	s17 =	sshll.u32 s0, $0xA;
	s2 =	sadd.s32 s3, s2  }
0x8d: {  	s2 =	sadd.s32 s2, s17  }
0x8e: {  	[smem:$0x3FC6] =	sst s2  }
0x8f: {  	_ = 	snop  }
0x90: {  	s2 =	sld [smem:$0x3FD0];
	(tm) =	ssettm $0x1  }
0x91: {  	s18 =	sld [smem:$0x3FFB];
	_ =	sdelay $0x3  }
0x92: {  	_ =	strace s18  }
0x93: {  	s3 =	sld [smem:$0x3FFC];
	_ =	sdelay $0x3  }
0x94: {  	_ =	strace s3  }
0x95: {  	s3 =	sld [smem:$0x3FFD];
	_ =	sdelay $0x3  }
0x96: {  	_ =	strace s3  }
0x97: {  	_ =	strace $0x8FFFFFFF  }
0x98: {  	s19 =	sld [smem:$0x3FDB];
	_ =	sdelay $0x1  }
0x99: {  	s4 =	simm.s32 $_scs_section_size  }
0x9a: {  	s5 =	simm.s32 $_size__tile_overlayer_lowered;
	s6 =	simm.s32 $_tile_overlayer_lowered  }
0x9b: {  	s22 =	simm.s32 $0x1BFF;
	s21 =	sshll.u32 s6, $0x1;
	s3 =	sadd.s32 s4, s19  }
0x9c: {  	s7 =	simm.s32 $0x0;
	s20 =	sshll.u32 s5, $0x1;
	s5 =	sadd.s32 s21, s3  }
0x9d: {  	[timem:s7], [sflag:s22] =	dma.local [hbm:s5], s20  }
0x9e: {  	_ =	swait.ge [sflag:s22], s20  }
0x9f: {  	s4 =	ssub.s32 $0x0, s20;
	[sflag:s22] =	ssyncset.done $0x0  }
0xa0: {  	[sflag:s22] =	ssyncadd.s32 s4;
	_ =	sdelay $0x1  }
0xa1: {  	s23 =	simm.s32 $0x1B8B  }
0xa2: {  	_ =	swait.ge [sflag:s23], $0x1  }
0xa3: {  	[sflag:s23] =	ssyncset.done $0x0  }
0xa4: {  	s25 =	simm.s32 $0x1B8E;
	s24 =	sld [smem:$0x3FFE];
	[sflag:s23] =	ssyncadd.s32 $0xFFFFFFFF  }
0xa5: {  	s26 =	simm.s32 $execute0_lowered;
	[smem:$0x3FD2] =	sst s25  }
0xa6: {  	s5 =	sshll.u32 s26, $0x1;
	_ =	strace $0x80000046;
	[dreg:$0x1] =	wrdreg $0xFFFFFFFF  }
0xa7: {  	s28 =	simm.s32 $_size_execute0_lowered;
	s3 =	sadd.s32 s3, s5;
	[dreg:$0x0] =	wrdreg $0x0  }
0xa8: {  	s5 =	sshll.u32 s28, $0x1;
	[dreg:$0x2] =	wrdreg s3  }
0xa9: {  	[dreg:$0x3] =	wrdreg s5  }
0xaa: {  	[dreg:$0x4] =	wrdreg $0xC0  }
0xab: {  	_ =	task [dreg:s7], $0x5FFFF  }
0xac: {  	[dreg:$0x1] =	wrdreg $0xFFFFFFFF  }
0xad: {  	[dreg:$0x0] =	wrdreg $0x60  }
0xae: {  	[dreg:$0x2] =	wrdreg s24  }
0xaf: {  	[dreg:$0x3] =	wrdreg s2  }
0xb0: {  	[dreg:$0x4] =	wrdreg $0x9  }
0xb1: {  	_ =	task.clear_ibuf [dreg:s7], $0x5FFFF;
	_ =	strace $0x90000046  }
0xb2: {  	s29 =	simm.s32 $0x9;
	_ =	strace $0x80000048  }
0xb3: {  	_ =	swait.ge [sflag:s29], $0x1  }
0xb4: {  	[sflag:s29] =	ssyncadd.s32 $0xFFFFFFFF  }
0xb5: {  	_ =	strace $0x90000048  }
0xb6: {  	_ =	sfence  }
0xb7: {  	s30 =	sld [smem:$0x0];
	_ =	sdelay $0x2  }
0xb8: {  	s31 =	sshll.u32 s1, $0xD;
	s1 =	sshrl.u32 s1, $0x2  }
0xb9: {  	s3 =	sand.u32 $0x4000, s31;
	s1 =	sadd.s32 s1, s30  }
0xba: {  	s0 =	sor.u32 s3, s0;
	s1 =	sshll.u32 s1, $0x11  }
0xbb: {  	s0 =	sor.u32 s1, s0  }
0xbc: {  	s0 =	sadd.s32 $0x8F2B, s0  }
0xbd: {  	[sflag:s0] =	ssyncadd.remote.s32 $0x1  }
0xbe: {  	_ =	sfence.sel $0xFFFF  }
0xbf: {  	[dreg:$0x0] =	wrdreg $0xFFFFFFFF;
	(pc) =	sbr.abs _section_cstart, $3  }
0xc0: {  	[dreg:$0x1] =	wrdreg $0xFFFFFFFF  }
0xc1: {  	_ =	task.clear_ibuf [dreg:s7], $0x2FFFF;
	_ =	strace $0x9FFFFFFF  }
0xc2: {  	(tm) =	ssettm $0x7FFFFFFF  }
0xc3: {  	_ =	shalt  }
tec
execute0_lowered:
.L_overlay_start_1:
0x0: {  	(tag) =	ssettag $0x1  }
0x1: {  	s0 =	srdreg.scid  }
0x2: {  	s2 =	stileid.u32;
	s1 =	rddreg [dreg:$0x0]  }
0x3: {  	s8 =	simm.s32 $0x5;
	s17 =	simm.s32 $0x6800;
	s18 =	simm.s32 $0x7000  }
0x4: {  	s19 =	simm.s32 $0x1;
	s20 =	simm.s32 $0x7800;
	s21 =	simm.s32 $0x8000  }
0x5: {  	s22 =	simm.s32 $0x8800;
	s23 =	simm.s32 $0x9000;
	s24 =	simm.s32 $0x9800  }
0x6: {  	s25 =	simm.s32 $0xA000;
	s26 =	simm.s32 $0xA800;
	s28 =	simm.s32 $0xB000  }
0x7: {  	s29 =	simm.s32 $0xB800;
	s30 =	simm.s32 $0xC000;
	s31 =	simm.s32 $0xC800  }
0x8: {  	s9 =	simm.s32 $0x3;
	s10 =	simm.s32 $0x4;
	s11 =	simm.s32 $0x0  }
0x9: {  	s0 =	sand.u32 $0x1, s0;
	s3 =	sshll.u32 s2, $0x1;
	s2 =	rddreg [dreg:$0x1]  }
0xa: {  	s5 =	sor.u32 s0, s3;
	s3 =	simm.s32 $0x0;
	s0 =	ssub.s32 $0x2, s0  }
0xb: {  	s4 =	smul.u32 $0x500, s5;
	[smem:$0x7FF] =	sst s3;
	s7 =	sshrl.u32 s0, $0x1  }
0xc: {  	v2 =	vlaneseq.u32;
	s5 =	smul.u32 $0x1900, s5;
	_ =	strace $0x80000047;
	s0 =	ssub.s32 s0, s7  }
0xd: {  	vm0 =	vmmov $0xffff;
	v1 =	vshrl.u32 v2, $0x3;
	s6 =	sadd.s32 s4, s1;
	s4 =	sadd.s32 $0xA800, s1;
	s7 =	smax.u32 s0, $0x1  }
0xe: {  	v0 =	vand.u32 $0x7, v2;
	v2 =	vor.u32 $0x8, v2;
	v1 =	vmul.u32 $0x8, v1;
	s1 =	simm.s32 $0x2;
	s0 =	simm.s32 $0x11800;
	s6 =	sadd.s32 $0x800, s6  }
.LBB2_1:
0xf: {  	[tilespmem:s3], [sflag:$0x5] =	stream.linear.gather [hbm4b:s6+s3], $0x2800, $0x38;
	[tilespmem:$0x16800] =	vst v63  }
0x10: {  	_ =	swait.ge [sflag:s8], $0x2800  }
0x11: {  	[sflag:s8] =	ssyncset.done $0x0  }
0x12: {  	[sflag:s8] =	ssyncadd.s32 $0xFFFFD800  }
0x13: {  	v3 =	vld [tilespmem:$0x0];
	_ =	sdelay $0x4  }
0x14: {  	v4 =	vshll.u32 v3, $0x1  }
0x15: {  	v3 =	vand.u32 $0x7, v3;
	v4 =	vand.u32 $0xFFFFFFF0, v4  }
0x16: {  	v3 =	vor.u32 v3, v4  }
0x17: {  	v4 =	vperm.xlane v3, v0;
	_ =	sdelay $0x1  }
0x18: {  	v3 =	vperm.xlane v3, v2;
	v4 =	vadd.s32 v1, v4;
	_ =	sdelay $0x1  }
0x19: {  	v3 =	vadd.s32 v1, v3;
	_ =	sdelay $0x1  }
0x1a: {  	s12 =	simm.s32 $0x2800  }
0x1b: {  	[tilespmem:s12], [sflag:$0x1] =	stream.indirect_vreg.gather [hbm4b:s2+s3], $0x80, v4, vm0, $0xb8;
	[tilespmem:$0x16800] =	vst v63  }
0x1c: {  	s14 =	simm.s32 $0x3000  }
0x1d: {  	[tilespmem:s14], [sflag:$0x1] =	stream.indirect_vreg.gather [hbm4b:s2+s3], $0x80, v3, vm0, $0xb8;
	[tilespmem:$0x16800] =	vst v63  }
0x1e: {  	v3 =	vld [tilespmem:$0x10];
	_ =	sdelay $0x4  }
0x1f: {  	v60 =	vshll.u32 v3, $0x1  }
0x20: {  	v3 =	vand.u32 $0x7, v3;
	v4 =	vand.u32 $0xFFFFFFF0, v60  }
0x21: {  	v3 =	vor.u32 v3, v4  }
0x22: {  	v4 =	vperm.xlane v3, v0;
	_ =	sdelay $0x1  }
0x23: {  	v3 =	vperm.xlane v3, v2;
	v4 =	vadd.s32 v1, v4;
	_ =	sdelay $0x1  }
0x24: {  	v3 =	vadd.s32 v1, v3;
	_ =	sdelay $0x1  }
0x25: {  	s15 =	simm.s32 $0x3800  }
0x26: {  	[tilespmem:s15], [sflag:$0x1] =	stream.indirect_vreg.gather [hbm4b:s2+s3], $0x80, v4, vm0, $0xb8;
	[tilespmem:$0x16800] =	vst v63  }
0x27: {  	s16 =	simm.s32 $0x4000  }
0x28: {  	[tilespmem:s16], [sflag:$0x1] =	stream.indirect_vreg.gather [hbm4b:s2+s3], $0x80, v3, vm0, $0xb8;
	[tilespmem:$0x16800] =	vst v63  }
0x29: {  	v3 =	vld [tilespmem:$0x20];
	_ =	sdelay $0x4  }
0x2a: {  	v61 =	vshll.u32 v3, $0x1  }
0x2b: {  	v3 =	vand.u32 $0x7, v3;
	v4 =	vand.u32 $0xFFFFFFF0, v61  }
0x2c: {  	v3 =	vor.u32 v3, v4  }
0x2d: {  	v4 =	vperm.xlane v3, v0;
	_ =	sdelay $0x1  }
0x2e: {  	v3 =	vperm.xlane v3, v2;
	v4 =	vadd.s32 v1, v4;
	_ =	sdelay $0x1  }
0x2f: {  	v3 =	vadd.s32 v1, v3;
	_ =	sdelay $0x1  }
0x30: {  	s13 =	simm.s32 $0x4800  }
0x31: {  	[tilespmem:s13], [sflag:$0x1] =	stream.indirect_vreg.gather [hbm4b:s2+s3], $0x80, v4, vm0, $0xb8;
	[tilespmem:$0x16800] =	vst v63  }
0x32: {  	s14 =	simm.s32 $0x5000  }
0x33: {  	[tilespmem:s14], [sflag:$0x1] =	stream.indirect_vreg.gather [hbm4b:s2+s3], $0x80, v3, vm0, $0xb8;
	[tilespmem:$0x16800] =	vst v63  }
0x34: {  	v3 =	vld [tilespmem:$0x30];
	_ =	sdelay $0x4  }
0x35: {  	v62 =	vshll.u32 v3, $0x1  }
0x36: {  	v3 =	vand.u32 $0x7, v3;
	v4 =	vand.u32 $0xFFFFFFF0, v62  }
0x37: {  	v3 =	vor.u32 v3, v4  }
0x38: {  	v4 =	vperm.xlane v3, v0;
	_ =	sdelay $0x1  }
0x39: {  	v3 =	vperm.xlane v3, v2;
	v4 =	vadd.s32 v1, v4;
	_ =	sdelay $0x1  }
0x3a: {  	v3 =	vadd.s32 v1, v3;
	_ =	sdelay $0x1  }
0x3b: {  	s15 =	simm.s32 $0x5800  }
0x3c: {  	[tilespmem:s15], [sflag:$0x1] =	stream.indirect_vreg.gather [hbm4b:s2+s3], $0x80, v4, vm0, $0xb8;
	[tilespmem:$0x16800] =	vst v63  }
0x3d: {  	s16 =	simm.s32 $0x6000  }
0x3e: {  	[tilespmem:s16], [sflag:$0x1] =	stream.indirect_vreg.gather [hbm4b:s2+s3], $0x80, v3, vm0, $0xb8;
	[tilespmem:$0x16800] =	vst v63  }
0x3f: {  	v3 =	vld [tilespmem:$0x40];
	_ =	sdelay $0x4  }
0x40: {  	v63 =	vshll.u32 v3, $0x1  }
0x41: {  	v3 =	vand.u32 $0x7, v3;
	v4 =	vand.u32 $0xFFFFFFF0, v63  }
0x42: {  	v3 =	vor.u32 v3, v4  }
0x43: {  	v4 =	vperm.xlane v3, v0;
	_ =	sdelay $0x1  }
0x44: {  	v3 =	vperm.xlane v3, v2;
	v4 =	vadd.s32 v1, v4;
	_ =	sdelay $0x1  }
0x45: {  	v3 =	vadd.s32 v1, v3;
	_ =	sdelay $0x2  }
0x46: {  	[tilespmem:s17], [sflag:$0x1] =	stream.indirect_vreg.gather [hbm4b:s2+s3], $0x80, v4, vm0, $0xb8;
	[tilespmem:$0x16800] =	vst v63  }
0x47: {  	s12 =	simm.s32 $0x0  }
0x48: {  	[tilespmem:s18], [sflag:$0x1] =	stream.indirect_vreg.gather [hbm4b:s2+s3], $0x80, v3, vm0, $0xb8;
	[tilespmem:$0x16800] =	vst v63  }
.LBB2_2:
0x49: {  	_ =	swait.ge [sflag:s19], $0x5000;
	s13 =	sshllo.u32 s12, $0x1  }
0x4a: {  	[sflag:s19] =	ssyncset.done $0x0;
	s14 =	sshll.u32 s13, $0x7  }
0x4b: {  	[sflag:s19] =	ssyncadd.s32 $0xFFFFB000;
	s14 =	sand.u32 $0x3FFFFF80, s14  }
0x4c: {  	v3 =	vld [tilespmem:s14+$0x0];
	_ =	sdelay $0x4  }
0x4d: {  	v4 =	vshll.u32 v3, $0x1  }
0x4e: {  	v3 =	vand.u32 $0x7, v3;
	v4 =	vand.u32 $0xFFFFFFF0, v4  }
0x4f: {  	v3 =	vor.u32 v3, v4  }
0x50: {  	v4 =	vperm.xlane v3, v0;
	_ =	sdelay $0x1  }
0x51: {  	v3 =	vperm.xlane v3, v2;
	v4 =	vadd.s32 v1, v4;
	_ =	sdelay $0x1  }
0x52: {  	v3 =	vadd.s32 v1, v3;
	_ =	sdelay $0x2  }
0x53: {  	[tilespmem:s20], [sflag:$0x2] =	stream.indirect_vreg.gather [hbm4b:s2+s3], $0x80, v4, vm0, $0xb8;
	[tilespmem:$0x16800] =	vst v63  }
0x54: {  	_ = 	snop  }
0x55: {  	[tilespmem:s21], [sflag:$0x2] =	stream.indirect_vreg.gather [hbm4b:s2+s3], $0x80, v3, vm0, $0xb8;
	[tilespmem:$0x16800] =	vst v63  }
0x56: {  	v3 =	vld [tilespmem:s14+$0x10];
	_ =	sdelay $0x4  }
0x57: {  	v4 =	vshll.u32 v3, $0x1  }
0x58: {  	v3 =	vand.u32 $0x7, v3;
	v4 =	vand.u32 $0xFFFFFFF0, v4  }
0x59: {  	v3 =	vor.u32 v3, v4  }
0x5a: {  	v4 =	vperm.xlane v3, v0;
	_ =	sdelay $0x1  }
0x5b: {  	v3 =	vperm.xlane v3, v2;
	v4 =	vadd.s32 v1, v4;
	_ =	sdelay $0x1  }
0x5c: {  	v3 =	vadd.s32 v1, v3;
	_ =	sdelay $0x2  }
0x5d: {  	[tilespmem:s22], [sflag:$0x2] =	stream.indirect_vreg.gather [hbm4b:s2+s3], $0x80, v4, vm0, $0xb8;
	[tilespmem:$0x16800] =	vst v63  }
0x5e: {  	_ = 	snop  }
0x5f: {  	[tilespmem:s23], [sflag:$0x2] =	stream.indirect_vreg.gather [hbm4b:s2+s3], $0x80, v3, vm0, $0xb8;
	[tilespmem:$0x16800] =	vst v63  }
0x60: {  	v3 =	vld [tilespmem:s14+$0x20];
	_ =	sdelay $0x4  }
0x61: {  	v4 =	vshll.u32 v3, $0x1  }
0x62: {  	v3 =	vand.u32 $0x7, v3;
	v4 =	vand.u32 $0xFFFFFFF0, v4  }
0x63: {  	v3 =	vor.u32 v3, v4  }
0x64: {  	v4 =	vperm.xlane v3, v0;
	_ =	sdelay $0x1  }
0x65: {  	v3 =	vperm.xlane v3, v2;
	v4 =	vadd.s32 v1, v4;
	_ =	sdelay $0x1  }
0x66: {  	v3 =	vadd.s32 v1, v3;
	_ =	sdelay $0x2  }
0x67: {  	[tilespmem:s24], [sflag:$0x2] =	stream.indirect_vreg.gather [hbm4b:s2+s3], $0x80, v4, vm0, $0xb8;
	[tilespmem:$0x16800] =	vst v63  }
0x68: {  	_ = 	snop  }
0x69: {  	[tilespmem:s25], [sflag:$0x2] =	stream.indirect_vreg.gather [hbm4b:s2+s3], $0x80, v3, vm0, $0xb8;
	[tilespmem:$0x16800] =	vst v63  }
0x6a: {  	v3 =	vld [tilespmem:s14+$0x30];
	_ =	sdelay $0x4  }
0x6b: {  	v4 =	vshll.u32 v3, $0x1  }
0x6c: {  	v3 =	vand.u32 $0x7, v3;
	v4 =	vand.u32 $0xFFFFFFF0, v4  }
0x6d: {  	v3 =	vor.u32 v3, v4  }
0x6e: {  	v4 =	vperm.xlane v3, v0;
	_ =	sdelay $0x1  }
0x6f: {  	v3 =	vperm.xlane v3, v2;
	v4 =	vadd.s32 v1, v4;
	_ =	sdelay $0x1  }
0x70: {  	v3 =	vadd.s32 v1, v3;
	_ =	sdelay $0x2  }
0x71: {  	[tilespmem:s26], [sflag:$0x2] =	stream.indirect_vreg.gather [hbm4b:s2+s3], $0x80, v4, vm0, $0xb8;
	[tilespmem:$0x16800] =	vst v63  }
0x72: {  	_ = 	snop  }
0x73: {  	[tilespmem:s28], [sflag:$0x2] =	stream.indirect_vreg.gather [hbm4b:s2+s3], $0x80, v3, vm0, $0xb8;
	[tilespmem:$0x16800] =	vst v63  }
0x74: {  	v3 =	vld [tilespmem:s14+$0x40];
	_ =	sdelay $0x4  }
0x75: {  	v4 =	vshll.u32 v3, $0x1  }
0x76: {  	v3 =	vand.u32 $0x7, v3;
	v4 =	vand.u32 $0xFFFFFFF0, v4  }
0x77: {  	v3 =	vor.u32 v3, v4  }
0x78: {  	v4 =	vperm.xlane v3, v0;
	_ =	sdelay $0x1  }
0x79: {  	v3 =	vperm.xlane v3, v2;
	v4 =	vadd.s32 v1, v4;
	_ =	sdelay $0x1  }
0x7a: {  	v3 =	vadd.s32 v1, v3;
	_ =	sdelay $0x1  }
0x7b: {  	p0 =	seq.s32 s12, $0x0  }
0x7c: {  	[tilespmem:s29], [sflag:$0x2] =	stream.indirect_vreg.gather [hbm4b:s2+s3], $0x80, v4, vm0, $0xb8;
	[tilespmem:$0x16800] =	vst v63  }
0x7d: {  	s14 =	simm.s32 @!p0 $0x3  }
0x7e: {  	[tilespmem:s30], [sflag:$0x2] =	stream.indirect_vreg.gather [hbm4b:s2+s3], $0x80, v3, vm0, $0xb8;
	[tilespmem:$0x16800] =	vst v63  }
0x7f: {  	_ =	swait.ge @!p0 [sflag:s14], $0x5000  }
0x80: {  	[sflag:s14] =	ssyncset.done @!p0 $0x0  }
0x81: {  	[sflag:s14] =	ssyncadd.s32 @!p0 $0xFFFFB000;
	s14 =	simm.s32 $0x0  }
0x82: {  	v3 =	vld.msk [tilespmem:s14+$0x2FE0], $0xff  }
0x83: {  	v4 =	vld [tilespmem:s14+$0x2800]  }
0x84: {  	v5 =	vld [tilespmem:s14+$0x2810]  }
0x85: {  	v6 =	vld [tilespmem:s14+$0x2820]  }
0x86: {  	v7 =	vld [tilespmem:s14+$0x2830]  }
0x87: {  	v8 =	vld [tilespmem:s14+$0x2840];
	[tilespmem:s14+$0xCFE0] =	vst.msk $0xff, v3  }
0x88: {  	v9 =	vld [tilespmem:s14+$0x2BE0];
	[tilespmem:s14+$0xC800] =	vst v4  }
0x89: {  	v10 =	vld [tilespmem:s14+$0x2BF0];
	[tilespmem:s14+$0xC810] =	vst v5  }
0x8a: {  	v3 =	vld [tilespmem:s14+$0x2850];
	[tilespmem:s14+$0xC820] =	vst v6  }
0x8b: {  	v5 =	vld [tilespmem:s14+$0x2870];
	[tilespmem:s14+$0xC830] =	vst v7  }
0x8c: {  	v4 =	vld [tilespmem:s14+$0x2860];
	[tilespmem:s14+$0xC840] =	vst v8  }
0x8d: {  	v6 =	vld [tilespmem:s14+$0x2C00];
	[tilespmem:s14+$0xCBE0] =	vst v9  }
0x8e: {  	v7 =	vld [tilespmem:s14+$0x2C10];
	[tilespmem:s14+$0xCBF0] =	vst v10  }
0x8f: {  	v8 =	vld [tilespmem:s14+$0x2BD0];
	[tilespmem:s14+$0xC850] =	vst v3  }
0x90: {  	[tilespmem:s14+$0xC870] =	vst v5;
	v5 =	vld [tilespmem:s14+$0x2C40]  }
0x91: {  	v3 =	vld [tilespmem:s14+$0x2C20];
	[tilespmem:s14+$0xC860] =	vst v4  }
0x92: {  	v4 =	vld [tilespmem:s14+$0x2C30];
	[tilespmem:s14+$0xCC00] =	vst v6  }
0x93: {  	v6 =	vld [tilespmem:s14+$0x2C50];
	[tilespmem:s14+$0xCC10] =	vst v7  }
0x94: {  	v7 =	vld.msk [tilespmem:s14+$0x2C60], $0xff;
	[tilespmem:s14+$0xCBD0] =	vst v8  }
0x95: {  	[tilespmem:s14+$0xCC40] =	vst v5;
	v5 =	vld [tilespmem:s14+$0x28A0]  }
0x96: {  	[tilespmem:s14+$0xCC20] =	vst v3;
	v3 =	vld [tilespmem:s14+$0x2880]  }
0x97: {  	[tilespmem:s14+$0xCC30] =	vst v4;
	v4 =	vld [tilespmem:s14+$0x2890]  }
0x98: {  	[tilespmem:s14+$0xCC50] =	vst v6;
	v6 =	vld [tilespmem:s14+$0x28B0]  }
0x99: {  	[tilespmem:s14+$0xCC60] =	vst.msk $0xff, v7;
	v7 =	vld [tilespmem:s14+$0x28C0]  }
0x9a: {  	[tilespmem:s14+$0xC8A0] =	vst v5;
	v5 =	vld [tilespmem:s14+$0x28F0]  }
0x9b: {  	[tilespmem:s14+$0xC880] =	vst v3;
	v3 =	vld [tilespmem:s14+$0x28D0]  }
0x9c: {  	[tilespmem:s14+$0xC890] =	vst v4;
	v4 =	vld [tilespmem:s14+$0x28E0]  }
0x9d: {  	[tilespmem:s14+$0xC8B0] =	vst v6;
	v6 =	vld [tilespmem:s14+$0x2C80]  }
0x9e: {  	[tilespmem:s14+$0xC8C0] =	vst v7;
	v7 =	vld [tilespmem:s14+$0x2C90]  }
0x9f: {  	[tilespmem:s14+$0xC8F0] =	vst v5;
	v5 =	vld [tilespmem:s14+$0x2CC0]  }
0xa0: {  	[tilespmem:s14+$0xC8D0] =	vst v3;
	v3 =	vld [tilespmem:s14+$0x2CA0]  }
0xa1: {  	[tilespmem:s14+$0xC8E0] =	vst v4;
	v4 =	vld [tilespmem:s14+$0x2CB0]  }
0xa2: {  	[tilespmem:s14+$0xCC80] =	vst v6;
	v6 =	vld [tilespmem:s14+$0x2CD0]  }
0xa3: {  	[tilespmem:s14+$0xCC90] =	vst v7;
	v7 =	vld.msk [tilespmem:s14+$0x2CE0], $0xff  }
0xa4: {  	[tilespmem:s14+$0xCCC0] =	vst v5;
	v5 =	vld [tilespmem:s14+$0x2920]  }
0xa5: {  	[tilespmem:s14+$0xCCA0] =	vst v3;
	v3 =	vld [tilespmem:s14+$0x2900]  }
0xa6: {  	[tilespmem:s14+$0xCCB0] =	vst v4;
	v4 =	vld [tilespmem:s14+$0x2910]  }
0xa7: {  	[tilespmem:s14+$0xCCD0] =	vst v6;
	v6 =	vld [tilespmem:s14+$0x2930]  }
0xa8: {  	[tilespmem:s14+$0xCCE0] =	vst.msk $0xff, v7;
	v7 =	vld [tilespmem:s14+$0x2940]  }
0xa9: {  	[tilespmem:s14+$0xC920] =	vst v5;
	v5 =	vld [tilespmem:s14+$0x2970]  }
0xaa: {  	[tilespmem:s14+$0xC900] =	vst v3;
	v3 =	vld [tilespmem:s14+$0x2950]  }
0xab: {  	[tilespmem:s14+$0xC910] =	vst v4;
	v4 =	vld [tilespmem:s14+$0x2960]  }
0xac: {  	[tilespmem:s14+$0xC930] =	vst v6;
	v6 =	vld [tilespmem:s14+$0x2D00]  }
0xad: {  	[tilespmem:s14+$0xC940] =	vst v7;
	v7 =	vld [tilespmem:s14+$0x2D10]  }
0xae: {  	[tilespmem:s14+$0xC970] =	vst v5;
	v5 =	vld [tilespmem:s14+$0x2D40]  }
0xaf: {  	[tilespmem:s14+$0xC950] =	vst v3;
	v3 =	vld [tilespmem:s14+$0x2D20]  }
0xb0: {  	[tilespmem:s14+$0xC960] =	vst v4;
	v4 =	vld [tilespmem:s14+$0x2D30]  }
0xb1: {  	[tilespmem:s14+$0xCD00] =	vst v6;
	v6 =	vld [tilespmem:s14+$0x2D50]  }
0xb2: {  	[tilespmem:s14+$0xCD10] =	vst v7;
	v7 =	vld.msk [tilespmem:s14+$0x2D60], $0xff  }
0xb3: {  	[tilespmem:s14+$0xCD40] =	vst v5;
	v5 =	vld [tilespmem:s14+$0x29A0]  }
0xb4: {  	[tilespmem:s14+$0xCD20] =	vst v3;
	v3 =	vld [tilespmem:s14+$0x2980]  }
0xb5: {  	[tilespmem:s14+$0xCD30] =	vst v4;
	v4 =	vld [tilespmem:s14+$0x2990]  }
0xb6: {  	[tilespmem:s14+$0xCD50] =	vst v6;
	v6 =	vld [tilespmem:s14+$0x29B0]  }
0xb7: {  	[tilespmem:s14+$0xCD60] =	vst.msk $0xff, v7;
	v7 =	vld [tilespmem:s14+$0x29C0]  }
0xb8: {  	[tilespmem:s14+$0xC9A0] =	vst v5;
	v5 =	vld [tilespmem:s14+$0x29F0]  }
0xb9: {  	[tilespmem:s14+$0xC980] =	vst v3;
	v3 =	vld [tilespmem:s14+$0x29D0]  }
0xba: {  	[tilespmem:s14+$0xC990] =	vst v4;
	v4 =	vld [tilespmem:s14+$0x29E0]  }
0xbb: {  	[tilespmem:s14+$0xC9B0] =	vst v6;
	v6 =	vld [tilespmem:s14+$0x2D80]  }
0xbc: {  	[tilespmem:s14+$0xC9C0] =	vst v7;
	v7 =	vld [tilespmem:s14+$0x2D90]  }
0xbd: {  	[tilespmem:s14+$0xC9F0] =	vst v5;
	v5 =	vld [tilespmem:s14+$0x2DC0]  }
0xbe: {  	[tilespmem:s14+$0xC9D0] =	vst v3;
	v3 =	vld [tilespmem:s14+$0x2DA0]  }
0xbf: {  	[tilespmem:s14+$0xC9E0] =	vst v4;
	v4 =	vld [tilespmem:s14+$0x2DB0]  }
0xc0: {  	[tilespmem:s14+$0xCD80] =	vst v6;
	v6 =	vld [tilespmem:s14+$0x2DD0]  }
0xc1: {  	[tilespmem:s14+$0xCD90] =	vst v7;
	v7 =	vld.msk [tilespmem:s14+$0x2DE0], $0xff  }
0xc2: {  	[tilespmem:s14+$0xCDC0] =	vst v5;
	v5 =	vld [tilespmem:s14+$0x2A20]  }
0xc3: {  	[tilespmem:s14+$0xCDA0] =	vst v3;
	v3 =	vld [tilespmem:s14+$0x2A00]  }
0xc4: {  	[tilespmem:s14+$0xCDB0] =	vst v4;
	v4 =	vld [tilespmem:s14+$0x2A10]  }
0xc5: {  	[tilespmem:s14+$0xCDD0] =	vst v6;
	v6 =	vld [tilespmem:s14+$0x2A30]  }
0xc6: {  	[tilespmem:s14+$0xCDE0] =	vst.msk $0xff, v7;
	v7 =	vld [tilespmem:s14+$0x2A40]  }
0xc7: {  	[tilespmem:s14+$0xCA20] =	vst v5;
	v5 =	vld [tilespmem:s14+$0x2A70]  }
0xc8: {  	[tilespmem:s14+$0xCA00] =	vst v3;
	v3 =	vld [tilespmem:s14+$0x2A50]  }
0xc9: {  	[tilespmem:s14+$0xCA10] =	vst v4;
	v4 =	vld [tilespmem:s14+$0x2A60]  }
0xca: {  	[tilespmem:s14+$0xCA30] =	vst v6;
	v6 =	vld [tilespmem:s14+$0x2E00]  }
0xcb: {  	[tilespmem:s14+$0xCA40] =	vst v7;
	v7 =	vld [tilespmem:s14+$0x2E10]  }
0xcc: {  	[tilespmem:s14+$0xCA70] =	vst v5;
	v5 =	vld [tilespmem:s14+$0x2E40]  }
0xcd: {  	[tilespmem:s14+$0xCA50] =	vst v3;
	v3 =	vld [tilespmem:s14+$0x2E20]  }
0xce: {  	[tilespmem:s14+$0xCA60] =	vst v4;
	v4 =	vld [tilespmem:s14+$0x2E30]  }
0xcf: {  	[tilespmem:s14+$0xCE00] =	vst v6;
	v6 =	vld [tilespmem:s14+$0x2E50]  }
0xd0: {  	[tilespmem:s14+$0xCE10] =	vst v7;
	v7 =	vld.msk [tilespmem:s14+$0x2E60], $0xff  }
0xd1: {  	[tilespmem:s14+$0xCE40] =	vst v5;
	v5 =	vld [tilespmem:s14+$0x2AA0]  }
0xd2: {  	[tilespmem:s14+$0xCE20] =	vst v3;
	v3 =	vld [tilespmem:s14+$0x2A80]  }
0xd3: {  	[tilespmem:s14+$0xCE30] =	vst v4;
	v4 =	vld [tilespmem:s14+$0x2A90]  }
0xd4: {  	[tilespmem:s14+$0xCE50] =	vst v6;
	v6 =	vld [tilespmem:s14+$0x2AB0]  }
0xd5: {  	[tilespmem:s14+$0xCE60] =	vst.msk $0xff, v7;
	v7 =	vld [tilespmem:s14+$0x2AC0]  }
0xd6: {  	[tilespmem:s14+$0xCAA0] =	vst v5;
	v5 =	vld [tilespmem:s14+$0x2AF0]  }
0xd7: {  	[tilespmem:s14+$0xCA80] =	vst v3;
	v3 =	vld [tilespmem:s14+$0x2AD0]  }
0xd8: {  	[tilespmem:s14+$0xCA90] =	vst v4;
	v4 =	vld [tilespmem:s14+$0x2AE0]  }
0xd9: {  	[tilespmem:s14+$0xCAB0] =	vst v6;
	v6 =	vld [tilespmem:s14+$0x2E80]  }
0xda: {  	[tilespmem:s14+$0xCAC0] =	vst v7;
	v7 =	vld [tilespmem:s14+$0x2E90]  }
0xdb: {  	[tilespmem:s14+$0xCAF0] =	vst v5;
	v5 =	vld [tilespmem:s14+$0x2EC0]  }
0xdc: {  	[tilespmem:s14+$0xCAD0] =	vst v3;
	v3 =	vld [tilespmem:s14+$0x2EA0]  }
0xdd: {  	[tilespmem:s14+$0xCAE0] =	vst v4;
	v4 =	vld [tilespmem:s14+$0x2EB0]  }
0xde: {  	[tilespmem:s14+$0xCE80] =	vst v6;
	v6 =	vld [tilespmem:s14+$0x2ED0]  }
0xdf: {  	[tilespmem:s14+$0xCE90] =	vst v7;
	v7 =	vld.msk [tilespmem:s14+$0x2EE0], $0xff  }
0xe0: {  	[tilespmem:s14+$0xCEC0] =	vst v5;
	v5 =	vld [tilespmem:s14+$0x2B20]  }
0xe1: {  	[tilespmem:s14+$0xCEA0] =	vst v3;
	v3 =	vld [tilespmem:s14+$0x2B00]  }
0xe2: {  	[tilespmem:s14+$0xCEB0] =	vst v4;
	v4 =	vld [tilespmem:s14+$0x2B10]  }
0xe3: {  	[tilespmem:s14+$0xCED0] =	vst v6;
	v6 =	vld [tilespmem:s14+$0x2B30]  }
0xe4: {  	[tilespmem:s14+$0xCEE0] =	vst.msk $0xff, v7;
	v7 =	vld [tilespmem:s14+$0x2B40]  }
0xe5: {  	[tilespmem:s14+$0xCB20] =	vst v5;
	v5 =	vld [tilespmem:s14+$0x2B70]  }
0xe6: {  	[tilespmem:s14+$0xCB00] =	vst v3;
	v3 =	vld [tilespmem:s14+$0x2B50]  }
0xe7: {  	[tilespmem:s14+$0xCB10] =	vst v4;
	v4 =	vld [tilespmem:s14+$0x2B60]  }
0xe8: {  	[tilespmem:s14+$0xCB30] =	vst v6;
	v6 =	vld [tilespmem:s14+$0x2F00]  }
0xe9: {  	[tilespmem:s14+$0xCB40] =	vst v7;
	v7 =	vld [tilespmem:s14+$0x2F10]  }
0xea: {  	[tilespmem:s14+$0xCB70] =	vst v5;
	v5 =	vld [tilespmem:s14+$0x2F40]  }
0xeb: {  	[tilespmem:s14+$0xCB50] =	vst v3;
	v3 =	vld [tilespmem:s14+$0x2F20]  }
0xec: {  	[tilespmem:s14+$0xCB60] =	vst v4;
	v4 =	vld [tilespmem:s14+$0x2F30]  }
0xed: {  	[tilespmem:s14+$0xCF00] =	vst v6;
	v6 =	vld [tilespmem:s14+$0x2F50]  }
0xee: {  	[tilespmem:s14+$0xCF10] =	vst v7;
	v7 =	vld.msk [tilespmem:s14+$0x2F60], $0xff  }
0xef: {  	[tilespmem:s14+$0xCF40] =	vst v5;
	v5 =	vld [tilespmem:s14+$0x2BA0]  }
0xf0: {  	[tilespmem:s14+$0xCF20] =	vst v3;
	v3 =	vld [tilespmem:s14+$0x2B80]  }
0xf1: {  	[tilespmem:s14+$0xCF30] =	vst v4;
	v4 =	vld [tilespmem:s14+$0x2B90]  }
0xf2: {  	[tilespmem:s14+$0xCF50] =	vst v6;
	v6 =	vld [tilespmem:s14+$0x2BB0]  }
0xf3: {  	[tilespmem:s14+$0xCF60] =	vst.msk $0xff, v7;
	v7 =	vld [tilespmem:s14+$0x2BC0]  }
0xf4: {  	[tilespmem:s14+$0xCBA0] =	vst v5;
	v5 =	vld [tilespmem:s14+$0x2F80]  }
0xf5: {  	[tilespmem:s14+$0xCB80] =	vst v3;
	v3 =	vld [tilespmem:s14+$0x2F90]  }
0xf6: {  	[tilespmem:s14+$0xCB90] =	vst v4;
	v4 =	vld [tilespmem:s14+$0x2FA0]  }
0xf7: {  	[tilespmem:s14+$0xCBB0] =	vst v6;
	v6 =	vld [tilespmem:s14+$0x2FB0]  }
0xf8: {  	s15 =	simm.s32 $0x8;
	[tilespmem:s14+$0xCBC0] =	vst v7;
	v7 =	vld [tilespmem:s14+$0x2FC0]  }
.LBB2_3:
0xf9: {  	s16 =	sshll.u32 s15, $0x8;
	p0 =	slt.u32 s15, $0x48;
	[tilespmem:s14+$0xCF80] =	vst v5;
	v5 =	vld [tilespmem:s14+$0x2FD0]  }
0xfa: {  	v8 =	vld.msk [tilespmem:s16+$0x2FE0], $0xff;
	[tilespmem:s14+$0xCF90] =	vst v3  }
0xfb: {  	v3 =	vld [tilespmem:s16+$0x2800];
	[tilespmem:s14+$0xCFA0] =	vst v4  }
0xfc: {  	v4 =	vld [tilespmem:s16+$0x2810];
	[tilespmem:s14+$0xCFB0] =	vst v6  }
0xfd: {  	v6 =	vld [tilespmem:s16+$0x2820];
	[tilespmem:s14+$0xCFC0] =	vst v7  }
0xfe: {  	v7 =	vld [tilespmem:s16+$0x2830];
	[tilespmem:s14+$0xCFD0] =	vst v5;
	s14 =	smov.u32 s16  }
0xff: {  	v5 =	vld [tilespmem:s14+$0x2840];
	[tilespmem:s14+$0xCFE0] =	vst.msk $0xff, v8  }
0x100: {  	[tilespmem:s14+$0xC800] =	vst v3;
	v3 =	vld [tilespmem:s14+$0x2850]  }
0x101: {  	[tilespmem:s14+$0xC810] =	vst v4;
	v4 =	vld [tilespmem:s14+$0x2860]  }
0x102: {  	[tilespmem:s14+$0xC820] =	vst v6;
	v6 =	vld [tilespmem:s14+$0x2870]  }
0x103: {  	[tilespmem:s14+$0xC830] =	vst v7;
	v7 =	vld [tilespmem:s14+$0x2C00]  }
0x104: {  	[tilespmem:s14+$0xC840] =	vst v5;
	v5 =	vld [tilespmem:s14+$0x2C10]  }
0x105: {  	[tilespmem:s14+$0xC850] =	vst v3;
	v3 =	vld [tilespmem:s14+$0x2C20]  }
0x106: {  	[tilespmem:s14+$0xC860] =	vst v4;
	v4 =	vld [tilespmem:s14+$0x2C30]  }
0x107: {  	[tilespmem:s14+$0xC870] =	vst v6;
	v6 =	vld [tilespmem:s14+$0x2C40]  }
0x108: {  	[tilespmem:s14+$0xCC00] =	vst v7;
	v7 =	vld [tilespmem:s14+$0x2C50]  }
0x109: {  	[tilespmem:s14+$0xCC10] =	vst v5;
	v5 =	vld.msk [tilespmem:s14+$0x2C60], $0xff  }
0x10a: {  	[tilespmem:s14+$0xCC20] =	vst v3;
	v3 =	vld [tilespmem:s14+$0x2880]  }
0x10b: {  	[tilespmem:s14+$0xCC30] =	vst v4;
	v4 =	vld [tilespmem:s14+$0x2890]  }
0x10c: {  	[tilespmem:s14+$0xCC40] =	vst v6;
	v6 =	vld [tilespmem:s14+$0x28A0]  }
0x10d: {  	[tilespmem:s14+$0xCC50] =	vst v7;
	v7 =	vld [tilespmem:s14+$0x28B0]  }
0x10e: {  	[tilespmem:s14+$0xCC60] =	vst.msk $0xff, v5;
	v5 =	vld [tilespmem:s14+$0x28C0]  }
0x10f: {  	[tilespmem:s14+$0xC880] =	vst v3;
	v3 =	vld [tilespmem:s14+$0x28D0]  }
0x110: {  	[tilespmem:s14+$0xC890] =	vst v4;
	v4 =	vld [tilespmem:s14+$0x28E0]  }
0x111: {  	[tilespmem:s14+$0xC8A0] =	vst v6;
	v6 =	vld [tilespmem:s14+$0x28F0]  }
0x112: {  	[tilespmem:s14+$0xC8B0] =	vst v7;
	v7 =	vld [tilespmem:s14+$0x2C80]  }
0x113: {  	[tilespmem:s14+$0xC8C0] =	vst v5;
	v5 =	vld [tilespmem:s14+$0x2C90]  }
0x114: {  	[tilespmem:s14+$0xC8D0] =	vst v3;
	v3 =	vld [tilespmem:s14+$0x2CA0]  }
0x115: {  	[tilespmem:s14+$0xC8E0] =	vst v4;
	v4 =	vld [tilespmem:s14+$0x2CB0]  }
0x116: {  	[tilespmem:s14+$0xC8F0] =	vst v6;
	v6 =	vld [tilespmem:s14+$0x2CC0]  }
0x117: {  	[tilespmem:s14+$0xCC80] =	vst v7;
	v7 =	vld [tilespmem:s14+$0x2CD0]  }
0x118: {  	[tilespmem:s14+$0xCC90] =	vst v5;
	v5 =	vld.msk [tilespmem:s14+$0x2CE0], $0xff  }
0x119: {  	[tilespmem:s14+$0xCCA0] =	vst v3;
	v3 =	vld [tilespmem:s14+$0x2900]  }
0x11a: {  	[tilespmem:s14+$0xCCB0] =	vst v4;
	v4 =	vld [tilespmem:s14+$0x2910]  }
0x11b: {  	[tilespmem:s14+$0xCCC0] =	vst v6;
	v6 =	vld [tilespmem:s14+$0x2920]  }
0x11c: {  	[tilespmem:s14+$0xCCD0] =	vst v7;
	v7 =	vld [tilespmem:s14+$0x2930]  }
0x11d: {  	[tilespmem:s14+$0xCCE0] =	vst.msk $0xff, v5;
	v5 =	vld [tilespmem:s14+$0x2940]  }
0x11e: {  	[tilespmem:s14+$0xC900] =	vst v3;
	v3 =	vld [tilespmem:s14+$0x2950]  }
0x11f: {  	[tilespmem:s14+$0xC910] =	vst v4;
	v4 =	vld [tilespmem:s14+$0x2960]  }
0x120: {  	[tilespmem:s14+$0xC920] =	vst v6;
	v6 =	vld [tilespmem:s14+$0x2970]  }
0x121: {  	[tilespmem:s14+$0xC930] =	vst v7;
	v7 =	vld [tilespmem:s14+$0x2D00]  }
0x122: {  	[tilespmem:s14+$0xC940] =	vst v5;
	v5 =	vld [tilespmem:s14+$0x2D10]  }
0x123: {  	[tilespmem:s14+$0xC950] =	vst v3;
	v3 =	vld [tilespmem:s14+$0x2D20]  }
0x124: {  	[tilespmem:s14+$0xC960] =	vst v4;
	v4 =	vld [tilespmem:s14+$0x2D30]  }
0x125: {  	[tilespmem:s14+$0xC970] =	vst v6;
	v6 =	vld [tilespmem:s14+$0x2D40]  }
0x126: {  	[tilespmem:s14+$0xCD00] =	vst v7;
	v7 =	vld [tilespmem:s14+$0x2D50]  }
0x127: {  	[tilespmem:s14+$0xCD10] =	vst v5;
	v5 =	vld.msk [tilespmem:s14+$0x2D60], $0xff  }
0x128: {  	[tilespmem:s14+$0xCD20] =	vst v3;
	v3 =	vld [tilespmem:s14+$0x2980]  }
0x129: {  	[tilespmem:s14+$0xCD30] =	vst v4;
	v4 =	vld [tilespmem:s14+$0x2990]  }
0x12a: {  	[tilespmem:s14+$0xCD40] =	vst v6;
	v6 =	vld [tilespmem:s14+$0x29A0]  }
0x12b: {  	[tilespmem:s14+$0xCD50] =	vst v7;
	v7 =	vld [tilespmem:s14+$0x29B0]  }
0x12c: {  	[tilespmem:s14+$0xCD60] =	vst.msk $0xff, v5;
	v5 =	vld [tilespmem:s14+$0x29C0]  }
0x12d: {  	[tilespmem:s14+$0xC980] =	vst v3;
	v3 =	vld [tilespmem:s14+$0x29D0]  }
0x12e: {  	[tilespmem:s14+$0xC990] =	vst v4;
	v4 =	vld [tilespmem:s14+$0x29E0]  }
0x12f: {  	[tilespmem:s14+$0xC9A0] =	vst v6;
	v6 =	vld [tilespmem:s14+$0x29F0]  }
0x130: {  	[tilespmem:s14+$0xC9B0] =	vst v7;
	v7 =	vld [tilespmem:s14+$0x2D80]  }
0x131: {  	[tilespmem:s14+$0xC9C0] =	vst v5;
	v5 =	vld [tilespmem:s14+$0x2D90]  }
0x132: {  	[tilespmem:s14+$0xC9D0] =	vst v3;
	v3 =	vld [tilespmem:s14+$0x2DA0]  }
0x133: {  	[tilespmem:s14+$0xC9E0] =	vst v4;
	v4 =	vld [tilespmem:s14+$0x2DB0]  }
0x134: {  	[tilespmem:s14+$0xC9F0] =	vst v6;
	v6 =	vld [tilespmem:s14+$0x2DC0]  }
0x135: {  	[tilespmem:s14+$0xCD80] =	vst v7;
	v7 =	vld [tilespmem:s14+$0x2DD0]  }
0x136: {  	[tilespmem:s14+$0xCD90] =	vst v5;
	v5 =	vld.msk [tilespmem:s14+$0x2DE0], $0xff  }
0x137: {  	[tilespmem:s14+$0xCDA0] =	vst v3;
	v3 =	vld [tilespmem:s14+$0x2A00]  }
0x138: {  	[tilespmem:s14+$0xCDB0] =	vst v4;
	v4 =	vld [tilespmem:s14+$0x2A10]  }
0x139: {  	[tilespmem:s14+$0xCDC0] =	vst v6;
	v6 =	vld [tilespmem:s14+$0x2A20]  }
0x13a: {  	[tilespmem:s14+$0xCDD0] =	vst v7;
	v7 =	vld [tilespmem:s14+$0x2A30]  }
0x13b: {  	[tilespmem:s14+$0xCDE0] =	vst.msk $0xff, v5;
	v5 =	vld [tilespmem:s14+$0x2A40]  }
0x13c: {  	[tilespmem:s14+$0xCA00] =	vst v3;
	v3 =	vld [tilespmem:s14+$0x2A50]  }
0x13d: {  	[tilespmem:s14+$0xCA10] =	vst v4;
	v4 =	vld [tilespmem:s14+$0x2A60]  }
0x13e: {  	[tilespmem:s14+$0xCA20] =	vst v6;
	v6 =	vld [tilespmem:s14+$0x2A70]  }
0x13f: {  	[tilespmem:s14+$0xCA30] =	vst v7;
	v7 =	vld [tilespmem:s14+$0x2E00]  }
0x140: {  	[tilespmem:s14+$0xCA40] =	vst v5;
	v5 =	vld [tilespmem:s14+$0x2E10]  }
0x141: {  	[tilespmem:s14+$0xCA50] =	vst v3;
	v3 =	vld [tilespmem:s14+$0x2E20]  }
0x142: {  	[tilespmem:s14+$0xCA60] =	vst v4;
	v4 =	vld [tilespmem:s14+$0x2E30]  }
0x143: {  	[tilespmem:s14+$0xCA70] =	vst v6;
	v6 =	vld [tilespmem:s14+$0x2E40]  }
0x144: {  	[tilespmem:s14+$0xCE00] =	vst v7;
	v7 =	vld [tilespmem:s14+$0x2E50]  }
0x145: {  	[tilespmem:s14+$0xCE10] =	vst v5;
	v5 =	vld.msk [tilespmem:s14+$0x2E60], $0xff  }
0x146: {  	[tilespmem:s14+$0xCE20] =	vst v3;
	v3 =	vld [tilespmem:s14+$0x2A80]  }
0x147: {  	[tilespmem:s14+$0xCE30] =	vst v4;
	v4 =	vld [tilespmem:s14+$0x2A90]  }
0x148: {  	[tilespmem:s14+$0xCE40] =	vst v6;
	v6 =	vld [tilespmem:s14+$0x2AA0]  }
0x149: {  	[tilespmem:s14+$0xCE50] =	vst v7;
	v7 =	vld [tilespmem:s14+$0x2AB0]  }
0x14a: {  	[tilespmem:s14+$0xCE60] =	vst.msk $0xff, v5;
	v5 =	vld [tilespmem:s14+$0x2AC0]  }
0x14b: {  	[tilespmem:s14+$0xCA80] =	vst v3;
	v3 =	vld [tilespmem:s14+$0x2AD0]  }
0x14c: {  	[tilespmem:s14+$0xCA90] =	vst v4;
	v4 =	vld [tilespmem:s14+$0x2AE0]  }
0x14d: {  	[tilespmem:s14+$0xCAA0] =	vst v6;
	v6 =	vld [tilespmem:s14+$0x2AF0]  }
0x14e: {  	[tilespmem:s14+$0xCAB0] =	vst v7;
	v7 =	vld [tilespmem:s14+$0x2E80]  }
0x14f: {  	[tilespmem:s14+$0xCAC0] =	vst v5;
	v5 =	vld [tilespmem:s14+$0x2E90]  }
0x150: {  	[tilespmem:s14+$0xCAD0] =	vst v3;
	v3 =	vld [tilespmem:s14+$0x2EA0]  }
0x151: {  	[tilespmem:s14+$0xCAE0] =	vst v4;
	v4 =	vld [tilespmem:s14+$0x2EB0]  }
0x152: {  	[tilespmem:s14+$0xCAF0] =	vst v6;
	v6 =	vld [tilespmem:s14+$0x2EC0]  }
0x153: {  	[tilespmem:s14+$0xCE80] =	vst v7;
	v7 =	vld [tilespmem:s14+$0x2ED0]  }
0x154: {  	[tilespmem:s14+$0xCE90] =	vst v5;
	v5 =	vld.msk [tilespmem:s14+$0x2EE0], $0xff  }
0x155: {  	[tilespmem:s14+$0xCEA0] =	vst v3;
	v3 =	vld [tilespmem:s14+$0x2B00]  }
0x156: {  	[tilespmem:s14+$0xCEB0] =	vst v4;
	v4 =	vld [tilespmem:s14+$0x2B10]  }
0x157: {  	[tilespmem:s14+$0xCEC0] =	vst v6;
	v6 =	vld [tilespmem:s14+$0x2B20]  }
0x158: {  	[tilespmem:s14+$0xCED0] =	vst v7;
	v7 =	vld [tilespmem:s14+$0x2B30]  }
0x159: {  	[tilespmem:s14+$0xCEE0] =	vst.msk $0xff, v5;
	v5 =	vld [tilespmem:s14+$0x2B40]  }
0x15a: {  	[tilespmem:s14+$0xCB00] =	vst v3;
	v3 =	vld [tilespmem:s14+$0x2B50]  }
0x15b: {  	[tilespmem:s14+$0xCB10] =	vst v4;
	v4 =	vld [tilespmem:s14+$0x2B60]  }
0x15c: {  	[tilespmem:s14+$0xCB20] =	vst v6;
	v6 =	vld [tilespmem:s14+$0x2B70]  }
0x15d: {  	[tilespmem:s14+$0xCB30] =	vst v7;
	v7 =	vld [tilespmem:s14+$0x2F00]  }
0x15e: {  	[tilespmem:s14+$0xCB40] =	vst v5;
	v5 =	vld [tilespmem:s14+$0x2F10]  }
0x15f: {  	[tilespmem:s14+$0xCB50] =	vst v3;
	v3 =	vld [tilespmem:s14+$0x2F20]  }
0x160: {  	[tilespmem:s14+$0xCB60] =	vst v4;
	v4 =	vld [tilespmem:s14+$0x2F30]  }
0x161: {  	[tilespmem:s14+$0xCB70] =	vst v6;
	v6 =	vld [tilespmem:s14+$0x2F40]  }
0x162: {  	[tilespmem:s14+$0xCF00] =	vst v7;
	v7 =	vld [tilespmem:s14+$0x2F50]  }
0x163: {  	[tilespmem:s14+$0xCF10] =	vst v5;
	v5 =	vld.msk [tilespmem:s14+$0x2F60], $0xff  }
0x164: {  	[tilespmem:s14+$0xCF20] =	vst v3;
	v3 =	vld [tilespmem:s14+$0x2B80]  }
0x165: {  	[tilespmem:s14+$0xCF30] =	vst v4;
	v4 =	vld [tilespmem:s14+$0x2B90]  }
0x166: {  	[tilespmem:s14+$0xCF40] =	vst v6;
	v6 =	vld [tilespmem:s14+$0x2BA0]  }
0x167: {  	[tilespmem:s14+$0xCF50] =	vst v7;
	v7 =	vld [tilespmem:s14+$0x2BB0]  }
0x168: {  	[tilespmem:s14+$0xCF60] =	vst.msk $0xff, v5;
	v8 =	vld [tilespmem:s14+$0x2BC0]  }
0x169: {  	[tilespmem:s14+$0xCB80] =	vst v3;
	v9 =	vld [tilespmem:s14+$0x2BD0]  }
0x16a: {  	[tilespmem:s14+$0xCB90] =	vst v4;
	v10 =	vld [tilespmem:s14+$0x2BE0]  }
0x16b: {  	[tilespmem:s14+$0xCBA0] =	vst v6;
	v11 =	vld [tilespmem:s14+$0x2BF0]  }
.Ltmp0:
0x16c: {  	[tilespmem:s14+$0xCBB0] =	vst v7;
	v5 =	vld [tilespmem:s14+$0x2F80];
	(pc) =	sbr.rel @p0 .LBB2_3-.Ltmp0, $4  }
0x16d: {  	[tilespmem:s14+$0xCBC0] =	vst v8;
	v3 =	vld [tilespmem:s14+$0x2F90]  }
0x16e: {  	[tilespmem:s14+$0xCBD0] =	vst v9;
	v4 =	vld [tilespmem:s14+$0x2FA0]  }
0x16f: {  	[tilespmem:s14+$0xCBE0] =	vst v10;
	v6 =	vld [tilespmem:s14+$0x2FB0]  }
0x170: {  	s15 =	sadd.s32 $0x8, s15;
	[tilespmem:s14+$0xCBF0] =	vst v11;
	v7 =	vld [tilespmem:s14+$0x2FC0]  }
0x171: {  	[tilespmem:s14+$0xCF80] =	vst v5;
	v5 =	vld [tilespmem:s14+$0x2FD0]  }
0x172: {  	s15 =	smul.u32 $0xA0, s12;
	[tilespmem:s14+$0xCF90] =	vst v3  }
0x173: {  	[tilespmem:s14+$0xCFA0] =	vst v4  }
0x174: {  	s15 =	sadd.s32 s5, s15;
	[tilespmem:s14+$0xCFB0] =	vst v6  }
0x175: {  	s15 =	sshll.u32 s15, $0x5;
	[tilespmem:s14+$0xCFC0] =	vst v7  }
0x176: {  	s16 =	sadd.s32 s4, s15;
	[tilespmem:s14+$0xCFD0] =	vst v5  }
0x177: {  	[hbm4b:s16+s3] =	stream.linear.scatter [tilespmem:s31], [sflag:$0x3], $0x5000, $0x38;
	[tilespmem:$0x16800] =	vst v63  }
0x178: {  	p0 =	seq.s32 s12, $0x27;
	_ =	swait.ge [sflag:s1], $0x5000  }
0x179: {  	s14 =	sshll.u32 @!p0 s12, $0x8;
	[sflag:s1] =	ssyncset.done $0x0  }
0x17a: {  	s14 =	sand.u32 @!p0 $0x3FFFFF00, s14;
	[sflag:s1] =	ssyncadd.s32 $0xFFFFB000  }
0x17b: {  	v3 =	vld @!p0 [tilespmem:s14+$0x100];
	_ =	sdelay $0x4  }
0x17c: {  	v4 =	vshll.u32 @!p0 v3, $0x1  }
0x17d: {  	v5 =	vlaneseq.u32 @!p0;
	v3 =	vand.u32 @!p0 $0x7, v3;
	v4 =	vand.u32 @!p0 $0xFFFFFFF0, v4  }
0x17e: {  	v6 =	vshrl.u32 @!p0 v5, $0x3;
	v3 =	vor.u32 @!p0 v3, v4;
	v4 =	vand.u32 @!p0 $0x7, v5  }
0x17f: {  	v6 =	vmul.u32 @!p0 $0x8, v6;
	v7 =	vperm.xlane @!p0 v3, v4  }
0x180: {  	v5 =	vor.u32 @!p0 $0x8, v5  }
0x181: {  	v3 =	vperm.xlane @!p0 v3, v5;
	v7 =	vadd.s32 @!p0 v6, v7;
	_ =	sdelay $0x1  }
0x182: {  	v3 =	vadd.s32 @!p0 v6, v3;
	_ =	sdelay $0x1  }
0x183: {  	vm1 =	vmmov @!p0 $0xffff;
	s15 =	simm.s32 @!p0 $0x0;
	s16 =	simm.s32 @!p0 $0x2800  }
0x184: {  	[tilespmem:s16], [sflag:$0x1] =	stream.indirect_vreg.gather @!p0 [hbm4b:s2+s15], $0x80, v7, vm1, $0xb8;
	[tilespmem:$0x16800] =	vst v63  }
0x185: {  	s16 =	simm.s32 @!p0 $0x3000  }
0x186: {  	[tilespmem:s16], [sflag:$0x1] =	stream.indirect_vreg.gather @!p0 [hbm4b:s2+s15], $0x80, v3, vm1, $0xb8;
	[tilespmem:$0x16800] =	vst v63  }
0x187: {  	v3 =	vld @!p0 [tilespmem:s14+$0x110];
	_ =	sdelay $0x4  }
0x188: {  	v7 =	vshll.u32 @!p0 v3, $0x1  }
0x189: {  	v3 =	vand.u32 @!p0 $0x7, v3;
	v7 =	vand.u32 @!p0 $0xFFFFFFF0, v7  }
0x18a: {  	v3 =	vor.u32 @!p0 v3, v7  }
0x18b: {  	v7 =	vperm.xlane @!p0 v3, v4;
	_ =	sdelay $0x1  }
0x18c: {  	v3 =	vperm.xlane @!p0 v3, v5;
	v7 =	vadd.s32 @!p0 v6, v7;
	_ =	sdelay $0x1  }
0x18d: {  	v3 =	vadd.s32 @!p0 v6, v3;
	_ =	sdelay $0x1  }
0x18e: {  	s16 =	simm.s32 @!p0 $0x3800  }
0x18f: {  	[tilespmem:s16], [sflag:$0x1] =	stream.indirect_vreg.gather @!p0 [hbm4b:s2+s15], $0x80, v7, vm1, $0xb8;
	[tilespmem:$0x16800] =	vst v63  }
0x190: {  	s16 =	simm.s32 @!p0 $0x4000  }
0x191: {  	[tilespmem:s16], [sflag:$0x1] =	stream.indirect_vreg.gather @!p0 [hbm4b:s2+s15], $0x80, v3, vm1, $0xb8;
	[tilespmem:$0x16800] =	vst v63  }
0x192: {  	v3 =	vld @!p0 [tilespmem:s14+$0x120];
	_ =	sdelay $0x4  }
0x193: {  	v7 =	vshll.u32 @!p0 v3, $0x1  }
0x194: {  	v3 =	vand.u32 @!p0 $0x7, v3;
	v7 =	vand.u32 @!p0 $0xFFFFFFF0, v7  }
0x195: {  	v3 =	vor.u32 @!p0 v3, v7  }
0x196: {  	v7 =	vperm.xlane @!p0 v3, v4;
	_ =	sdelay $0x1  }
0x197: {  	v3 =	vperm.xlane @!p0 v3, v5;
	v7 =	vadd.s32 @!p0 v6, v7;
	_ =	sdelay $0x1  }
0x198: {  	v3 =	vadd.s32 @!p0 v6, v3;
	_ =	sdelay $0x1  }
0x199: {  	s16 =	simm.s32 @!p0 $0x4800  }
0x19a: {  	[tilespmem:s16], [sflag:$0x1] =	stream.indirect_vreg.gather @!p0 [hbm4b:s2+s15], $0x80, v7, vm1, $0xb8;
	[tilespmem:$0x16800] =	vst v63  }
0x19b: {  	s16 =	simm.s32 @!p0 $0x5000  }
0x19c: {  	[tilespmem:s16], [sflag:$0x1] =	stream.indirect_vreg.gather @!p0 [hbm4b:s2+s15], $0x80, v3, vm1, $0xb8;
	[tilespmem:$0x16800] =	vst v63  }
0x19d: {  	v3 =	vld @!p0 [tilespmem:s14+$0x130];
	_ =	sdelay $0x4  }
0x19e: {  	v7 =	vshll.u32 @!p0 v3, $0x1  }
0x19f: {  	v3 =	vand.u32 @!p0 $0x7, v3;
	v7 =	vand.u32 @!p0 $0xFFFFFFF0, v7  }
0x1a0: {  	v3 =	vor.u32 @!p0 v3, v7  }
0x1a1: {  	v7 =	vperm.xlane @!p0 v3, v4;
	_ =	sdelay $0x1  }
0x1a2: {  	v3 =	vperm.xlane @!p0 v3, v5;
	v7 =	vadd.s32 @!p0 v6, v7;
	_ =	sdelay $0x1  }
0x1a3: {  	v3 =	vadd.s32 @!p0 v6, v3;
	_ =	sdelay $0x1  }
0x1a4: {  	s16 =	simm.s32 @!p0 $0x5800  }
0x1a5: {  	[tilespmem:s16], [sflag:$0x1] =	stream.indirect_vreg.gather @!p0 [hbm4b:s2+s15], $0x80, v7, vm1, $0xb8;
	[tilespmem:$0x16800] =	vst v63  }
0x1a6: {  	s16 =	simm.s32 @!p0 $0x6000  }
0x1a7: {  	[tilespmem:s16], [sflag:$0x1] =	stream.indirect_vreg.gather @!p0 [hbm4b:s2+s15], $0x80, v3, vm1, $0xb8;
	[tilespmem:$0x16800] =	vst v63  }
0x1a8: {  	v3 =	vld @!p0 [tilespmem:s14+$0x140];
	_ =	sdelay $0x4  }
0x1a9: {  	v7 =	vshll.u32 @!p0 v3, $0x1  }
0x1aa: {  	v3 =	vand.u32 @!p0 $0x7, v3;
	v7 =	vand.u32 @!p0 $0xFFFFFFF0, v7  }
0x1ab: {  	v3 =	vor.u32 @!p0 v3, v7  }
0x1ac: {  	v4 =	vperm.xlane @!p0 v3, v4;
	_ =	sdelay $0x1  }
0x1ad: {  	v3 =	vperm.xlane @!p0 v3, v5;
	v4 =	vadd.s32 @!p0 v6, v4;
	_ =	sdelay $0x1  }
0x1ae: {  	v3 =	vadd.s32 @!p0 v6, v3;
	_ =	sdelay $0x1  }
0x1af: {  	s14 =	simm.s32 @!p0 $0x6800  }
0x1b0: {  	[tilespmem:s14], [sflag:$0x1] =	stream.indirect_vreg.gather @!p0 [hbm4b:s2+s15], $0x80, v4, vm1, $0xb8;
	[tilespmem:$0x16800] =	vst v63  }
0x1b1: {  	p1 =	seq.s32 @!p0 s12, $0x0;
	s14 =	simm.s32 @!p0 $0x7000  }
0x1b2: {  	[tilespmem:s14], [sflag:$0x1] =	stream.indirect_vreg.gather @!p0 [hbm4b:s2+s15], $0x80, v3, vm1, $0xb8;
	[tilespmem:$0x16800] =	vst v63  }
0x1b3: {  	p0 =	por p0, !p1  }
0x1b4: {  	_ =	swait.ge @p0 [sflag:s10], $0x5000  }
0x1b5: {  	[sflag:s10] =	ssyncset.done @p0 $0x0  }
0x1b6: {  	s14 =	simm.s32 $0x0;
	[sflag:s10] =	ssyncadd.s32 @p0 $0xFFFFB000  }
0x1b7: {  	v3 =	vld.msk [tilespmem:s14+$0x7FE0], $0xff  }
0x1b8: {  	v4 =	vld [tilespmem:s14+$0x7800]  }
0x1b9: {  	v5 =	vld [tilespmem:s14+$0x7810]  }
0x1ba: {  	v6 =	vld [tilespmem:s14+$0x7820]  }
0x1bb: {  	v7 =	vld [tilespmem:s14+$0x7830]  }
0x1bc: {  	v8 =	vld [tilespmem:s14+$0x7840];
	[tilespmem:s14+$0x11FE0] =	vst.msk $0xff, v3  }
0x1bd: {  	v9 =	vld [tilespmem:s14+$0x7BE0];
	[tilespmem:s14+$0x11800] =	vst v4  }
0x1be: {  	v10 =	vld [tilespmem:s14+$0x7BF0];
	[tilespmem:s14+$0x11810] =	vst v5  }
0x1bf: {  	v3 =	vld [tilespmem:s14+$0x7850];
	[tilespmem:s14+$0x11820] =	vst v6  }
0x1c0: {  	v5 =	vld [tilespmem:s14+$0x7870];
	[tilespmem:s14+$0x11830] =	vst v7  }
0x1c1: {  	v4 =	vld [tilespmem:s14+$0x7860];
	[tilespmem:s14+$0x11840] =	vst v8  }
0x1c2: {  	v6 =	vld [tilespmem:s14+$0x7C00];
	[tilespmem:s14+$0x11BE0] =	vst v9  }
0x1c3: {  	v7 =	vld [tilespmem:s14+$0x7C10];
	[tilespmem:s14+$0x11BF0] =	vst v10  }
0x1c4: {  	v8 =	vld [tilespmem:s14+$0x7BD0];
	[tilespmem:s14+$0x11850] =	vst v3  }
0x1c5: {  	[tilespmem:s14+$0x11870] =	vst v5;
	v5 =	vld [tilespmem:s14+$0x7C40]  }
0x1c6: {  	v3 =	vld [tilespmem:s14+$0x7C20];
	[tilespmem:s14+$0x11860] =	vst v4  }
0x1c7: {  	v4 =	vld [tilespmem:s14+$0x7C30];
	[tilespmem:s14+$0x11C00] =	vst v6  }
0x1c8: {  	v6 =	vld [tilespmem:s14+$0x7C50];
	[tilespmem:s14+$0x11C10] =	vst v7  }
0x1c9: {  	v7 =	vld.msk [tilespmem:s14+$0x7C60], $0xff;
	[tilespmem:s14+$0x11BD0] =	vst v8  }
0x1ca: {  	[tilespmem:s14+$0x11C40] =	vst v5;
	v5 =	vld [tilespmem:s14+$0x78A0]  }
0x1cb: {  	[tilespmem:s14+$0x11C20] =	vst v3;
	v3 =	vld [tilespmem:s14+$0x7880]  }
0x1cc: {  	[tilespmem:s14+$0x11C30] =	vst v4;
	v4 =	vld [tilespmem:s14+$0x7890]  }
0x1cd: {  	[tilespmem:s14+$0x11C50] =	vst v6;
	v6 =	vld [tilespmem:s14+$0x78B0]  }
0x1ce: {  	[tilespmem:s14+$0x11C60] =	vst.msk $0xff, v7;
	v7 =	vld [tilespmem:s14+$0x78C0]  }
0x1cf: {  	[tilespmem:s14+$0x118A0] =	vst v5;
	v5 =	vld [tilespmem:s14+$0x78F0]  }
0x1d0: {  	[tilespmem:s14+$0x11880] =	vst v3;
	v3 =	vld [tilespmem:s14+$0x78D0]  }
0x1d1: {  	[tilespmem:s14+$0x11890] =	vst v4;
	v4 =	vld [tilespmem:s14+$0x78E0]  }
0x1d2: {  	[tilespmem:s14+$0x118B0] =	vst v6;
	v6 =	vld [tilespmem:s14+$0x7C80]  }
0x1d3: {  	[tilespmem:s14+$0x118C0] =	vst v7;
	v7 =	vld [tilespmem:s14+$0x7C90]  }
0x1d4: {  	[tilespmem:s14+$0x118F0] =	vst v5;
	v5 =	vld [tilespmem:s14+$0x7CC0]  }
0x1d5: {  	[tilespmem:s14+$0x118D0] =	vst v3;
	v3 =	vld [tilespmem:s14+$0x7CA0]  }
0x1d6: {  	[tilespmem:s14+$0x118E0] =	vst v4;
	v4 =	vld [tilespmem:s14+$0x7CB0]  }
0x1d7: {  	[tilespmem:s14+$0x11C80] =	vst v6;
	v6 =	vld [tilespmem:s14+$0x7CD0]  }
0x1d8: {  	[tilespmem:s14+$0x11C90] =	vst v7;
	v7 =	vld.msk [tilespmem:s14+$0x7CE0], $0xff  }
0x1d9: {  	[tilespmem:s14+$0x11CC0] =	vst v5;
	v5 =	vld [tilespmem:s14+$0x7920]  }
0x1da: {  	[tilespmem:s14+$0x11CA0] =	vst v3;
	v3 =	vld [tilespmem:s14+$0x7900]  }
0x1db: {  	[tilespmem:s14+$0x11CB0] =	vst v4;
	v4 =	vld [tilespmem:s14+$0x7910]  }
0x1dc: {  	[tilespmem:s14+$0x11CD0] =	vst v6;
	v6 =	vld [tilespmem:s14+$0x7930]  }
0x1dd: {  	[tilespmem:s14+$0x11CE0] =	vst.msk $0xff, v7;
	v7 =	vld [tilespmem:s14+$0x7940]  }
0x1de: {  	[tilespmem:s14+$0x11920] =	vst v5;
	v5 =	vld [tilespmem:s14+$0x7970]  }
0x1df: {  	[tilespmem:s14+$0x11900] =	vst v3;
	v3 =	vld [tilespmem:s14+$0x7950]  }
0x1e0: {  	[tilespmem:s14+$0x11910] =	vst v4;
	v4 =	vld [tilespmem:s14+$0x7960]  }
0x1e1: {  	[tilespmem:s14+$0x11930] =	vst v6;
	v6 =	vld [tilespmem:s14+$0x7D00]  }
0x1e2: {  	[tilespmem:s14+$0x11940] =	vst v7;
	v7 =	vld [tilespmem:s14+$0x7D10]  }
0x1e3: {  	[tilespmem:s14+$0x11970] =	vst v5;
	v5 =	vld [tilespmem:s14+$0x7D40]  }
0x1e4: {  	[tilespmem:s14+$0x11950] =	vst v3;
	v3 =	vld [tilespmem:s14+$0x7D20]  }
0x1e5: {  	[tilespmem:s14+$0x11960] =	vst v4;
	v4 =	vld [tilespmem:s14+$0x7D30]  }
0x1e6: {  	[tilespmem:s14+$0x11D00] =	vst v6;
	v6 =	vld [tilespmem:s14+$0x7D50]  }
0x1e7: {  	[tilespmem:s14+$0x11D10] =	vst v7;
	v7 =	vld.msk [tilespmem:s14+$0x7D60], $0xff  }
0x1e8: {  	[tilespmem:s14+$0x11D40] =	vst v5;
	v5 =	vld [tilespmem:s14+$0x79A0]  }
0x1e9: {  	[tilespmem:s14+$0x11D20] =	vst v3;
	v3 =	vld [tilespmem:s14+$0x7980]  }
0x1ea: {  	[tilespmem:s14+$0x11D30] =	vst v4;
	v4 =	vld [tilespmem:s14+$0x7990]  }
0x1eb: {  	[tilespmem:s14+$0x11D50] =	vst v6;
	v6 =	vld [tilespmem:s14+$0x79B0]  }
0x1ec: {  	[tilespmem:s14+$0x11D60] =	vst.msk $0xff, v7;
	v7 =	vld [tilespmem:s14+$0x79C0]  }
0x1ed: {  	[tilespmem:s14+$0x119A0] =	vst v5;
	v5 =	vld [tilespmem:s14+$0x79F0]  }
0x1ee: {  	[tilespmem:s14+$0x11980] =	vst v3;
	v3 =	vld [tilespmem:s14+$0x79D0]  }
0x1ef: {  	[tilespmem:s14+$0x11990] =	vst v4;
	v4 =	vld [tilespmem:s14+$0x79E0]  }
0x1f0: {  	[tilespmem:s14+$0x119B0] =	vst v6;
	v6 =	vld [tilespmem:s14+$0x7D80]  }
0x1f1: {  	[tilespmem:s14+$0x119C0] =	vst v7;
	v7 =	vld [tilespmem:s14+$0x7D90]  }
0x1f2: {  	[tilespmem:s14+$0x119F0] =	vst v5;
	v5 =	vld [tilespmem:s14+$0x7DC0]  }
0x1f3: {  	[tilespmem:s14+$0x119D0] =	vst v3;
	v3 =	vld [tilespmem:s14+$0x7DA0]  }
0x1f4: {  	[tilespmem:s14+$0x119E0] =	vst v4;
	v4 =	vld [tilespmem:s14+$0x7DB0]  }
0x1f5: {  	[tilespmem:s14+$0x11D80] =	vst v6;
	v6 =	vld [tilespmem:s14+$0x7DD0]  }
0x1f6: {  	[tilespmem:s14+$0x11D90] =	vst v7;
	v7 =	vld.msk [tilespmem:s14+$0x7DE0], $0xff  }
0x1f7: {  	[tilespmem:s14+$0x11DC0] =	vst v5;
	v5 =	vld [tilespmem:s14+$0x7A20]  }
0x1f8: {  	[tilespmem:s14+$0x11DA0] =	vst v3;
	v3 =	vld [tilespmem:s14+$0x7A00]  }
0x1f9: {  	[tilespmem:s14+$0x11DB0] =	vst v4;
	v4 =	vld [tilespmem:s14+$0x7A10]  }
0x1fa: {  	[tilespmem:s14+$0x11DD0] =	vst v6;
	v6 =	vld [tilespmem:s14+$0x7A30]  }
0x1fb: {  	[tilespmem:s14+$0x11DE0] =	vst.msk $0xff, v7;
	v7 =	vld [tilespmem:s14+$0x7A40]  }
0x1fc: {  	[tilespmem:s14+$0x11A20] =	vst v5;
	v5 =	vld [tilespmem:s14+$0x7A70]  }
0x1fd: {  	[tilespmem:s14+$0x11A00] =	vst v3;
	v3 =	vld [tilespmem:s14+$0x7A50]  }
0x1fe: {  	[tilespmem:s14+$0x11A10] =	vst v4;
	v4 =	vld [tilespmem:s14+$0x7A60]  }
0x1ff: {  	[tilespmem:s14+$0x11A30] =	vst v6;
	v6 =	vld [tilespmem:s14+$0x7E00]  }
0x200: {  	[tilespmem:s14+$0x11A40] =	vst v7;
	v7 =	vld [tilespmem:s14+$0x7E10]  }
0x201: {  	[tilespmem:s14+$0x11A70] =	vst v5;
	v5 =	vld [tilespmem:s14+$0x7E40]  }
0x202: {  	[tilespmem:s14+$0x11A50] =	vst v3;
	v3 =	vld [tilespmem:s14+$0x7E20]  }
0x203: {  	[tilespmem:s14+$0x11A60] =	vst v4;
	v4 =	vld [tilespmem:s14+$0x7E30]  }
0x204: {  	[tilespmem:s14+$0x11E00] =	vst v6;
	v6 =	vld [tilespmem:s14+$0x7E50]  }
0x205: {  	[tilespmem:s14+$0x11E10] =	vst v7;
	v7 =	vld.msk [tilespmem:s14+$0x7E60], $0xff  }
0x206: {  	[tilespmem:s14+$0x11E40] =	vst v5;
	v5 =	vld [tilespmem:s14+$0x7AA0]  }
0x207: {  	[tilespmem:s14+$0x11E20] =	vst v3;
	v3 =	vld [tilespmem:s14+$0x7A80]  }
0x208: {  	[tilespmem:s14+$0x11E30] =	vst v4;
	v4 =	vld [tilespmem:s14+$0x7A90]  }
0x209: {  	[tilespmem:s14+$0x11E50] =	vst v6;
	v6 =	vld [tilespmem:s14+$0x7AB0]  }
0x20a: {  	[tilespmem:s14+$0x11E60] =	vst.msk $0xff, v7;
	v7 =	vld [tilespmem:s14+$0x7AC0]  }
0x20b: {  	[tilespmem:s14+$0x11AA0] =	vst v5;
	v5 =	vld [tilespmem:s14+$0x7AF0]  }
0x20c: {  	[tilespmem:s14+$0x11A80] =	vst v3;
	v3 =	vld [tilespmem:s14+$0x7AD0]  }
0x20d: {  	[tilespmem:s14+$0x11A90] =	vst v4;
	v4 =	vld [tilespmem:s14+$0x7AE0]  }
0x20e: {  	[tilespmem:s14+$0x11AB0] =	vst v6;
	v6 =	vld [tilespmem:s14+$0x7E80]  }
0x20f: {  	[tilespmem:s14+$0x11AC0] =	vst v7;
	v7 =	vld [tilespmem:s14+$0x7E90]  }
0x210: {  	[tilespmem:s14+$0x11AF0] =	vst v5;
	v5 =	vld [tilespmem:s14+$0x7EC0]  }
0x211: {  	[tilespmem:s14+$0x11AD0] =	vst v3;
	v3 =	vld [tilespmem:s14+$0x7EA0]  }
0x212: {  	[tilespmem:s14+$0x11AE0] =	vst v4;
	v4 =	vld [tilespmem:s14+$0x7EB0]  }
0x213: {  	[tilespmem:s14+$0x11E80] =	vst v6;
	v6 =	vld [tilespmem:s14+$0x7ED0]  }
0x214: {  	[tilespmem:s14+$0x11E90] =	vst v7;
	v7 =	vld.msk [tilespmem:s14+$0x7EE0], $0xff  }
0x215: {  	[tilespmem:s14+$0x11EC0] =	vst v5;
	v5 =	vld [tilespmem:s14+$0x7B20]  }
0x216: {  	[tilespmem:s14+$0x11EA0] =	vst v3;
	v3 =	vld [tilespmem:s14+$0x7B00]  }
0x217: {  	[tilespmem:s14+$0x11EB0] =	vst v4;
	v4 =	vld [tilespmem:s14+$0x7B10]  }
0x218: {  	[tilespmem:s14+$0x11ED0] =	vst v6;
	v6 =	vld [tilespmem:s14+$0x7B30]  }
0x219: {  	[tilespmem:s14+$0x11EE0] =	vst.msk $0xff, v7;
	v7 =	vld [tilespmem:s14+$0x7B40]  }
0x21a: {  	[tilespmem:s14+$0x11B20] =	vst v5;
	v5 =	vld [tilespmem:s14+$0x7B70]  }
0x21b: {  	[tilespmem:s14+$0x11B00] =	vst v3;
	v3 =	vld [tilespmem:s14+$0x7B50]  }
0x21c: {  	[tilespmem:s14+$0x11B10] =	vst v4;
	v4 =	vld [tilespmem:s14+$0x7B60]  }
0x21d: {  	[tilespmem:s14+$0x11B30] =	vst v6;
	v6 =	vld [tilespmem:s14+$0x7F00]  }
0x21e: {  	[tilespmem:s14+$0x11B40] =	vst v7;
	v7 =	vld [tilespmem:s14+$0x7F10]  }
0x21f: {  	[tilespmem:s14+$0x11B70] =	vst v5;
	v5 =	vld [tilespmem:s14+$0x7F40]  }
0x220: {  	[tilespmem:s14+$0x11B50] =	vst v3;
	v3 =	vld [tilespmem:s14+$0x7F20]  }
0x221: {  	[tilespmem:s14+$0x11B60] =	vst v4;
	v4 =	vld [tilespmem:s14+$0x7F30]  }
0x222: {  	[tilespmem:s14+$0x11F00] =	vst v6;
	v6 =	vld [tilespmem:s14+$0x7F50]  }
0x223: {  	[tilespmem:s14+$0x11F10] =	vst v7;
	v7 =	vld.msk [tilespmem:s14+$0x7F60], $0xff  }
0x224: {  	[tilespmem:s14+$0x11F40] =	vst v5;
	v5 =	vld [tilespmem:s14+$0x7BA0]  }
0x225: {  	[tilespmem:s14+$0x11F20] =	vst v3;
	v3 =	vld [tilespmem:s14+$0x7B80]  }
0x226: {  	[tilespmem:s14+$0x11F30] =	vst v4;
	v4 =	vld [tilespmem:s14+$0x7B90]  }
0x227: {  	[tilespmem:s14+$0x11F50] =	vst v6;
	v6 =	vld [tilespmem:s14+$0x7BB0]  }
0x228: {  	[tilespmem:s14+$0x11F60] =	vst.msk $0xff, v7;
	v7 =	vld [tilespmem:s14+$0x7BC0]  }
0x229: {  	[tilespmem:s14+$0x11BA0] =	vst v5;
	v5 =	vld [tilespmem:s14+$0x7F80]  }
0x22a: {  	[tilespmem:s14+$0x11B80] =	vst v3;
	v3 =	vld [tilespmem:s14+$0x7F90]  }
0x22b: {  	[tilespmem:s14+$0x11B90] =	vst v4;
	v4 =	vld [tilespmem:s14+$0x7FA0]  }
0x22c: {  	[tilespmem:s14+$0x11BB0] =	vst v6;
	v6 =	vld [tilespmem:s14+$0x7FB0]  }
0x22d: {  	s15 =	simm.s32 $0x8;
	[tilespmem:s14+$0x11BC0] =	vst v7;
	v7 =	vld [tilespmem:s14+$0x7FC0]  }
.LBB2_5:
0x22e: {  	s16 =	sshll.u32 s15, $0x8;
	p0 =	slt.u32 s15, $0x48;
	[tilespmem:s14+$0x11F80] =	vst v5;
	v5 =	vld [tilespmem:s14+$0x7FD0]  }
0x22f: {  	v8 =	vld.msk [tilespmem:s16+$0x7FE0], $0xff;
	[tilespmem:s14+$0x11F90] =	vst v3  }
0x230: {  	v3 =	vld [tilespmem:s16+$0x7800];
	[tilespmem:s14+$0x11FA0] =	vst v4  }
0x231: {  	v4 =	vld [tilespmem:s16+$0x7810];
	[tilespmem:s14+$0x11FB0] =	vst v6  }
0x232: {  	v6 =	vld [tilespmem:s16+$0x7820];
	[tilespmem:s14+$0x11FC0] =	vst v7  }
0x233: {  	v7 =	vld [tilespmem:s16+$0x7830];
	[tilespmem:s14+$0x11FD0] =	vst v5;
	s14 =	smov.u32 s16  }
0x234: {  	v5 =	vld [tilespmem:s14+$0x7840];
	[tilespmem:s14+$0x11FE0] =	vst.msk $0xff, v8  }
0x235: {  	[tilespmem:s14+$0x11800] =	vst v3;
	v3 =	vld [tilespmem:s14+$0x7850]  }
0x236: {  	[tilespmem:s14+$0x11810] =	vst v4;
	v4 =	vld [tilespmem:s14+$0x7860]  }
0x237: {  	[tilespmem:s14+$0x11820] =	vst v6;
	v6 =	vld [tilespmem:s14+$0x7870]  }
0x238: {  	[tilespmem:s14+$0x11830] =	vst v7;
	v7 =	vld [tilespmem:s14+$0x7C00]  }
0x239: {  	[tilespmem:s14+$0x11840] =	vst v5;
	v5 =	vld [tilespmem:s14+$0x7C10]  }
0x23a: {  	[tilespmem:s14+$0x11850] =	vst v3;
	v3 =	vld [tilespmem:s14+$0x7C20]  }
0x23b: {  	[tilespmem:s14+$0x11860] =	vst v4;
	v4 =	vld [tilespmem:s14+$0x7C30]  }
0x23c: {  	[tilespmem:s14+$0x11870] =	vst v6;
	v6 =	vld [tilespmem:s14+$0x7C40]  }
0x23d: {  	[tilespmem:s14+$0x11C00] =	vst v7;
	v7 =	vld [tilespmem:s14+$0x7C50]  }
0x23e: {  	[tilespmem:s14+$0x11C10] =	vst v5;
	v5 =	vld.msk [tilespmem:s14+$0x7C60], $0xff  }
0x23f: {  	[tilespmem:s14+$0x11C20] =	vst v3;
	v3 =	vld [tilespmem:s14+$0x7880]  }
0x240: {  	[tilespmem:s14+$0x11C30] =	vst v4;
	v4 =	vld [tilespmem:s14+$0x7890]  }
0x241: {  	[tilespmem:s14+$0x11C40] =	vst v6;
	v6 =	vld [tilespmem:s14+$0x78A0]  }
0x242: {  	[tilespmem:s14+$0x11C50] =	vst v7;
	v7 =	vld [tilespmem:s14+$0x78B0]  }
0x243: {  	[tilespmem:s14+$0x11C60] =	vst.msk $0xff, v5;
	v5 =	vld [tilespmem:s14+$0x78C0]  }
0x244: {  	[tilespmem:s14+$0x11880] =	vst v3;
	v3 =	vld [tilespmem:s14+$0x78D0]  }
0x245: {  	[tilespmem:s14+$0x11890] =	vst v4;
	v4 =	vld [tilespmem:s14+$0x78E0]  }
0x246: {  	[tilespmem:s14+$0x118A0] =	vst v6;
	v6 =	vld [tilespmem:s14+$0x78F0]  }
0x247: {  	[tilespmem:s14+$0x118B0] =	vst v7;
	v7 =	vld [tilespmem:s14+$0x7C80]  }
0x248: {  	[tilespmem:s14+$0x118C0] =	vst v5;
	v5 =	vld [tilespmem:s14+$0x7C90]  }
0x249: {  	[tilespmem:s14+$0x118D0] =	vst v3;
	v3 =	vld [tilespmem:s14+$0x7CA0]  }
0x24a: {  	[tilespmem:s14+$0x118E0] =	vst v4;
	v4 =	vld [tilespmem:s14+$0x7CB0]  }
0x24b: {  	[tilespmem:s14+$0x118F0] =	vst v6;
	v6 =	vld [tilespmem:s14+$0x7CC0]  }
0x24c: {  	[tilespmem:s14+$0x11C80] =	vst v7;
	v7 =	vld [tilespmem:s14+$0x7CD0]  }
0x24d: {  	[tilespmem:s14+$0x11C90] =	vst v5;
	v5 =	vld.msk [tilespmem:s14+$0x7CE0], $0xff  }
0x24e: {  	[tilespmem:s14+$0x11CA0] =	vst v3;
	v3 =	vld [tilespmem:s14+$0x7900]  }
0x24f: {  	[tilespmem:s14+$0x11CB0] =	vst v4;
	v4 =	vld [tilespmem:s14+$0x7910]  }
0x250: {  	[tilespmem:s14+$0x11CC0] =	vst v6;
	v6 =	vld [tilespmem:s14+$0x7920]  }
0x251: {  	[tilespmem:s14+$0x11CD0] =	vst v7;
	v7 =	vld [tilespmem:s14+$0x7930]  }
0x252: {  	[tilespmem:s14+$0x11CE0] =	vst.msk $0xff, v5;
	v5 =	vld [tilespmem:s14+$0x7940]  }
0x253: {  	[tilespmem:s14+$0x11900] =	vst v3;
	v3 =	vld [tilespmem:s14+$0x7950]  }
0x254: {  	[tilespmem:s14+$0x11910] =	vst v4;
	v4 =	vld [tilespmem:s14+$0x7960]  }
0x255: {  	[tilespmem:s14+$0x11920] =	vst v6;
	v6 =	vld [tilespmem:s14+$0x7970]  }
0x256: {  	[tilespmem:s14+$0x11930] =	vst v7;
	v7 =	vld [tilespmem:s14+$0x7D00]  }
0x257: {  	[tilespmem:s14+$0x11940] =	vst v5;
	v5 =	vld [tilespmem:s14+$0x7D10]  }
0x258: {  	[tilespmem:s14+$0x11950] =	vst v3;
	v3 =	vld [tilespmem:s14+$0x7D20]  }
0x259: {  	[tilespmem:s14+$0x11960] =	vst v4;
	v4 =	vld [tilespmem:s14+$0x7D30]  }
0x25a: {  	[tilespmem:s14+$0x11970] =	vst v6;
	v6 =	vld [tilespmem:s14+$0x7D40]  }
0x25b: {  	[tilespmem:s14+$0x11D00] =	vst v7;
	v7 =	vld [tilespmem:s14+$0x7D50]  }
0x25c: {  	[tilespmem:s14+$0x11D10] =	vst v5;
	v5 =	vld.msk [tilespmem:s14+$0x7D60], $0xff  }
0x25d: {  	[tilespmem:s14+$0x11D20] =	vst v3;
	v3 =	vld [tilespmem:s14+$0x7980]  }
0x25e: {  	[tilespmem:s14+$0x11D30] =	vst v4;
	v4 =	vld [tilespmem:s14+$0x7990]  }
0x25f: {  	[tilespmem:s14+$0x11D40] =	vst v6;
	v6 =	vld [tilespmem:s14+$0x79A0]  }
0x260: {  	[tilespmem:s14+$0x11D50] =	vst v7;
	v7 =	vld [tilespmem:s14+$0x79B0]  }
0x261: {  	[tilespmem:s14+$0x11D60] =	vst.msk $0xff, v5;
	v5 =	vld [tilespmem:s14+$0x79C0]  }
0x262: {  	[tilespmem:s14+$0x11980] =	vst v3;
	v3 =	vld [tilespmem:s14+$0x79D0]  }
0x263: {  	[tilespmem:s14+$0x11990] =	vst v4;
	v4 =	vld [tilespmem:s14+$0x79E0]  }
0x264: {  	[tilespmem:s14+$0x119A0] =	vst v6;
	v6 =	vld [tilespmem:s14+$0x79F0]  }
0x265: {  	[tilespmem:s14+$0x119B0] =	vst v7;
	v7 =	vld [tilespmem:s14+$0x7D80]  }
0x266: {  	[tilespmem:s14+$0x119C0] =	vst v5;
	v5 =	vld [tilespmem:s14+$0x7D90]  }
0x267: {  	[tilespmem:s14+$0x119D0] =	vst v3;
	v3 =	vld [tilespmem:s14+$0x7DA0]  }
0x268: {  	[tilespmem:s14+$0x119E0] =	vst v4;
	v4 =	vld [tilespmem:s14+$0x7DB0]  }
0x269: {  	[tilespmem:s14+$0x119F0] =	vst v6;
	v6 =	vld [tilespmem:s14+$0x7DC0]  }
0x26a: {  	[tilespmem:s14+$0x11D80] =	vst v7;
	v7 =	vld [tilespmem:s14+$0x7DD0]  }
0x26b: {  	[tilespmem:s14+$0x11D90] =	vst v5;
	v5 =	vld.msk [tilespmem:s14+$0x7DE0], $0xff  }
0x26c: {  	[tilespmem:s14+$0x11DA0] =	vst v3;
	v3 =	vld [tilespmem:s14+$0x7A00]  }
0x26d: {  	[tilespmem:s14+$0x11DB0] =	vst v4;
	v4 =	vld [tilespmem:s14+$0x7A10]  }
0x26e: {  	[tilespmem:s14+$0x11DC0] =	vst v6;
	v6 =	vld [tilespmem:s14+$0x7A20]  }
0x26f: {  	[tilespmem:s14+$0x11DD0] =	vst v7;
	v7 =	vld [tilespmem:s14+$0x7A30]  }
0x270: {  	[tilespmem:s14+$0x11DE0] =	vst.msk $0xff, v5;
	v5 =	vld [tilespmem:s14+$0x7A40]  }
0x271: {  	[tilespmem:s14+$0x11A00] =	vst v3;
	v3 =	vld [tilespmem:s14+$0x7A50]  }
0x272: {  	[tilespmem:s14+$0x11A10] =	vst v4;
	v4 =	vld [tilespmem:s14+$0x7A60]  }
0x273: {  	[tilespmem:s14+$0x11A20] =	vst v6;
	v6 =	vld [tilespmem:s14+$0x7A70]  }
0x274: {  	[tilespmem:s14+$0x11A30] =	vst v7;
	v7 =	vld [tilespmem:s14+$0x7E00]  }
0x275: {  	[tilespmem:s14+$0x11A40] =	vst v5;
	v5 =	vld [tilespmem:s14+$0x7E10]  }
0x276: {  	[tilespmem:s14+$0x11A50] =	vst v3;
	v3 =	vld [tilespmem:s14+$0x7E20]  }
0x277: {  	[tilespmem:s14+$0x11A60] =	vst v4;
	v4 =	vld [tilespmem:s14+$0x7E30]  }
0x278: {  	[tilespmem:s14+$0x11A70] =	vst v6;
	v6 =	vld [tilespmem:s14+$0x7E40]  }
0x279: {  	[tilespmem:s14+$0x11E00] =	vst v7;
	v7 =	vld [tilespmem:s14+$0x7E50]  }
0x27a: {  	[tilespmem:s14+$0x11E10] =	vst v5;
	v5 =	vld.msk [tilespmem:s14+$0x7E60], $0xff  }
0x27b: {  	[tilespmem:s14+$0x11E20] =	vst v3;
	v3 =	vld [tilespmem:s14+$0x7A80]  }
0x27c: {  	[tilespmem:s14+$0x11E30] =	vst v4;
	v4 =	vld [tilespmem:s14+$0x7A90]  }
0x27d: {  	[tilespmem:s14+$0x11E40] =	vst v6;
	v6 =	vld [tilespmem:s14+$0x7AA0]  }
0x27e: {  	[tilespmem:s14+$0x11E50] =	vst v7;
	v7 =	vld [tilespmem:s14+$0x7AB0]  }
0x27f: {  	[tilespmem:s14+$0x11E60] =	vst.msk $0xff, v5;
	v5 =	vld [tilespmem:s14+$0x7AC0]  }
0x280: {  	[tilespmem:s14+$0x11A80] =	vst v3;
	v3 =	vld [tilespmem:s14+$0x7AD0]  }
0x281: {  	[tilespmem:s14+$0x11A90] =	vst v4;
	v4 =	vld [tilespmem:s14+$0x7AE0]  }
0x282: {  	[tilespmem:s14+$0x11AA0] =	vst v6;
	v6 =	vld [tilespmem:s14+$0x7AF0]  }
0x283: {  	[tilespmem:s14+$0x11AB0] =	vst v7;
	v7 =	vld [tilespmem:s14+$0x7E80]  }
0x284: {  	[tilespmem:s14+$0x11AC0] =	vst v5;
	v5 =	vld [tilespmem:s14+$0x7E90]  }
0x285: {  	[tilespmem:s14+$0x11AD0] =	vst v3;
	v3 =	vld [tilespmem:s14+$0x7EA0]  }
0x286: {  	[tilespmem:s14+$0x11AE0] =	vst v4;
	v4 =	vld [tilespmem:s14+$0x7EB0]  }
0x287: {  	[tilespmem:s14+$0x11AF0] =	vst v6;
	v6 =	vld [tilespmem:s14+$0x7EC0]  }
0x288: {  	[tilespmem:s14+$0x11E80] =	vst v7;
	v7 =	vld [tilespmem:s14+$0x7ED0]  }
0x289: {  	[tilespmem:s14+$0x11E90] =	vst v5;
	v5 =	vld.msk [tilespmem:s14+$0x7EE0], $0xff  }
0x28a: {  	[tilespmem:s14+$0x11EA0] =	vst v3;
	v3 =	vld [tilespmem:s14+$0x7B00]  }
0x28b: {  	[tilespmem:s14+$0x11EB0] =	vst v4;
	v4 =	vld [tilespmem:s14+$0x7B10]  }
0x28c: {  	[tilespmem:s14+$0x11EC0] =	vst v6;
	v6 =	vld [tilespmem:s14+$0x7B20]  }
0x28d: {  	[tilespmem:s14+$0x11ED0] =	vst v7;
	v7 =	vld [tilespmem:s14+$0x7B30]  }
0x28e: {  	[tilespmem:s14+$0x11EE0] =	vst.msk $0xff, v5;
	v5 =	vld [tilespmem:s14+$0x7B40]  }
0x28f: {  	[tilespmem:s14+$0x11B00] =	vst v3;
	v3 =	vld [tilespmem:s14+$0x7B50]  }
0x290: {  	[tilespmem:s14+$0x11B10] =	vst v4;
	v4 =	vld [tilespmem:s14+$0x7B60]  }
0x291: {  	[tilespmem:s14+$0x11B20] =	vst v6;
	v6 =	vld [tilespmem:s14+$0x7B70]  }
0x292: {  	[tilespmem:s14+$0x11B30] =	vst v7;
	v7 =	vld [tilespmem:s14+$0x7F00]  }
0x293: {  	[tilespmem:s14+$0x11B40] =	vst v5;
	v5 =	vld [tilespmem:s14+$0x7F10]  }
0x294: {  	[tilespmem:s14+$0x11B50] =	vst v3;
	v3 =	vld [tilespmem:s14+$0x7F20]  }
0x295: {  	[tilespmem:s14+$0x11B60] =	vst v4;
	v4 =	vld [tilespmem:s14+$0x7F30]  }
0x296: {  	[tilespmem:s14+$0x11B70] =	vst v6;
	v6 =	vld [tilespmem:s14+$0x7F40]  }
0x297: {  	[tilespmem:s14+$0x11F00] =	vst v7;
	v7 =	vld [tilespmem:s14+$0x7F50]  }
0x298: {  	[tilespmem:s14+$0x11F10] =	vst v5;
	v5 =	vld.msk [tilespmem:s14+$0x7F60], $0xff  }
0x299: {  	[tilespmem:s14+$0x11F20] =	vst v3;
	v3 =	vld [tilespmem:s14+$0x7B80]  }
0x29a: {  	[tilespmem:s14+$0x11F30] =	vst v4;
	v4 =	vld [tilespmem:s14+$0x7B90]  }
0x29b: {  	[tilespmem:s14+$0x11F40] =	vst v6;
	v6 =	vld [tilespmem:s14+$0x7BA0]  }
0x29c: {  	[tilespmem:s14+$0x11F50] =	vst v7;
	v7 =	vld [tilespmem:s14+$0x7BB0]  }
0x29d: {  	[tilespmem:s14+$0x11F60] =	vst.msk $0xff, v5;
	v8 =	vld [tilespmem:s14+$0x7BC0]  }
0x29e: {  	[tilespmem:s14+$0x11B80] =	vst v3;
	v9 =	vld [tilespmem:s14+$0x7BD0]  }
0x29f: {  	[tilespmem:s14+$0x11B90] =	vst v4;
	v10 =	vld [tilespmem:s14+$0x7BE0]  }
0x2a0: {  	[tilespmem:s14+$0x11BA0] =	vst v6;
	v11 =	vld [tilespmem:s14+$0x7BF0]  }
.Ltmp1:
0x2a1: {  	[tilespmem:s14+$0x11BB0] =	vst v7;
	v5 =	vld [tilespmem:s14+$0x7F80];
	(pc) =	sbr.rel @p0 .LBB2_5-.Ltmp1, $4  }
0x2a2: {  	[tilespmem:s14+$0x11BC0] =	vst v8;
	v3 =	vld [tilespmem:s14+$0x7F90]  }
0x2a3: {  	[tilespmem:s14+$0x11BD0] =	vst v9;
	v4 =	vld [tilespmem:s14+$0x7FA0]  }
0x2a4: {  	[tilespmem:s14+$0x11BE0] =	vst v10;
	v6 =	vld [tilespmem:s14+$0x7FB0]  }
0x2a5: {  	s15 =	sadd.s32 $0x8, s15;
	[tilespmem:s14+$0x11BF0] =	vst v11;
	v7 =	vld [tilespmem:s14+$0x7FC0]  }
0x2a6: {  	[tilespmem:s14+$0x11F80] =	vst v5;
	v63 =	vld [tilespmem:s14+$0x7FD0];
	s12 =	sadd.s32 $0x1, s12  }
0x2a7: {  	s13 =	smul.u32 $0x50, s13;
	[tilespmem:s14+$0x11F90] =	vst v3;
	p0 =	sne.s32 s12, $0x28  }
.Ltmp2:
0x2a8: {  	[tilespmem:s14+$0x11FA0] =	vst v4;
	(pc) =	sbr.rel @p0 .LBB2_2-.Ltmp2, $4  }
0x2a9: {  	s13 =	sadd.s32 s5, s13;
	[tilespmem:s14+$0x11FB0] =	vst v6  }
0x2aa: {  	s13 =	sshll.u32 s13, $0x5;
	[tilespmem:s14+$0x11FC0] =	vst v7  }
0x2ab: {  	s13 =	sadd.s32 s4, s13;
	[tilespmem:s14+$0x11FD0] =	vst v63  }
0x2ac: {  	[hbm4b:s13+s3] =	stream.linear.scatter [tilespmem:s0], [sflag:$0x4], $0x5000, $0x38;
	[tilespmem:$0x16800] =	vst v63  }
0x2ad: {  	s11 =	sadd.s32 $0x1, s11  }
0x2ae: {  	_ =	swait.ge [sflag:s9], $0x5000;
	p0 =	sne.s32 s11, s7  }
.Ltmp3:
0x2af: {  	[sflag:s9] =	ssyncset.done $0x0;
	(pc) =	sbr.rel @p0 .LBB2_1-.Ltmp3, $4  }
0x2b0: {  	[sflag:s9] =	ssyncadd.s32 $0xFFFFB000  }
0x2b1: {  	_ =	swait.ge [sflag:s10], $0x5000  }
0x2b2: {  	[sflag:s10] =	ssyncset.done $0x0  }
0x2b3: {  	[sflag:s10] =	ssyncadd.s32 $0xFFFFB000  }
0x2b4: {  	_ =	sfence.sel $0x180000  }
0x2b5: {  	[bflag:$0x0] =	sbarrier.arrive $0xFFFF  }
0x2b6: {  	_ =	strace $0x90000047  }
0x2b7: {  	s0 =	stileid.u32;
	[bflag:$0x2] =	sbarrier.arrive $0xFFFF  }
0x2b8: {  	p0 =	sne.s32 s0, $0x0;
	s0 =	rddreg [dreg:$0x2]  }
0x2b9: {  	s0 =	sadd.s32 @!p0 $0x100000, s0  }
0x2ba: {  	[sflag:s0] =	ssyncadd.tile.s32 @!p0 $0x1;
	_ =	shalt  }
.Lfunc_end2:
_tile_overlayer_lowered:
.L_overlay_start_2:
0x2bb: {  	(tag) =	ssettag $0x2  }
0x2bc: {  	s0 =	rddreg [dreg:$0x0];
	s2 =	stileid.u32  }
0x2bd: {  	s1 =	rddreg [dreg:$0x1];
	p0 =	sne.s32 s2, $0x0  }
0x2be: {  	s3 =	rddreg [dreg:$0x2];
	[bflag:$0x3] =	sbarrier.arrive $0xFFFF;
	s2 =	simm.s32 @!p0 $0x1C05  }
0x2bf: {  	[timem:s3], [sflag:s2] =	dma.local @!p0 [hbm:s0], s1  }
0x2c0: {  	s0 =	simm.s32 @!p0 $0x5  }
0x2c1: {  	_ =	swait.ge @!p0 [sflag:s0], s1  }
0x2c2: {  	s1 =	ssub.s32 @!p0 $0x0, s1;
	[sflag:s0] =	ssyncset.done @!p0 $0x0  }
0x2c3: {  	[sflag:s0] =	ssyncadd.s32 @!p0 s1  }
0x2c4: {  	[bflag:$0x3] =	sbarrier.arrive $0xFFFF  }
0x2c5: {  	_ =	shalt  }

// kernel: sparse-core-data-format-call.cloned.1.call-start
scs
called_computation_lowered:
.L_overlay_start_0:
0x0: {  	s2 =	sld [smem:$0x3FD9]  }
0x1: {  	s3 =	sld [smem:$0x3FFE];
	_ =	sdelay $0x1  }
0x2: {  	s1 =	srdreg.scid  }
0x3: {  	s0 =	sand.u32 $0x1, s1  }
0x4: {  	s18 =	sshll.u32 s0, $0xA;
	s2 =	sadd.s32 s3, s2  }
0x5: {  	s2 =	sadd.s32 s2, s18  }
0x6: {  	[smem:$0x3FC6] =	sst s2  }
0x7: {  	_ = 	snop  }
0x8: {  	s2 =	sld [smem:$0x3FD0];
	(tm) =	ssettm $0x1  }
0x9: {  	s19 =	sld [smem:$0x3FFB];
	_ =	sdelay $0x3  }
0xa: {  	_ =	strace s19  }
0xb: {  	s3 =	sld [smem:$0x3FFC];
	_ =	sdelay $0x3  }
0xc: {  	_ =	strace s3  }
0xd: {  	s3 =	sld [smem:$0x3FFD];
	_ =	sdelay $0x3  }
0xe: {  	_ =	strace s3  }
0xf: {  	_ =	strace $0x8FFFFFFF  }
0x10: {  	s20 =	sld [smem:$0x3FDB];
	_ =	sdelay $0x1  }
0x11: {  	s4 =	simm.s32 $_scs_section_size  }
0x12: {  	s5 =	simm.s32 $_size__tile_overlayer_lowered;
	s6 =	simm.s32 $_tile_overlayer_lowered  }
0x13: {  	s23 =	simm.s32 $0x1BFF;
	s22 =	sshll.u32 s6, $0x1;
	s3 =	sadd.s32 s4, s20  }
0x14: {  	s7 =	simm.s32 $0x0;
	s21 =	sshll.u32 s5, $0x1;
	s5 =	sadd.s32 s22, s3  }
0x15: {  	[timem:s7], [sflag:s23] =	dma.local [hbm:s5], s21  }
0x16: {  	_ =	swait.ge [sflag:s23], s21  }
0x17: {  	s4 =	ssub.s32 $0x0, s21;
	[sflag:s23] =	ssyncset.done $0x0  }
0x18: {  	[sflag:s23] =	ssyncadd.s32 s4;
	_ =	sdelay $0x1  }
0x19: {  	s24 =	simm.s32 $0x1B8B  }
0x1a: {  	_ =	swait.ge [sflag:s24], $0x1  }
0x1b: {  	[sflag:s24] =	ssyncset.done $0x0  }
0x1c: {  	s26 =	simm.s32 $0x1B8E;
	s25 =	sld [smem:$0x3FFE];
	[sflag:s24] =	ssyncadd.s32 $0xFFFFFFFF  }
0x1d: {  	s27 =	simm.s32 $execute0_lowered;
	[smem:$0x3FD2] =	sst s26  }
0x1e: {  	s5 =	sshll.u32 s27, $0x1;
	_ =	strace $0x80000049;
	[dreg:$0x1] =	wrdreg $0xFFFFFFFF  }
0x1f: {  	s28 =	simm.s32 $_size_execute0_lowered;
	s3 =	sadd.s32 s3, s5;
	[dreg:$0x0] =	wrdreg $0x0  }
0x20: {  	s5 =	sshll.u32 s28, $0x1;
	[dreg:$0x2] =	wrdreg s3  }
0x21: {  	[dreg:$0x3] =	wrdreg s5  }
0x22: {  	[dreg:$0x4] =	wrdreg $0xC0  }
0x23: {  	_ =	task [dreg:s7], $0x5FFFF  }
0x24: {  	[dreg:$0x1] =	wrdreg $0xFFFFFFFF  }
0x25: {  	[dreg:$0x0] =	wrdreg $0x60  }
0x26: {  	[dreg:$0x2] =	wrdreg s25  }
0x27: {  	[dreg:$0x3] =	wrdreg s2  }
0x28: {  	[dreg:$0x4] =	wrdreg $0x9  }
0x29: {  	_ =	task.clear_ibuf [dreg:s7], $0x5FFFF;
	_ =	strace $0x90000049  }
0x2a: {  	s29 =	simm.s32 $0x9;
	_ =	strace $0x8000004B  }
0x2b: {  	_ =	swait.ge [sflag:s29], $0x1  }
0x2c: {  	[sflag:s29] =	ssyncadd.s32 $0xFFFFFFFF  }
0x2d: {  	_ =	strace $0x9000004B  }
0x2e: {  	_ =	sfence  }
0x2f: {  	s30 =	sld [smem:$0x0];
	_ =	sdelay $0x2  }
0x30: {  	s31 =	sshll.u32 s1, $0xD;
	s1 =	sshrl.u32 s1, $0x2  }
0x31: {  	s3 =	sand.u32 $0x4000, s31;
	s1 =	sadd.s32 s1, s30  }
0x32: {  	s0 =	sor.u32 s3, s0;
	s1 =	sshll.u32 s1, $0x11  }
0x33: {  	s0 =	sor.u32 s1, s0  }
0x34: {  	s0 =	sadd.s32 $0x8F2B, s0  }
0x35: {  	[sflag:s0] =	ssyncadd.remote.s32 $0x1  }
0x36: {  	_ =	sfence.sel $0xFFFF  }
0x37: {  	[dreg:$0x0] =	wrdreg $0xFFFFFFFF;
	(pc) =	sbr.abs _section_cstart, $3  }
0x38: {  	[dreg:$0x1] =	wrdreg $0xFFFFFFFF  }
0x39: {  	_ =	task.clear_ibuf [dreg:s7], $0x2FFFF;
	_ =	strace $0x9FFFFFFF  }
0x3a: {  	(tm) =	ssettm $0x7FFFFFFF  }
0x3b: {  	_ =	shalt  }
tec
execute0_lowered:
.L_overlay_start_1:
0x0: {  	(tag) =	ssettag $0x1  }
0x1: {  	s4 =	rddreg [dreg:$0x0]  }
0x2: {  	s0 =	stileid.u32;
	s2 =	rddreg [dreg:$0x1]  }
0x3: {  	s1 =	rddreg [dreg:$0x2];
	_ =	strace $0x8000004A;
	s10 =	srdreg.scid  }
0x4: {  	s31 =	simm.s32 $0x2;
	s18 =	simm.s32 $0x0;
	s11 =	simm.s32 $0x2000  }
0x5: {  	s19 =	simm.s32 $0x0;
	s20 =	simm.s32 $0x0;
	s12 =	simm.s32 $0x0  }
0x6: {  	s13 =	simm.s32 $0x0;
	s14 =	simm.s32 $0x0;
	s3 =	sshll.u32 s0, $0x7  }
0x7: {  	s17 =	simm.s32 $0x0;
	s4 =	sadd.s32 $0xA800, s4;
	s3 =	sand.u32 $0x380, s3  }
0x8: {  	s5 =	sshrl.u32 s0, $0x3;
	s30 =	sshll.u32 s10, $0x7;
	s6 =	ssub.s32 $0x400, s3  }
0x9: {  	s8 =	ssub.s32 $0xC8, s5;
	s7 =	sshrl.u32 s6, $0xA;
	s6 =	sand.u32 $0x380, s6  }
0xa: {  	s9 =	sshrl.u32 s8, $0x1;
	p0 =	sne.s32 s6, $0x0;
	s6 =	simm.s32 $0x1  }
.Ltmp0:
0xb: {  	s8 =	sand.u32 $0x1, s8;
	s6 =	simm.s32 @!p0 $0x0;
	(pc) =	sbr.rel .LBB1_1-.Ltmp0, $4  }
0xc: {  	s15 =	smov.u32 s5;
	s8 =	sadd.s32 s8, s9;
	s7 =	sadd.s32 s6, s7  }
0xd: {  	s16 =	smov.u32 s3;
	s6 =	simm.s32 $0x1;
	s7 =	smul.u32 s8, s7  }
0xe: {  	p0 =	por $0x0, $0x0;
	s8 =	sand.u32 $0x80, s30;
	[sflag:s6] =	ssyncpa.u1 $0x0  }
0xf: {  	[sflag:s31] =	ssyncpa.u1 $0x0;
	s9 =	sshll.u32 s8, $0x3;
	s10 =	sadd.s32 $0x1, s7  }
.LBB1_4:
0x10: {  	s25 =	sshra.s32 s25, $0x2;
	s26 =	sshrl.u32 s14, $0x7;
	p1 =	sgt.s32 s14, $0x380  }
0x11: {  	s27 =	sshra.s32 s14, $0x1F;
	s29 =	smov.u32 s13;
	s31 =	sshra.s32 s13, $0x1F  }
0x12: {  	s24 =	sadd.s32 s25, s24;
	s30 =	sadd.s32 s26, s12;
	s26 =	smov.u32 s14  }
0x13: {  	v5 =	vld [tilespmem:s22+$0xFFFFFFD0];
	[tilespmem:s23+$0x2040 ss:$0x81] =	vst.msk $0xffff, v4;
	s27 =	sand.u32 s27, s14;
	s25 =	sand.u32 $0x3FFFFF, s30;
	s26 =	simm.s32 @!p1 $0x380  }
0x14: {  	v58 =	vld [tilespmem:s22+$0xFFFFFFE0];
	[tilespmem:s23+$0x2850 ss:$0x81] =	vst.msk $0xffff, v3;
	p1 =	sgt.s32 s13, $0xC7;
	s28 =	smulhi.u32 $0x11A7B97, s25;
	s26 =	ssub.s32 s26, s27  }
0x15: {  	v59 =	vld [tilespmem:s22+$0xFFFFFFF0];
	[tilespmem:s23+$0x3060 ss:$0x81] =	vst.msk $0xffff, v2;
	s29 =	simm.s32 @!p1 $0xC7;
	s27 =	sand.u32 s31, s13;
	p1 =	sgt.s32 s12, $0x68  }
0x16: {  	v60 =	vld [tilespmem:s22+$0x0];
	[tilespmem:s23+$0x0 ss:$0x81] =	vst.msk $0xffff, v1;
	s23 =	ssub.s32 s29, s27;
	s27 =	smov.u32 s12;
	s30 =	sadd.s32 $0xFFFFFC80, s26  }
0x17: {  	v61 =	vld [tilespmem:s22+$0x10];
	[tilespmem:s24+$0x3870 ss:$0x81] =	vst.msk $0xffff, v0;
	s26 =	ssub.s32 $0x400, s26;
	s27 =	simm.s32 @!p1 $0x68;
	p1 =	sgt.s32 s30, $0x7F  }
0x18: {  	v62 =	vld [tilespmem:s22+$0x20];
	s28 =	smul.u32 $0xE8, s28;
	[tilespmem:s24+$0x810 ss:$0x81] =	vst.msk $0xffff, v5;
	s27 =	ssub.s32 $0xE8, s27;
	s26 =	simm.s32 @p1 $0x0  }
0x19: {  	v63 =	vld [tilespmem:s22+$0xFFFFFFC0];
	s29 =	sand.u32 $0x7, s14;
	s31 =	sadd.s32 $0xFFFFFF39, s23;
	[tilespmem:s24+$0x1020 ss:$0x81] =	vst.msk $0xffff, v58;
	s26 =	smul.u32 s27, s26  }
0x1a: {  	s22 =	ssub.s32 $0xC8, s23;
	[tilespmem:s24+$0x1830 ss:$0x81] =	vst.msk $0xffff, v59;
	p1 =	sgt.s32 s31, $0x0;
	s27 =	smul.u32 $0x7400, s13  }
0x1b: {  	[tilespmem:s24+$0x2040 ss:$0x81] =	vst.msk $0xffff, v60;
	s22 =	simm.s32 @p1 $0x0;
	s25 =	ssub.s32 s25, s28;
	s28 =	sshrl.u32 s14, $0x3  }
0x1c: {  	[tilespmem:s24+$0x2850 ss:$0x81] =	vst.msk $0xffff, v61;
	s23 =	sand.u32 $0xF, s28;
	s22 =	smul.u32 s22, s26;
	s26 =	sadd.s32 s2, s27  }
0x1d: {  	[tilespmem:s24+$0x3060 ss:$0x81] =	vst.msk $0xffff, v62;
	s30 =	sshll.u32 s29, $0x12;
	s25 =	sshll.u32 s25, $0x7;
	s23 =	sadd.s32 s23, s26  }
0x1e: {  	[tilespmem:s24+$0x0 ss:$0x81] =	vst.msk $0xffff, v63;
	s31 =	sor.u32 $0x400, s30;
	s22 =	sand.u32 $0x3FFFFFFF, s22;
	s23 =	sadd.s32 s25, s23  }
0x1f: {  	[hbm4b:s23+s31] =	stream.strided.scatter [tilespmem:s21], [sflag:$0x2], s22, s11, s31, $0x20;
	[tilespmem:$0x10100] =	vst v63  }
.LBB1_5:
0x20: {  	p1 =	slt.u32 s17, $0x2;
	s21 =	smov.u32 s19  }
0x21: {  	s22 =	smov.u32 s20;
	p2 =	sgt.s32 @!p1 s19, $0xC7;
	p3 =	sgt.s32 @!p1 s20, $0x380  }
0x22: {  	s23 =	sshra.s32 @!p1 s20, $0x1F;
	p2 =	por !p2, p1;
	p3 =	por !p3, p1  }
0x23: {  	s20 =	sand.u32 @!p1 s23, s20;
	s21 =	simm.s32 @p2 $0xC7;
	s22 =	simm.s32 @p3 $0x380  }
0x24: {  	p2 =	sgt.s32 @!p1 s18, $0x68;
	s20 =	ssub.s32 @!p1 s22, s20;
	s22 =	sshra.s32 @!p1 s19, $0x1F  }
0x25: {  	p2 =	por !p2, p1;
	s19 =	sand.u32 @!p1 s22, s19;
	s22 =	sadd.s32 @!p1 $0xFFFFFC80, s20  }
0x26: {  	s18 =	simm.s32 @p2 $0x68;
	s19 =	ssub.s32 @!p1 s21, s19;
	p2 =	sgt.s32 @!p1 s22, $0x7F  }
0x27: {  	s20 =	ssub.s32 @!p1 $0x400, s20;
	s21 =	sadd.s32 @!p1 $0xFFFFFF39, s19;
	p2 =	por !p2, p1  }
0x28: {  	s18 =	ssub.s32 @!p1 $0xE8, s18;
	s20 =	simm.s32 @!p2 $0x0;
	p2 =	sgt.s32 @!p1 s21, $0x0  }
0x29: {  	s19 =	ssub.s32 @!p1 $0xC8, s19;
	p2 =	por !p2, p1;
	s18 =	smul.u32 @!p1 s18, s20  }
0x2a: {  	s23 =	smov.u32 s16;
	s21 =	sadd.s32 $0x2, s15;
	s19 =	simm.s32 @!p2 $0x0  }
0x2b: {  	p2 =	sgt.s32 s21, $0xC7;
	s18 =	smul.u32 @!p1 s19, s18;
	s19 =	sadd.s32 $0x400, s16  }
0x2c: {  	s25 =	sadd.s32 $0x1, s17;
	s23 =	smov.u32 @p2 s19  }
0x2d: {  	p0 =	por !p0, !p0;
	s21 =	smov.u32 @p2 s5;
	p2 =	sgt.s32 s23, $0x3FF  }
0x2e: {  	s22 =	simm.s32 @!p1 $0x2;
	s23 =	smov.u32 @p2 s3;
	p2 =	sne.s32 s17, s10  }
.Ltmp1:
0x2f: {  	s20 =	smov.u32 s14;
	s14 =	smov.u32 s16;
	(pc) =	sbr.rel @!p2 .LBB1_6-.Ltmp1, $4  }
0x30: {  	s19 =	smov.u32 s13;
	s13 =	smov.u32 s15;
	s18 =	sand.u32 @!p1 $0x3FFFFFFF, s18  }
0x31: {  	s15 =	smov.u32 s21;
	_ =	swait.ge @!p1 [sflag:s22], s18;
	s24 =	ssub.s32 @!p1 $0x0, s18  }
0x32: {  	s18 =	smov.u32 s12;
	s12 =	smov.u32 s8;
	[sflag:s22] =	ssyncset.done @!p1 $0x0  }
0x33: {  	s17 =	smov.u32 s25;
	s16 =	smov.u32 s23;
	[sflag:s22] =	ssyncadd.s32 @!p1 s24  }
.LBB1_1:
0x34: {  	p1 =	sge.u32 s17, s7  }
0x35: {  	s21 =	sshll.u32 @!p1 s15, $0x8  }
0x36: {  	s22 =	sshll.u32 @!p1 s15, $0x7;
	s21 =	sand.u32 @!p1 $0xFFFFF800, s21  }
0x37: {  	s22 =	sand.u32 @!p1 $0x300, s22;
	s21 =	sor.u32 @!p1 s9, s21  }
0x38: {  	s21 =	sor.u32 @!p1 s22, s21  }
0x39: {  	s21 =	sshrl.u32 @!p1 s21, $0x8  }
0x3a: {  	s22 =	smulhi.u32 @!p1 $0x147AE15, s21;
	_ =	sdelay $0x1  }
0x3b: {  	s22 =	smul.u32 @!p1 $0xC8, s22  }
0x3c: {  	s31 =	sadd.s32 $0xFFFFFFFF, s17;
	s23 =	smul.u32 @!p1 $0x1900, s16  }
0x3d: {  	s24 =	sxor.u32 @!p1 $0xFFFFFFFF, s17;
	s21 =	ssub.s32 @!p1 s21, s22;
	s22 =	sshll.u32 @!p1 s15, $0x4  }
0x3e: {  	s24 =	sshll.u32 @!p1 s24, $0xE;
	s23 =	sadd.s32 @!p1 s4, s23;
	s22 =	sand.u32 @!p1 $0x10, s22  }
0x3f: {  	s24 =	sand.u32 @!p1 $0x4000, s24;
	s21 =	sshll.u32 @!p1 s21, $0x5;
	s22 =	sadd.s32 @!p1 s22, s23  }
0x40: {  	s23 =	simm.s32 @!p1 $0xC800;
	s21 =	sadd.s32 @!p1 s21, s22;
	s22 =	simm.s32 @!p1 $0x80  }
0x41: {  	[tilespmem:s24], [sflag:$0x1] =	stream.strided.gather @!p1 [hbm4b:s21+s22], $0x4000, s23, s22, $0x38;
	[tilespmem:$0x10100] =	vst v63  }
0x42: {  	p1 =	sge.u32 s31, s7  }
.Ltmp2:
0x43: {  	_ = 	snop;
	(pc) =	sbr.rel @p1 .LBB1_5-.Ltmp2, $1  }
0x44: {  	_ =	sdelay $0x3  }
0x45: {  	s21 =	simm.s32 $0x1  }
0x46: {  	_ =	swait.ge [sflag:s6], $0x4000;
	s21 =	simm.s32 @!p0 $0x0  }
0x47: {  	[sflag:s6] =	ssyncset.done $0x0;
	s22 =	sshll.u32 s21, $0xE  }
0x48: {  	[sflag:s6] =	ssyncadd.s32 $0xFFFFC000;
	s22 =	sor.u32 $0x40, s22  }
0x49: {  	s21 =	smul.u32 $0x10200, s21;
	v0 =	vld [tilespmem:s22+$0x30]  }
0x4a: {  	v1 =	vld [tilespmem:s22+$0xFFFFFFD0]  }
0x4b: {  	s21 =	sshrl.u32 s21, $0x2;
	v5 =	vld [tilespmem:s22+$0xFFFFFFE0]  }
0x4c: {  	v6 =	vld [tilespmem:s22+$0xFFFFFFF0];
	s24 =	sor.u32 $0x8000, s21  }
0x4d: {  	s31 =	sand.u32 $0x1, s17;
	v4 =	vld [tilespmem:s22+$0x0];
	s23 =	sadd.s32 $0x0, s24  }
0x4e: {  	v3 =	vld [tilespmem:s22+$0x10];
	s21 =	smul.u32 $0x10200, s31;
	[tilespmem:s23+$0x3870 ss:$0x81] =	vst.msk $0xffff, v0  }
0x4f: {  	v2 =	vld [tilespmem:s22+$0x20];
	[tilespmem:s23+$0x810 ss:$0x81] =	vst.msk $0xffff, v1  }
0x50: {  	s21 =	sshrl.u32 s21, $0x2;
	v1 =	vld [tilespmem:s22+$0xFFFFFFC0];
	[tilespmem:s23+$0x1020 ss:$0x81] =	vst.msk $0xffff, v5;
	s22 =	sadd.s32 $0x80, s22  }
0x51: {  	s25 =	simm.s32 $0x4;
	s26 =	simm.s32 $0x8;
	s21 =	sor.u32 $0x8000, s21;
	[tilespmem:s23+$0x1830 ss:$0x81] =	vst.msk $0xffff, v6;
	v0 =	vld [tilespmem:s22+$0x30]  }
.LBB1_3:
0x52: {  	p1 =	sne.s32 s26, $0x1FC;
	v5 =	vld [tilespmem:s22+$0xFFFFFFD0];
	[tilespmem:s23+$0x2040 ss:$0x81] =	vst.msk $0xffff, v4  }
0x53: {  	v6 =	vld [tilespmem:s22+$0xFFFFFFE0];
	[tilespmem:s23+$0x2850 ss:$0x81] =	vst.msk $0xffff, v3  }
0x54: {  	s27 =	sshra.s32 s25, $0x2;
	s25 =	smov.u32 s26;
	v7 =	vld [tilespmem:s22+$0xFFFFFFF0];
	[tilespmem:s23+$0x3060 ss:$0x81] =	vst.msk $0xffff, v2  }
.Ltmp3:
0x55: {  	v4 =	vld [tilespmem:s22+$0x0];
	[tilespmem:s23+$0x0 ss:$0x81] =	vst.msk $0xffff, v1;
	s23 =	sadd.s32 s27, s24;
	(pc) =	sbr.rel @p1 .LBB1_3-.Ltmp3, $4  }
0x56: {  	v3 =	vld [tilespmem:s22+$0x10];
	[tilespmem:s23+$0x3870 ss:$0x81] =	vst.msk $0xffff, v0  }
0x57: {  	[tilespmem:s23+$0x810 ss:$0x81] =	vst.msk $0xffff, v5;
	v2 =	vld [tilespmem:s22+$0x20]  }
0x58: {  	v1 =	vld [tilespmem:s22+$0xFFFFFFC0];
	[tilespmem:s23+$0x1020 ss:$0x81] =	vst.msk $0xffff, v6;
	s22 =	sadd.s32 $0x80, s22  }
0x59: {  	s26 =	sadd.s32 $0x4, s26;
	v0 =	vld [tilespmem:s22+$0x30];
	[tilespmem:s23+$0x1830 ss:$0x81] =	vst.msk $0xffff, v7  }
.Ltmp4:
0x5a: {  	_ = 	snop;
	(pc) =	sbr.rel .LBB1_4-.Ltmp4, $1  }
0x5b: {  	_ =	sdelay $0x3  }
.LBB1_6:
0x5c: {  	_ =	sfence.sel $0x180000  }
0x5d: {  	s2 =	simm.s32 $0x1;
	[bflag:$0x0] =	sbarrier.arrive $0xFFFF  }
0x5e: {  	s31 =	simm.s32 $0x2;
	[sflag:s2] =	ssyncpa.u1 $0x1  }
0x5f: {  	[sflag:s31] =	ssyncpa.u1 $0x1  }
0x60: {  	p0 =	sne.s32 s0, $0x0;
	_ =	strace $0x9000004A  }
0x61: {  	s0 =	sadd.s32 @!p0 $0x100000, s1;
	[bflag:$0x2] =	sbarrier.arrive $0xFFFF  }
0x62: {  	[sflag:s0] =	ssyncadd.tile.s32 @!p0 $0x1;
	_ =	shalt  }
.Lfunc_end1:
_tile_overlayer_lowered:
.L_overlay_start_2:
0x63: {  	(tag) =	ssettag $0x2  }
0x64: {  	s0 =	rddreg [dreg:$0x0];
	s2 =	stileid.u32  }
0x65: {  	s1 =	rddreg [dreg:$0x1];
	p0 =	sne.s32 s2, $0x0  }
0x66: {  	s3 =	rddreg [dreg:$0x2];
	[bflag:$0x3] =	sbarrier.arrive $0xFFFF;
	s2 =	simm.s32 @!p0 $0x1C01  }
0x67: {  	[timem:s3], [sflag:s2] =	dma.local @!p0 [hbm:s0], s1  }
0x68: {  	s0 =	simm.s32 @!p0 $0x1  }
0x69: {  	_ =	swait.ge @!p0 [sflag:s0], s1  }
0x6a: {  	s1 =	ssub.s32 @!p0 $0x0, s1;
	[sflag:s0] =	ssyncset.done @!p0 $0x0  }
0x6b: {  	[sflag:s0] =	ssyncadd.s32 @!p0 s1  }
0x6c: {  	[bflag:$0x3] =	sbarrier.arrive $0xFFFF  }
0x6d: {  	_ =	shalt  }

</sc_bundles>
